<compile_context>
chip_gen: v7x
topology: tpu7x:2x2x1
jax: 0.10.2.dev20260603
libtpu: 0.0.44.dev20260713+nightly
codegen_flags: <defaults>
</compile_context>

<pallas_src>
import functools

import jax
import jax.numpy as jnp
import numpy as np
from jax import lax
from jax.experimental import pallas as pl
from jax.experimental.pallas import tpu as pltpu
from jax.experimental.pallas import tpu_sc as plsc

PADDING_IDX = 0
WAVE_IDX = -1

_INV2PI = 0.15915494309189535
_COS_C = (
    0.9999710933250463,
    -19.732797114657444,
    64.71439157967384,
    -82.70136357553838,
    46.31046547210946,
)


def _poly_even(u, coeffs):
    r = jnp.float32(coeffs[-1])
    for c in reversed(coeffs[:-1]):
        r = r * u + jnp.float32(c)
    return r


def _fast_cos(d):
    q = d * _INV2PI
    n = lax.round(q, lax.RoundingMethod.TO_NEAREST_EVEN)
    t = q - n
    return _poly_even(t * t, _COS_C)


def _prep_table(emb_freq, emb_w):
    V, HH = emb_freq.shape
    RB = 2000

    def body(f_ref, w_ref, o_ref):
        o_ref[...] = jnp.concatenate([jnp.exp(f_ref[...]), w_ref[...]], axis=1)

    return pl.pallas_call(
        body,
        grid=(V // RB,),
        in_specs=[
            pl.BlockSpec((RB, HH), lambda i: (i, 0)),
            pl.BlockSpec((RB, HH), lambda i: (i, 0)),
        ],
        out_specs=pl.BlockSpec((RB, 2 * HH), lambda i: (i, 0)),
        out_shape=jax.ShapeDtypeStruct((V, 2 * HH), jnp.float32),
    )(emb_freq, emb_w)


def _transpose_idx(idx, TBt=640):
    BS, F = idx.shape

    def body(i_ref, io_ref):
        io_ref[...] = i_ref[...].T

    return pl.pallas_call(
        body,
        grid=(BS // TBt,),
        in_specs=[pl.BlockSpec((TBt, F), lambda i: (i, 0))],
        out_specs=pl.BlockSpec((F, TBt), lambda i: (0, i)),
        out_shape=jax.ShapeDtypeStruct((F, BS), jnp.int32),
    )(idx)


def _sc_gather(table, idx_flat, C=128):
    D = table.shape[1]
    N = idx_flat.size
    info = plsc.get_sparse_core_info()
    NC, NS = info.num_cores, info.num_subcores
    NW = NC * NS
    CPW = N // (NW * C)
    idx3d = idx_flat.reshape(NW, CPW, C)
    mesh = plsc.VectorSubcoreMesh(core_axis_name="c", subcore_axis_name="s")

    assert CPW % 2 == 0 and CPW >= 4

    @functools.partial(
        pl.kernel,
        mesh=mesh,
        out_type=jax.ShapeDtypeStruct((N, D), jnp.float32),
        scratch_types=[
            pltpu.VMEM((CPW, C), jnp.int32),
            pltpu.VMEM((2, C, D), jnp.float32),
            pltpu.SemaphoreType.DMA,
            pltpu.SemaphoreType.DMA,
        ],
        compiler_params=pltpu.CompilerParams(use_tc_tiling_on_sc=False),
    )
    def k(table_hbm, idx_hbm, out_hbm, idx_v, rows_v, sem0, sem1):
        wid = lax.axis_index("s") * NC + lax.axis_index("c")
        cbase = wid * CPW
        pltpu.sync_copy(idx_hbm.at[wid], idx_v)
        sems = (sem0, sem1)
        pltpu.async_copy(table_hbm.at[idx_v.at[0]], rows_v.at[0], sem0)
        pltpu.async_copy(table_hbm.at[idx_v.at[1]], rows_v.at[1], sem1)

        def body(i, carry):
            for b in range(2):
                c = 2 * i + b
                pltpu.make_async_copy(
                    table_hbm.at[idx_v.at[c]], rows_v.at[b], sems[b]
                ).wait()
                pltpu.sync_copy(rows_v.at[b], out_hbm.at[pl.ds((cbase + c) * C, C)])
                cnext = jnp.minimum(c + 2, CPW - 1)
                pltpu.async_copy(table_hbm.at[idx_v.at[cnext]], rows_v.at[b], sems[b])
            return carry

        lax.fori_loop(0, CPW // 2, body, 0)
        pltpu.make_async_copy(table_hbm.at[idx_v.at[0]], rows_v.at[0], sem0).wait()
        pltpu.make_async_copy(table_hbm.at[idx_v.at[1]], rows_v.at[1], sem1).wait()

    return k(table, idx3d)


def _sel_constants(F, HH):
    W = np.zeros((F, 2 * F, 2 * HH), np.float32)
    for f in range(F):
        W[f, f, 0:HH] = 1.0
        W[f, F + f, HH:2 * HH] = 1.0
    M = np.zeros((1, 2 * F, 4 * HH), np.float32)
    M[0, :F, 0:HH] = 1.0
    M[0, F:, HH:2 * HH] = 1.0
    M[0, :F, 2 * HH:3 * HH] = 1.0
    M[0, F:, 3 * HH:4 * HH] = 1.0
    return jnp.asarray(W), jnp.asarray(M)


def _tc_compute(G3, XP, IP, phase64, W, M, TB2=1600):
    F, BSH, _ = G3.shape
    HH = phase64.shape[2] // 2

    def body(g_ref, x_ref, i_ref, p_ref, w_ref, m_ref, o_ref, acc_ref):
        f = pl.program_id(1)
        nf = pl.num_programs(1)

        @pl.when(f == 0)
        def _():
            acc_ref[...] = jnp.zeros_like(acc_ref)

        g = g_ref[0]
        p = p_ref[0]

        ef = jnp.concatenate([g[:, 0:HH], g[:, 2 * HH:3 * HH]], axis=1)
        w = jnp.concatenate([g[:, HH:2 * HH], g[:, 3 * HH:4 * HH]], axis=1)
        xb = jnp.dot(x_ref[...], w_ref[0], precision=lax.Precision.HIGHEST,
                     preferred_element_type=jnp.float32)
        d = xb * ef + p
        D = jnp.concatenate([d, d - (jnp.pi / 2)], axis=1)
        w2 = jnp.concatenate([w, w], axis=1)
        acc_ref[...] += _fast_cos(D) * w2

        @pl.when(f == nf - 1)
        def _():
            ip = i_ref[...]
            valid = jnp.logical_and(ip != PADDING_IDX, ip != WAVE_IDX)
            cnt = jnp.dot(valid.astype(jnp.float32), m_ref[0],
                          preferred_element_type=jnp.float32)
            av = acc_ref[...] * lax.rsqrt(2.0 * cnt)
            o_ref[...] = jnp.concatenate(
                [
                    av[:, 0:HH],
                    av[:, 2 * HH:3 * HH],
                    av[:, HH:2 * HH],
                    av[:, 3 * HH:4 * HH],
                ],
                axis=1,
            )

    return pl.pallas_call(
        body,
        grid=(BSH // TB2, F),
        in_specs=[
            pl.BlockSpec((1, TB2, 4 * HH), lambda i, f: (f, i, 0)),
            pl.BlockSpec((TB2, 2 * F), lambda i, f: (i, 0)),
            pl.BlockSpec((TB2, 2 * F), lambda i, f: (i, 0)),
            pl.BlockSpec((1, 1, 2 * HH), lambda i, f: (f, 0, 0)),
            pl.BlockSpec((1, 2 * F, 2 * HH), lambda i, f: (f, 0, 0)),
            pl.BlockSpec((1, 2 * F, 4 * HH), lambda i, f: (0, 0, 0)),
        ],
        out_specs=pl.BlockSpec((TB2, 4 * HH), lambda i, f: (i, 0)),
        out_shape=jax.ShapeDtypeStruct((BSH, 4 * HH), jnp.float32),
        scratch_shapes=[
            pltpu.VMEM((TB2, 4 * HH), jnp.float32),
        ],
    )(G3, XP, IP, phase64, W, M)


def kernel(inputs, inputsType, emb_freq, emb_w, emb_phase):
    B, S, F = inputs.shape
    V, HH = emb_freq.shape
    BS = B * S

    phase = emb_phase[1:F + 1]
    phase64 = jnp.concatenate([phase, phase], axis=1).reshape(F, 1, 2 * HH)
    table = _prep_table(emb_freq, emb_w)
    W, M = _sel_constants(F, HH)

    NSLAB = 8
    BSs = BS // NSLAB
    Bb = B // NSLAB
    outs = []
    for s in range(NSLAB):
        xs = inputs[s * Bb:(s + 1) * Bb].reshape(BSs, F)
        is_ = inputsType[s * Bb:(s + 1) * Bb].astype(jnp.int32).reshape(BSs, F)
        idxT = _transpose_idx(is_)
        XP = xs.reshape(BSs // 2, 2 * F)
        IP = is_.reshape(BSs // 2, 2 * F)
        G = _sc_gather(table, idxT.reshape(-1), C=104)
        G3 = G.reshape(F, BSs // 2, 4 * HH)
        outs.append(_tc_compute(G3, XP, IP, phase64, W, M))
    out_pair = jnp.concatenate(outs, axis=0)
    return out_pair.reshape(B, S, 2 * HH)

# --- scband reference (transcript-rebuilt; emitter-appended) ---
"""Pipeline reference for scband-uni-embedding-60859686584406 (READ-ONLY COPY).

The authoritative reference and input builder live on the scoring server;
editing this copy changes nothing except your own understanding.
"""

import jax, jax.numpy as jnp
import numpy as np

V = 100000
HH = 32  # embedding_dim // 2
B, S, F = 1024, 50, 26
PADDING_IDX = 0
WAVE_IDX = -1


def _init_freq_table(N, H, w_min, w_max, seed=0):
    rng = np.random.RandomState(seed)
    w0 = np.linspace(w_min, w_max, H)
    rows = np.empty((N, H), dtype=np.float32)
    base = np.arange(H)
    for i in range(N):
        if i % H == 0:
            rng.shuffle(w0)
        rows[i] = w0[(base + i) % H]
    return rows


def setup_inputs(seed: int = 0) -> dict:
    key = jax.random.key(seed)
    k1, k2, k3, k4 = jax.random.split(key, 4)
    inputs = jax.random.normal(k1, (B, S, F), dtype=jnp.float32)
    inputsType = jax.random.randint(k2, (B, S, F), 0, V).astype(jnp.int64)
    # freq table: init_weights(weight, -6, 9)
    emb_freq = jnp.asarray(_init_freq_table(V, HH, -6.0, 9.0, seed=0))
    # w table: normal(mean=1, std=1e-4)
    emb_w = 1.0 + 0.0001 * jax.random.normal(k3, (V, HH), dtype=jnp.float32)
    # phase table: xavier_uniform gain=pi
    bound = np.pi * np.sqrt(6.0 / (V + HH))
    emb_phase = jax.random.uniform(k4, (V, HH), dtype=jnp.float32, minval=-bound, maxval=bound)
    # torch.nn.Embedding zeroes the padding_idx row
    emb_freq = emb_freq.at[PADDING_IDX].set(0.0)
    emb_w = emb_w.at[PADDING_IDX].set(0.0)
    emb_phase = emb_phase.at[PADDING_IDX].set(0.0)
    return {"inputs": inputs, "inputsType": inputsType,
            "emb_freq": emb_freq, "emb_w": emb_w, "emb_phase": emb_phase}


def reference(inputs, inputsType, emb_freq, emb_w, emb_phase):
    # segLength <= 0 -> wave = 0, no conv branch
    Ff = inputs.shape[-1]
    inputsTypeIndex = jnp.arange(1, 1 + Ff, dtype=jnp.int64).reshape(1, 1, -1)
    valid = (jnp.where(inputsType == PADDING_IDX, 0, 1)
             * jnp.where(inputsType == WAVE_IDX, 0, 1)).astype(jnp.float32)[..., None]
    validCount = valid.sum(axis=-2, keepdims=True)
    validM = valid / jnp.sqrt(validCount) / jnp.sqrt(2.0)
    input_freq = jnp.exp(jnp.take(emb_freq, inputsType, axis=0))
    input_phase = jnp.take(emb_phase, inputsTypeIndex, axis=0)
    input_w = jnp.take(emb_w, inputsType, axis=0) * validM
    inputs_d = inputs[..., None] * input_freq + input_phase
    output0 = (jnp.cos(inputs_d) * input_w).sum(axis=-2)
    output1 = (jnp.sin(inputs_d) * input_w).sum(axis=-2)
    output = jnp.concatenate([output0, output1], axis=-1)
    return output

if __name__ == "__main__":
    import jax
    _d = setup_inputs()
    print(jax.jit(kernel)(*tuple(_d.values())))

</pallas_src>

<mosaic_0001>
#map = affine_map<(d0, d1) -> (0, 0)>
#map1 = affine_map<(d0, d1) -> (0, 0, 0)>
module attributes {stable_mosaic.version = 14 : i64} {
  func.func @k(%arg0: i32, %arg1: i32, %arg2: memref<100000x64xf32, #tpu.memory_space<hbm>>, %arg3: memref<32x50x104xi32, #tpu.memory_space<hbm>>, %arg4: memref<166400x64xf32, #tpu.memory_space<hbm>>, %arg5: memref<50x104xi32, #tpu.memory_space<vmem>>, %arg6: memref<2x104x64xf32, #tpu.memory_space<vmem>>, %arg7: memref<!tpu.dma_semaphore, #tpu.memory_space<semaphore_mem>>, %arg8: memref<!tpu.dma_semaphore, #tpu.memory_space<semaphore_mem>>) attributes {dimension_semantics = [#tpu.dimension_semantics<core_parallel>, #tpu.dimension_semantics<subcore_parallel>], iteration_bounds = array<i64: 2, 16>, scalar_prefetch = 0 : i64, scratch_operands = 4 : i64, tpu.core_type = #tpu.core_type<sc_vector_subcore>, window_params = [{transform_indices = #map}, {transform_indices = #map1}, {transform_indices = #map}]} {
    %mul3A = arith.constant 2 : i32
    %mul3A_0 = arith.muli %arg1, %mul3A : i32
    %add3A = arith.addi %mul3A_0, %arg0 : i32
    %mul3A_1 = arith.constant 50 : i32
    %mul3A_2 = arith.muli %add3A, %mul3A_1 : i32
    "tpu.region"() ({
      %run_scoped3A = tpu.sem_alloc : memref<!tpu.dma_semaphore, #tpu.memory_space<semaphore_mem>>
      %dma_start3A_54 = arith.constant 0 : i32
      %dma_start3A_55 = arith.constant 0 : i32
      %dma_start3A_56 = tpu.memref_slice %arg3[%add3A, %dma_start3A_54, %dma_start3A_55] : memref<32x50x104xi32, #tpu.memory_space<hbm>> -> memref<1x50x104xi32, #tpu.memory_space<hbm>>
      %dma_start3A_57 = tpu.memref_squeeze %dma_start3A_56 : memref<1x50x104xi32, #tpu.memory_space<hbm>> -> memref<50x104xi32, #tpu.memory_space<hbm>>
      %dma_start3A_58 = arith.constant 0 : i32
      %dma_start3A_59 = arith.constant 0 : i32
      %dma_start3A_60 = tpu.memref_slice %arg3[%add3A, %dma_start3A_58, %dma_start3A_59] : memref<32x50x104xi32, #tpu.memory_space<hbm>> -> memref<1x50x104xi32, #tpu.memory_space<hbm>>
      %dma_start3A_61 = tpu.memref_squeeze %dma_start3A_60 : memref<1x50x104xi32, #tpu.memory_space<hbm>> -> memref<50x104xi32, #tpu.memory_space<hbm>>
      tpu.enqueue_dma source(%dma_start3A_61 : memref<50x104xi32, #tpu.memory_space<hbm>>) target(%arg5 : memref<50x104xi32, #tpu.memory_space<vmem>>) target_semaphore(%run_scoped3A : memref<!tpu.dma_semaphore, #tpu.memory_space<semaphore_mem>>)
      %dma_wait3A_62 = arith.constant 0 : i32
      %dma_wait3A_63 = arith.constant 0 : i32
      %dma_wait3A_64 = tpu.memref_slice %arg3[%add3A, %dma_wait3A_62, %dma_wait3A_63] : memref<32x50x104xi32, #tpu.memory_space<hbm>> -> memref<1x50x104xi32, #tpu.memory_space<hbm>>
      %dma_wait3A_65 = tpu.memref_squeeze %dma_wait3A_64 : memref<1x50x104xi32, #tpu.memory_space<hbm>> -> memref<50x104xi32, #tpu.memory_space<hbm>>
      %dma_wait3A_66 = arith.constant 0 : i32
      %dma_wait3A_67 = arith.constant 0 : i32
      %dma_wait3A_68 = tpu.memref_slice %arg3[%add3A, %dma_wait3A_66, %dma_wait3A_67] : memref<32x50x104xi32, #tpu.memory_space<hbm>> -> memref<1x50x104xi32, #tpu.memory_space<hbm>>
      %dma_wait3A_69 = tpu.memref_squeeze %dma_wait3A_68 : memref<1x50x104xi32, #tpu.memory_space<hbm>> -> memref<50x104xi32, #tpu.memory_space<hbm>>
      tpu.wait_dma2 semaphore(%run_scoped3A : memref<!tpu.dma_semaphore, #tpu.memory_space<semaphore_mem>>) src(%dma_wait3A_69 : memref<50x104xi32, #tpu.memory_space<hbm>>) dst(%arg5 : memref<50x104xi32, #tpu.memory_space<vmem>>)
      tpu.yield
    }) : () -> ()
    %dma_start3A = arith.constant 0 : i32
    %dma_start3A_3 = arith.constant 0 : i32
    %dma_start3A_4 = arith.constant 0 : i32
    %dma_start3A_5 = arith.constant 0 : i32
    %dma_start3A_6 = tpu.memref_slice %arg6[%dma_start3A_3, %dma_start3A_4, %dma_start3A_5] : memref<2x104x64xf32, #tpu.memory_space<vmem>> -> memref<1x104x64xf32, #tpu.memory_space<vmem>>
    %dma_start3A_7 = tpu.memref_squeeze %dma_start3A_6 : memref<1x104x64xf32, #tpu.memory_space<vmem>> -> memref<104x64xf32, #tpu.memory_space<vmem>>
    %dma_start3A_8 = arith.constant 0 : i32
    %dma_start3A_9 = tpu.memref_slice %arg5[%dma_start3A, %dma_start3A_8] : memref<50x104xi32, #tpu.memory_space<vmem>> -> memref<1x104xi32, #tpu.memory_space<vmem>>
    %dma_start3A_10 = tpu.memref_squeeze %dma_start3A_9 : memref<1x104xi32, #tpu.memory_space<vmem>> -> memref<104xi32, #tpu.memory_space<vmem>>
    %dma_start3A_11 = arith.constant 0 : i32
    %dma_start3A_12 = arith.constant 0 : i32
    %dma_start3A_13 = tpu.memref_slice %arg2[%dma_start3A_11, %dma_start3A_12] : memref<100000x64xf32, #tpu.memory_space<hbm>> -> memref<100000x64xf32, #tpu.memory_space<hbm>>
    tpu.enqueue_indirect_dma source(%dma_start3A_13 : memref<100000x64xf32, #tpu.memory_space<hbm>>) target(%dma_start3A_7 : memref<104x64xf32, #tpu.memory_space<vmem>>) offsets(%dma_start3A_10 : memref<104xi32, #tpu.memory_space<vmem>>) semaphore(%arg7 : memref<!tpu.dma_semaphore, #tpu.memory_space<semaphore_mem>>)
    %dma_start3A_14 = arith.constant 1 : i32
    %dma_start3A_15 = arith.constant 1 : i32
    %dma_start3A_16 = arith.constant 0 : i32
    %dma_start3A_17 = arith.constant 0 : i32
    %dma_start3A_18 = tpu.memref_slice %arg6[%dma_start3A_15, %dma_start3A_16, %dma_start3A_17] : memref<2x104x64xf32, #tpu.memory_space<vmem>> -> memref<1x104x64xf32, #tpu.memory_space<vmem>>
    %dma_start3A_19 = tpu.memref_squeeze %dma_start3A_18 : memref<1x104x64xf32, #tpu.memory_space<vmem>> -> memref<104x64xf32, #tpu.memory_space<vmem>>
    %dma_start3A_20 = arith.constant 0 : i32
    %dma_start3A_21 = tpu.memref_slice %arg5[%dma_start3A_14, %dma_start3A_20] : memref<50x104xi32, #tpu.memory_space<vmem>> -> memref<1x104xi32, #tpu.memory_space<vmem>>
    %dma_start3A_22 = tpu.memref_squeeze %dma_start3A_21 : memref<1x104xi32, #tpu.memory_space<vmem>> -> memref<104xi32, #tpu.memory_space<vmem>>
    %dma_start3A_23 = arith.constant 0 : i32
    %dma_start3A_24 = arith.constant 0 : i32
    %dma_start3A_25 = tpu.memref_slice %arg2[%dma_start3A_23, %dma_start3A_24] : memref<100000x64xf32, #tpu.memory_space<hbm>> -> memref<100000x64xf32, #tpu.memory_space<hbm>>
    tpu.enqueue_indirect_dma source(%dma_start3A_25 : memref<100000x64xf32, #tpu.memory_space<hbm>>) target(%dma_start3A_19 : memref<104x64xf32, #tpu.memory_space<vmem>>) offsets(%dma_start3A_22 : memref<104xi32, #tpu.memory_space<vmem>>) semaphore(%arg8 : memref<!tpu.dma_semaphore, #tpu.memory_space<semaphore_mem>>)
    %scan3A = arith.constant 0 : i32
    %scan3A_26 = arith.constant 0 : i32
    %scan3A_27 = arith.constant 25 : i32
    %scan3A_28 = arith.addi %scan3A_26, %scan3A_27 : i32
    %scan3A_29 = arith.constant 1 : i32
    scf.for %scan3A_54 = %scan3A_26 to %scan3A_28 step %scan3A_29  : i32 {
      %mul3A_55 = arith.constant 2 : i32
      %mul3A_56 = arith.muli %mul3A_55, %scan3A_54 : i32
      %add3A_57 = arith.constant 0 : i32
      %add3A_58 = arith.addi %mul3A_56, %add3A_57 : i32
      %dma_wait3A_59 = arith.constant 0 : i32
      %dma_wait3A_60 = arith.constant 0 : i32
      %dma_wait3A_61 = arith.constant 0 : i32
      %dma_wait3A_62 = tpu.memref_slice %arg6[%dma_wait3A_59, %dma_wait3A_60, %dma_wait3A_61] : memref<2x104x64xf32, #tpu.memory_space<vmem>> -> memref<1x104x64xf32, #tpu.memory_space<vmem>>
      %dma_wait3A_63 = tpu.memref_squeeze %dma_wait3A_62 : memref<1x104x64xf32, #tpu.memory_space<vmem>> -> memref<104x64xf32, #tpu.memory_space<vmem>>
      %dma_wait3A_64 = arith.constant 0 : i32
      %dma_wait3A_65 = tpu.memref_slice %arg5[%add3A_58, %dma_wait3A_64] : memref<50x104xi32, #tpu.memory_space<vmem>> -> memref<1x104xi32, #tpu.memory_space<vmem>>
      %dma_wait3A_66 = tpu.memref_squeeze %dma_wait3A_65 : memref<1x104xi32, #tpu.memory_space<vmem>> -> memref<104xi32, #tpu.memory_space<vmem>>
      %dma_wait3A_67 = arith.constant 0 : i32
      %dma_wait3A_68 = arith.constant 0 : i32
      %dma_wait3A_69 = tpu.memref_slice %arg2[%dma_wait3A_67, %dma_wait3A_68] : memref<100000x64xf32, #tpu.memory_space<hbm>> -> memref<100000x64xf32, #tpu.memory_space<hbm>>
      tpu.wait_indirect_dma semaphore(%arg7 : memref<!tpu.dma_semaphore, #tpu.memory_space<semaphore_mem>>) src(%dma_wait3A_69 : memref<100000x64xf32, #tpu.memory_space<hbm>>) dst(%dma_wait3A_63 : memref<104x64xf32, #tpu.memory_space<vmem>>)
      %add3A_70 = arith.addi %mul3A_2, %add3A_58 : i32
      %mul3A_71 = arith.constant 104 : i32
      %mul3A_72 = arith.muli %add3A_70, %mul3A_71 : i32
      %run_scoped3A = arith.constant 0 : i32
      "tpu.region"() ({
        %run_scoped3A_121 = tpu.sem_alloc : memref<!tpu.dma_semaphore, #tpu.memory_space<semaphore_mem>>
        %dma_start3A_122 = arith.constant 0 : i32
        %dma_start3A_123 = arith.constant 0 : i32
        %dma_start3A_124 = tpu.memref_slice %arg6[%run_scoped3A, %dma_start3A_122, %dma_start3A_123] : memref<2x104x64xf32, #tpu.memory_space<vmem>> -> memref<1x104x64xf32, #tpu.memory_space<vmem>>
        %dma_start3A_125 = tpu.memref_squeeze %dma_start3A_124 : memref<1x104x64xf32, #tpu.memory_space<vmem>> -> memref<104x64xf32, #tpu.memory_space<vmem>>
        %dma_start3A_126 = arith.constant 0 : i32
        %dma_start3A_127 = tpu.memref_slice %arg4[%mul3A_72, %dma_start3A_126] : memref<166400x64xf32, #tpu.memory_space<hbm>> -> memref<104x64xf32, #tpu.memory_space<hbm>>
        %dma_start3A_128 = arith.constant 0 : i32
        %dma_start3A_129 = tpu.memref_slice %arg4[%mul3A_72, %dma_start3A_128] : memref<166400x64xf32, #tpu.memory_space<hbm>> -> memref<104x64xf32, #tpu.memory_space<hbm>>
        %dma_start3A_130 = arith.constant 0 : i32
        %dma_start3A_131 = arith.constant 0 : i32
        %dma_start3A_132 = tpu.memref_slice %arg6[%run_scoped3A, %dma_start3A_130, %dma_start3A_131] : memref<2x104x64xf32, #tpu.memory_space<vmem>> -> memref<1x104x64xf32, #tpu.memory_space<vmem>>
        %dma_start3A_133 = tpu.memref_squeeze %dma_start3A_132 : memref<1x104x64xf32, #tpu.memory_space<vmem>> -> memref<104x64xf32, #tpu.memory_space<vmem>>
        tpu.enqueue_dma source(%dma_start3A_133 : memref<104x64xf32, #tpu.memory_space<vmem>>) target(%dma_start3A_129 : memref<104x64xf32, #tpu.memory_space<hbm>>) target_semaphore(%run_scoped3A_121 : memref<!tpu.dma_semaphore, #tpu.memory_space<semaphore_mem>>)
        %dma_wait3A_134 = arith.constant 0 : i32
        %dma_wait3A_135 = arith.constant 0 : i32
        %dma_wait3A_136 = tpu.memref_slice %arg6[%run_scoped3A, %dma_wait3A_134, %dma_wait3A_135] : memref<2x104x64xf32, #tpu.memory_space<vmem>> -> memref<1x104x64xf32, #tpu.memory_space<vmem>>
        %dma_wait3A_137 = tpu.memref_squeeze %dma_wait3A_136 : memref<1x104x64xf32, #tpu.memory_space<vmem>> -> memref<104x64xf32, #tpu.memory_space<vmem>>
        %dma_wait3A_138 = arith.constant 0 : i32
        %dma_wait3A_139 = tpu.memref_slice %arg4[%mul3A_72, %dma_wait3A_138] : memref<166400x64xf32, #tpu.memory_space<hbm>> -> memref<104x64xf32, #tpu.memory_space<hbm>>
        %dma_wait3A_140 = arith.constant 0 : i32
        %dma_wait3A_141 = tpu.memref_slice %arg4[%mul3A_72, %dma_wait3A_140] : memref<166400x64xf32, #tpu.memory_space<hbm>> -> memref<104x64xf32, #tpu.memory_space<hbm>>
        %dma_wait3A_142 = arith.constant 0 : i32
        %dma_wait3A_143 = arith.constant 0 : i32
        %dma_wait3A_144 = tpu.memref_slice %arg6[%run_scoped3A, %dma_wait3A_142, %dma_wait3A_143] : memref<2x104x64xf32, #tpu.memory_space<vmem>> -> memref<1x104x64xf32, #tpu.memory_space<vmem>>
        %dma_wait3A_145 = tpu.memref_squeeze %dma_wait3A_144 : memref<1x104x64xf32, #tpu.memory_space<vmem>> -> memref<104x64xf32, #tpu.memory_space<vmem>>
        tpu.wait_dma2 semaphore(%run_scoped3A_121 : memref<!tpu.dma_semaphore, #tpu.memory_space<semaphore_mem>>) src(%dma_wait3A_145 : memref<104x64xf32, #tpu.memory_space<vmem>>) dst(%dma_wait3A_141 : memref<104x64xf32, #tpu.memory_space<hbm>>)
        tpu.yield
      }) : () -> ()
      %add3A_73 = arith.constant 2 : i32
      %add3A_74 = arith.addi %add3A_58, %add3A_73 : i32
      %min3A = arith.constant 49 : i32
      %min3A_75 = arith.minsi %add3A_74, %min3A : i32
      %dma_start3A_76 = arith.constant 0 : i32
      %dma_start3A_77 = arith.constant 0 : i32
      %dma_start3A_78 = arith.constant 0 : i32
      %dma_start3A_79 = tpu.memref_slice %arg6[%dma_start3A_76, %dma_start3A_77, %dma_start3A_78] : memref<2x104x64xf32, #tpu.memory_space<vmem>> -> memref<1x104x64xf32, #tpu.memory_space<vmem>>
      %dma_start3A_80 = tpu.memref_squeeze %dma_start3A_79 : memref<1x104x64xf32, #tpu.memory_space<vmem>> -> memref<104x64xf32, #tpu.memory_space<vmem>>
      %dma_start3A_81 = arith.constant 0 : i32
      %dma_start3A_82 = tpu.memref_slice %arg5[%min3A_75, %dma_start3A_81] : memref<50x104xi32, #tpu.memory_space<vmem>> -> memref<1x104xi32, #tpu.memory_space<vmem>>
      %dma_start3A_83 = tpu.memref_squeeze %dma_start3A_82 : memref<1x104xi32, #tpu.memory_space<vmem>> -> memref<104xi32, #tpu.memory_space<vmem>>
      %dma_start3A_84 = arith.constant 0 : i32
      %dma_start3A_85 = arith.constant 0 : i32
      %dma_start3A_86 = tpu.memref_slice %arg2[%dma_start3A_84, %dma_start3A_85] : memref<100000x64xf32, #tpu.memory_space<hbm>> -> memref<100000x64xf32, #tpu.memory_space<hbm>>
      tpu.enqueue_indirect_dma source(%dma_start3A_86 : memref<100000x64xf32, #tpu.memory_space<hbm>>) target(%dma_start3A_80 : memref<104x64xf32, #tpu.memory_space<vmem>>) offsets(%dma_start3A_83 : memref<104xi32, #tpu.memory_space<vmem>>) semaphore(%arg7 : memref<!tpu.dma_semaphore, #tpu.memory_space<semaphore_mem>>)
      %mul3A_87 = arith.constant 2 : i32
      %mul3A_88 = arith.muli %mul3A_87, %scan3A_54 : i32
      %add3A_89 = arith.constant 1 : i32
      %add3A_90 = arith.addi %mul3A_88, %add3A_89 : i32
      %dma_wait3A_91 = arith.constant 1 : i32
      %dma_wait3A_92 = arith.constant 0 : i32
      %dma_wait3A_93 = arith.constant 0 : i32
      %dma_wait3A_94 = tpu.memref_slice %arg6[%dma_wait3A_91, %dma_wait3A_92, %dma_wait3A_93] : memref<2x104x64xf32, #tpu.memory_space<vmem>> -> memref<1x104x64xf32, #tpu.memory_space<vmem>>
      %dma_wait3A_95 = tpu.memref_squeeze %dma_wait3A_94 : memref<1x104x64xf32, #tpu.memory_space<vmem>> -> memref<104x64xf32, #tpu.memory_space<vmem>>
      %dma_wait3A_96 = arith.constant 0 : i32
      %dma_wait3A_97 = tpu.memref_slice %arg5[%add3A_90, %dma_wait3A_96] : memref<50x104xi32, #tpu.memory_space<vmem>> -> memref<1x104xi32, #tpu.memory_space<vmem>>
      %dma_wait3A_98 = tpu.memref_squeeze %dma_wait3A_97 : memref<1x104xi32, #tpu.memory_space<vmem>> -> memref<104xi32, #tpu.memory_space<vmem>>
      %dma_wait3A_99 = arith.constant 0 : i32
      %dma_wait3A_100 = arith.constant 0 : i32
      %dma_wait3A_101 = tpu.memref_slice %arg2[%dma_wait3A_99, %dma_wait3A_100] : memref<100000x64xf32, #tpu.memory_space<hbm>> -> memref<100000x64xf32, #tpu.memory_space<hbm>>
      tpu.wait_indirect_dma semaphore(%arg8 : memref<!tpu.dma_semaphore, #tpu.memory_space<semaphore_mem>>) src(%dma_wait3A_101 : memref<100000x64xf32, #tpu.memory_space<hbm>>) dst(%dma_wait3A_95 : memref<104x64xf32, #tpu.memory_space<vmem>>)
      %add3A_102 = arith.addi %mul3A_2, %add3A_90 : i32
      %mul3A_103 = arith.constant 104 : i32
      %mul3A_104 = arith.muli %add3A_102, %mul3A_103 : i32
      %run_scoped3A_105 = arith.constant 1 : i32
      "tpu.region"() ({
        %run_scoped3A_121 = tpu.sem_alloc : memref<!tpu.dma_semaphore, #tpu.memory_space<semaphore_mem>>
        %dma_start3A_122 = arith.constant 0 : i32
        %dma_start3A_123 = arith.constant 0 : i32
        %dma_start3A_124 = tpu.memref_slice %arg6[%run_scoped3A_105, %dma_start3A_122, %dma_start3A_123] : memref<2x104x64xf32, #tpu.memory_space<vmem>> -> memref<1x104x64xf32, #tpu.memory_space<vmem>>
        %dma_start3A_125 = tpu.memref_squeeze %dma_start3A_124 : memref<1x104x64xf32, #tpu.memory_space<vmem>> -> memref<104x64xf32, #tpu.memory_space<vmem>>
        %dma_start3A_126 = arith.constant 0 : i32
        %dma_start3A_127 = tpu.memref_slice %arg4[%mul3A_104, %dma_start3A_126] : memref<166400x64xf32, #tpu.memory_space<hbm>> -> memref<104x64xf32, #tpu.memory_space<hbm>>
        %dma_start3A_128 = arith.constant 0 : i32
        %dma_start3A_129 = tpu.memref_slice %arg4[%mul3A_104, %dma_start3A_128] : memref<166400x64xf32, #tpu.memory_space<hbm>> -> memref<104x64xf32, #tpu.memory_space<hbm>>
        %dma_start3A_130 = arith.constant 0 : i32
        %dma_start3A_131 = arith.constant 0 : i32
        %dma_start3A_132 = tpu.memref_slice %arg6[%run_scoped3A_105, %dma_start3A_130, %dma_start3A_131] : memref<2x104x64xf32, #tpu.memory_space<vmem>> -> memref<1x104x64xf32, #tpu.memory_space<vmem>>
        %dma_start3A_133 = tpu.memref_squeeze %dma_start3A_132 : memref<1x104x64xf32, #tpu.memory_space<vmem>> -> memref<104x64xf32, #tpu.memory_space<vmem>>
        tpu.enqueue_dma source(%dma_start3A_133 : memref<104x64xf32, #tpu.memory_space<vmem>>) target(%dma_start3A_129 : memref<104x64xf32, #tpu.memory_space<hbm>>) target_semaphore(%run_scoped3A_121 : memref<!tpu.dma_semaphore, #tpu.memory_space<semaphore_mem>>)
        %dma_wait3A_134 = arith.constant 0 : i32
        %dma_wait3A_135 = arith.constant 0 : i32
        %dma_wait3A_136 = tpu.memref_slice %arg6[%run_scoped3A_105, %dma_wait3A_134, %dma_wait3A_135] : memref<2x104x64xf32, #tpu.memory_space<vmem>> -> memref<1x104x64xf32, #tpu.memory_space<vmem>>
        %dma_wait3A_137 = tpu.memref_squeeze %dma_wait3A_136 : memref<1x104x64xf32, #tpu.memory_space<vmem>> -> memref<104x64xf32, #tpu.memory_space<vmem>>
        %dma_wait3A_138 = arith.constant 0 : i32
        %dma_wait3A_139 = tpu.memref_slice %arg4[%mul3A_104, %dma_wait3A_138] : memref<166400x64xf32, #tpu.memory_space<hbm>> -> memref<104x64xf32, #tpu.memory_space<hbm>>
        %dma_wait3A_140 = arith.constant 0 : i32
        %dma_wait3A_141 = tpu.memref_slice %arg4[%mul3A_104, %dma_wait3A_140] : memref<166400x64xf32, #tpu.memory_space<hbm>> -> memref<104x64xf32, #tpu.memory_space<hbm>>
        %dma_wait3A_142 = arith.constant 0 : i32
        %dma_wait3A_143 = arith.constant 0 : i32
        %dma_wait3A_144 = tpu.memref_slice %arg6[%run_scoped3A_105, %dma_wait3A_142, %dma_wait3A_143] : memref<2x104x64xf32, #tpu.memory_space<vmem>> -> memref<1x104x64xf32, #tpu.memory_space<vmem>>
        %dma_wait3A_145 = tpu.memref_squeeze %dma_wait3A_144 : memref<1x104x64xf32, #tpu.memory_space<vmem>> -> memref<104x64xf32, #tpu.memory_space<vmem>>
        tpu.wait_dma2 semaphore(%run_scoped3A_121 : memref<!tpu.dma_semaphore, #tpu.memory_space<semaphore_mem>>) src(%dma_wait3A_145 : memref<104x64xf32, #tpu.memory_space<vmem>>) dst(%dma_wait3A_141 : memref<104x64xf32, #tpu.memory_space<hbm>>)
        tpu.yield
      }) : () -> ()
      %add3A_106 = arith.constant 2 : i32
      %add3A_107 = arith.addi %add3A_90, %add3A_106 : i32
      %min3A_108 = arith.constant 49 : i32
      %min3A_109 = arith.minsi %add3A_107, %min3A_108 : i32
      %dma_start3A_110 = arith.constant 1 : i32
      %dma_start3A_111 = arith.constant 0 : i32
      %dma_start3A_112 = arith.constant 0 : i32
      %dma_start3A_113 = tpu.memref_slice %arg6[%dma_start3A_110, %dma_start3A_111, %dma_start3A_112] : memref<2x104x64xf32, #tpu.memory_space<vmem>> -> memref<1x104x64xf32, #tpu.memory_space<vmem>>
      %dma_start3A_114 = tpu.memref_squeeze %dma_start3A_113 : memref<1x104x64xf32, #tpu.memory_space<vmem>> -> memref<104x64xf32, #tpu.memory_space<vmem>>
      %dma_start3A_115 = arith.constant 0 : i32
      %dma_start3A_116 = tpu.memref_slice %arg5[%min3A_109, %dma_start3A_115] : memref<50x104xi32, #tpu.memory_space<vmem>> -> memref<1x104xi32, #tpu.memory_space<vmem>>
      %dma_start3A_117 = tpu.memref_squeeze %dma_start3A_116 : memref<1x104xi32, #tpu.memory_space<vmem>> -> memref<104xi32, #tpu.memory_space<vmem>>
      %dma_start3A_118 = arith.constant 0 : i32
      %dma_start3A_119 = arith.constant 0 : i32
      %dma_start3A_120 = tpu.memref_slice %arg2[%dma_start3A_118, %dma_start3A_119] : memref<100000x64xf32, #tpu.memory_space<hbm>> -> memref<100000x64xf32, #tpu.memory_space<hbm>>
      tpu.enqueue_indirect_dma source(%dma_start3A_120 : memref<100000x64xf32, #tpu.memory_space<hbm>>) target(%dma_start3A_114 : memref<104x64xf32, #tpu.memory_space<vmem>>) offsets(%dma_start3A_117 : memref<104xi32, #tpu.memory_space<vmem>>) semaphore(%arg8 : memref<!tpu.dma_semaphore, #tpu.memory_space<semaphore_mem>>)
    }
    %scan3A_30 = arith.constant 25 : i32
    %dma_wait3A = arith.constant 0 : i32
    %dma_wait3A_31 = arith.constant 0 : i32
    %dma_wait3A_32 = arith.constant 0 : i32
    %dma_wait3A_33 = arith.constant 0 : i32
    %dma_wait3A_34 = tpu.memref_slice %arg6[%dma_wait3A_31, %dma_wait3A_32, %dma_wait3A_33] : memref<2x104x64xf32, #tpu.memory_space<vmem>> -> memref<1x104x64xf32, #tpu.memory_space<vmem>>
    %dma_wait3A_35 = tpu.memref_squeeze %dma_wait3A_34 : memref<1x104x64xf32, #tpu.memory_space<vmem>> -> memref<104x64xf32, #tpu.memory_space<vmem>>
    %dma_wait3A_36 = arith.constant 0 : i32
    %dma_wait3A_37 = tpu.memref_slice %arg5[%dma_wait3A, %dma_wait3A_36] : memref<50x104xi32, #tpu.memory_space<vmem>> -> memref<1x104xi32, #tpu.memory_space<vmem>>
    %dma_wait3A_38 = tpu.memref_squeeze %dma_wait3A_37 : memref<1x104xi32, #tpu.memory_space<vmem>> -> memref<104xi32, #tpu.memory_space<vmem>>
    %dma_wait3A_39 = arith.constant 0 : i32
    %dma_wait3A_40 = arith.constant 0 : i32
    %dma_wait3A_41 = tpu.memref_slice %arg2[%dma_wait3A_39, %dma_wait3A_40] : memref<100000x64xf32, #tpu.memory_space<hbm>> -> memref<100000x64xf32, #tpu.memory_space<hbm>>
    tpu.wait_indirect_dma semaphore(%arg7 : memref<!tpu.dma_semaphore, #tpu.memory_space<semaphore_mem>>) src(%dma_wait3A_41 : memref<100000x64xf32, #tpu.memory_space<hbm>>) dst(%dma_wait3A_35 : memref<104x64xf32, #tpu.memory_space<vmem>>)
    %dma_wait3A_42 = arith.constant 1 : i32
    %dma_wait3A_43 = arith.constant 1 : i32
    %dma_wait3A_44 = arith.constant 0 : i32
    %dma_wait3A_45 = arith.constant 0 : i32
    %dma_wait3A_46 = tpu.memref_slice %arg6[%dma_wait3A_43, %dma_wait3A_44, %dma_wait3A_45] : memref<2x104x64xf32, #tpu.memory_space<vmem>> -> memref<1x104x64xf32, #tpu.memory_space<vmem>>
    %dma_wait3A_47 = tpu.memref_squeeze %dma_wait3A_46 : memref<1x104x64xf32, #tpu.memory_space<vmem>> -> memref<104x64xf32, #tpu.memory_space<vmem>>
    %dma_wait3A_48 = arith.constant 0 : i32
    %dma_wait3A_49 = tpu.memref_slice %arg5[%dma_wait3A_42, %dma_wait3A_48] : memref<50x104xi32, #tpu.memory_space<vmem>> -> memref<1x104xi32, #tpu.memory_space<vmem>>
    %dma_wait3A_50 = tpu.memref_squeeze %dma_wait3A_49 : memref<1x104xi32, #tpu.memory_space<vmem>> -> memref<104xi32, #tpu.memory_space<vmem>>
    %dma_wait3A_51 = arith.constant 0 : i32
    %dma_wait3A_52 = arith.constant 0 : i32
    %dma_wait3A_53 = tpu.memref_slice %arg2[%dma_wait3A_51, %dma_wait3A_52] : memref<100000x64xf32, #tpu.memory_space<hbm>> -> memref<100000x64xf32, #tpu.memory_space<hbm>>
    tpu.wait_indirect_dma semaphore(%arg8 : memref<!tpu.dma_semaphore, #tpu.memory_space<semaphore_mem>>) src(%dma_wait3A_53 : memref<100000x64xf32, #tpu.memory_space<hbm>>) dst(%dma_wait3A_47 : memref<104x64xf32, #tpu.memory_space<vmem>>)
    return
  }
}

#map = affine_map<(d0, d1) -> (0, 0)>
#map1 = affine_map<(d0, d1) -> (0, 0, 0)>
module attributes {stable_mosaic.version = 14 : i64} {
  func.func @k(%arg0: i32, %arg1: i32, %arg2: memref<100000x64xf32, #tpu.memory_space<hbm>>, %arg3: memref<32x50x104xi32, #tpu.memory_space<hbm>>, %arg4: memref<166400x64xf32, #tpu.memory_space<hbm>>, %arg5: memref<50x104xi32, #tpu.memory_space<vmem>>, %arg6: memref<2x104x64xf32, #tpu.memory_space<vmem>>, %arg7: memref<!tpu.dma_semaphore, #tpu.memory_space<semaphore_mem>>, %arg8: memref<!tpu.dma_semaphore, #tpu.memory_space<semaphore_mem>>) attributes {dimension_semantics = [#tpu.dimension_semantics<core_parallel>, #tpu.dimension_semantics<subcore_parallel>], iteration_bounds = array<i64: 2, 16>, scalar_prefetch = 0 : i64, scratch_operands = 4 : i64, tpu.core_type = #tpu.core_type<sc_vector_subcore>, window_params = [{transform_indices = #map}, {transform_indices = #map1}, {transform_indices = #map}]} {
    %mul3A = arith.constant 2 : i32
    %mul3A_0 = arith.muli %arg1, %mul3A : i32
    %add3A = arith.addi %mul3A_0, %arg0 : i32
    %mul3A_1 = arith.constant 50 : i32
    %mul3A_2 = arith.muli %add3A, %mul3A_1 : i32
    "tpu.region"() ({
      %run_scoped3A = tpu.sem_alloc : memref<!tpu.dma_semaphore, #tpu.memory_space<semaphore_mem>>
      %dma_start3A_54 = arith.constant 0 : i32
      %dma_start3A_55 = arith.constant 0 : i32
      %dma_start3A_56 = tpu.memref_slice %arg3[%add3A, %dma_start3A_54, %dma_start3A_55] : memref<32x50x104xi32, #tpu.memory_space<hbm>> -> memref<1x50x104xi32, #tpu.memory_space<hbm>>
      %dma_start3A_57 = tpu.memref_squeeze %dma_start3A_56 : memref<1x50x104xi32, #tpu.memory_space<hbm>> -> memref<50x104xi32, #tpu.memory_space<hbm>>
      %dma_start3A_58 = arith.constant 0 : i32
      %dma_start3A_59 = arith.constant 0 : i32
      %dma_start3A_60 = tpu.memref_slice %arg3[%add3A, %dma_start3A_58, %dma_start3A_59] : memref<32x50x104xi32, #tpu.memory_space<hbm>> -> memref<1x50x104xi32, #tpu.memory_space<hbm>>
      %dma_start3A_61 = tpu.memref_squeeze %dma_start3A_60 : memref<1x50x104xi32, #tpu.memory_space<hbm>> -> memref<50x104xi32, #tpu.memory_space<hbm>>
      tpu.enqueue_dma source(%dma_start3A_61 : memref<50x104xi32, #tpu.memory_space<hbm>>) target(%arg5 : memref<50x104xi32, #tpu.memory_space<vmem>>) target_semaphore(%run_scoped3A : memref<!tpu.dma_semaphore, #tpu.memory_space<semaphore_mem>>)
      %dma_wait3A_62 = arith.constant 0 : i32
      %dma_wait3A_63 = arith.constant 0 : i32
      %dma_wait3A_64 = tpu.memref_slice %arg3[%add3A, %dma_wait3A_62, %dma_wait3A_63] : memref<32x50x104xi32, #tpu.memory_space<hbm>> -> memref<1x50x104xi32, #tpu.memory_space<hbm>>
      %dma_wait3A_65 = tpu.memref_squeeze %dma_wait3A_64 : memref<1x50x104xi32, #tpu.memory_space<hbm>> -> memref<50x104xi32, #tpu.memory_space<hbm>>
      %dma_wait3A_66 = arith.constant 0 : i32
      %dma_wait3A_67 = arith.constant 0 : i32
      %dma_wait3A_68 = tpu.memref_slice %arg3[%add3A, %dma_wait3A_66, %dma_wait3A_67] : memref<32x50x104xi32, #tpu.memory_space<hbm>> -> memref<1x50x104xi32, #tpu.memory_space<hbm>>
      %dma_wait3A_69 = tpu.memref_squeeze %dma_wait3A_68 : memref<1x50x104xi32, #tpu.memory_space<hbm>> -> memref<50x104xi32, #tpu.memory_space<hbm>>
      tpu.wait_dma2 semaphore(%run_scoped3A : memref<!tpu.dma_semaphore, #tpu.memory_space<semaphore_mem>>) src(%dma_wait3A_69 : memref<50x104xi32, #tpu.memory_space<hbm>>) dst(%arg5 : memref<50x104xi32, #tpu.memory_space<vmem>>)
      tpu.yield
    }) : () -> ()
    %dma_start3A = arith.constant 0 : i32
    %dma_start3A_3 = arith.constant 0 : i32
    %dma_start3A_4 = arith.constant 0 : i32
    %dma_start3A_5 = arith.constant 0 : i32
    %dma_start3A_6 = tpu.memref_slice %arg6[%dma_start3A_3, %dma_start3A_4, %dma_start3A_5] : memref<2x104x64xf32, #tpu.memory_space<vmem>> -> memref<1x104x64xf32, #tpu.memory_space<vmem>>
    %dma_start3A_7 = tpu.memref_squeeze %dma_start3A_6 : memref<1x104x64xf32, #tpu.memory_space<vmem>> -> memref<104x64xf32, #tpu.memory_space<vmem>>
    %dma_start3A_8 = arith.constant 0 : i32
    %dma_start3A_9 = tpu.memref_slice %arg5[%dma_start3A, %dma_start3A_8] : memref<50x104xi32, #tpu.memory_space<vmem>> -> memref<1x104xi32, #tpu.memory_space<vmem>>
    %dma_start3A_10 = tpu.memref_squeeze %dma_start3A_9 : memref<1x104xi32, #tpu.memory_space<vmem>> -> memref<104xi32, #tpu.memory_space<vmem>>
    %dma_start3A_11 = arith.constant 0 : i32
    %dma_start3A_12 = arith.constant 0 : i32
    %dma_start3A_13 = tpu.memref_slice %arg2[%dma_start3A_11, %dma_start3A_12] : memref<100000x64xf32, #tpu.memory_space<hbm>> -> memref<100000x64xf32, #tpu.memory_space<hbm>>
    tpu.enqueue_indirect_dma source(%dma_start3A_13 : memref<100000x64xf32, #tpu.memory_space<hbm>>) target(%dma_start3A_7 : memref<104x64xf32, #tpu.memory_space<vmem>>) offsets(%dma_start3A_10 : memref<104xi32, #tpu.memory_space<vmem>>) semaphore(%arg7 : memref<!tpu.dma_semaphore, #tpu.memory_space<semaphore_mem>>)
    %dma_start3A_14 = arith.constant 1 : i32
    %dma_start3A_15 = arith.constant 1 : i32
    %dma_start3A_16 = arith.constant 0 : i32
    %dma_start3A_17 = arith.constant 0 : i32
    %dma_start3A_18 = tpu.memref_slice %arg6[%dma_start3A_15, %dma_start3A_16, %dma_start3A_17] : memref<2x104x64xf32, #tpu.memory_space<vmem>> -> memref<1x104x64xf32, #tpu.memory_space<vmem>>
    %dma_start3A_19 = tpu.memref_squeeze %dma_start3A_18 : memref<1x104x64xf32, #tpu.memory_space<vmem>> -> memref<104x64xf32, #tpu.memory_space<vmem>>
    %dma_start3A_20 = arith.constant 0 : i32
    %dma_start3A_21 = tpu.memref_slice %arg5[%dma_start3A_14, %dma_start3A_20] : memref<50x104xi32, #tpu.memory_space<vmem>> -> memref<1x104xi32, #tpu.memory_space<vmem>>
    %dma_start3A_22 = tpu.memref_squeeze %dma_start3A_21 : memref<1x104xi32, #tpu.memory_space<vmem>> -> memref<104xi32, #tpu.memory_space<vmem>>
    %dma_start3A_23 = arith.constant 0 : i32
    %dma_start3A_24 = arith.constant 0 : i32
    %dma_start3A_25 = tpu.memref_slice %arg2[%dma_start3A_23, %dma_start3A_24] : memref<100000x64xf32, #tpu.memory_space<hbm>> -> memref<100000x64xf32, #tpu.memory_space<hbm>>
    tpu.enqueue_indirect_dma source(%dma_start3A_25 : memref<100000x64xf32, #tpu.memory_space<hbm>>) target(%dma_start3A_19 : memref<104x64xf32, #tpu.memory_space<vmem>>) offsets(%dma_start3A_22 : memref<104xi32, #tpu.memory_space<vmem>>) semaphore(%arg8 : memref<!tpu.dma_semaphore, #tpu.memory_space<semaphore_mem>>)
    %scan3A = arith.constant 0 : i32
    %scan3A_26 = arith.constant 0 : i32
    %scan3A_27 = arith.constant 25 : i32
    %scan3A_28 = arith.addi %scan3A_26, %scan3A_27 : i32
    %scan3A_29 = arith.constant 1 : i32
    scf.for %scan3A_54 = %scan3A_26 to %scan3A_28 step %scan3A_29  : i32 {
      %mul3A_55 = arith.constant 2 : i32
      %mul3A_56 = arith.muli %mul3A_55, %scan3A_54 : i32
      %add3A_57 = arith.constant 0 : i32
      %add3A_58 = arith.addi %mul3A_56, %add3A_57 : i32
      %dma_wait3A_59 = arith.constant 0 : i32
      %dma_wait3A_60 = arith.constant 0 : i32
      %dma_wait3A_61 = arith.constant 0 : i32
      %dma_wait3A_62 = tpu.memref_slice %arg6[%dma_wait3A_59, %dma_wait3A_60, %dma_wait3A_61] : memref<2x104x64xf32, #tpu.memory_space<vmem>> -> memref<1x104x64xf32, #tpu.memory_space<vmem>>
      %dma_wait3A_63 = tpu.memref_squeeze %dma_wait3A_62 : memref<1x104x64xf32, #tpu.memory_space<vmem>> -> memref<104x64xf32, #tpu.memory_space<vmem>>
      %dma_wait3A_64 = arith.constant 0 : i32
      %dma_wait3A_65 = tpu.memref_slice %arg5[%add3A_58, %dma_wait3A_64] : memref<50x104xi32, #tpu.memory_space<vmem>> -> memref<1x104xi32, #tpu.memory_space<vmem>>
      %dma_wait3A_66 = tpu.memref_squeeze %dma_wait3A_65 : memref<1x104xi32, #tpu.memory_space<vmem>> -> memref<104xi32, #tpu.memory_space<vmem>>
      %dma_wait3A_67 = arith.constant 0 : i32
      %dma_wait3A_68 = arith.constant 0 : i32
      %dma_wait3A_69 = tpu.memref_slice %arg2[%dma_wait3A_67, %dma_wait3A_68] : memref<100000x64xf32, #tpu.memory_space<hbm>> -> memref<100000x64xf32, #tpu.memory_space<hbm>>
      tpu.wait_indirect_dma semaphore(%arg7 : memref<!tpu.dma_semaphore, #tpu.memory_space<semaphore_mem>>) src(%dma_wait3A_69 : memref<100000x64xf32, #tpu.memory_space<hbm>>) dst(%dma_wait3A_63 : memref<104x64xf32, #tpu.memory_space<vmem>>)
      %add3A_70 = arith.addi %mul3A_2, %add3A_58 : i32
      %mul3A_71 = arith.constant 104 : i32
      %mul3A_72 = arith.muli %add3A_70, %mul3A_71 : i32
      %run_scoped3A = arith.constant 0 : i32
      "tpu.region"() ({
        %run_scoped3A_121 = tpu.sem_alloc : memref<!tpu.dma_semaphore, #tpu.memory_space<semaphore_mem>>
        %dma_start3A_122 = arith.constant 0 : i32
        %dma_start3A_123 = arith.constant 0 : i32
        %dma_start3A_124 = tpu.memref_slice %arg6[%run_scoped3A, %dma_start3A_122, %dma_start3A_123] : memref<2x104x64xf32, #tpu.memory_space<vmem>> -> memref<1x104x64xf32, #tpu.memory_space<vmem>>
        %dma_start3A_125 = tpu.memref_squeeze %dma_start3A_124 : memref<1x104x64xf32, #tpu.memory_space<vmem>> -> memref<104x64xf32, #tpu.memory_space<vmem>>
        %dma_start3A_126 = arith.constant 0 : i32
        %dma_start3A_127 = tpu.memref_slice %arg4[%mul3A_72, %dma_start3A_126] : memref<166400x64xf32, #tpu.memory_space<hbm>> -> memref<104x64xf32, #tpu.memory_space<hbm>>
        %dma_start3A_128 = arith.constant 0 : i32
        %dma_start3A_129 = tpu.memref_slice %arg4[%mul3A_72, %dma_start3A_128] : memref<166400x64xf32, #tpu.memory_space<hbm>> -> memref<104x64xf32, #tpu.memory_space<hbm>>
        %dma_start3A_130 = arith.constant 0 : i32
        %dma_start3A_131 = arith.constant 0 : i32
        %dma_start3A_132 = tpu.memref_slice %arg6[%run_scoped3A, %dma_start3A_130, %dma_start3A_131] : memref<2x104x64xf32, #tpu.memory_space<vmem>> -> memref<1x104x64xf32, #tpu.memory_space<vmem>>
        %dma_start3A_133 = tpu.memref_squeeze %dma_start3A_132 : memref<1x104x64xf32, #tpu.memory_space<vmem>> -> memref<104x64xf32, #tpu.memory_space<vmem>>
        tpu.enqueue_dma source(%dma_start3A_133 : memref<104x64xf32, #tpu.memory_space<vmem>>) target(%dma_start3A_129 : memref<104x64xf32, #tpu.memory_space<hbm>>) target_semaphore(%run_scoped3A_121 : memref<!tpu.dma_semaphore, #tpu.memory_space<semaphore_mem>>)
        %dma_wait3A_134 = arith.constant 0 : i32
        %dma_wait3A_135 = arith.constant 0 : i32
        %dma_wait3A_136 = tpu.memref_slice %arg6[%run_scoped3A, %dma_wait3A_134, %dma_wait3A_135] : memref<2x104x64xf32, #tpu.memory_space<vmem>> -> memref<1x104x64xf32, #tpu.memory_space<vmem>>
        %dma_wait3A_137 = tpu.memref_squeeze %dma_wait3A_136 : memref<1x104x64xf32, #tpu.memory_space<vmem>> -> memref<104x64xf32, #tpu.memory_space<vmem>>
        %dma_wait3A_138 = arith.constant 0 : i32
        %dma_wait3A_139 = tpu.memref_slice %arg4[%mul3A_72, %dma_wait3A_138] : memref<166400x64xf32, #tpu.memory_space<hbm>> -> memref<104x64xf32, #tpu.memory_space<hbm>>
        %dma_wait3A_140 = arith.constant 0 : i32
        %dma_wait3A_141 = tpu.memref_slice %arg4[%mul3A_72, %dma_wait3A_140] : memref<166400x64xf32, #tpu.memory_space<hbm>> -> memref<104x64xf32, #tpu.memory_space<hbm>>
        %dma_wait3A_142 = arith.constant 0 : i32
        %dma_wait3A_143 = arith.constant 0 : i32
        %dma_wait3A_144 = tpu.memref_slice %arg6[%run_scoped3A, %dma_wait3A_142, %dma_wait3A_143] : memref<2x104x64xf32, #tpu.memory_space<vmem>> -> memref<1x104x64xf32, #tpu.memory_space<vmem>>
        %dma_wait3A_145 = tpu.memref_squeeze %dma_wait3A_144 : memref<1x104x64xf32, #tpu.memory_space<vmem>> -> memref<104x64xf32, #tpu.memory_space<vmem>>
        tpu.wait_dma2 semaphore(%run_scoped3A_121 : memref<!tpu.dma_semaphore, #tpu.memory_space<semaphore_mem>>) src(%dma_wait3A_145 : memref<104x64xf32, #tpu.memory_space<vmem>>) dst(%dma_wait3A_141 : memref<104x64xf32, #tpu.memory_space<hbm>>)
        tpu.yield
      }) : () -> ()
      %add3A_73 = arith.constant 2 : i32
      %add3A_74 = arith.addi %add3A_58, %add3A_73 : i32
      %min3A = arith.constant 49 : i32
      %min3A_75 = arith.minsi %add3A_74, %min3A : i32
      %dma_start3A_76 = arith.constant 0 : i32
      %dma_start3A_77 = arith.constant 0 : i32
      %dma_start3A_78 = arith.constant 0 : i32
      %dma_start3A_79 = tpu.memref_slice %arg6[%dma_start3A_76, %dma_start3A_77, %dma_start3A_78] : memref<2x104x64xf32, #tpu.memory_space<vmem>> -> memref<1x104x64xf32, #tpu.memory_space<vmem>>
      %dma_start3A_80 = tpu.memref_squeeze %dma_start3A_79 : memref<1x104x64xf32, #tpu.memory_space<vmem>> -> memref<104x64xf32, #tpu.memory_space<vmem>>
      %dma_start3A_81 = arith.constant 0 : i32
      %dma_start3A_82 = tpu.memref_slice %arg5[%min3A_75, %dma_start3A_81] : memref<50x104xi32, #tpu.memory_space<vmem>> -> memref<1x104xi32, #tpu.memory_space<vmem>>
      %dma_start3A_83 = tpu.memref_squeeze %dma_start3A_82 : memref<1x104xi32, #tpu.memory_space<vmem>> -> memref<104xi32, #tpu.memory_space<vmem>>
      %dma_start3A_84 = arith.constant 0 : i32
      %dma_start3A_85 = arith.constant 0 : i32
      %dma_start3A_86 = tpu.memref_slice %arg2[%dma_start3A_84, %dma_start3A_85] : memref<100000x64xf32, #tpu.memory_space<hbm>> -> memref<100000x64xf32, #tpu.memory_space<hbm>>
      tpu.enqueue_indirect_dma source(%dma_start3A_86 : memref<100000x64xf32, #tpu.memory_space<hbm>>) target(%dma_start3A_80 : memref<104x64xf32, #tpu.memory_space<vmem>>) offsets(%dma_start3A_83 : memref<104xi32, #tpu.memory_space<vmem>>) semaphore(%arg7 : memref<!tpu.dma_semaphore, #tpu.memory_space<semaphore_mem>>)
      %mul3A_87 = arith.constant 2 : i32
      %mul3A_88 = arith.muli %mul3A_87, %scan3A_54 : i32
      %add3A_89 = arith.constant 1 : i32
      %add3A_90 = arith.addi %mul3A_88, %add3A_89 : i32
      %dma_wait3A_91 = arith.constant 1 : i32
      %dma_wait3A_92 = arith.constant 0 : i32
      %dma_wait3A_93 = arith.constant 0 : i32
      %dma_wait3A_94 = tpu.memref_slice %arg6[%dma_wait3A_91, %dma_wait3A_92, %dma_wait3A_93] : memref<2x104x64xf32, #tpu.memory_space<vmem>> -> memref<1x104x64xf32, #tpu.memory_space<vmem>>
      %dma_wait3A_95 = tpu.memref_squeeze %dma_wait3A_94 : memref<1x104x64xf32, #tpu.memory_space<vmem>> -> memref<104x64xf32, #tpu.memory_space<vmem>>
      %dma_wait3A_96 = arith.constant 0 : i32
      %dma_wait3A_97 = tpu.memref_slice %arg5[%add3A_90, %dma_wait3A_96] : memref<50x104xi32, #tpu.memory_space<vmem>> -> memref<1x104xi32, #tpu.memory_space<vmem>>
      %dma_wait3A_98 = tpu.memref_squeeze %dma_wait3A_97 : memref<1x104xi32, #tpu.memory_space<vmem>> -> memref<104xi32, #tpu.memory_space<vmem>>
      %dma_wait3A_99 = arith.constant 0 : i32
      %dma_wait3A_100 = arith.constant 0 : i32
      %dma_wait3A_101 = tpu.memref_slice %arg2[%dma_wait3A_99, %dma_wait3A_100] : memref<100000x64xf32, #tpu.memory_space<hbm>> -> memref<100000x64xf32, #tpu.memory_space<hbm>>
      tpu.wait_indirect_dma semaphore(%arg8 : memref<!tpu.dma_semaphore, #tpu.memory_space<semaphore_mem>>) src(%dma_wait3A_101 : memref<100000x64xf32, #tpu.memory_space<hbm>>) dst(%dma_wait3A_95 : memref<104x64xf32, #tpu.memory_space<vmem>>)
      %add3A_102 = arith.addi %mul3A_2, %add3A_90 : i32
      %mul3A_103 = arith.constant 104 : i32
      %mul3A_104 = arith.muli %add3A_102, %mul3A_103 : i32
      %run_scoped3A_105 = arith.constant 1 : i32
      "tpu.region"() ({
        %run_scoped3A_121 = tpu.sem_alloc : memref<!tpu.dma_semaphore, #tpu.memory_space<semaphore_mem>>
        %dma_start3A_122 = arith.constant 0 : i32
        %dma_start3A_123 = arith.constant 0 : i32
        %dma_start3A_124 = tpu.memref_slice %arg6[%run_scoped3A_105, %dma_start3A_122, %dma_start3A_123] : memref<2x104x64xf32, #tpu.memory_space<vmem>> -> memref<1x104x64xf32, #tpu.memory_space<vmem>>
        %dma_start3A_125 = tpu.memref_squeeze %dma_start3A_124 : memref<1x104x64xf32, #tpu.memory_space<vmem>> -> memref<104x64xf32, #tpu.memory_space<vmem>>
        %dma_start3A_126 = arith.constant 0 : i32
        %dma_start3A_127 = tpu.memref_slice %arg4[%mul3A_104, %dma_start3A_126] : memref<166400x64xf32, #tpu.memory_space<hbm>> -> memref<104x64xf32, #tpu.memory_space<hbm>>
        %dma_start3A_128 = arith.constant 0 : i32
        %dma_start3A_129 = tpu.memref_slice %arg4[%mul3A_104, %dma_start3A_128] : memref<166400x64xf32, #tpu.memory_space<hbm>> -> memref<104x64xf32, #tpu.memory_space<hbm>>
        %dma_start3A_130 = arith.constant 0 : i32
        %dma_start3A_131 = arith.constant 0 : i32
        %dma_start3A_132 = tpu.memref_slice %arg6[%run_scoped3A_105, %dma_start3A_130, %dma_start3A_131] : memref<2x104x64xf32, #tpu.memory_space<vmem>> -> memref<1x104x64xf32, #tpu.memory_space<vmem>>
        %dma_start3A_133 = tpu.memref_squeeze %dma_start3A_132 : memref<1x104x64xf32, #tpu.memory_space<vmem>> -> memref<104x64xf32, #tpu.memory_space<vmem>>
        tpu.enqueue_dma source(%dma_start3A_133 : memref<104x64xf32, #tpu.memory_space<vmem>>) target(%dma_start3A_129 : memref<104x64xf32, #tpu.memory_space<hbm>>) target_semaphore(%run_scoped3A_121 : memref<!tpu.dma_semaphore, #tpu.memory_space<semaphore_mem>>)
        %dma_wait3A_134 = arith.constant 0 : i32
        %dma_wait3A_135 = arith.constant 0 : i32
        %dma_wait3A_136 = tpu.memref_slice %arg6[%run_scoped3A_105, %dma_wait3A_134, %dma_wait3A_135] : memref<2x104x64xf32, #tpu.memory_space<vmem>> -> memref<1x104x64xf32, #tpu.memory_space<vmem>>
        %dma_wait3A_137 = tpu.memref_squeeze %dma_wait3A_136 : memref<1x104x64xf32, #tpu.memory_space<vmem>> -> memref<104x64xf32, #tpu.memory_space<vmem>>
        %dma_wait3A_138 = arith.constant 0 : i32
        %dma_wait3A_139 = tpu.memref_slice %arg4[%mul3A_104, %dma_wait3A_138] : memref<166400x64xf32, #tpu.memory_space<hbm>> -> memref<104x64xf32, #tpu.memory_space<hbm>>
        %dma_wait3A_140 = arith.constant 0 : i32
        %dma_wait3A_141 = tpu.memref_slice %arg4[%mul3A_104, %dma_wait3A_140] : memref<166400x64xf32, #tpu.memory_space<hbm>> -> memref<104x64xf32, #tpu.memory_space<hbm>>
        %dma_wait3A_142 = arith.constant 0 : i32
        %dma_wait3A_143 = arith.constant 0 : i32
        %dma_wait3A_144 = tpu.memref_slice %arg6[%run_scoped3A_105, %dma_wait3A_142, %dma_wait3A_143] : memref<2x104x64xf32, #tpu.memory_space<vmem>> -> memref<1x104x64xf32, #tpu.memory_space<vmem>>
        %dma_wait3A_145 = tpu.memref_squeeze %dma_wait3A_144 : memref<1x104x64xf32, #tpu.memory_space<vmem>> -> memref<104x64xf32, #tpu.memory_space<vmem>>
        tpu.wait_dma2 semaphore(%run_scoped3A_121 : memref<!tpu.dma_semaphore, #tpu.memory_space<semaphore_mem>>) src(%dma_wait3A_145 : memref<104x64xf32, #tpu.memory_space<vmem>>) dst(%dma_wait3A_141 : memref<104x64xf32, #tpu.memory_space<hbm>>)
        tpu.yield
      }) : () -> ()
      %add3A_106 = arith.constant 2 : i32
      %add3A_107 = arith.addi %add3A_90, %add3A_106 : i32
      %min3A_108 = arith.constant 49 : i32
      %min3A_109 = arith.minsi %add3A_107, %min3A_108 : i32
      %dma_start3A_110 = arith.constant 1 : i32
      %dma_start3A_111 = arith.constant 0 : i32
      %dma_start3A_112 = arith.constant 0 : i32
      %dma_start3A_113 = tpu.memref_slice %arg6[%dma_start3A_110, %dma_start3A_111, %dma_start3A_112] : memref<2x104x64xf32, #tpu.memory_space<vmem>> -> memref<1x104x64xf32, #tpu.memory_space<vmem>>
      %dma_start3A_114 = tpu.memref_squeeze %dma_start3A_113 : memref<1x104x64xf32, #tpu.memory_space<vmem>> -> memref<104x64xf32, #tpu.memory_space<vmem>>
      %dma_start3A_115 = arith.constant 0 : i32
      %dma_start3A_116 = tpu.memref_slice %arg5[%min3A_109, %dma_start3A_115] : memref<50x104xi32, #tpu.memory_space<vmem>> -> memref<1x104xi32, #tpu.memory_space<vmem>>
      %dma_start3A_117 = tpu.memref_squeeze %dma_start3A_116 : memref<1x104xi32, #tpu.memory_space<vmem>> -> memref<104xi32, #tpu.memory_space<vmem>>
      %dma_start3A_118 = arith.constant 0 : i32
      %dma_start3A_119 = arith.constant 0 : i32
      %dma_start3A_120 = tpu.memref_slice %arg2[%dma_start3A_118, %dma_start3A_119] : memref<100000x64xf32, #tpu.memory_space<hbm>> -> memref<100000x64xf32, #tpu.memory_space<hbm>>
      tpu.enqueue_indirect_dma source(%dma_start3A_120 : memref<100000x64xf32, #tpu.memory_space<hbm>>) target(%dma_start3A_114 : memref<104x64xf32, #tpu.memory_space<vmem>>) offsets(%dma_start3A_117 : memref<104xi32, #tpu.memory_space<vmem>>) semaphore(%arg8 : memref<!tpu.dma_semaphore, #tpu.memory_space<semaphore_mem>>)
    }
    %scan3A_30 = arith.constant 25 : i32
    %dma_wait3A = arith.constant 0 : i32
    %dma_wait3A_31 = arith.constant 0 : i32
    %dma_wait3A_32 = arith.constant 0 : i32
    %dma_wait3A_33 = arith.constant 0 : i32
    %dma_wait3A_34 = tpu.memref_slice %arg6[%dma_wait3A_31, %dma_wait3A_32, %dma_wait3A_33] : memref<2x104x64xf32, #tpu.memory_space<vmem>> -> memref<1x104x64xf32, #tpu.memory_space<vmem>>
    %dma_wait3A_35 = tpu.memref_squeeze %dma_wait3A_34 : memref<1x104x64xf32, #tpu.memory_space<vmem>> -> memref<104x64xf32, #tpu.memory_space<vmem>>
    %dma_wait3A_36 = arith.constant 0 : i32
    %dma_wait3A_37 = tpu.memref_slice %arg5[%dma_wait3A, %dma_wait3A_36] : memref<50x104xi32, #tpu.memory_space<vmem>> -> memref<1x104xi32, #tpu.memory_space<vmem>>
    %dma_wait3A_38 = tpu.memref_squeeze %dma_wait3A_37 : memref<1x104xi32, #tpu.memory_space<vmem>> -> memref<104xi32, #tpu.memory_space<vmem>>
    %dma_wait3A_39 = arith.constant 0 : i32
    %dma_wait3A_40 = arith.constant 0 : i32
    %dma_wait3A_41 = tpu.memref_slice %arg2[%dma_wait3A_39, %dma_wait3A_40] : memref<100000x64xf32, #tpu.memory_space<hbm>> -> memref<100000x64xf32, #tpu.memory_space<hbm>>
    tpu.wait_indirect_dma semaphore(%arg7 : memref<!tpu.dma_semaphore, #tpu.memory_space<semaphore_mem>>) src(%dma_wait3A_41 : memref<100000x64xf32, #tpu.memory_space<hbm>>) dst(%dma_wait3A_35 : memref<104x64xf32, #tpu.memory_space<vmem>>)
    %dma_wait3A_42 = arith.constant 1 : i32
    %dma_wait3A_43 = arith.constant 1 : i32
    %dma_wait3A_44 = arith.constant 0 : i32
    %dma_wait3A_45 = arith.constant 0 : i32
    %dma_wait3A_46 = tpu.memref_slice %arg6[%dma_wait3A_43, %dma_wait3A_44, %dma_wait3A_45] : memref<2x104x64xf32, #tpu.memory_space<vmem>> -> memref<1x104x64xf32, #tpu.memory_space<vmem>>
    %dma_wait3A_47 = tpu.memref_squeeze %dma_wait3A_46 : memref<1x104x64xf32, #tpu.memory_space<vmem>> -> memref<104x64xf32, #tpu.memory_space<vmem>>
    %dma_wait3A_48 = arith.constant 0 : i32
    %dma_wait3A_49 = tpu.memref_slice %arg5[%dma_wait3A_42, %dma_wait3A_48] : memref<50x104xi32, #tpu.memory_space<vmem>> -> memref<1x104xi32, #tpu.memory_space<vmem>>
    %dma_wait3A_50 = tpu.memref_squeeze %dma_wait3A_49 : memref<1x104xi32, #tpu.memory_space<vmem>> -> memref<104xi32, #tpu.memory_space<vmem>>
    %dma_wait3A_51 = arith.constant 0 : i32
    %dma_wait3A_52 = arith.constant 0 : i32
    %dma_wait3A_53 = tpu.memref_slice %arg2[%dma_wait3A_51, %dma_wait3A_52] : memref<100000x64xf32, #tpu.memory_space<hbm>> -> memref<100000x64xf32, #tpu.memory_space<hbm>>
    tpu.wait_indirect_dma semaphore(%arg8 : memref<!tpu.dma_semaphore, #tpu.memory_space<semaphore_mem>>) src(%dma_wait3A_53 : memref<100000x64xf32, #tpu.memory_space<hbm>>) dst(%dma_wait3A_47 : memref<104x64xf32, #tpu.memory_space<vmem>>)
    return
  }
}

#map = affine_map<(d0, d1) -> (0, 0)>
#map1 = affine_map<(d0, d1) -> (0, 0, 0)>
module attributes {stable_mosaic.version = 14 : i64} {
  func.func @k(%arg0: i32, %arg1: i32, %arg2: memref<100000x64xf32, #tpu.memory_space<hbm>>, %arg3: memref<32x50x104xi32, #tpu.memory_space<hbm>>, %arg4: memref<166400x64xf32, #tpu.memory_space<hbm>>, %arg5: memref<50x104xi32, #tpu.memory_space<vmem>>, %arg6: memref<2x104x64xf32, #tpu.memory_space<vmem>>, %arg7: memref<!tpu.dma_semaphore, #tpu.memory_space<semaphore_mem>>, %arg8: memref<!tpu.dma_semaphore, #tpu.memory_space<semaphore_mem>>) attributes {dimension_semantics = [#tpu.dimension_semantics<core_parallel>, #tpu.dimension_semantics<subcore_parallel>], iteration_bounds = array<i64: 2, 16>, scalar_prefetch = 0 : i64, scratch_operands = 4 : i64, tpu.core_type = #tpu.core_type<sc_vector_subcore>, window_params = [{transform_indices = #map}, {transform_indices = #map1}, {transform_indices = #map}]} {
    %mul3A = arith.constant 2 : i32
    %mul3A_0 = arith.muli %arg1, %mul3A : i32
    %add3A = arith.addi %mul3A_0, %arg0 : i32
    %mul3A_1 = arith.constant 50 : i32
    %mul3A_2 = arith.muli %add3A, %mul3A_1 : i32
    "tpu.region"() ({
      %run_scoped3A = tpu.sem_alloc : memref<!tpu.dma_semaphore, #tpu.memory_space<semaphore_mem>>
      %dma_start3A_54 = arith.constant 0 : i32
      %dma_start3A_55 = arith.constant 0 : i32
      %dma_start3A_56 = tpu.memref_slice %arg3[%add3A, %dma_start3A_54, %dma_start3A_55] : memref<32x50x104xi32, #tpu.memory_space<hbm>> -> memref<1x50x104xi32, #tpu.memory_space<hbm>>
      %dma_start3A_57 = tpu.memref_squeeze %dma_start3A_56 : memref<1x50x104xi32, #tpu.memory_space<hbm>> -> memref<50x104xi32, #tpu.memory_space<hbm>>
      %dma_start3A_58 = arith.constant 0 : i32
      %dma_start3A_59 = arith.constant 0 : i32
      %dma_start3A_60 = tpu.memref_slice %arg3[%add3A, %dma_start3A_58, %dma_start3A_59] : memref<32x50x104xi32, #tpu.memory_space<hbm>> -> memref<1x50x104xi32, #tpu.memory_space<hbm>>
      %dma_start3A_61 = tpu.memref_squeeze %dma_start3A_60 : memref<1x50x104xi32, #tpu.memory_space<hbm>> -> memref<50x104xi32, #tpu.memory_space<hbm>>
      tpu.enqueue_dma source(%dma_start3A_61 : memref<50x104xi32, #tpu.memory_space<hbm>>) target(%arg5 : memref<50x104xi32, #tpu.memory_space<vmem>>) target_semaphore(%run_scoped3A : memref<!tpu.dma_semaphore, #tpu.memory_space<semaphore_mem>>)
      %dma_wait3A_62 = arith.constant 0 : i32
      %dma_wait3A_63 = arith.constant 0 : i32
      %dma_wait3A_64 = tpu.memref_slice %arg3[%add3A, %dma_wait3A_62, %dma_wait3A_63] : memref<32x50x104xi32, #tpu.memory_space<hbm>> -> memref<1x50x104xi32, #tpu.memory_space<hbm>>
      %dma_wait3A_65 = tpu.memref_squeeze %dma_wait3A_64 : memref<1x50x104xi32, #tpu.memory_space<hbm>> -> memref<50x104xi32, #tpu.memory_space<hbm>>
      %dma_wait3A_66 = arith.constant 0 : i32
      %dma_wait3A_67 = arith.constant 0 : i32
      %dma_wait3A_68 = tpu.memref_slice %arg3[%add3A, %dma_wait3A_66, %dma_wait3A_67] : memref<32x50x104xi32, #tpu.memory_space<hbm>> -> memref<1x50x104xi32, #tpu.memory_space<hbm>>
      %dma_wait3A_69 = tpu.memref_squeeze %dma_wait3A_68 : memref<1x50x104xi32, #tpu.memory_space<hbm>> -> memref<50x104xi32, #tpu.memory_space<hbm>>
      tpu.wait_dma2 semaphore(%run_scoped3A : memref<!tpu.dma_semaphore, #tpu.memory_space<semaphore_mem>>) src(%dma_wait3A_69 : memref<50x104xi32, #tpu.memory_space<hbm>>) dst(%arg5 : memref<50x104xi32, #tpu.memory_space<vmem>>)
      tpu.yield
    }) : () -> ()
    %dma_start3A = arith.constant 0 : i32
    %dma_start3A_3 = arith.constant 0 : i32
    %dma_start3A_4 = arith.constant 0 : i32
    %dma_start3A_5 = arith.constant 0 : i32
    %dma_start3A_6 = tpu.memref_slice %arg6[%dma_start3A_3, %dma_start3A_4, %dma_start3A_5] : memref<2x104x64xf32, #tpu.memory_space<vmem>> -> memref<1x104x64xf32, #tpu.memory_space<vmem>>
    %dma_start3A_7 = tpu.memref_squeeze %dma_start3A_6 : memref<1x104x64xf32, #tpu.memory_space<vmem>> -> memref<104x64xf32, #tpu.memory_space<vmem>>
    %dma_start3A_8 = arith.constant 0 : i32
    %dma_start3A_9 = tpu.memref_slice %arg5[%dma_start3A, %dma_start3A_8] : memref<50x104xi32, #tpu.memory_space<vmem>> -> memref<1x104xi32, #tpu.memory_space<vmem>>
    %dma_start3A_10 = tpu.memref_squeeze %dma_start3A_9 : memref<1x104xi32, #tpu.memory_space<vmem>> -> memref<104xi32, #tpu.memory_space<vmem>>
    %dma_start3A_11 = arith.constant 0 : i32
    %dma_start3A_12 = arith.constant 0 : i32
    %dma_start3A_13 = tpu.memref_slice %arg2[%dma_start3A_11, %dma_start3A_12] : memref<100000x64xf32, #tpu.memory_space<hbm>> -> memref<100000x64xf32, #tpu.memory_space<hbm>>
    tpu.enqueue_indirect_dma source(%dma_start3A_13 : memref<100000x64xf32, #tpu.memory_space<hbm>>) target(%dma_start3A_7 : memref<104x64xf32, #tpu.memory_space<vmem>>) offsets(%dma_start3A_10 : memref<104xi32, #tpu.memory_space<vmem>>) semaphore(%arg7 : memref<!tpu.dma_semaphore, #tpu.memory_space<semaphore_mem>>)
    %dma_start3A_14 = arith.constant 1 : i32
    %dma_start3A_15 = arith.constant 1 : i32
    %dma_start3A_16 = arith.constant 0 : i32
    %dma_start3A_17 = arith.constant 0 : i32
    %dma_start3A_18 = tpu.memref_slice %arg6[%dma_start3A_15, %dma_start3A_16, %dma_start3A_17] : memref<2x104x64xf32, #tpu.memory_space<vmem>> -> memref<1x104x64xf32, #tpu.memory_space<vmem>>
    %dma_start3A_19 = tpu.memref_squeeze %dma_start3A_18 : memref<1x104x64xf32, #tpu.memory_space<vmem>> -> memref<104x64xf32, #tpu.memory_space<vmem>>
    %dma_start3A_20 = arith.constant 0 : i32
    %dma_start3A_21 = tpu.memref_slice %arg5[%dma_start3A_14, %dma_start3A_20] : memref<50x104xi32, #tpu.memory_space<vmem>> -> memref<1x104xi32, #tpu.memory_space<vmem>>
    %dma_start3A_22 = tpu.memref_squeeze %dma_start3A_21 : memref<1x104xi32, #tpu.memory_space<vmem>> -> memref<104xi32, #tpu.memory_space<vmem>>
    %dma_start3A_23 = arith.constant 0 : i32
    %dma_start3A_24 = arith.constant 0 : i32
    %dma_start3A_25 = tpu.memref_slice %arg2[%dma_start3A_23, %dma_start3A_24] : memref<100000x64xf32, #tpu.memory_space<hbm>> -> memref<100000x64xf32, #tpu.memory_space<hbm>>
    tpu.enqueue_indirect_dma source(%dma_start3A_25 : memref<100000x64xf32, #tpu.memory_space<hbm>>) target(%dma_start3A_19 : memref<104x64xf32, #tpu.memory_space<vmem>>) offsets(%dma_start3A_22 : memref<104xi32, #tpu.memory_space<vmem>>) semaphore(%arg8 : memref<!tpu.dma_semaphore, #tpu.memory_space<semaphore_mem>>)
    %scan3A = arith.constant 0 : i32
    %scan3A_26 = arith.constant 0 : i32
    %scan3A_27 = arith.constant 25 : i32
    %scan3A_28 = arith.addi %scan3A_26, %scan3A_27 : i32
    %scan3A_29 = arith.constant 1 : i32
    scf.for %scan3A_54 = %scan3A_26 to %scan3A_28 step %scan3A_29  : i32 {
      %mul3A_55 = arith.constant 2 : i32
      %mul3A_56 = arith.muli %mul3A_55, %scan3A_54 : i32
      %add3A_57 = arith.constant 0 : i32
      %add3A_58 = arith.addi %mul3A_56, %add3A_57 : i32
      %dma_wait3A_59 = arith.constant 0 : i32
      %dma_wait3A_60 = arith.constant 0 : i32
      %dma_wait3A_61 = arith.constant 0 : i32
      %dma_wait3A_62 = tpu.memref_slice %arg6[%dma_wait3A_59, %dma_wait3A_60, %dma_wait3A_61] : memref<2x104x64xf32, #tpu.memory_space<vmem>> -> memref<1x104x64xf32, #tpu.memory_space<vmem>>
      %dma_wait3A_63 = tpu.memref_squeeze %dma_wait3A_62 : memref<1x104x64xf32, #tpu.memory_space<vmem>> -> memref<104x64xf32, #tpu.memory_space<vmem>>
      %dma_wait3A_64 = arith.constant 0 : i32
      %dma_wait3A_65 = tpu.memref_slice %arg5[%add3A_58, %dma_wait3A_64] : memref<50x104xi32, #tpu.memory_space<vmem>> -> memref<1x104xi32, #tpu.memory_space<vmem>>
      %dma_wait3A_66 = tpu.memref_squeeze %dma_wait3A_65 : memref<1x104xi32, #tpu.memory_space<vmem>> -> memref<104xi32, #tpu.memory_space<vmem>>
      %dma_wait3A_67 = arith.constant 0 : i32
      %dma_wait3A_68 = arith.constant 0 : i32
      %dma_wait3A_69 = tpu.memref_slice %arg2[%dma_wait3A_67, %dma_wait3A_68] : memref<100000x64xf32, #tpu.memory_space<hbm>> -> memref<100000x64xf32, #tpu.memory_space<hbm>>
      tpu.wait_indirect_dma semaphore(%arg7 : memref<!tpu.dma_semaphore, #tpu.memory_space<semaphore_mem>>) src(%dma_wait3A_69 : memref<100000x64xf32, #tpu.memory_space<hbm>>) dst(%dma_wait3A_63 : memref<104x64xf32, #tpu.memory_space<vmem>>)
      %add3A_70 = arith.addi %mul3A_2, %add3A_58 : i32
      %mul3A_71 = arith.constant 104 : i32
      %mul3A_72 = arith.muli %add3A_70, %mul3A_71 : i32
      %run_scoped3A = arith.constant 0 : i32
      "tpu.region"() ({
        %run_scoped3A_121 = tpu.sem_alloc : memref<!tpu.dma_semaphore, #tpu.memory_space<semaphore_mem>>
        %dma_start3A_122 = arith.constant 0 : i32
        %dma_start3A_123 = arith.constant 0 : i32
        %dma_start3A_124 = tpu.memref_slice %arg6[%run_scoped3A, %dma_start3A_122, %dma_start3A_123] : memref<2x104x64xf32, #tpu.memory_space<vmem>> -> memref<1x104x64xf32, #tpu.memory_space<vmem>>
        %dma_start3A_125 = tpu.memref_squeeze %dma_start3A_124 : memref<1x104x64xf32, #tpu.memory_space<vmem>> -> memref<104x64xf32, #tpu.memory_space<vmem>>
        %dma_start3A_126 = arith.constant 0 : i32
        %dma_start3A_127 = tpu.memref_slice %arg4[%mul3A_72, %dma_start3A_126] : memref<166400x64xf32, #tpu.memory_space<hbm>> -> memref<104x64xf32, #tpu.memory_space<hbm>>
        %dma_start3A_128 = arith.constant 0 : i32
        %dma_start3A_129 = tpu.memref_slice %arg4[%mul3A_72, %dma_start3A_128] : memref<166400x64xf32, #tpu.memory_space<hbm>> -> memref<104x64xf32, #tpu.memory_space<hbm>>
        %dma_start3A_130 = arith.constant 0 : i32
        %dma_start3A_131 = arith.constant 0 : i32
        %dma_start3A_132 = tpu.memref_slice %arg6[%run_scoped3A, %dma_start3A_130, %dma_start3A_131] : memref<2x104x64xf32, #tpu.memory_space<vmem>> -> memref<1x104x64xf32, #tpu.memory_space<vmem>>
        %dma_start3A_133 = tpu.memref_squeeze %dma_start3A_132 : memref<1x104x64xf32, #tpu.memory_space<vmem>> -> memref<104x64xf32, #tpu.memory_space<vmem>>
        tpu.enqueue_dma source(%dma_start3A_133 : memref<104x64xf32, #tpu.memory_space<vmem>>) target(%dma_start3A_129 : memref<104x64xf32, #tpu.memory_space<hbm>>) target_semaphore(%run_scoped3A_121 : memref<!tpu.dma_semaphore, #tpu.memory_space<semaphore_mem>>)
        %dma_wait3A_134 = arith.constant 0 : i32
        %dma_wait3A_135 = arith.constant 0 : i32
        %dma_wait3A_136 = tpu.memref_slice %arg6[%run_scoped3A, %dma_wait3A_134, %dma_wait3A_135] : memref<2x104x64xf32, #tpu.memory_space<vmem>> -> memref<1x104x64xf32, #tpu.memory_space<vmem>>
        %dma_wait3A_137 = tpu.memref_squeeze %dma_wait3A_136 : memref<1x104x64xf32, #tpu.memory_space<vmem>> -> memref<104x64xf32, #tpu.memory_space<vmem>>
        %dma_wait3A_138 = arith.constant 0 : i32
        %dma_wait3A_139 = tpu.memref_slice %arg4[%mul3A_72, %dma_wait3A_138] : memref<166400x64xf32, #tpu.memory_space<hbm>> -> memref<104x64xf32, #tpu.memory_space<hbm>>
        %dma_wait3A_140 = arith.constant 0 : i32
        %dma_wait3A_141 = tpu.memref_slice %arg4[%mul3A_72, %dma_wait3A_140] : memref<166400x64xf32, #tpu.memory_space<hbm>> -> memref<104x64xf32, #tpu.memory_space<hbm>>
        %dma_wait3A_142 = arith.constant 0 : i32
        %dma_wait3A_143 = arith.constant 0 : i32
        %dma_wait3A_144 = tpu.memref_slice %arg6[%run_scoped3A, %dma_wait3A_142, %dma_wait3A_143] : memref<2x104x64xf32, #tpu.memory_space<vmem>> -> memref<1x104x64xf32, #tpu.memory_space<vmem>>
        %dma_wait3A_145 = tpu.memref_squeeze %dma_wait3A_144 : memref<1x104x64xf32, #tpu.memory_space<vmem>> -> memref<104x64xf32, #tpu.memory_space<vmem>>
        tpu.wait_dma2 semaphore(%run_scoped3A_121 : memref<!tpu.dma_semaphore, #tpu.memory_space<semaphore_mem>>) src(%dma_wait3A_145 : memref<104x64xf32, #tpu.memory_space<vmem>>) dst(%dma_wait3A_141 : memref<104x64xf32, #tpu.memory_space<hbm>>)
        tpu.yield
      }) : () -> ()
      %add3A_73 = arith.constant 2 : i32
      %add3A_74 = arith.addi %add3A_58, %add3A_73 : i32
      %min3A = arith.constant 49 : i32
      %min3A_75 = arith.minsi %add3A_74, %min3A : i32
      %dma_start3A_76 = arith.constant 0 : i32
      %dma_start3A_77 = arith.constant 0 : i32
      %dma_start3A_78 = arith.constant 0 : i32
      %dma_start3A_79 = tpu.memref_slice %arg6[%dma_start3A_76, %dma_start3A_77, %dma_start3A_78] : memref<2x104x64xf32, #tpu.memory_space<vmem>> -> memref<1x104x64xf32, #tpu.memory_space<vmem>>
      %dma_start3A_80 = tpu.memref_squeeze %dma_start3A_79 : memref<1x104x64xf32, #tpu.memory_space<vmem>> -> memref<104x64xf32, #tpu.memory_space<vmem>>
      %dma_start3A_81 = arith.constant 0 : i32
      %dma_start3A_82 = tpu.memref_slice %arg5[%min3A_75, %dma_start3A_81] : memref<50x104xi32, #tpu.memory_space<vmem>> -> memref<1x104xi32, #tpu.memory_space<vmem>>
      %dma_start3A_83 = tpu.memref_squeeze %dma_start3A_82 : memref<1x104xi32, #tpu.memory_space<vmem>> -> memref<104xi32, #tpu.memory_space<vmem>>
      %dma_start3A_84 = arith.constant 0 : i32
      %dma_start3A_85 = arith.constant 0 : i32
      %dma_start3A_86 = tpu.memref_slice %arg2[%dma_start3A_84, %dma_start3A_85] : memref<100000x64xf32, #tpu.memory_space<hbm>> -> memref<100000x64xf32, #tpu.memory_space<hbm>>
      tpu.enqueue_indirect_dma source(%dma_start3A_86 : memref<100000x64xf32, #tpu.memory_space<hbm>>) target(%dma_start3A_80 : memref<104x64xf32, #tpu.memory_space<vmem>>) offsets(%dma_start3A_83 : memref<104xi32, #tpu.memory_space<vmem>>) semaphore(%arg7 : memref<!tpu.dma_semaphore, #tpu.memory_space<semaphore_mem>>)
      %mul3A_87 = arith.constant 2 : i32
      %mul3A_88 = arith.muli %mul3A_87, %scan3A_54 : i32
      %add3A_89 = arith.constant 1 : i32
      %add3A_90 = arith.addi %mul3A_88, %add3A_89 : i32
      %dma_wait3A_91 = arith.constant 1 : i32
      %dma_wait3A_92 = arith.constant 0 : i32
      %dma_wait3A_93 = arith.constant 0 : i32
      %dma_wait3A_94 = tpu.memref_slice %arg6[%dma_wait3A_91, %dma_wait3A_92, %dma_wait3A_93] : memref<2x104x64xf32, #tpu.memory_space<vmem>> -> memref<1x104x64xf32, #tpu.memory_space<vmem>>
      %dma_wait3A_95 = tpu.memref_squeeze %dma_wait3A_94 : memref<1x104x64xf32, #tpu.memory_space<vmem>> -> memref<104x64xf32, #tpu.memory_space<vmem>>
      %dma_wait3A_96 = arith.constant 0 : i32
      %dma_wait3A_97 = tpu.memref_slice %arg5[%add3A_90, %dma_wait3A_96] : memref<50x104xi32, #tpu.memory_space<vmem>> -> memref<1x104xi32, #tpu.memory_space<vmem>>
      %dma_wait3A_98 = tpu.memref_squeeze %dma_wait3A_97 : memref<1x104xi32, #tpu.memory_space<vmem>> -> memref<104xi32, #tpu.memory_space<vmem>>
      %dma_wait3A_99 = arith.constant 0 : i32
      %dma_wait3A_100 = arith.constant 0 : i32
      %dma_wait3A_101 = tpu.memref_slice %arg2[%dma_wait3A_99, %dma_wait3A_100] : memref<100000x64xf32, #tpu.memory_space<hbm>> -> memref<100000x64xf32, #tpu.memory_space<hbm>>
      tpu.wait_indirect_dma semaphore(%arg8 : memref<!tpu.dma_semaphore, #tpu.memory_space<semaphore_mem>>) src(%dma_wait3A_101 : memref<100000x64xf32, #tpu.memory_space<hbm>>) dst(%dma_wait3A_95 : memref<104x64xf32, #tpu.memory_space<vmem>>)
      %add3A_102 = arith.addi %mul3A_2, %add3A_90 : i32
      %mul3A_103 = arith.constant 104 : i32
      %mul3A_104 = arith.muli %add3A_102, %mul3A_103 : i32
      %run_scoped3A_105 = arith.constant 1 : i32
      "tpu.region"() ({
        %run_scoped3A_121 = tpu.sem_alloc : memref<!tpu.dma_semaphore, #tpu.memory_space<semaphore_mem>>
        %dma_start3A_122 = arith.constant 0 : i32
        %dma_start3A_123 = arith.constant 0 : i32
        %dma_start3A_124 = tpu.memref_slice %arg6[%run_scoped3A_105, %dma_start3A_122, %dma_start3A_123] : memref<2x104x64xf32, #tpu.memory_space<vmem>> -> memref<1x104x64xf32, #tpu.memory_space<vmem>>
        %dma_start3A_125 = tpu.memref_squeeze %dma_start3A_124 : memref<1x104x64xf32, #tpu.memory_space<vmem>> -> memref<104x64xf32, #tpu.memory_space<vmem>>
        %dma_start3A_126 = arith.constant 0 : i32
        %dma_start3A_127 = tpu.memref_slice %arg4[%mul3A_104, %dma_start3A_126] : memref<166400x64xf32, #tpu.memory_space<hbm>> -> memref<104x64xf32, #tpu.memory_space<hbm>>
        %dma_start3A_128 = arith.constant 0 : i32
        %dma_start3A_129 = tpu.memref_slice %arg4[%mul3A_104, %dma_start3A_128] : memref<166400x64xf32, #tpu.memory_space<hbm>> -> memref<104x64xf32, #tpu.memory_space<hbm>>
        %dma_start3A_130 = arith.constant 0 : i32
        %dma_start3A_131 = arith.constant 0 : i32
        %dma_start3A_132 = tpu.memref_slice %arg6[%run_scoped3A_105, %dma_start3A_130, %dma_start3A_131] : memref<2x104x64xf32, #tpu.memory_space<vmem>> -> memref<1x104x64xf32, #tpu.memory_space<vmem>>
        %dma_start3A_133 = tpu.memref_squeeze %dma_start3A_132 : memref<1x104x64xf32, #tpu.memory_space<vmem>> -> memref<104x64xf32, #tpu.memory_space<vmem>>
        tpu.enqueue_dma source(%dma_start3A_133 : memref<104x64xf32, #tpu.memory_space<vmem>>) target(%dma_start3A_129 : memref<104x64xf32, #tpu.memory_space<hbm>>) target_semaphore(%run_scoped3A_121 : memref<!tpu.dma_semaphore, #tpu.memory_space<semaphore_mem>>)
        %dma_wait3A_134 = arith.constant 0 : i32
        %dma_wait3A_135 = arith.constant 0 : i32
        %dma_wait3A_136 = tpu.memref_slice %arg6[%run_scoped3A_105, %dma_wait3A_134, %dma_wait3A_135] : memref<2x104x64xf32, #tpu.memory_space<vmem>> -> memref<1x104x64xf32, #tpu.memory_space<vmem>>
        %dma_wait3A_137 = tpu.memref_squeeze %dma_wait3A_136 : memref<1x104x64xf32, #tpu.memory_space<vmem>> -> memref<104x64xf32, #tpu.memory_space<vmem>>
        %dma_wait3A_138 = arith.constant 0 : i32
        %dma_wait3A_139 = tpu.memref_slice %arg4[%mul3A_104, %dma_wait3A_138] : memref<166400x64xf32, #tpu.memory_space<hbm>> -> memref<104x64xf32, #tpu.memory_space<hbm>>
        %dma_wait3A_140 = arith.constant 0 : i32
        %dma_wait3A_141 = tpu.memref_slice %arg4[%mul3A_104, %dma_wait3A_140] : memref<166400x64xf32, #tpu.memory_space<hbm>> -> memref<104x64xf32, #tpu.memory_space<hbm>>
        %dma_wait3A_142 = arith.constant 0 : i32
        %dma_wait3A_143 = arith.constant 0 : i32
        %dma_wait3A_144 = tpu.memref_slice %arg6[%run_scoped3A_105, %dma_wait3A_142, %dma_wait3A_143] : memref<2x104x64xf32, #tpu.memory_space<vmem>> -> memref<1x104x64xf32, #tpu.memory_space<vmem>>
        %dma_wait3A_145 = tpu.memref_squeeze %dma_wait3A_144 : memref<1x104x64xf32, #tpu.memory_space<vmem>> -> memref<104x64xf32, #tpu.memory_space<vmem>>
        tpu.wait_dma2 semaphore(%run_scoped3A_121 : memref<!tpu.dma_semaphore, #tpu.memory_space<semaphore_mem>>) src(%dma_wait3A_145 : memref<104x64xf32, #tpu.memory_space<vmem>>) dst(%dma_wait3A_141 : memref<104x64xf32, #tpu.memory_space<hbm>>)
        tpu.yield
      }) : () -> ()
      %add3A_106 = arith.constant 2 : i32
      %add3A_107 = arith.addi %add3A_90, %add3A_106 : i32
      %min3A_108 = arith.constant 49 : i32
      %min3A_109 = arith.minsi %add3A_107, %min3A_108 : i32
      %dma_start3A_110 = arith.constant 1 : i32
      %dma_start3A_111 = arith.constant 0 : i32
      %dma_start3A_112 = arith.constant 0 : i32
      %dma_start3A_113 = tpu.memref_slice %arg6[%dma_start3A_110, %dma_start3A_111, %dma_start3A_112] : memref<2x104x64xf32, #tpu.memory_space<vmem>> -> memref<1x104x64xf32, #tpu.memory_space<vmem>>
      %dma_start3A_114 = tpu.memref_squeeze %dma_start3A_113 : memref<1x104x64xf32, #tpu.memory_space<vmem>> -> memref<104x64xf32, #tpu.memory_space<vmem>>
      %dma_start3A_115 = arith.constant 0 : i32
      %dma_start3A_116 = tpu.memref_slice %arg5[%min3A_109, %dma_start3A_115] : memref<50x104xi32, #tpu.memory_space<vmem>> -> memref<1x104xi32, #tpu.memory_space<vmem>>
      %dma_start3A_117 = tpu.memref_squeeze %dma_start3A_116 : memref<1x104xi32, #tpu.memory_space<vmem>> -> memref<104xi32, #tpu.memory_space<vmem>>
      %dma_start3A_118 = arith.constant 0 : i32
      %dma_start3A_119 = arith.constant 0 : i32
      %dma_start3A_120 = tpu.memref_slice %arg2[%dma_start3A_118, %dma_start3A_119] : memref<100000x64xf32, #tpu.memory_space<hbm>> -> memref<100000x64xf32, #tpu.memory_space<hbm>>
      tpu.enqueue_indirect_dma source(%dma_start3A_120 : memref<100000x64xf32, #tpu.memory_space<hbm>>) target(%dma_start3A_114 : memref<104x64xf32, #tpu.memory_space<vmem>>) offsets(%dma_start3A_117 : memref<104xi32, #tpu.memory_space<vmem>>) semaphore(%arg8 : memref<!tpu.dma_semaphore, #tpu.memory_space<semaphore_mem>>)
    }
    %scan3A_30 = arith.constant 25 : i32
    %dma_wait3A = arith.constant 0 : i32
    %dma_wait3A_31 = arith.constant 0 : i32
    %dma_wait3A_32 = arith.constant 0 : i32
    %dma_wait3A_33 = arith.constant 0 : i32
    %dma_wait3A_34 = tpu.memref_slice %arg6[%dma_wait3A_31, %dma_wait3A_32, %dma_wait3A_33] : memref<2x104x64xf32, #tpu.memory_space<vmem>> -> memref<1x104x64xf32, #tpu.memory_space<vmem>>
    %dma_wait3A_35 = tpu.memref_squeeze %dma_wait3A_34 : memref<1x104x64xf32, #tpu.memory_space<vmem>> -> memref<104x64xf32, #tpu.memory_space<vmem>>
    %dma_wait3A_36 = arith.constant 0 : i32
    %dma_wait3A_37 = tpu.memref_slice %arg5[%dma_wait3A, %dma_wait3A_36] : memref<50x104xi32, #tpu.memory_space<vmem>> -> memref<1x104xi32, #tpu.memory_space<vmem>>
    %dma_wait3A_38 = tpu.memref_squeeze %dma_wait3A_37 : memref<1x104xi32, #tpu.memory_space<vmem>> -> memref<104xi32, #tpu.memory_space<vmem>>
    %dma_wait3A_39 = arith.constant 0 : i32
    %dma_wait3A_40 = arith.constant 0 : i32
    %dma_wait3A_41 = tpu.memref_slice %arg2[%dma_wait3A_39, %dma_wait3A_40] : memref<100000x64xf32, #tpu.memory_space<hbm>> -> memref<100000x64xf32, #tpu.memory_space<hbm>>
    tpu.wait_indirect_dma semaphore(%arg7 : memref<!tpu.dma_semaphore, #tpu.memory_space<semaphore_mem>>) src(%dma_wait3A_41 : memref<100000x64xf32, #tpu.memory_space<hbm>>) dst(%dma_wait3A_35 : memref<104x64xf32, #tpu.memory_space<vmem>>)
    %dma_wait3A_42 = arith.constant 1 : i32
    %dma_wait3A_43 = arith.constant 1 : i32
    %dma_wait3A_44 = arith.constant 0 : i32
    %dma_wait3A_45 = arith.constant 0 : i32
    %dma_wait3A_46 = tpu.memref_slice %arg6[%dma_wait3A_43, %dma_wait3A_44, %dma_wait3A_45] : memref<2x104x64xf32, #tpu.memory_space<vmem>> -> memref<1x104x64xf32, #tpu.memory_space<vmem>>
    %dma_wait3A_47 = tpu.memref_squeeze %dma_wait3A_46 : memref<1x104x64xf32, #tpu.memory_space<vmem>> -> memref<104x64xf32, #tpu.memory_space<vmem>>
    %dma_wait3A_48 = arith.constant 0 : i32
    %dma_wait3A_49 = tpu.memref_slice %arg5[%dma_wait3A_42, %dma_wait3A_48] : memref<50x104xi32, #tpu.memory_space<vmem>> -> memref<1x104xi32, #tpu.memory_space<vmem>>
    %dma_wait3A_50 = tpu.memref_squeeze %dma_wait3A_49 : memref<1x104xi32, #tpu.memory_space<vmem>> -> memref<104xi32, #tpu.memory_space<vmem>>
    %dma_wait3A_51 = arith.constant 0 : i32
    %dma_wait3A_52 = arith.constant 0 : i32
    %dma_wait3A_53 = tpu.memref_slice %arg2[%dma_wait3A_51, %dma_wait3A_52] : memref<100000x64xf32, #tpu.memory_space<hbm>> -> memref<100000x64xf32, #tpu.memory_space<hbm>>
    tpu.wait_indirect_dma semaphore(%arg8 : memref<!tpu.dma_semaphore, #tpu.memory_space<semaphore_mem>>) src(%dma_wait3A_53 : memref<100000x64xf32, #tpu.memory_space<hbm>>) dst(%dma_wait3A_47 : memref<104x64xf32, #tpu.memory_space<vmem>>)
    return
  }
}

#map = affine_map<(d0, d1) -> (0, 0)>
#map1 = affine_map<(d0, d1) -> (0, 0, 0)>
module attributes {stable_mosaic.version = 14 : i64} {
  func.func @k(%arg0: i32, %arg1: i32, %arg2: memref<100000x64xf32, #tpu.memory_space<hbm>>, %arg3: memref<32x50x104xi32, #tpu.memory_space<hbm>>, %arg4: memref<166400x64xf32, #tpu.memory_space<hbm>>, %arg5: memref<50x104xi32, #tpu.memory_space<vmem>>, %arg6: memref<2x104x64xf32, #tpu.memory_space<vmem>>, %arg7: memref<!tpu.dma_semaphore, #tpu.memory_space<semaphore_mem>>, %arg8: memref<!tpu.dma_semaphore, #tpu.memory_space<semaphore_mem>>) attributes {dimension_semantics = [#tpu.dimension_semantics<core_parallel>, #tpu.dimension_semantics<subcore_parallel>], iteration_bounds = array<i64: 2, 16>, scalar_prefetch = 0 : i64, scratch_operands = 4 : i64, tpu.core_type = #tpu.core_type<sc_vector_subcore>, window_params = [{transform_indices = #map}, {transform_indices = #map1}, {transform_indices = #map}]} {
    %mul3A = arith.constant 2 : i32
    %mul3A_0 = arith.muli %arg1, %mul3A : i32
    %add3A = arith.addi %mul3A_0, %arg0 : i32
    %mul3A_1 = arith.constant 50 : i32
    %mul3A_2 = arith.muli %add3A, %mul3A_1 : i32
    "tpu.region"() ({
      %run_scoped3A = tpu.sem_alloc : memref<!tpu.dma_semaphore, #tpu.memory_space<semaphore_mem>>
      %dma_start3A_54 = arith.constant 0 : i32
      %dma_start3A_55 = arith.constant 0 : i32
      %dma_start3A_56 = tpu.memref_slice %arg3[%add3A, %dma_start3A_54, %dma_start3A_55] : memref<32x50x104xi32, #tpu.memory_space<hbm>> -> memref<1x50x104xi32, #tpu.memory_space<hbm>>
      %dma_start3A_57 = tpu.memref_squeeze %dma_start3A_56 : memref<1x50x104xi32, #tpu.memory_space<hbm>> -> memref<50x104xi32, #tpu.memory_space<hbm>>
      %dma_start3A_58 = arith.constant 0 : i32
      %dma_start3A_59 = arith.constant 0 : i32
      %dma_start3A_60 = tpu.memref_slice %arg3[%add3A, %dma_start3A_58, %dma_start3A_59] : memref<32x50x104xi32, #tpu.memory_space<hbm>> -> memref<1x50x104xi32, #tpu.memory_space<hbm>>
      %dma_start3A_61 = tpu.memref_squeeze %dma_start3A_60 : memref<1x50x104xi32, #tpu.memory_space<hbm>> -> memref<50x104xi32, #tpu.memory_space<hbm>>
      tpu.enqueue_dma source(%dma_start3A_61 : memref<50x104xi32, #tpu.memory_space<hbm>>) target(%arg5 : memref<50x104xi32, #tpu.memory_space<vmem>>) target_semaphore(%run_scoped3A : memref<!tpu.dma_semaphore, #tpu.memory_space<semaphore_mem>>)
      %dma_wait3A_62 = arith.constant 0 : i32
      %dma_wait3A_63 = arith.constant 0 : i32
      %dma_wait3A_64 = tpu.memref_slice %arg3[%add3A, %dma_wait3A_62, %dma_wait3A_63] : memref<32x50x104xi32, #tpu.memory_space<hbm>> -> memref<1x50x104xi32, #tpu.memory_space<hbm>>
      %dma_wait3A_65 = tpu.memref_squeeze %dma_wait3A_64 : memref<1x50x104xi32, #tpu.memory_space<hbm>> -> memref<50x104xi32, #tpu.memory_space<hbm>>
      %dma_wait3A_66 = arith.constant 0 : i32
      %dma_wait3A_67 = arith.constant 0 : i32
      %dma_wait3A_68 = tpu.memref_slice %arg3[%add3A, %dma_wait3A_66, %dma_wait3A_67] : memref<32x50x104xi32, #tpu.memory_space<hbm>> -> memref<1x50x104xi32, #tpu.memory_space<hbm>>
      %dma_wait3A_69 = tpu.memref_squeeze %dma_wait3A_68 : memref<1x50x104xi32, #tpu.memory_space<hbm>> -> memref<50x104xi32, #tpu.memory_space<hbm>>
      tpu.wait_dma2 semaphore(%run_scoped3A : memref<!tpu.dma_semaphore, #tpu.memory_space<semaphore_mem>>) src(%dma_wait3A_69 : memref<50x104xi32, #tpu.memory_space<hbm>>) dst(%arg5 : memref<50x104xi32, #tpu.memory_space<vmem>>)
      tpu.yield
    }) : () -> ()
    %dma_start3A = arith.constant 0 : i32
    %dma_start3A_3 = arith.constant 0 : i32
    %dma_start3A_4 = arith.constant 0 : i32
    %dma_start3A_5 = arith.constant 0 : i32
    %dma_start3A_6 = tpu.memref_slice %arg6[%dma_start3A_3, %dma_start3A_4, %dma_start3A_5] : memref<2x104x64xf32, #tpu.memory_space<vmem>> -> memref<1x104x64xf32, #tpu.memory_space<vmem>>
    %dma_start3A_7 = tpu.memref_squeeze %dma_start3A_6 : memref<1x104x64xf32, #tpu.memory_space<vmem>> -> memref<104x64xf32, #tpu.memory_space<vmem>>
    %dma_start3A_8 = arith.constant 0 : i32
    %dma_start3A_9 = tpu.memref_slice %arg5[%dma_start3A, %dma_start3A_8] : memref<50x104xi32, #tpu.memory_space<vmem>> -> memref<1x104xi32, #tpu.memory_space<vmem>>
    %dma_start3A_10 = tpu.memref_squeeze %dma_start3A_9 : memref<1x104xi32, #tpu.memory_space<vmem>> -> memref<104xi32, #tpu.memory_space<vmem>>
    %dma_start3A_11 = arith.constant 0 : i32
    %dma_start3A_12 = arith.constant 0 : i32
    %dma_start3A_13 = tpu.memref_slice %arg2[%dma_start3A_11, %dma_start3A_12] : memref<100000x64xf32, #tpu.memory_space<hbm>> -> memref<100000x64xf32, #tpu.memory_space<hbm>>
    tpu.enqueue_indirect_dma source(%dma_start3A_13 : memref<100000x64xf32, #tpu.memory_space<hbm>>) target(%dma_start3A_7 : memref<104x64xf32, #tpu.memory_space<vmem>>) offsets(%dma_start3A_10 : memref<104xi32, #tpu.memory_space<vmem>>) semaphore(%arg7 : memref<!tpu.dma_semaphore, #tpu.memory_space<semaphore_mem>>)
    %dma_start3A_14 = arith.constant 1 : i32
    %dma_start3A_15 = arith.constant 1 : i32
    %dma_start3A_16 = arith.constant 0 : i32
    %dma_start3A_17 = arith.constant 0 : i32
    %dma_start3A_18 = tpu.memref_slice %arg6[%dma_start3A_15, %dma_start3A_16, %dma_start3A_17] : memref<2x104x64xf32, #tpu.memory_space<vmem>> -> memref<1x104x64xf32, #tpu.memory_space<vmem>>
    %dma_start3A_19 = tpu.memref_squeeze %dma_start3A_18 : memref<1x104x64xf32, #tpu.memory_space<vmem>> -> memref<104x64xf32, #tpu.memory_space<vmem>>
    %dma_start3A_20 = arith.constant 0 : i32
    %dma_start3A_21 = tpu.memref_slice %arg5[%dma_start3A_14, %dma_start3A_20] : memref<50x104xi32, #tpu.memory_space<vmem>> -> memref<1x104xi32, #tpu.memory_space<vmem>>
    %dma_start3A_22 = tpu.memref_squeeze %dma_start3A_21 : memref<1x104xi32, #tpu.memory_space<vmem>> -> memref<104xi32, #tpu.memory_space<vmem>>
    %dma_start3A_23 = arith.constant 0 : i32
    %dma_start3A_24 = arith.constant 0 : i32
    %dma_start3A_25 = tpu.memref_slice %arg2[%dma_start3A_23, %dma_start3A_24] : memref<100000x64xf32, #tpu.memory_space<hbm>> -> memref<100000x64xf32, #tpu.memory_space<hbm>>
    tpu.enqueue_indirect_dma source(%dma_start3A_25 : memref<100000x64xf32, #tpu.memory_space<hbm>>) target(%dma_start3A_19 : memref<104x64xf32, #tpu.memory_space<vmem>>) offsets(%dma_start3A_22 : memref<104xi32, #tpu.memory_space<vmem>>) semaphore(%arg8 : memref<!tpu.dma_semaphore, #tpu.memory_space<semaphore_mem>>)
    %scan3A = arith.constant 0 : i32
    %scan3A_26 = arith.constant 0 : i32
    %scan3A_27 = arith.constant 25 : i32
    %scan3A_28 = arith.addi %scan3A_26, %scan3A_27 : i32
    %scan3A_29 = arith.constant 1 : i32
    scf.for %scan3A_54 = %scan3A_26 to %scan3A_28 step %scan3A_29  : i32 {
      %mul3A_55 = arith.constant 2 : i32
      %mul3A_56 = arith.muli %mul3A_55, %scan3A_54 : i32
      %add3A_57 = arith.constant 0 : i32
      %add3A_58 = arith.addi %mul3A_56, %add3A_57 : i32
      %dma_wait3A_59 = arith.constant 0 : i32
      %dma_wait3A_60 = arith.constant 0 : i32
      %dma_wait3A_61 = arith.constant 0 : i32
      %dma_wait3A_62 = tpu.memref_slice %arg6[%dma_wait3A_59, %dma_wait3A_60, %dma_wait3A_61] : memref<2x104x64xf32, #tpu.memory_space<vmem>> -> memref<1x104x64xf32, #tpu.memory_space<vmem>>
      %dma_wait3A_63 = tpu.memref_squeeze %dma_wait3A_62 : memref<1x104x64xf32, #tpu.memory_space<vmem>> -> memref<104x64xf32, #tpu.memory_space<vmem>>
      %dma_wait3A_64 = arith.constant 0 : i32
      %dma_wait3A_65 = tpu.memref_slice %arg5[%add3A_58, %dma_wait3A_64] : memref<50x104xi32, #tpu.memory_space<vmem>> -> memref<1x104xi32, #tpu.memory_space<vmem>>
      %dma_wait3A_66 = tpu.memref_squeeze %dma_wait3A_65 : memref<1x104xi32, #tpu.memory_space<vmem>> -> memref<104xi32, #tpu.memory_space<vmem>>
      %dma_wait3A_67 = arith.constant 0 : i32
      %dma_wait3A_68 = arith.constant 0 : i32
      %dma_wait3A_69 = tpu.memref_slice %arg2[%dma_wait3A_67, %dma_wait3A_68] : memref<100000x64xf32, #tpu.memory_space<hbm>> -> memref<100000x64xf32, #tpu.memory_space<hbm>>
      tpu.wait_indirect_dma semaphore(%arg7 : memref<!tpu.dma_semaphore, #tpu.memory_space<semaphore_mem>>) src(%dma_wait3A_69 : memref<100000x64xf32, #tpu.memory_space<hbm>>) dst(%dma_wait3A_63 : memref<104x64xf32, #tpu.memory_space<vmem>>)
      %add3A_70 = arith.addi %mul3A_2, %add3A_58 : i32
      %mul3A_71 = arith.constant 104 : i32
      %mul3A_72 = arith.muli %add3A_70, %mul3A_71 : i32
      %run_scoped3A = arith.constant 0 : i32
      "tpu.region"() ({
        %run_scoped3A_121 = tpu.sem_alloc : memref<!tpu.dma_semaphore, #tpu.memory_space<semaphore_mem>>
        %dma_start3A_122 = arith.constant 0 : i32
        %dma_start3A_123 = arith.constant 0 : i32
        %dma_start3A_124 = tpu.memref_slice %arg6[%run_scoped3A, %dma_start3A_122, %dma_start3A_123] : memref<2x104x64xf32, #tpu.memory_space<vmem>> -> memref<1x104x64xf32, #tpu.memory_space<vmem>>
        %dma_start3A_125 = tpu.memref_squeeze %dma_start3A_124 : memref<1x104x64xf32, #tpu.memory_space<vmem>> -> memref<104x64xf32, #tpu.memory_space<vmem>>
        %dma_start3A_126 = arith.constant 0 : i32
        %dma_start3A_127 = tpu.memref_slice %arg4[%mul3A_72, %dma_start3A_126] : memref<166400x64xf32, #tpu.memory_space<hbm>> -> memref<104x64xf32, #tpu.memory_space<hbm>>
        %dma_start3A_128 = arith.constant 0 : i32
        %dma_start3A_129 = tpu.memref_slice %arg4[%mul3A_72, %dma_start3A_128] : memref<166400x64xf32, #tpu.memory_space<hbm>> -> memref<104x64xf32, #tpu.memory_space<hbm>>
        %dma_start3A_130 = arith.constant 0 : i32
        %dma_start3A_131 = arith.constant 0 : i32
        %dma_start3A_132 = tpu.memref_slice %arg6[%run_scoped3A, %dma_start3A_130, %dma_start3A_131] : memref<2x104x64xf32, #tpu.memory_space<vmem>> -> memref<1x104x64xf32, #tpu.memory_space<vmem>>
        %dma_start3A_133 = tpu.memref_squeeze %dma_start3A_132 : memref<1x104x64xf32, #tpu.memory_space<vmem>> -> memref<104x64xf32, #tpu.memory_space<vmem>>
        tpu.enqueue_dma source(%dma_start3A_133 : memref<104x64xf32, #tpu.memory_space<vmem>>) target(%dma_start3A_129 : memref<104x64xf32, #tpu.memory_space<hbm>>) target_semaphore(%run_scoped3A_121 : memref<!tpu.dma_semaphore, #tpu.memory_space<semaphore_mem>>)
        %dma_wait3A_134 = arith.constant 0 : i32
        %dma_wait3A_135 = arith.constant 0 : i32
        %dma_wait3A_136 = tpu.memref_slice %arg6[%run_scoped3A, %dma_wait3A_134, %dma_wait3A_135] : memref<2x104x64xf32, #tpu.memory_space<vmem>> -> memref<1x104x64xf32, #tpu.memory_space<vmem>>
        %dma_wait3A_137 = tpu.memref_squeeze %dma_wait3A_136 : memref<1x104x64xf32, #tpu.memory_space<vmem>> -> memref<104x64xf32, #tpu.memory_space<vmem>>
        %dma_wait3A_138 = arith.constant 0 : i32
        %dma_wait3A_139 = tpu.memref_slice %arg4[%mul3A_72, %dma_wait3A_138] : memref<166400x64xf32, #tpu.memory_space<hbm>> -> memref<104x64xf32, #tpu.memory_space<hbm>>
        %dma_wait3A_140 = arith.constant 0 : i32
        %dma_wait3A_141 = tpu.memref_slice %arg4[%mul3A_72, %dma_wait3A_140] : memref<166400x64xf32, #tpu.memory_space<hbm>> -> memref<104x64xf32, #tpu.memory_space<hbm>>
        %dma_wait3A_142 = arith.constant 0 : i32
        %dma_wait3A_143 = arith.constant 0 : i32
        %dma_wait3A_144 = tpu.memref_slice %arg6[%run_scoped3A, %dma_wait3A_142, %dma_wait3A_143] : memref<2x104x64xf32, #tpu.memory_space<vmem>> -> memref<1x104x64xf32, #tpu.memory_space<vmem>>
        %dma_wait3A_145 = tpu.memref_squeeze %dma_wait3A_144 : memref<1x104x64xf32, #tpu.memory_space<vmem>> -> memref<104x64xf32, #tpu.memory_space<vmem>>
        tpu.wait_dma2 semaphore(%run_scoped3A_121 : memref<!tpu.dma_semaphore, #tpu.memory_space<semaphore_mem>>) src(%dma_wait3A_145 : memref<104x64xf32, #tpu.memory_space<vmem>>) dst(%dma_wait3A_141 : memref<104x64xf32, #tpu.memory_space<hbm>>)
        tpu.yield
      }) : () -> ()
      %add3A_73 = arith.constant 2 : i32
      %add3A_74 = arith.addi %add3A_58, %add3A_73 : i32
      %min3A = arith.constant 49 : i32
      %min3A_75 = arith.minsi %add3A_74, %min3A : i32
      %dma_start3A_76 = arith.constant 0 : i32
      %dma_start3A_77 = arith.constant 0 : i32
      %dma_start3A_78 = arith.constant 0 : i32
      %dma_start3A_79 = tpu.memref_slice %arg6[%dma_start3A_76, %dma_start3A_77, %dma_start3A_78] : memref<2x104x64xf32, #tpu.memory_space<vmem>> -> memref<1x104x64xf32, #tpu.memory_space<vmem>>
      %dma_start3A_80 = tpu.memref_squeeze %dma_start3A_79 : memref<1x104x64xf32, #tpu.memory_space<vmem>> -> memref<104x64xf32, #tpu.memory_space<vmem>>
      %dma_start3A_81 = arith.constant 0 : i32
      %dma_start3A_82 = tpu.memref_slice %arg5[%min3A_75, %dma_start3A_81] : memref<50x104xi32, #tpu.memory_space<vmem>> -> memref<1x104xi32, #tpu.memory_space<vmem>>
      %dma_start3A_83 = tpu.memref_squeeze %dma_start3A_82 : memref<1x104xi32, #tpu.memory_space<vmem>> -> memref<104xi32, #tpu.memory_space<vmem>>
      %dma_start3A_84 = arith.constant 0 : i32
      %dma_start3A_85 = arith.constant 0 : i32
      %dma_start3A_86 = tpu.memref_slice %arg2[%dma_start3A_84, %dma_start3A_85] : memref<100000x64xf32, #tpu.memory_space<hbm>> -> memref<100000x64xf32, #tpu.memory_space<hbm>>
      tpu.enqueue_indirect_dma source(%dma_start3A_86 : memref<100000x64xf32, #tpu.memory_space<hbm>>) target(%dma_start3A_80 : memref<104x64xf32, #tpu.memory_space<vmem>>) offsets(%dma_start3A_83 : memref<104xi32, #tpu.memory_space<vmem>>) semaphore(%arg7 : memref<!tpu.dma_semaphore, #tpu.memory_space<semaphore_mem>>)
      %mul3A_87 = arith.constant 2 : i32
      %mul3A_88 = arith.muli %mul3A_87, %scan3A_54 : i32
      %add3A_89 = arith.constant 1 : i32
      %add3A_90 = arith.addi %mul3A_88, %add3A_89 : i32
      %dma_wait3A_91 = arith.constant 1 : i32
      %dma_wait3A_92 = arith.constant 0 : i32
      %dma_wait3A_93 = arith.constant 0 : i32
      %dma_wait3A_94 = tpu.memref_slice %arg6[%dma_wait3A_91, %dma_wait3A_92, %dma_wait3A_93] : memref<2x104x64xf32, #tpu.memory_space<vmem>> -> memref<1x104x64xf32, #tpu.memory_space<vmem>>
      %dma_wait3A_95 = tpu.memref_squeeze %dma_wait3A_94 : memref<1x104x64xf32, #tpu.memory_space<vmem>> -> memref<104x64xf32, #tpu.memory_space<vmem>>
      %dma_wait3A_96 = arith.constant 0 : i32
      %dma_wait3A_97 = tpu.memref_slice %arg5[%add3A_90, %dma_wait3A_96] : memref<50x104xi32, #tpu.memory_space<vmem>> -> memref<1x104xi32, #tpu.memory_space<vmem>>
      %dma_wait3A_98 = tpu.memref_squeeze %dma_wait3A_97 : memref<1x104xi32, #tpu.memory_space<vmem>> -> memref<104xi32, #tpu.memory_space<vmem>>
      %dma_wait3A_99 = arith.constant 0 : i32
      %dma_wait3A_100 = arith.constant 0 : i32
      %dma_wait3A_101 = tpu.memref_slice %arg2[%dma_wait3A_99, %dma_wait3A_100] : memref<100000x64xf32, #tpu.memory_space<hbm>> -> memref<100000x64xf32, #tpu.memory_space<hbm>>
      tpu.wait_indirect_dma semaphore(%arg8 : memref<!tpu.dma_semaphore, #tpu.memory_space<semaphore_mem>>) src(%dma_wait3A_101 : memref<100000x64xf32, #tpu.memory_space<hbm>>) dst(%dma_wait3A_95 : memref<104x64xf32, #tpu.memory_space<vmem>>)
      %add3A_102 = arith.addi %mul3A_2, %add3A_90 : i32
      %mul3A_103 = arith.constant 104 : i32
      %mul3A_104 = arith.muli %add3A_102, %mul3A_103 : i32
      %run_scoped3A_105 = arith.constant 1 : i32
      "tpu.region"() ({
        %run_scoped3A_121 = tpu.sem_alloc : memref<!tpu.dma_semaphore, #tpu.memory_space<semaphore_mem>>
        %dma_start3A_122 = arith.constant 0 : i32
        %dma_start3A_123 = arith.constant 0 : i32
        %dma_start3A_124 = tpu.memref_slice %arg6[%run_scoped3A_105, %dma_start3A_122, %dma_start3A_123] : memref<2x104x64xf32, #tpu.memory_space<vmem>> -> memref<1x104x64xf32, #tpu.memory_space<vmem>>
        %dma_start3A_125 = tpu.memref_squeeze %dma_start3A_124 : memref<1x104x64xf32, #tpu.memory_space<vmem>> -> memref<104x64xf32, #tpu.memory_space<vmem>>
        %dma_start3A_126 = arith.constant 0 : i32
        %dma_start3A_127 = tpu.memref_slice %arg4[%mul3A_104, %dma_start3A_126] : memref<166400x64xf32, #tpu.memory_space<hbm>> -> memref<104x64xf32, #tpu.memory_space<hbm>>
        %dma_start3A_128 = arith.constant 0 : i32
        %dma_start3A_129 = tpu.memref_slice %arg4[%mul3A_104, %dma_start3A_128] : memref<166400x64xf32, #tpu.memory_space<hbm>> -> memref<104x64xf32, #tpu.memory_space<hbm>>
        %dma_start3A_130 = arith.constant 0 : i32
        %dma_start3A_131 = arith.constant 0 : i32
        %dma_start3A_132 = tpu.memref_slice %arg6[%run_scoped3A_105, %dma_start3A_130, %dma_start3A_131] : memref<2x104x64xf32, #tpu.memory_space<vmem>> -> memref<1x104x64xf32, #tpu.memory_space<vmem>>
        %dma_start3A_133 = tpu.memref_squeeze %dma_start3A_132 : memref<1x104x64xf32, #tpu.memory_space<vmem>> -> memref<104x64xf32, #tpu.memory_space<vmem>>
        tpu.enqueue_dma source(%dma_start3A_133 : memref<104x64xf32, #tpu.memory_space<vmem>>) target(%dma_start3A_129 : memref<104x64xf32, #tpu.memory_space<hbm>>) target_semaphore(%run_scoped3A_121 : memref<!tpu.dma_semaphore, #tpu.memory_space<semaphore_mem>>)
        %dma_wait3A_134 = arith.constant 0 : i32
        %dma_wait3A_135 = arith.constant 0 : i32
        %dma_wait3A_136 = tpu.memref_slice %arg6[%run_scoped3A_105, %dma_wait3A_134, %dma_wait3A_135] : memref<2x104x64xf32, #tpu.memory_space<vmem>> -> memref<1x104x64xf32, #tpu.memory_space<vmem>>
        %dma_wait3A_137 = tpu.memref_squeeze %dma_wait3A_136 : memref<1x104x64xf32, #tpu.memory_space<vmem>> -> memref<104x64xf32, #tpu.memory_space<vmem>>
        %dma_wait3A_138 = arith.constant 0 : i32
        %dma_wait3A_139 = tpu.memref_slice %arg4[%mul3A_104, %dma_wait3A_138] : memref<166400x64xf32, #tpu.memory_space<hbm>> -> memref<104x64xf32, #tpu.memory_space<hbm>>
        %dma_wait3A_140 = arith.constant 0 : i32
        %dma_wait3A_141 = tpu.memref_slice %arg4[%mul3A_104, %dma_wait3A_140] : memref<166400x64xf32, #tpu.memory_space<hbm>> -> memref<104x64xf32, #tpu.memory_space<hbm>>
        %dma_wait3A_142 = arith.constant 0 : i32
        %dma_wait3A_143 = arith.constant 0 : i32
        %dma_wait3A_144 = tpu.memref_slice %arg6[%run_scoped3A_105, %dma_wait3A_142, %dma_wait3A_143] : memref<2x104x64xf32, #tpu.memory_space<vmem>> -> memref<1x104x64xf32, #tpu.memory_space<vmem>>
        %dma_wait3A_145 = tpu.memref_squeeze %dma_wait3A_144 : memref<1x104x64xf32, #tpu.memory_space<vmem>> -> memref<104x64xf32, #tpu.memory_space<vmem>>
        tpu.wait_dma2 semaphore(%run_scoped3A_121 : memref<!tpu.dma_semaphore, #tpu.memory_space<semaphore_mem>>) src(%dma_wait3A_145 : memref<104x64xf32, #tpu.memory_space<vmem>>) dst(%dma_wait3A_141 : memref<104x64xf32, #tpu.memory_space<hbm>>)
        tpu.yield
      }) : () -> ()
      %add3A_106 = arith.constant 2 : i32
      %add3A_107 = arith.addi %add3A_90, %add3A_106 : i32
      %min3A_108 = arith.constant 49 : i32
      %min3A_109 = arith.minsi %add3A_107, %min3A_108 : i32
      %dma_start3A_110 = arith.constant 1 : i32
      %dma_start3A_111 = arith.constant 0 : i32
      %dma_start3A_112 = arith.constant 0 : i32
      %dma_start3A_113 = tpu.memref_slice %arg6[%dma_start3A_110, %dma_start3A_111, %dma_start3A_112] : memref<2x104x64xf32, #tpu.memory_space<vmem>> -> memref<1x104x64xf32, #tpu.memory_space<vmem>>
      %dma_start3A_114 = tpu.memref_squeeze %dma_start3A_113 : memref<1x104x64xf32, #tpu.memory_space<vmem>> -> memref<104x64xf32, #tpu.memory_space<vmem>>
      %dma_start3A_115 = arith.constant 0 : i32
      %dma_start3A_116 = tpu.memref_slice %arg5[%min3A_109, %dma_start3A_115] : memref<50x104xi32, #tpu.memory_space<vmem>> -> memref<1x104xi32, #tpu.memory_space<vmem>>
      %dma_start3A_117 = tpu.memref_squeeze %dma_start3A_116 : memref<1x104xi32, #tpu.memory_space<vmem>> -> memref<104xi32, #tpu.memory_space<vmem>>
      %dma_start3A_118 = arith.constant 0 : i32
      %dma_start3A_119 = arith.constant 0 : i32
      %dma_start3A_120 = tpu.memref_slice %arg2[%dma_start3A_118, %dma_start3A_119] : memref<100000x64xf32, #tpu.memory_space<hbm>> -> memref<100000x64xf32, #tpu.memory_space<hbm>>
      tpu.enqueue_indirect_dma source(%dma_start3A_120 : memref<100000x64xf32, #tpu.memory_space<hbm>>) target(%dma_start3A_114 : memref<104x64xf32, #tpu.memory_space<vmem>>) offsets(%dma_start3A_117 : memref<104xi32, #tpu.memory_space<vmem>>) semaphore(%arg8 : memref<!tpu.dma_semaphore, #tpu.memory_space<semaphore_mem>>)
    }
    %scan3A_30 = arith.constant 25 : i32
    %dma_wait3A = arith.constant 0 : i32
    %dma_wait3A_31 = arith.constant 0 : i32
    %dma_wait3A_32 = arith.constant 0 : i32
    %dma_wait3A_33 = arith.constant 0 : i32
    %dma_wait3A_34 = tpu.memref_slice %arg6[%dma_wait3A_31, %dma_wait3A_32, %dma_wait3A_33] : memref<2x104x64xf32, #tpu.memory_space<vmem>> -> memref<1x104x64xf32, #tpu.memory_space<vmem>>
    %dma_wait3A_35 = tpu.memref_squeeze %dma_wait3A_34 : memref<1x104x64xf32, #tpu.memory_space<vmem>> -> memref<104x64xf32, #tpu.memory_space<vmem>>
    %dma_wait3A_36 = arith.constant 0 : i32
    %dma_wait3A_37 = tpu.memref_slice %arg5[%dma_wait3A, %dma_wait3A_36] : memref<50x104xi32, #tpu.memory_space<vmem>> -> memref<1x104xi32, #tpu.memory_space<vmem>>
    %dma_wait3A_38 = tpu.memref_squeeze %dma_wait3A_37 : memref<1x104xi32, #tpu.memory_space<vmem>> -> memref<104xi32, #tpu.memory_space<vmem>>
    %dma_wait3A_39 = arith.constant 0 : i32
    %dma_wait3A_40 = arith.constant 0 : i32
    %dma_wait3A_41 = tpu.memref_slice %arg2[%dma_wait3A_39, %dma_wait3A_40] : memref<100000x64xf32, #tpu.memory_space<hbm>> -> memref<100000x64xf32, #tpu.memory_space<hbm>>
    tpu.wait_indirect_dma semaphore(%arg7 : memref<!tpu.dma_semaphore, #tpu.memory_space<semaphore_mem>>) src(%dma_wait3A_41 : memref<100000x64xf32, #tpu.memory_space<hbm>>) dst(%dma_wait3A_35 : memref<104x64xf32, #tpu.memory_space<vmem>>)
    %dma_wait3A_42 = arith.constant 1 : i32
    %dma_wait3A_43 = arith.constant 1 : i32
    %dma_wait3A_44 = arith.constant 0 : i32
    %dma_wait3A_45 = arith.constant 0 : i32
    %dma_wait3A_46 = tpu.memref_slice %arg6[%dma_wait3A_43, %dma_wait3A_44, %dma_wait3A_45] : memref<2x104x64xf32, #tpu.memory_space<vmem>> -> memref<1x104x64xf32, #tpu.memory_space<vmem>>
    %dma_wait3A_47 = tpu.memref_squeeze %dma_wait3A_46 : memref<1x104x64xf32, #tpu.memory_space<vmem>> -> memref<104x64xf32, #tpu.memory_space<vmem>>
    %dma_wait3A_48 = arith.constant 0 : i32
    %dma_wait3A_49 = tpu.memref_slice %arg5[%dma_wait3A_42, %dma_wait3A_48] : memref<50x104xi32, #tpu.memory_space<vmem>> -> memref<1x104xi32, #tpu.memory_space<vmem>>
    %dma_wait3A_50 = tpu.memref_squeeze %dma_wait3A_49 : memref<1x104xi32, #tpu.memory_space<vmem>> -> memref<104xi32, #tpu.memory_space<vmem>>
    %dma_wait3A_51 = arith.constant 0 : i32
    %dma_wait3A_52 = arith.constant 0 : i32
    %dma_wait3A_53 = tpu.memref_slice %arg2[%dma_wait3A_51, %dma_wait3A_52] : memref<100000x64xf32, #tpu.memory_space<hbm>> -> memref<100000x64xf32, #tpu.memory_space<hbm>>
    tpu.wait_indirect_dma semaphore(%arg8 : memref<!tpu.dma_semaphore, #tpu.memory_space<semaphore_mem>>) src(%dma_wait3A_53 : memref<100000x64xf32, #tpu.memory_space<hbm>>) dst(%dma_wait3A_47 : memref<104x64xf32, #tpu.memory_space<vmem>>)
    return
  }
}

#map = affine_map<(d0, d1) -> (0, 0)>
#map1 = affine_map<(d0, d1) -> (0, 0, 0)>
module attributes {stable_mosaic.version = 14 : i64} {
  func.func @k(%arg0: i32, %arg1: i32, %arg2: memref<100000x64xf32, #tpu.memory_space<hbm>>, %arg3: memref<32x50x104xi32, #tpu.memory_space<hbm>>, %arg4: memref<166400x64xf32, #tpu.memory_space<hbm>>, %arg5: memref<50x104xi32, #tpu.memory_space<vmem>>, %arg6: memref<2x104x64xf32, #tpu.memory_space<vmem>>, %arg7: memref<!tpu.dma_semaphore, #tpu.memory_space<semaphore_mem>>, %arg8: memref<!tpu.dma_semaphore, #tpu.memory_space<semaphore_mem>>) attributes {dimension_semantics = [#tpu.dimension_semantics<core_parallel>, #tpu.dimension_semantics<subcore_parallel>], iteration_bounds = array<i64: 2, 16>, scalar_prefetch = 0 : i64, scratch_operands = 4 : i64, tpu.core_type = #tpu.core_type<sc_vector_subcore>, window_params = [{transform_indices = #map}, {transform_indices = #map1}, {transform_indices = #map}]} {
    %mul3A = arith.constant 2 : i32
    %mul3A_0 = arith.muli %arg1, %mul3A : i32
    %add3A = arith.addi %mul3A_0, %arg0 : i32
    %mul3A_1 = arith.constant 50 : i32
    %mul3A_2 = arith.muli %add3A, %mul3A_1 : i32
    "tpu.region"() ({
      %run_scoped3A = tpu.sem_alloc : memref<!tpu.dma_semaphore, #tpu.memory_space<semaphore_mem>>
      %dma_start3A_54 = arith.constant 0 : i32
      %dma_start3A_55 = arith.constant 0 : i32
      %dma_start3A_56 = tpu.memref_slice %arg3[%add3A, %dma_start3A_54, %dma_start3A_55] : memref<32x50x104xi32, #tpu.memory_space<hbm>> -> memref<1x50x104xi32, #tpu.memory_space<hbm>>
      %dma_start3A_57 = tpu.memref_squeeze %dma_start3A_56 : memref<1x50x104xi32, #tpu.memory_space<hbm>> -> memref<50x104xi32, #tpu.memory_space<hbm>>
      %dma_start3A_58 = arith.constant 0 : i32
      %dma_start3A_59 = arith.constant 0 : i32
      %dma_start3A_60 = tpu.memref_slice %arg3[%add3A, %dma_start3A_58, %dma_start3A_59] : memref<32x50x104xi32, #tpu.memory_space<hbm>> -> memref<1x50x104xi32, #tpu.memory_space<hbm>>
      %dma_start3A_61 = tpu.memref_squeeze %dma_start3A_60 : memref<1x50x104xi32, #tpu.memory_space<hbm>> -> memref<50x104xi32, #tpu.memory_space<hbm>>
      tpu.enqueue_dma source(%dma_start3A_61 : memref<50x104xi32, #tpu.memory_space<hbm>>) target(%arg5 : memref<50x104xi32, #tpu.memory_space<vmem>>) target_semaphore(%run_scoped3A : memref<!tpu.dma_semaphore, #tpu.memory_space<semaphore_mem>>)
      %dma_wait3A_62 = arith.constant 0 : i32
      %dma_wait3A_63 = arith.constant 0 : i32
      %dma_wait3A_64 = tpu.memref_slice %arg3[%add3A, %dma_wait3A_62, %dma_wait3A_63] : memref<32x50x104xi32, #tpu.memory_space<hbm>> -> memref<1x50x104xi32, #tpu.memory_space<hbm>>
      %dma_wait3A_65 = tpu.memref_squeeze %dma_wait3A_64 : memref<1x50x104xi32, #tpu.memory_space<hbm>> -> memref<50x104xi32, #tpu.memory_space<hbm>>
      %dma_wait3A_66 = arith.constant 0 : i32
      %dma_wait3A_67 = arith.constant 0 : i32
      %dma_wait3A_68 = tpu.memref_slice %arg3[%add3A, %dma_wait3A_66, %dma_wait3A_67] : memref<32x50x104xi32, #tpu.memory_space<hbm>> -> memref<1x50x104xi32, #tpu.memory_space<hbm>>
      %dma_wait3A_69 = tpu.memref_squeeze %dma_wait3A_68 : memref<1x50x104xi32, #tpu.memory_space<hbm>> -> memref<50x104xi32, #tpu.memory_space<hbm>>
      tpu.wait_dma2 semaphore(%run_scoped3A : memref<!tpu.dma_semaphore, #tpu.memory_space<semaphore_mem>>) src(%dma_wait3A_69 : memref<50x104xi32, #tpu.memory_space<hbm>>) dst(%arg5 : memref<50x104xi32, #tpu.memory_space<vmem>>)
      tpu.yield
    }) : () -> ()
    %dma_start3A = arith.constant 0 : i32
    %dma_start3A_3 = arith.constant 0 : i32
    %dma_start3A_4 = arith.constant 0 : i32
    %dma_start3A_5 = arith.constant 0 : i32
    %dma_start3A_6 = tpu.memref_slice %arg6[%dma_start3A_3, %dma_start3A_4, %dma_start3A_5] : memref<2x104x64xf32, #tpu.memory_space<vmem>> -> memref<1x104x64xf32, #tpu.memory_space<vmem>>
    %dma_start3A_7 = tpu.memref_squeeze %dma_start3A_6 : memref<1x104x64xf32, #tpu.memory_space<vmem>> -> memref<104x64xf32, #tpu.memory_space<vmem>>
    %dma_start3A_8 = arith.constant 0 : i32
    %dma_start3A_9 = tpu.memref_slice %arg5[%dma_start3A, %dma_start3A_8] : memref<50x104xi32, #tpu.memory_space<vmem>> -> memref<1x104xi32, #tpu.memory_space<vmem>>
    %dma_start3A_10 = tpu.memref_squeeze %dma_start3A_9 : memref<1x104xi32, #tpu.memory_space<vmem>> -> memref<104xi32, #tpu.memory_space<vmem>>
    %dma_start3A_11 = arith.constant 0 : i32
    %dma_start3A_12 = arith.constant 0 : i32
    %dma_start3A_13 = tpu.memref_slice %arg2[%dma_start3A_11, %dma_start3A_12] : memref<100000x64xf32, #tpu.memory_space<hbm>> -> memref<100000x64xf32, #tpu.memory_space<hbm>>
    tpu.enqueue_indirect_dma source(%dma_start3A_13 : memref<100000x64xf32, #tpu.memory_space<hbm>>) target(%dma_start3A_7 : memref<104x64xf32, #tpu.memory_space<vmem>>) offsets(%dma_start3A_10 : memref<104xi32, #tpu.memory_space<vmem>>) semaphore(%arg7 : memref<!tpu.dma_semaphore, #tpu.memory_space<semaphore_mem>>)
    %dma_start3A_14 = arith.constant 1 : i32
    %dma_start3A_15 = arith.constant 1 : i32
    %dma_start3A_16 = arith.constant 0 : i32
    %dma_start3A_17 = arith.constant 0 : i32
    %dma_start3A_18 = tpu.memref_slice %arg6[%dma_start3A_15, %dma_start3A_16, %dma_start3A_17] : memref<2x104x64xf32, #tpu.memory_space<vmem>> -> memref<1x104x64xf32, #tpu.memory_space<vmem>>
    %dma_start3A_19 = tpu.memref_squeeze %dma_start3A_18 : memref<1x104x64xf32, #tpu.memory_space<vmem>> -> memref<104x64xf32, #tpu.memory_space<vmem>>
    %dma_start3A_20 = arith.constant 0 : i32
    %dma_start3A_21 = tpu.memref_slice %arg5[%dma_start3A_14, %dma_start3A_20] : memref<50x104xi32, #tpu.memory_space<vmem>> -> memref<1x104xi32, #tpu.memory_space<vmem>>
    %dma_start3A_22 = tpu.memref_squeeze %dma_start3A_21 : memref<1x104xi32, #tpu.memory_space<vmem>> -> memref<104xi32, #tpu.memory_space<vmem>>
    %dma_start3A_23 = arith.constant 0 : i32
    %dma_start3A_24 = arith.constant 0 : i32
    %dma_start3A_25 = tpu.memref_slice %arg2[%dma_start3A_23, %dma_start3A_24] : memref<100000x64xf32, #tpu.memory_space<hbm>> -> memref<100000x64xf32, #tpu.memory_space<hbm>>
    tpu.enqueue_indirect_dma source(%dma_start3A_25 : memref<100000x64xf32, #tpu.memory_space<hbm>>) target(%dma_start3A_19 : memref<104x64xf32, #tpu.memory_space<vmem>>) offsets(%dma_start3A_22 : memref<104xi32, #tpu.memory_space<vmem>>) semaphore(%arg8 : memref<!tpu.dma_semaphore, #tpu.memory_space<semaphore_mem>>)
    %scan3A = arith.constant 0 : i32
    %scan3A_26 = arith.constant 0 : i32
    %scan3A_27 = arith.constant 25 : i32
    %scan3A_28 = arith.addi %scan3A_26, %scan3A_27 : i32
    %scan3A_29 = arith.constant 1 : i32
    scf.for %scan3A_54 = %scan3A_26 to %scan3A_28 step %scan3A_29  : i32 {
      %mul3A_55 = arith.constant 2 : i32
      %mul3A_56 = arith.muli %mul3A_55, %scan3A_54 : i32
      %add3A_57 = arith.constant 0 : i32
      %add3A_58 = arith.addi %mul3A_56, %add3A_57 : i32
      %dma_wait3A_59 = arith.constant 0 : i32
      %dma_wait3A_60 = arith.constant 0 : i32
      %dma_wait3A_61 = arith.constant 0 : i32
      %dma_wait3A_62 = tpu.memref_slice %arg6[%dma_wait3A_59, %dma_wait3A_60, %dma_wait3A_61] : memref<2x104x64xf32, #tpu.memory_space<vmem>> -> memref<1x104x64xf32, #tpu.memory_space<vmem>>
      %dma_wait3A_63 = tpu.memref_squeeze %dma_wait3A_62 : memref<1x104x64xf32, #tpu.memory_space<vmem>> -> memref<104x64xf32, #tpu.memory_space<vmem>>
      %dma_wait3A_64 = arith.constant 0 : i32
      %dma_wait3A_65 = tpu.memref_slice %arg5[%add3A_58, %dma_wait3A_64] : memref<50x104xi32, #tpu.memory_space<vmem>> -> memref<1x104xi32, #tpu.memory_space<vmem>>
      %dma_wait3A_66 = tpu.memref_squeeze %dma_wait3A_65 : memref<1x104xi32, #tpu.memory_space<vmem>> -> memref<104xi32, #tpu.memory_space<vmem>>
      %dma_wait3A_67 = arith.constant 0 : i32
      %dma_wait3A_68 = arith.constant 0 : i32
      %dma_wait3A_69 = tpu.memref_slice %arg2[%dma_wait3A_67, %dma_wait3A_68] : memref<100000x64xf32, #tpu.memory_space<hbm>> -> memref<100000x64xf32, #tpu.memory_space<hbm>>
      tpu.wait_indirect_dma semaphore(%arg7 : memref<!tpu.dma_semaphore, #tpu.memory_space<semaphore_mem>>) src(%dma_wait3A_69 : memref<100000x64xf32, #tpu.memory_space<hbm>>) dst(%dma_wait3A_63 : memref<104x64xf32, #tpu.memory_space<vmem>>)
      %add3A_70 = arith.addi %mul3A_2, %add3A_58 : i32
      %mul3A_71 = arith.constant 104 : i32
      %mul3A_72 = arith.muli %add3A_70, %mul3A_71 : i32
      %run_scoped3A = arith.constant 0 : i32
      "tpu.region"() ({
        %run_scoped3A_121 = tpu.sem_alloc : memref<!tpu.dma_semaphore, #tpu.memory_space<semaphore_mem>>
        %dma_start3A_122 = arith.constant 0 : i32
        %dma_start3A_123 = arith.constant 0 : i32
        %dma_start3A_124 = tpu.memref_slice %arg6[%run_scoped3A, %dma_start3A_122, %dma_start3A_123] : memref<2x104x64xf32, #tpu.memory_space<vmem>> -> memref<1x104x64xf32, #tpu.memory_space<vmem>>
        %dma_start3A_125 = tpu.memref_squeeze %dma_start3A_124 : memref<1x104x64xf32, #tpu.memory_space<vmem>> -> memref<104x64xf32, #tpu.memory_space<vmem>>
        %dma_start3A_126 = arith.constant 0 : i32
        %dma_start3A_127 = tpu.memref_slice %arg4[%mul3A_72, %dma_start3A_126] : memref<166400x64xf32, #tpu.memory_space<hbm>> -> memref<104x64xf32, #tpu.memory_space<hbm>>
        %dma_start3A_128 = arith.constant 0 : i32
        %dma_start3A_129 = tpu.memref_slice %arg4[%mul3A_72, %dma_start3A_128] : memref<166400x64xf32, #tpu.memory_space<hbm>> -> memref<104x64xf32, #tpu.memory_space<hbm>>
        %dma_start3A_130 = arith.constant 0 : i32
        %dma_start3A_131 = arith.constant 0 : i32
        %dma_start3A_132 = tpu.memref_slice %arg6[%run_scoped3A, %dma_start3A_130, %dma_start3A_131] : memref<2x104x64xf32, #tpu.memory_space<vmem>> -> memref<1x104x64xf32, #tpu.memory_space<vmem>>
        %dma_start3A_133 = tpu.memref_squeeze %dma_start3A_132 : memref<1x104x64xf32, #tpu.memory_space<vmem>> -> memref<104x64xf32, #tpu.memory_space<vmem>>
        tpu.enqueue_dma source(%dma_start3A_133 : memref<104x64xf32, #tpu.memory_space<vmem>>) target(%dma_start3A_129 : memref<104x64xf32, #tpu.memory_space<hbm>>) target_semaphore(%run_scoped3A_121 : memref<!tpu.dma_semaphore, #tpu.memory_space<semaphore_mem>>)
        %dma_wait3A_134 = arith.constant 0 : i32
        %dma_wait3A_135 = arith.constant 0 : i32
        %dma_wait3A_136 = tpu.memref_slice %arg6[%run_scoped3A, %dma_wait3A_134, %dma_wait3A_135] : memref<2x104x64xf32, #tpu.memory_space<vmem>> -> memref<1x104x64xf32, #tpu.memory_space<vmem>>
        %dma_wait3A_137 = tpu.memref_squeeze %dma_wait3A_136 : memref<1x104x64xf32, #tpu.memory_space<vmem>> -> memref<104x64xf32, #tpu.memory_space<vmem>>
        %dma_wait3A_138 = arith.constant 0 : i32
        %dma_wait3A_139 = tpu.memref_slice %arg4[%mul3A_72, %dma_wait3A_138] : memref<166400x64xf32, #tpu.memory_space<hbm>> -> memref<104x64xf32, #tpu.memory_space<hbm>>
        %dma_wait3A_140 = arith.constant 0 : i32
        %dma_wait3A_141 = tpu.memref_slice %arg4[%mul3A_72, %dma_wait3A_140] : memref<166400x64xf32, #tpu.memory_space<hbm>> -> memref<104x64xf32, #tpu.memory_space<hbm>>
        %dma_wait3A_142 = arith.constant 0 : i32
        %dma_wait3A_143 = arith.constant 0 : i32
        %dma_wait3A_144 = tpu.memref_slice %arg6[%run_scoped3A, %dma_wait3A_142, %dma_wait3A_143] : memref<2x104x64xf32, #tpu.memory_space<vmem>> -> memref<1x104x64xf32, #tpu.memory_space<vmem>>
        %dma_wait3A_145 = tpu.memref_squeeze %dma_wait3A_144 : memref<1x104x64xf32, #tpu.memory_space<vmem>> -> memref<104x64xf32, #tpu.memory_space<vmem>>
        tpu.wait_dma2 semaphore(%run_scoped3A_121 : memref<!tpu.dma_semaphore, #tpu.memory_space<semaphore_mem>>) src(%dma_wait3A_145 : memref<104x64xf32, #tpu.memory_space<vmem>>) dst(%dma_wait3A_141 : memref<104x64xf32, #tpu.memory_space<hbm>>)
        tpu.yield
      }) : () -> ()
      %add3A_73 = arith.constant 2 : i32
      %add3A_74 = arith.addi %add3A_58, %add3A_73 : i32
      %min3A = arith.constant 49 : i32
      %min3A_75 = arith.minsi %add3A_74, %min3A : i32
      %dma_start3A_76 = arith.constant 0 : i32
      %dma_start3A_77 = arith.constant 0 : i32
      %dma_start3A_78 = arith.constant 0 : i32
      %dma_start3A_79 = tpu.memref_slice %arg6[%dma_start3A_76, %dma_start3A_77, %dma_start3A_78] : memref<2x104x64xf32, #tpu.memory_space<vmem>> -> memref<1x104x64xf32, #tpu.memory_space<vmem>>
      %dma_start3A_80 = tpu.memref_squeeze %dma_start3A_79 : memref<1x104x64xf32, #tpu.memory_space<vmem>> -> memref<104x64xf32, #tpu.memory_space<vmem>>
      %dma_start3A_81 = arith.constant 0 : i32
      %dma_start3A_82 = tpu.memref_slice %arg5[%min3A_75, %dma_start3A_81] : memref<50x104xi32, #tpu.memory_space<vmem>> -> memref<1x104xi32, #tpu.memory_space<vmem>>
      %dma_start3A_83 = tpu.memref_squeeze %dma_start3A_82 : memref<1x104xi32, #tpu.memory_space<vmem>> -> memref<104xi32, #tpu.memory_space<vmem>>
      %dma_start3A_84 = arith.constant 0 : i32
      %dma_start3A_85 = arith.constant 0 : i32
      %dma_start3A_86 = tpu.memref_slice %arg2[%dma_start3A_84, %dma_start3A_85] : memref<100000x64xf32, #tpu.memory_space<hbm>> -> memref<100000x64xf32, #tpu.memory_space<hbm>>
      tpu.enqueue_indirect_dma source(%dma_start3A_86 : memref<100000x64xf32, #tpu.memory_space<hbm>>) target(%dma_start3A_80 : memref<104x64xf32, #tpu.memory_space<vmem>>) offsets(%dma_start3A_83 : memref<104xi32, #tpu.memory_space<vmem>>) semaphore(%arg7 : memref<!tpu.dma_semaphore, #tpu.memory_space<semaphore_mem>>)
      %mul3A_87 = arith.constant 2 : i32
      %mul3A_88 = arith.muli %mul3A_87, %scan3A_54 : i32
      %add3A_89 = arith.constant 1 : i32
      %add3A_90 = arith.addi %mul3A_88, %add3A_89 : i32
      %dma_wait3A_91 = arith.constant 1 : i32
      %dma_wait3A_92 = arith.constant 0 : i32
      %dma_wait3A_93 = arith.constant 0 : i32
      %dma_wait3A_94 = tpu.memref_slice %arg6[%dma_wait3A_91, %dma_wait3A_92, %dma_wait3A_93] : memref<2x104x64xf32, #tpu.memory_space<vmem>> -> memref<1x104x64xf32, #tpu.memory_space<vmem>>
      %dma_wait3A_95 = tpu.memref_squeeze %dma_wait3A_94 : memref<1x104x64xf32, #tpu.memory_space<vmem>> -> memref<104x64xf32, #tpu.memory_space<vmem>>
      %dma_wait3A_96 = arith.constant 0 : i32
      %dma_wait3A_97 = tpu.memref_slice %arg5[%add3A_90, %dma_wait3A_96] : memref<50x104xi32, #tpu.memory_space<vmem>> -> memref<1x104xi32, #tpu.memory_space<vmem>>
      %dma_wait3A_98 = tpu.memref_squeeze %dma_wait3A_97 : memref<1x104xi32, #tpu.memory_space<vmem>> -> memref<104xi32, #tpu.memory_space<vmem>>
      %dma_wait3A_99 = arith.constant 0 : i32
      %dma_wait3A_100 = arith.constant 0 : i32
      %dma_wait3A_101 = tpu.memref_slice %arg2[%dma_wait3A_99, %dma_wait3A_100] : memref<100000x64xf32, #tpu.memory_space<hbm>> -> memref<100000x64xf32, #tpu.memory_space<hbm>>
      tpu.wait_indirect_dma semaphore(%arg8 : memref<!tpu.dma_semaphore, #tpu.memory_space<semaphore_mem>>) src(%dma_wait3A_101 : memref<100000x64xf32, #tpu.memory_space<hbm>>) dst(%dma_wait3A_95 : memref<104x64xf32, #tpu.memory_space<vmem>>)
      %add3A_102 = arith.addi %mul3A_2, %add3A_90 : i32
      %mul3A_103 = arith.constant 104 : i32
      %mul3A_104 = arith.muli %add3A_102, %mul3A_103 : i32
      %run_scoped3A_105 = arith.constant 1 : i32
      "tpu.region"() ({
        %run_scoped3A_121 = tpu.sem_alloc : memref<!tpu.dma_semaphore, #tpu.memory_space<semaphore_mem>>
        %dma_start3A_122 = arith.constant 0 : i32
        %dma_start3A_123 = arith.constant 0 : i32
        %dma_start3A_124 = tpu.memref_slice %arg6[%run_scoped3A_105, %dma_start3A_122, %dma_start3A_123] : memref<2x104x64xf32, #tpu.memory_space<vmem>> -> memref<1x104x64xf32, #tpu.memory_space<vmem>>
        %dma_start3A_125 = tpu.memref_squeeze %dma_start3A_124 : memref<1x104x64xf32, #tpu.memory_space<vmem>> -> memref<104x64xf32, #tpu.memory_space<vmem>>
        %dma_start3A_126 = arith.constant 0 : i32
        %dma_start3A_127 = tpu.memref_slice %arg4[%mul3A_104, %dma_start3A_126] : memref<166400x64xf32, #tpu.memory_space<hbm>> -> memref<104x64xf32, #tpu.memory_space<hbm>>
        %dma_start3A_128 = arith.constant 0 : i32
        %dma_start3A_129 = tpu.memref_slice %arg4[%mul3A_104, %dma_start3A_128] : memref<166400x64xf32, #tpu.memory_space<hbm>> -> memref<104x64xf32, #tpu.memory_space<hbm>>
        %dma_start3A_130 = arith.constant 0 : i32
        %dma_start3A_131 = arith.constant 0 : i32
        %dma_start3A_132 = tpu.memref_slice %arg6[%run_scoped3A_105, %dma_start3A_130, %dma_start3A_131] : memref<2x104x64xf32, #tpu.memory_space<vmem>> -> memref<1x104x64xf32, #tpu.memory_space<vmem>>
        %dma_start3A_133 = tpu.memref_squeeze %dma_start3A_132 : memref<1x104x64xf32, #tpu.memory_space<vmem>> -> memref<104x64xf32, #tpu.memory_space<vmem>>
        tpu.enqueue_dma source(%dma_start3A_133 : memref<104x64xf32, #tpu.memory_space<vmem>>) target(%dma_start3A_129 : memref<104x64xf32, #tpu.memory_space<hbm>>) target_semaphore(%run_scoped3A_121 : memref<!tpu.dma_semaphore, #tpu.memory_space<semaphore_mem>>)
        %dma_wait3A_134 = arith.constant 0 : i32
        %dma_wait3A_135 = arith.constant 0 : i32
        %dma_wait3A_136 = tpu.memref_slice %arg6[%run_scoped3A_105, %dma_wait3A_134, %dma_wait3A_135] : memref<2x104x64xf32, #tpu.memory_space<vmem>> -> memref<1x104x64xf32, #tpu.memory_space<vmem>>
        %dma_wait3A_137 = tpu.memref_squeeze %dma_wait3A_136 : memref<1x104x64xf32, #tpu.memory_space<vmem>> -> memref<104x64xf32, #tpu.memory_space<vmem>>
        %dma_wait3A_138 = arith.constant 0 : i32
        %dma_wait3A_139 = tpu.memref_slice %arg4[%mul3A_104, %dma_wait3A_138] : memref<166400x64xf32, #tpu.memory_space<hbm>> -> memref<104x64xf32, #tpu.memory_space<hbm>>
        %dma_wait3A_140 = arith.constant 0 : i32
        %dma_wait3A_141 = tpu.memref_slice %arg4[%mul3A_104, %dma_wait3A_140] : memref<166400x64xf32, #tpu.memory_space<hbm>> -> memref<104x64xf32, #tpu.memory_space<hbm>>
        %dma_wait3A_142 = arith.constant 0 : i32
        %dma_wait3A_143 = arith.constant 0 : i32
        %dma_wait3A_144 = tpu.memref_slice %arg6[%run_scoped3A_105, %dma_wait3A_142, %dma_wait3A_143] : memref<2x104x64xf32, #tpu.memory_space<vmem>> -> memref<1x104x64xf32, #tpu.memory_space<vmem>>
        %dma_wait3A_145 = tpu.memref_squeeze %dma_wait3A_144 : memref<1x104x64xf32, #tpu.memory_space<vmem>> -> memref<104x64xf32, #tpu.memory_space<vmem>>
        tpu.wait_dma2 semaphore(%run_scoped3A_121 : memref<!tpu.dma_semaphore, #tpu.memory_space<semaphore_mem>>) src(%dma_wait3A_145 : memref<104x64xf32, #tpu.memory_space<vmem>>) dst(%dma_wait3A_141 : memref<104x64xf32, #tpu.memory_space<hbm>>)
        tpu.yield
      }) : () -> ()
      %add3A_106 = arith.constant 2 : i32
      %add3A_107 = arith.addi %add3A_90, %add3A_106 : i32
      %min3A_108 = arith.constant 49 : i32
      %min3A_109 = arith.minsi %add3A_107, %min3A_108 : i32
      %dma_start3A_110 = arith.constant 1 : i32
      %dma_start3A_111 = arith.constant 0 : i32
      %dma_start3A_112 = arith.constant 0 : i32
      %dma_start3A_113 = tpu.memref_slice %arg6[%dma_start3A_110, %dma_start3A_111, %dma_start3A_112] : memref<2x104x64xf32, #tpu.memory_space<vmem>> -> memref<1x104x64xf32, #tpu.memory_space<vmem>>
      %dma_start3A_114 = tpu.memref_squeeze %dma_start3A_113 : memref<1x104x64xf32, #tpu.memory_space<vmem>> -> memref<104x64xf32, #tpu.memory_space<vmem>>
      %dma_start3A_115 = arith.constant 0 : i32
      %dma_start3A_116 = tpu.memref_slice %arg5[%min3A_109, %dma_start3A_115] : memref<50x104xi32, #tpu.memory_space<vmem>> -> memref<1x104xi32, #tpu.memory_space<vmem>>
      %dma_start3A_117 = tpu.memref_squeeze %dma_start3A_116 : memref<1x104xi32, #tpu.memory_space<vmem>> -> memref<104xi32, #tpu.memory_space<vmem>>
      %dma_start3A_118 = arith.constant 0 : i32
      %dma_start3A_119 = arith.constant 0 : i32
      %dma_start3A_120 = tpu.memref_slice %arg2[%dma_start3A_118, %dma_start3A_119] : memref<100000x64xf32, #tpu.memory_space<hbm>> -> memref<100000x64xf32, #tpu.memory_space<hbm>>
      tpu.enqueue_indirect_dma source(%dma_start3A_120 : memref<100000x64xf32, #tpu.memory_space<hbm>>) target(%dma_start3A_114 : memref<104x64xf32, #tpu.memory_space<vmem>>) offsets(%dma_start3A_117 : memref<104xi32, #tpu.memory_space<vmem>>) semaphore(%arg8 : memref<!tpu.dma_semaphore, #tpu.memory_space<semaphore_mem>>)
    }
    %scan3A_30 = arith.constant 25 : i32
    %dma_wait3A = arith.constant 0 : i32
    %dma_wait3A_31 = arith.constant 0 : i32
    %dma_wait3A_32 = arith.constant 0 : i32
    %dma_wait3A_33 = arith.constant 0 : i32
    %dma_wait3A_34 = tpu.memref_slice %arg6[%dma_wait3A_31, %dma_wait3A_32, %dma_wait3A_33] : memref<2x104x64xf32, #tpu.memory_space<vmem>> -> memref<1x104x64xf32, #tpu.memory_space<vmem>>
    %dma_wait3A_35 = tpu.memref_squeeze %dma_wait3A_34 : memref<1x104x64xf32, #tpu.memory_space<vmem>> -> memref<104x64xf32, #tpu.memory_space<vmem>>
    %dma_wait3A_36 = arith.constant 0 : i32
    %dma_wait3A_37 = tpu.memref_slice %arg5[%dma_wait3A, %dma_wait3A_36] : memref<50x104xi32, #tpu.memory_space<vmem>> -> memref<1x104xi32, #tpu.memory_space<vmem>>
    %dma_wait3A_38 = tpu.memref_squeeze %dma_wait3A_37 : memref<1x104xi32, #tpu.memory_space<vmem>> -> memref<104xi32, #tpu.memory_space<vmem>>
    %dma_wait3A_39 = arith.constant 0 : i32
    %dma_wait3A_40 = arith.constant 0 : i32
    %dma_wait3A_41 = tpu.memref_slice %arg2[%dma_wait3A_39, %dma_wait3A_40] : memref<100000x64xf32, #tpu.memory_space<hbm>> -> memref<100000x64xf32, #tpu.memory_space<hbm>>
    tpu.wait_indirect_dma semaphore(%arg7 : memref<!tpu.dma_semaphore, #tpu.memory_space<semaphore_mem>>) src(%dma_wait3A_41 : memref<100000x64xf32, #tpu.memory_space<hbm>>) dst(%dma_wait3A_35 : memref<104x64xf32, #tpu.memory_space<vmem>>)
    %dma_wait3A_42 = arith.constant 1 : i32
    %dma_wait3A_43 = arith.constant 1 : i32
    %dma_wait3A_44 = arith.constant 0 : i32
    %dma_wait3A_45 = arith.constant 0 : i32
    %dma_wait3A_46 = tpu.memref_slice %arg6[%dma_wait3A_43, %dma_wait3A_44, %dma_wait3A_45] : memref<2x104x64xf32, #tpu.memory_space<vmem>> -> memref<1x104x64xf32, #tpu.memory_space<vmem>>
    %dma_wait3A_47 = tpu.memref_squeeze %dma_wait3A_46 : memref<1x104x64xf32, #tpu.memory_space<vmem>> -> memref<104x64xf32, #tpu.memory_space<vmem>>
    %dma_wait3A_48 = arith.constant 0 : i32
    %dma_wait3A_49 = tpu.memref_slice %arg5[%dma_wait3A_42, %dma_wait3A_48] : memref<50x104xi32, #tpu.memory_space<vmem>> -> memref<1x104xi32, #tpu.memory_space<vmem>>
    %dma_wait3A_50 = tpu.memref_squeeze %dma_wait3A_49 : memref<1x104xi32, #tpu.memory_space<vmem>> -> memref<104xi32, #tpu.memory_space<vmem>>
    %dma_wait3A_51 = arith.constant 0 : i32
    %dma_wait3A_52 = arith.constant 0 : i32
    %dma_wait3A_53 = tpu.memref_slice %arg2[%dma_wait3A_51, %dma_wait3A_52] : memref<100000x64xf32, #tpu.memory_space<hbm>> -> memref<100000x64xf32, #tpu.memory_space<hbm>>
    tpu.wait_indirect_dma semaphore(%arg8 : memref<!tpu.dma_semaphore, #tpu.memory_space<semaphore_mem>>) src(%dma_wait3A_53 : memref<100000x64xf32, #tpu.memory_space<hbm>>) dst(%dma_wait3A_47 : memref<104x64xf32, #tpu.memory_space<vmem>>)
    return
  }
}

#map = affine_map<(d0, d1) -> (0, 0)>
#map1 = affine_map<(d0, d1) -> (0, 0, 0)>
module attributes {stable_mosaic.version = 14 : i64} {
  func.func @k(%arg0: i32, %arg1: i32, %arg2: memref<100000x64xf32, #tpu.memory_space<hbm>>, %arg3: memref<32x50x104xi32, #tpu.memory_space<hbm>>, %arg4: memref<166400x64xf32, #tpu.memory_space<hbm>>, %arg5: memref<50x104xi32, #tpu.memory_space<vmem>>, %arg6: memref<2x104x64xf32, #tpu.memory_space<vmem>>, %arg7: memref<!tpu.dma_semaphore, #tpu.memory_space<semaphore_mem>>, %arg8: memref<!tpu.dma_semaphore, #tpu.memory_space<semaphore_mem>>) attributes {dimension_semantics = [#tpu.dimension_semantics<core_parallel>, #tpu.dimension_semantics<subcore_parallel>], iteration_bounds = array<i64: 2, 16>, scalar_prefetch = 0 : i64, scratch_operands = 4 : i64, tpu.core_type = #tpu.core_type<sc_vector_subcore>, window_params = [{transform_indices = #map}, {transform_indices = #map1}, {transform_indices = #map}]} {
    %mul3A = arith.constant 2 : i32
    %mul3A_0 = arith.muli %arg1, %mul3A : i32
    %add3A = arith.addi %mul3A_0, %arg0 : i32
    %mul3A_1 = arith.constant 50 : i32
    %mul3A_2 = arith.muli %add3A, %mul3A_1 : i32
    "tpu.region"() ({
      %run_scoped3A = tpu.sem_alloc : memref<!tpu.dma_semaphore, #tpu.memory_space<semaphore_mem>>
      %dma_start3A_54 = arith.constant 0 : i32
      %dma_start3A_55 = arith.constant 0 : i32
      %dma_start3A_56 = tpu.memref_slice %arg3[%add3A, %dma_start3A_54, %dma_start3A_55] : memref<32x50x104xi32, #tpu.memory_space<hbm>> -> memref<1x50x104xi32, #tpu.memory_space<hbm>>
      %dma_start3A_57 = tpu.memref_squeeze %dma_start3A_56 : memref<1x50x104xi32, #tpu.memory_space<hbm>> -> memref<50x104xi32, #tpu.memory_space<hbm>>
      %dma_start3A_58 = arith.constant 0 : i32
      %dma_start3A_59 = arith.constant 0 : i32
      %dma_start3A_60 = tpu.memref_slice %arg3[%add3A, %dma_start3A_58, %dma_start3A_59] : memref<32x50x104xi32, #tpu.memory_space<hbm>> -> memref<1x50x104xi32, #tpu.memory_space<hbm>>
      %dma_start3A_61 = tpu.memref_squeeze %dma_start3A_60 : memref<1x50x104xi32, #tpu.memory_space<hbm>> -> memref<50x104xi32, #tpu.memory_space<hbm>>
      tpu.enqueue_dma source(%dma_start3A_61 : memref<50x104xi32, #tpu.memory_space<hbm>>) target(%arg5 : memref<50x104xi32, #tpu.memory_space<vmem>>) target_semaphore(%run_scoped3A : memref<!tpu.dma_semaphore, #tpu.memory_space<semaphore_mem>>)
      %dma_wait3A_62 = arith.constant 0 : i32
      %dma_wait3A_63 = arith.constant 0 : i32
      %dma_wait3A_64 = tpu.memref_slice %arg3[%add3A, %dma_wait3A_62, %dma_wait3A_63] : memref<32x50x104xi32, #tpu.memory_space<hbm>> -> memref<1x50x104xi32, #tpu.memory_space<hbm>>
      %dma_wait3A_65 = tpu.memref_squeeze %dma_wait3A_64 : memref<1x50x104xi32, #tpu.memory_space<hbm>> -> memref<50x104xi32, #tpu.memory_space<hbm>>
      %dma_wait3A_66 = arith.constant 0 : i32
      %dma_wait3A_67 = arith.constant 0 : i32
      %dma_wait3A_68 = tpu.memref_slice %arg3[%add3A, %dma_wait3A_66, %dma_wait3A_67] : memref<32x50x104xi32, #tpu.memory_space<hbm>> -> memref<1x50x104xi32, #tpu.memory_space<hbm>>
      %dma_wait3A_69 = tpu.memref_squeeze %dma_wait3A_68 : memref<1x50x104xi32, #tpu.memory_space<hbm>> -> memref<50x104xi32, #tpu.memory_space<hbm>>
      tpu.wait_dma2 semaphore(%run_scoped3A : memref<!tpu.dma_semaphore, #tpu.memory_space<semaphore_mem>>) src(%dma_wait3A_69 : memref<50x104xi32, #tpu.memory_space<hbm>>) dst(%arg5 : memref<50x104xi32, #tpu.memory_space<vmem>>)
      tpu.yield
    }) : () -> ()
    %dma_start3A = arith.constant 0 : i32
    %dma_start3A_3 = arith.constant 0 : i32
    %dma_start3A_4 = arith.constant 0 : i32
    %dma_start3A_5 = arith.constant 0 : i32
    %dma_start3A_6 = tpu.memref_slice %arg6[%dma_start3A_3, %dma_start3A_4, %dma_start3A_5] : memref<2x104x64xf32, #tpu.memory_space<vmem>> -> memref<1x104x64xf32, #tpu.memory_space<vmem>>
    %dma_start3A_7 = tpu.memref_squeeze %dma_start3A_6 : memref<1x104x64xf32, #tpu.memory_space<vmem>> -> memref<104x64xf32, #tpu.memory_space<vmem>>
    %dma_start3A_8 = arith.constant 0 : i32
    %dma_start3A_9 = tpu.memref_slice %arg5[%dma_start3A, %dma_start3A_8] : memref<50x104xi32, #tpu.memory_space<vmem>> -> memref<1x104xi32, #tpu.memory_space<vmem>>
    %dma_start3A_10 = tpu.memref_squeeze %dma_start3A_9 : memref<1x104xi32, #tpu.memory_space<vmem>> -> memref<104xi32, #tpu.memory_space<vmem>>
    %dma_start3A_11 = arith.constant 0 : i32
    %dma_start3A_12 = arith.constant 0 : i32
    %dma_start3A_13 = tpu.memref_slice %arg2[%dma_start3A_11, %dma_start3A_12] : memref<100000x64xf32, #tpu.memory_space<hbm>> -> memref<100000x64xf32, #tpu.memory_space<hbm>>
    tpu.enqueue_indirect_dma source(%dma_start3A_13 : memref<100000x64xf32, #tpu.memory_space<hbm>>) target(%dma_start3A_7 : memref<104x64xf32, #tpu.memory_space<vmem>>) offsets(%dma_start3A_10 : memref<104xi32, #tpu.memory_space<vmem>>) semaphore(%arg7 : memref<!tpu.dma_semaphore, #tpu.memory_space<semaphore_mem>>)
    %dma_start3A_14 = arith.constant 1 : i32
    %dma_start3A_15 = arith.constant 1 : i32
    %dma_start3A_16 = arith.constant 0 : i32
    %dma_start3A_17 = arith.constant 0 : i32
    %dma_start3A_18 = tpu.memref_slice %arg6[%dma_start3A_15, %dma_start3A_16, %dma_start3A_17] : memref<2x104x64xf32, #tpu.memory_space<vmem>> -> memref<1x104x64xf32, #tpu.memory_space<vmem>>
    %dma_start3A_19 = tpu.memref_squeeze %dma_start3A_18 : memref<1x104x64xf32, #tpu.memory_space<vmem>> -> memref<104x64xf32, #tpu.memory_space<vmem>>
    %dma_start3A_20 = arith.constant 0 : i32
    %dma_start3A_21 = tpu.memref_slice %arg5[%dma_start3A_14, %dma_start3A_20] : memref<50x104xi32, #tpu.memory_space<vmem>> -> memref<1x104xi32, #tpu.memory_space<vmem>>
    %dma_start3A_22 = tpu.memref_squeeze %dma_start3A_21 : memref<1x104xi32, #tpu.memory_space<vmem>> -> memref<104xi32, #tpu.memory_space<vmem>>
    %dma_start3A_23 = arith.constant 0 : i32
    %dma_start3A_24 = arith.constant 0 : i32
    %dma_start3A_25 = tpu.memref_slice %arg2[%dma_start3A_23, %dma_start3A_24] : memref<100000x64xf32, #tpu.memory_space<hbm>> -> memref<100000x64xf32, #tpu.memory_space<hbm>>
    tpu.enqueue_indirect_dma source(%dma_start3A_25 : memref<100000x64xf32, #tpu.memory_space<hbm>>) target(%dma_start3A_19 : memref<104x64xf32, #tpu.memory_space<vmem>>) offsets(%dma_start3A_22 : memref<104xi32, #tpu.memory_space<vmem>>) semaphore(%arg8 : memref<!tpu.dma_semaphore, #tpu.memory_space<semaphore_mem>>)
    %scan3A = arith.constant 0 : i32
    %scan3A_26 = arith.constant 0 : i32
    %scan3A_27 = arith.constant 25 : i32
    %scan3A_28 = arith.addi %scan3A_26, %scan3A_27 : i32
    %scan3A_29 = arith.constant 1 : i32
    scf.for %scan3A_54 = %scan3A_26 to %scan3A_28 step %scan3A_29  : i32 {
      %mul3A_55 = arith.constant 2 : i32
      %mul3A_56 = arith.muli %mul3A_55, %scan3A_54 : i32
      %add3A_57 = arith.constant 0 : i32
      %add3A_58 = arith.addi %mul3A_56, %add3A_57 : i32
      %dma_wait3A_59 = arith.constant 0 : i32
      %dma_wait3A_60 = arith.constant 0 : i32
      %dma_wait3A_61 = arith.constant 0 : i32
      %dma_wait3A_62 = tpu.memref_slice %arg6[%dma_wait3A_59, %dma_wait3A_60, %dma_wait3A_61] : memref<2x104x64xf32, #tpu.memory_space<vmem>> -> memref<1x104x64xf32, #tpu.memory_space<vmem>>
      %dma_wait3A_63 = tpu.memref_squeeze %dma_wait3A_62 : memref<1x104x64xf32, #tpu.memory_space<vmem>> -> memref<104x64xf32, #tpu.memory_space<vmem>>
      %dma_wait3A_64 = arith.constant 0 : i32
      %dma_wait3A_65 = tpu.memref_slice %arg5[%add3A_58, %dma_wait3A_64] : memref<50x104xi32, #tpu.memory_space<vmem>> -> memref<1x104xi32, #tpu.memory_space<vmem>>
      %dma_wait3A_66 = tpu.memref_squeeze %dma_wait3A_65 : memref<1x104xi32, #tpu.memory_space<vmem>> -> memref<104xi32, #tpu.memory_space<vmem>>
      %dma_wait3A_67 = arith.constant 0 : i32
      %dma_wait3A_68 = arith.constant 0 : i32
      %dma_wait3A_69 = tpu.memref_slice %arg2[%dma_wait3A_67, %dma_wait3A_68] : memref<100000x64xf32, #tpu.memory_space<hbm>> -> memref<100000x64xf32, #tpu.memory_space<hbm>>
      tpu.wait_indirect_dma semaphore(%arg7 : memref<!tpu.dma_semaphore, #tpu.memory_space<semaphore_mem>>) src(%dma_wait3A_69 : memref<100000x64xf32, #tpu.memory_space<hbm>>) dst(%dma_wait3A_63 : memref<104x64xf32, #tpu.memory_space<vmem>>)
      %add3A_70 = arith.addi %mul3A_2, %add3A_58 : i32
      %mul3A_71 = arith.constant 104 : i32
      %mul3A_72 = arith.muli %add3A_70, %mul3A_71 : i32
      %run_scoped3A = arith.constant 0 : i32
      "tpu.region"() ({
        %run_scoped3A_121 = tpu.sem_alloc : memref<!tpu.dma_semaphore, #tpu.memory_space<semaphore_mem>>
        %dma_start3A_122 = arith.constant 0 : i32
        %dma_start3A_123 = arith.constant 0 : i32
        %dma_start3A_124 = tpu.memref_slice %arg6[%run_scoped3A, %dma_start3A_122, %dma_start3A_123] : memref<2x104x64xf32, #tpu.memory_space<vmem>> -> memref<1x104x64xf32, #tpu.memory_space<vmem>>
        %dma_start3A_125 = tpu.memref_squeeze %dma_start3A_124 : memref<1x104x64xf32, #tpu.memory_space<vmem>> -> memref<104x64xf32, #tpu.memory_space<vmem>>
        %dma_start3A_126 = arith.constant 0 : i32
        %dma_start3A_127 = tpu.memref_slice %arg4[%mul3A_72, %dma_start3A_126] : memref<166400x64xf32, #tpu.memory_space<hbm>> -> memref<104x64xf32, #tpu.memory_space<hbm>>
        %dma_start3A_128 = arith.constant 0 : i32
        %dma_start3A_129 = tpu.memref_slice %arg4[%mul3A_72, %dma_start3A_128] : memref<166400x64xf32, #tpu.memory_space<hbm>> -> memref<104x64xf32, #tpu.memory_space<hbm>>
        %dma_start3A_130 = arith.constant 0 : i32
        %dma_start3A_131 = arith.constant 0 : i32
        %dma_start3A_132 = tpu.memref_slice %arg6[%run_scoped3A, %dma_start3A_130, %dma_start3A_131] : memref<2x104x64xf32, #tpu.memory_space<vmem>> -> memref<1x104x64xf32, #tpu.memory_space<vmem>>
        %dma_start3A_133 = tpu.memref_squeeze %dma_start3A_132 : memref<1x104x64xf32, #tpu.memory_space<vmem>> -> memref<104x64xf32, #tpu.memory_space<vmem>>
        tpu.enqueue_dma source(%dma_start3A_133 : memref<104x64xf32, #tpu.memory_space<vmem>>) target(%dma_start3A_129 : memref<104x64xf32, #tpu.memory_space<hbm>>) target_semaphore(%run_scoped3A_121 : memref<!tpu.dma_semaphore, #tpu.memory_space<semaphore_mem>>)
        %dma_wait3A_134 = arith.constant 0 : i32
        %dma_wait3A_135 = arith.constant 0 : i32
        %dma_wait3A_136 = tpu.memref_slice %arg6[%run_scoped3A, %dma_wait3A_134, %dma_wait3A_135] : memref<2x104x64xf32, #tpu.memory_space<vmem>> -> memref<1x104x64xf32, #tpu.memory_space<vmem>>
        %dma_wait3A_137 = tpu.memref_squeeze %dma_wait3A_136 : memref<1x104x64xf32, #tpu.memory_space<vmem>> -> memref<104x64xf32, #tpu.memory_space<vmem>>
        %dma_wait3A_138 = arith.constant 0 : i32
        %dma_wait3A_139 = tpu.memref_slice %arg4[%mul3A_72, %dma_wait3A_138] : memref<166400x64xf32, #tpu.memory_space<hbm>> -> memref<104x64xf32, #tpu.memory_space<hbm>>
        %dma_wait3A_140 = arith.constant 0 : i32
        %dma_wait3A_141 = tpu.memref_slice %arg4[%mul3A_72, %dma_wait3A_140] : memref<166400x64xf32, #tpu.memory_space<hbm>> -> memref<104x64xf32, #tpu.memory_space<hbm>>
        %dma_wait3A_142 = arith.constant 0 : i32
        %dma_wait3A_143 = arith.constant 0 : i32
        %dma_wait3A_144 = tpu.memref_slice %arg6[%run_scoped3A, %dma_wait3A_142, %dma_wait3A_143] : memref<2x104x64xf32, #tpu.memory_space<vmem>> -> memref<1x104x64xf32, #tpu.memory_space<vmem>>
        %dma_wait3A_145 = tpu.memref_squeeze %dma_wait3A_144 : memref<1x104x64xf32, #tpu.memory_space<vmem>> -> memref<104x64xf32, #tpu.memory_space<vmem>>
        tpu.wait_dma2 semaphore(%run_scoped3A_121 : memref<!tpu.dma_semaphore, #tpu.memory_space<semaphore_mem>>) src(%dma_wait3A_145 : memref<104x64xf32, #tpu.memory_space<vmem>>) dst(%dma_wait3A_141 : memref<104x64xf32, #tpu.memory_space<hbm>>)
        tpu.yield
      }) : () -> ()
      %add3A_73 = arith.constant 2 : i32
      %add3A_74 = arith.addi %add3A_58, %add3A_73 : i32
      %min3A = arith.constant 49 : i32
      %min3A_75 = arith.minsi %add3A_74, %min3A : i32
      %dma_start3A_76 = arith.constant 0 : i32
      %dma_start3A_77 = arith.constant 0 : i32
      %dma_start3A_78 = arith.constant 0 : i32
      %dma_start3A_79 = tpu.memref_slice %arg6[%dma_start3A_76, %dma_start3A_77, %dma_start3A_78] : memref<2x104x64xf32, #tpu.memory_space<vmem>> -> memref<1x104x64xf32, #tpu.memory_space<vmem>>
      %dma_start3A_80 = tpu.memref_squeeze %dma_start3A_79 : memref<1x104x64xf32, #tpu.memory_space<vmem>> -> memref<104x64xf32, #tpu.memory_space<vmem>>
      %dma_start3A_81 = arith.constant 0 : i32
      %dma_start3A_82 = tpu.memref_slice %arg5[%min3A_75, %dma_start3A_81] : memref<50x104xi32, #tpu.memory_space<vmem>> -> memref<1x104xi32, #tpu.memory_space<vmem>>
      %dma_start3A_83 = tpu.memref_squeeze %dma_start3A_82 : memref<1x104xi32, #tpu.memory_space<vmem>> -> memref<104xi32, #tpu.memory_space<vmem>>
      %dma_start3A_84 = arith.constant 0 : i32
      %dma_start3A_85 = arith.constant 0 : i32
      %dma_start3A_86 = tpu.memref_slice %arg2[%dma_start3A_84, %dma_start3A_85] : memref<100000x64xf32, #tpu.memory_space<hbm>> -> memref<100000x64xf32, #tpu.memory_space<hbm>>
      tpu.enqueue_indirect_dma source(%dma_start3A_86 : memref<100000x64xf32, #tpu.memory_space<hbm>>) target(%dma_start3A_80 : memref<104x64xf32, #tpu.memory_space<vmem>>) offsets(%dma_start3A_83 : memref<104xi32, #tpu.memory_space<vmem>>) semaphore(%arg7 : memref<!tpu.dma_semaphore, #tpu.memory_space<semaphore_mem>>)
      %mul3A_87 = arith.constant 2 : i32
      %mul3A_88 = arith.muli %mul3A_87, %scan3A_54 : i32
      %add3A_89 = arith.constant 1 : i32
      %add3A_90 = arith.addi %mul3A_88, %add3A_89 : i32
      %dma_wait3A_91 = arith.constant 1 : i32
      %dma_wait3A_92 = arith.constant 0 : i32
      %dma_wait3A_93 = arith.constant 0 : i32
      %dma_wait3A_94 = tpu.memref_slice %arg6[%dma_wait3A_91, %dma_wait3A_92, %dma_wait3A_93] : memref<2x104x64xf32, #tpu.memory_space<vmem>> -> memref<1x104x64xf32, #tpu.memory_space<vmem>>
      %dma_wait3A_95 = tpu.memref_squeeze %dma_wait3A_94 : memref<1x104x64xf32, #tpu.memory_space<vmem>> -> memref<104x64xf32, #tpu.memory_space<vmem>>
      %dma_wait3A_96 = arith.constant 0 : i32
      %dma_wait3A_97 = tpu.memref_slice %arg5[%add3A_90, %dma_wait3A_96] : memref<50x104xi32, #tpu.memory_space<vmem>> -> memref<1x104xi32, #tpu.memory_space<vmem>>
      %dma_wait3A_98 = tpu.memref_squeeze %dma_wait3A_97 : memref<1x104xi32, #tpu.memory_space<vmem>> -> memref<104xi32, #tpu.memory_space<vmem>>
      %dma_wait3A_99 = arith.constant 0 : i32
      %dma_wait3A_100 = arith.constant 0 : i32
      %dma_wait3A_101 = tpu.memref_slice %arg2[%dma_wait3A_99, %dma_wait3A_100] : memref<100000x64xf32, #tpu.memory_space<hbm>> -> memref<100000x64xf32, #tpu.memory_space<hbm>>
      tpu.wait_indirect_dma semaphore(%arg8 : memref<!tpu.dma_semaphore, #tpu.memory_space<semaphore_mem>>) src(%dma_wait3A_101 : memref<100000x64xf32, #tpu.memory_space<hbm>>) dst(%dma_wait3A_95 : memref<104x64xf32, #tpu.memory_space<vmem>>)
      %add3A_102 = arith.addi %mul3A_2, %add3A_90 : i32
      %mul3A_103 = arith.constant 104 : i32
      %mul3A_104 = arith.muli %add3A_102, %mul3A_103 : i32
      %run_scoped3A_105 = arith.constant 1 : i32
      "tpu.region"() ({
        %run_scoped3A_121 = tpu.sem_alloc : memref<!tpu.dma_semaphore, #tpu.memory_space<semaphore_mem>>
        %dma_start3A_122 = arith.constant 0 : i32
        %dma_start3A_123 = arith.constant 0 : i32
        %dma_start3A_124 = tpu.memref_slice %arg6[%run_scoped3A_105, %dma_start3A_122, %dma_start3A_123] : memref<2x104x64xf32, #tpu.memory_space<vmem>> -> memref<1x104x64xf32, #tpu.memory_space<vmem>>
        %dma_start3A_125 = tpu.memref_squeeze %dma_start3A_124 : memref<1x104x64xf32, #tpu.memory_space<vmem>> -> memref<104x64xf32, #tpu.memory_space<vmem>>
        %dma_start3A_126 = arith.constant 0 : i32
        %dma_start3A_127 = tpu.memref_slice %arg4[%mul3A_104, %dma_start3A_126] : memref<166400x64xf32, #tpu.memory_space<hbm>> -> memref<104x64xf32, #tpu.memory_space<hbm>>
        %dma_start3A_128 = arith.constant 0 : i32
        %dma_start3A_129 = tpu.memref_slice %arg4[%mul3A_104, %dma_start3A_128] : memref<166400x64xf32, #tpu.memory_space<hbm>> -> memref<104x64xf32, #tpu.memory_space<hbm>>
        %dma_start3A_130 = arith.constant 0 : i32
        %dma_start3A_131 = arith.constant 0 : i32
        %dma_start3A_132 = tpu.memref_slice %arg6[%run_scoped3A_105, %dma_start3A_130, %dma_start3A_131] : memref<2x104x64xf32, #tpu.memory_space<vmem>> -> memref<1x104x64xf32, #tpu.memory_space<vmem>>
        %dma_start3A_133 = tpu.memref_squeeze %dma_start3A_132 : memref<1x104x64xf32, #tpu.memory_space<vmem>> -> memref<104x64xf32, #tpu.memory_space<vmem>>
        tpu.enqueue_dma source(%dma_start3A_133 : memref<104x64xf32, #tpu.memory_space<vmem>>) target(%dma_start3A_129 : memref<104x64xf32, #tpu.memory_space<hbm>>) target_semaphore(%run_scoped3A_121 : memref<!tpu.dma_semaphore, #tpu.memory_space<semaphore_mem>>)
        %dma_wait3A_134 = arith.constant 0 : i32
        %dma_wait3A_135 = arith.constant 0 : i32
        %dma_wait3A_136 = tpu.memref_slice %arg6[%run_scoped3A_105, %dma_wait3A_134, %dma_wait3A_135] : memref<2x104x64xf32, #tpu.memory_space<vmem>> -> memref<1x104x64xf32, #tpu.memory_space<vmem>>
        %dma_wait3A_137 = tpu.memref_squeeze %dma_wait3A_136 : memref<1x104x64xf32, #tpu.memory_space<vmem>> -> memref<104x64xf32, #tpu.memory_space<vmem>>
        %dma_wait3A_138 = arith.constant 0 : i32
        %dma_wait3A_139 = tpu.memref_slice %arg4[%mul3A_104, %dma_wait3A_138] : memref<166400x64xf32, #tpu.memory_space<hbm>> -> memref<104x64xf32, #tpu.memory_space<hbm>>
        %dma_wait3A_140 = arith.constant 0 : i32
        %dma_wait3A_141 = tpu.memref_slice %arg4[%mul3A_104, %dma_wait3A_140] : memref<166400x64xf32, #tpu.memory_space<hbm>> -> memref<104x64xf32, #tpu.memory_space<hbm>>
        %dma_wait3A_142 = arith.constant 0 : i32
        %dma_wait3A_143 = arith.constant 0 : i32
        %dma_wait3A_144 = tpu.memref_slice %arg6[%run_scoped3A_105, %dma_wait3A_142, %dma_wait3A_143] : memref<2x104x64xf32, #tpu.memory_space<vmem>> -> memref<1x104x64xf32, #tpu.memory_space<vmem>>
        %dma_wait3A_145 = tpu.memref_squeeze %dma_wait3A_144 : memref<1x104x64xf32, #tpu.memory_space<vmem>> -> memref<104x64xf32, #tpu.memory_space<vmem>>
        tpu.wait_dma2 semaphore(%run_scoped3A_121 : memref<!tpu.dma_semaphore, #tpu.memory_space<semaphore_mem>>) src(%dma_wait3A_145 : memref<104x64xf32, #tpu.memory_space<vmem>>) dst(%dma_wait3A_141 : memref<104x64xf32, #tpu.memory_space<hbm>>)
        tpu.yield
      }) : () -> ()
      %add3A_106 = arith.constant 2 : i32
      %add3A_107 = arith.addi %add3A_90, %add3A_106 : i32
      %min3A_108 = arith.constant 49 : i32
      %min3A_109 = arith.minsi %add3A_107, %min3A_108 : i32
      %dma_start3A_110 = arith.constant 1 : i32
      %dma_start3A_111 = arith.constant 0 : i32
      %dma_start3A_112 = arith.constant 0 : i32
      %dma_start3A_113 = tpu.memref_slice %arg6[%dma_start3A_110, %dma_start3A_111, %dma_start3A_112] : memref<2x104x64xf32, #tpu.memory_space<vmem>> -> memref<1x104x64xf32, #tpu.memory_space<vmem>>
      %dma_start3A_114 = tpu.memref_squeeze %dma_start3A_113 : memref<1x104x64xf32, #tpu.memory_space<vmem>> -> memref<104x64xf32, #tpu.memory_space<vmem>>
      %dma_start3A_115 = arith.constant 0 : i32
      %dma_start3A_116 = tpu.memref_slice %arg5[%min3A_109, %dma_start3A_115] : memref<50x104xi32, #tpu.memory_space<vmem>> -> memref<1x104xi32, #tpu.memory_space<vmem>>
      %dma_start3A_117 = tpu.memref_squeeze %dma_start3A_116 : memref<1x104xi32, #tpu.memory_space<vmem>> -> memref<104xi32, #tpu.memory_space<vmem>>
      %dma_start3A_118 = arith.constant 0 : i32
      %dma_start3A_119 = arith.constant 0 : i32
      %dma_start3A_120 = tpu.memref_slice %arg2[%dma_start3A_118, %dma_start3A_119] : memref<100000x64xf32, #tpu.memory_space<hbm>> -> memref<100000x64xf32, #tpu.memory_space<hbm>>
      tpu.enqueue_indirect_dma source(%dma_start3A_120 : memref<100000x64xf32, #tpu.memory_space<hbm>>) target(%dma_start3A_114 : memref<104x64xf32, #tpu.memory_space<vmem>>) offsets(%dma_start3A_117 : memref<104xi32, #tpu.memory_space<vmem>>) semaphore(%arg8 : memref<!tpu.dma_semaphore, #tpu.memory_space<semaphore_mem>>)
    }
    %scan3A_30 = arith.constant 25 : i32
    %dma_wait3A = arith.constant 0 : i32
    %dma_wait3A_31 = arith.constant 0 : i32
    %dma_wait3A_32 = arith.constant 0 : i32
    %dma_wait3A_33 = arith.constant 0 : i32
    %dma_wait3A_34 = tpu.memref_slice %arg6[%dma_wait3A_31, %dma_wait3A_32, %dma_wait3A_33] : memref<2x104x64xf32, #tpu.memory_space<vmem>> -> memref<1x104x64xf32, #tpu.memory_space<vmem>>
    %dma_wait3A_35 = tpu.memref_squeeze %dma_wait3A_34 : memref<1x104x64xf32, #tpu.memory_space<vmem>> -> memref<104x64xf32, #tpu.memory_space<vmem>>
    %dma_wait3A_36 = arith.constant 0 : i32
    %dma_wait3A_37 = tpu.memref_slice %arg5[%dma_wait3A, %dma_wait3A_36] : memref<50x104xi32, #tpu.memory_space<vmem>> -> memref<1x104xi32, #tpu.memory_space<vmem>>
    %dma_wait3A_38 = tpu.memref_squeeze %dma_wait3A_37 : memref<1x104xi32, #tpu.memory_space<vmem>> -> memref<104xi32, #tpu.memory_space<vmem>>
    %dma_wait3A_39 = arith.constant 0 : i32
    %dma_wait3A_40 = arith.constant 0 : i32
    %dma_wait3A_41 = tpu.memref_slice %arg2[%dma_wait3A_39, %dma_wait3A_40] : memref<100000x64xf32, #tpu.memory_space<hbm>> -> memref<100000x64xf32, #tpu.memory_space<hbm>>
    tpu.wait_indirect_dma semaphore(%arg7 : memref<!tpu.dma_semaphore, #tpu.memory_space<semaphore_mem>>) src(%dma_wait3A_41 : memref<100000x64xf32, #tpu.memory_space<hbm>>) dst(%dma_wait3A_35 : memref<104x64xf32, #tpu.memory_space<vmem>>)
    %dma_wait3A_42 = arith.constant 1 : i32
    %dma_wait3A_43 = arith.constant 1 : i32
    %dma_wait3A_44 = arith.constant 0 : i32
    %dma_wait3A_45 = arith.constant 0 : i32
    %dma_wait3A_46 = tpu.memref_slice %arg6[%dma_wait3A_43, %dma_wait3A_44, %dma_wait3A_45] : memref<2x104x64xf32, #tpu.memory_space<vmem>> -> memref<1x104x64xf32, #tpu.memory_space<vmem>>
    %dma_wait3A_47 = tpu.memref_squeeze %dma_wait3A_46 : memref<1x104x64xf32, #tpu.memory_space<vmem>> -> memref<104x64xf32, #tpu.memory_space<vmem>>
    %dma_wait3A_48 = arith.constant 0 : i32
    %dma_wait3A_49 = tpu.memref_slice %arg5[%dma_wait3A_42, %dma_wait3A_48] : memref<50x104xi32, #tpu.memory_space<vmem>> -> memref<1x104xi32, #tpu.memory_space<vmem>>
    %dma_wait3A_50 = tpu.memref_squeeze %dma_wait3A_49 : memref<1x104xi32, #tpu.memory_space<vmem>> -> memref<104xi32, #tpu.memory_space<vmem>>
    %dma_wait3A_51 = arith.constant 0 : i32
    %dma_wait3A_52 = arith.constant 0 : i32
    %dma_wait3A_53 = tpu.memref_slice %arg2[%dma_wait3A_51, %dma_wait3A_52] : memref<100000x64xf32, #tpu.memory_space<hbm>> -> memref<100000x64xf32, #tpu.memory_space<hbm>>
    tpu.wait_indirect_dma semaphore(%arg8 : memref<!tpu.dma_semaphore, #tpu.memory_space<semaphore_mem>>) src(%dma_wait3A_53 : memref<100000x64xf32, #tpu.memory_space<hbm>>) dst(%dma_wait3A_47 : memref<104x64xf32, #tpu.memory_space<vmem>>)
    return
  }
}

#map = affine_map<(d0, d1) -> (0, 0)>
#map1 = affine_map<(d0, d1) -> (0, 0, 0)>
module attributes {stable_mosaic.version = 14 : i64} {
  func.func @k(%arg0: i32, %arg1: i32, %arg2: memref<100000x64xf32, #tpu.memory_space<hbm>>, %arg3: memref<32x50x104xi32, #tpu.memory_space<hbm>>, %arg4: memref<166400x64xf32, #tpu.memory_space<hbm>>, %arg5: memref<50x104xi32, #tpu.memory_space<vmem>>, %arg6: memref<2x104x64xf32, #tpu.memory_space<vmem>>, %arg7: memref<!tpu.dma_semaphore, #tpu.memory_space<semaphore_mem>>, %arg8: memref<!tpu.dma_semaphore, #tpu.memory_space<semaphore_mem>>) attributes {dimension_semantics = [#tpu.dimension_semantics<core_parallel>, #tpu.dimension_semantics<subcore_parallel>], iteration_bounds = array<i64: 2, 16>, scalar_prefetch = 0 : i64, scratch_operands = 4 : i64, tpu.core_type = #tpu.core_type<sc_vector_subcore>, window_params = [{transform_indices = #map}, {transform_indices = #map1}, {transform_indices = #map}]} {
    %mul3A = arith.constant 2 : i32
    %mul3A_0 = arith.muli %arg1, %mul3A : i32
    %add3A = arith.addi %mul3A_0, %arg0 : i32
    %mul3A_1 = arith.constant 50 : i32
    %mul3A_2 = arith.muli %add3A, %mul3A_1 : i32
    "tpu.region"() ({
      %run_scoped3A = tpu.sem_alloc : memref<!tpu.dma_semaphore, #tpu.memory_space<semaphore_mem>>
      %dma_start3A_54 = arith.constant 0 : i32
      %dma_start3A_55 = arith.constant 0 : i32
      %dma_start3A_56 = tpu.memref_slice %arg3[%add3A, %dma_start3A_54, %dma_start3A_55] : memref<32x50x104xi32, #tpu.memory_space<hbm>> -> memref<1x50x104xi32, #tpu.memory_space<hbm>>
      %dma_start3A_57 = tpu.memref_squeeze %dma_start3A_56 : memref<1x50x104xi32, #tpu.memory_space<hbm>> -> memref<50x104xi32, #tpu.memory_space<hbm>>
      %dma_start3A_58 = arith.constant 0 : i32
      %dma_start3A_59 = arith.constant 0 : i32
      %dma_start3A_60 = tpu.memref_slice %arg3[%add3A, %dma_start3A_58, %dma_start3A_59] : memref<32x50x104xi32, #tpu.memory_space<hbm>> -> memref<1x50x104xi32, #tpu.memory_space<hbm>>
      %dma_start3A_61 = tpu.memref_squeeze %dma_start3A_60 : memref<1x50x104xi32, #tpu.memory_space<hbm>> -> memref<50x104xi32, #tpu.memory_space<hbm>>
      tpu.enqueue_dma source(%dma_start3A_61 : memref<50x104xi32, #tpu.memory_space<hbm>>) target(%arg5 : memref<50x104xi32, #tpu.memory_space<vmem>>) target_semaphore(%run_scoped3A : memref<!tpu.dma_semaphore, #tpu.memory_space<semaphore_mem>>)
      %dma_wait3A_62 = arith.constant 0 : i32
      %dma_wait3A_63 = arith.constant 0 : i32
      %dma_wait3A_64 = tpu.memref_slice %arg3[%add3A, %dma_wait3A_62, %dma_wait3A_63] : memref<32x50x104xi32, #tpu.memory_space<hbm>> -> memref<1x50x104xi32, #tpu.memory_space<hbm>>
      %dma_wait3A_65 = tpu.memref_squeeze %dma_wait3A_64 : memref<1x50x104xi32, #tpu.memory_space<hbm>> -> memref<50x104xi32, #tpu.memory_space<hbm>>
      %dma_wait3A_66 = arith.constant 0 : i32
      %dma_wait3A_67 = arith.constant 0 : i32
      %dma_wait3A_68 = tpu.memref_slice %arg3[%add3A, %dma_wait3A_66, %dma_wait3A_67] : memref<32x50x104xi32, #tpu.memory_space<hbm>> -> memref<1x50x104xi32, #tpu.memory_space<hbm>>
      %dma_wait3A_69 = tpu.memref_squeeze %dma_wait3A_68 : memref<1x50x104xi32, #tpu.memory_space<hbm>> -> memref<50x104xi32, #tpu.memory_space<hbm>>
      tpu.wait_dma2 semaphore(%run_scoped3A : memref<!tpu.dma_semaphore, #tpu.memory_space<semaphore_mem>>) src(%dma_wait3A_69 : memref<50x104xi32, #tpu.memory_space<hbm>>) dst(%arg5 : memref<50x104xi32, #tpu.memory_space<vmem>>)
      tpu.yield
    }) : () -> ()
    %dma_start3A = arith.constant 0 : i32
    %dma_start3A_3 = arith.constant 0 : i32
    %dma_start3A_4 = arith.constant 0 : i32
    %dma_start3A_5 = arith.constant 0 : i32
    %dma_start3A_6 = tpu.memref_slice %arg6[%dma_start3A_3, %dma_start3A_4, %dma_start3A_5] : memref<2x104x64xf32, #tpu.memory_space<vmem>> -> memref<1x104x64xf32, #tpu.memory_space<vmem>>
    %dma_start3A_7 = tpu.memref_squeeze %dma_start3A_6 : memref<1x104x64xf32, #tpu.memory_space<vmem>> -> memref<104x64xf32, #tpu.memory_space<vmem>>
    %dma_start3A_8 = arith.constant 0 : i32
    %dma_start3A_9 = tpu.memref_slice %arg5[%dma_start3A, %dma_start3A_8] : memref<50x104xi32, #tpu.memory_space<vmem>> -> memref<1x104xi32, #tpu.memory_space<vmem>>
    %dma_start3A_10 = tpu.memref_squeeze %dma_start3A_9 : memref<1x104xi32, #tpu.memory_space<vmem>> -> memref<104xi32, #tpu.memory_space<vmem>>
    %dma_start3A_11 = arith.constant 0 : i32
    %dma_start3A_12 = arith.constant 0 : i32
    %dma_start3A_13 = tpu.memref_slice %arg2[%dma_start3A_11, %dma_start3A_12] : memref<100000x64xf32, #tpu.memory_space<hbm>> -> memref<100000x64xf32, #tpu.memory_space<hbm>>
    tpu.enqueue_indirect_dma source(%dma_start3A_13 : memref<100000x64xf32, #tpu.memory_space<hbm>>) target(%dma_start3A_7 : memref<104x64xf32, #tpu.memory_space<vmem>>) offsets(%dma_start3A_10 : memref<104xi32, #tpu.memory_space<vmem>>) semaphore(%arg7 : memref<!tpu.dma_semaphore, #tpu.memory_space<semaphore_mem>>)
    %dma_start3A_14 = arith.constant 1 : i32
    %dma_start3A_15 = arith.constant 1 : i32
    %dma_start3A_16 = arith.constant 0 : i32
    %dma_start3A_17 = arith.constant 0 : i32
    %dma_start3A_18 = tpu.memref_slice %arg6[%dma_start3A_15, %dma_start3A_16, %dma_start3A_17] : memref<2x104x64xf32, #tpu.memory_space<vmem>> -> memref<1x104x64xf32, #tpu.memory_space<vmem>>
    %dma_start3A_19 = tpu.memref_squeeze %dma_start3A_18 : memref<1x104x64xf32, #tpu.memory_space<vmem>> -> memref<104x64xf32, #tpu.memory_space<vmem>>
    %dma_start3A_20 = arith.constant 0 : i32
    %dma_start3A_21 = tpu.memref_slice %arg5[%dma_start3A_14, %dma_start3A_20] : memref<50x104xi32, #tpu.memory_space<vmem>> -> memref<1x104xi32, #tpu.memory_space<vmem>>
    %dma_start3A_22 = tpu.memref_squeeze %dma_start3A_21 : memref<1x104xi32, #tpu.memory_space<vmem>> -> memref<104xi32, #tpu.memory_space<vmem>>
    %dma_start3A_23 = arith.constant 0 : i32
    %dma_start3A_24 = arith.constant 0 : i32
    %dma_start3A_25 = tpu.memref_slice %arg2[%dma_start3A_23, %dma_start3A_24] : memref<100000x64xf32, #tpu.memory_space<hbm>> -> memref<100000x64xf32, #tpu.memory_space<hbm>>
    tpu.enqueue_indirect_dma source(%dma_start3A_25 : memref<100000x64xf32, #tpu.memory_space<hbm>>) target(%dma_start3A_19 : memref<104x64xf32, #tpu.memory_space<vmem>>) offsets(%dma_start3A_22 : memref<104xi32, #tpu.memory_space<vmem>>) semaphore(%arg8 : memref<!tpu.dma_semaphore, #tpu.memory_space<semaphore_mem>>)
    %scan3A = arith.constant 0 : i32
    %scan3A_26 = arith.constant 0 : i32
    %scan3A_27 = arith.constant 25 : i32
    %scan3A_28 = arith.addi %scan3A_26, %scan3A_27 : i32
    %scan3A_29 = arith.constant 1 : i32
    scf.for %scan3A_54 = %scan3A_26 to %scan3A_28 step %scan3A_29  : i32 {
      %mul3A_55 = arith.constant 2 : i32
      %mul3A_56 = arith.muli %mul3A_55, %scan3A_54 : i32
      %add3A_57 = arith.constant 0 : i32
      %add3A_58 = arith.addi %mul3A_56, %add3A_57 : i32
      %dma_wait3A_59 = arith.constant 0 : i32
      %dma_wait3A_60 = arith.constant 0 : i32
      %dma_wait3A_61 = arith.constant 0 : i32
      %dma_wait3A_62 = tpu.memref_slice %arg6[%dma_wait3A_59, %dma_wait3A_60, %dma_wait3A_61] : memref<2x104x64xf32, #tpu.memory_space<vmem>> -> memref<1x104x64xf32, #tpu.memory_space<vmem>>
      %dma_wait3A_63 = tpu.memref_squeeze %dma_wait3A_62 : memref<1x104x64xf32, #tpu.memory_space<vmem>> -> memref<104x64xf32, #tpu.memory_space<vmem>>
      %dma_wait3A_64 = arith.constant 0 : i32
      %dma_wait3A_65 = tpu.memref_slice %arg5[%add3A_58, %dma_wait3A_64] : memref<50x104xi32, #tpu.memory_space<vmem>> -> memref<1x104xi32, #tpu.memory_space<vmem>>
      %dma_wait3A_66 = tpu.memref_squeeze %dma_wait3A_65 : memref<1x104xi32, #tpu.memory_space<vmem>> -> memref<104xi32, #tpu.memory_space<vmem>>
      %dma_wait3A_67 = arith.constant 0 : i32
      %dma_wait3A_68 = arith.constant 0 : i32
      %dma_wait3A_69 = tpu.memref_slice %arg2[%dma_wait3A_67, %dma_wait3A_68] : memref<100000x64xf32, #tpu.memory_space<hbm>> -> memref<100000x64xf32, #tpu.memory_space<hbm>>
      tpu.wait_indirect_dma semaphore(%arg7 : memref<!tpu.dma_semaphore, #tpu.memory_space<semaphore_mem>>) src(%dma_wait3A_69 : memref<100000x64xf32, #tpu.memory_space<hbm>>) dst(%dma_wait3A_63 : memref<104x64xf32, #tpu.memory_space<vmem>>)
      %add3A_70 = arith.addi %mul3A_2, %add3A_58 : i32
      %mul3A_71 = arith.constant 104 : i32
      %mul3A_72 = arith.muli %add3A_70, %mul3A_71 : i32
      %run_scoped3A = arith.constant 0 : i32
      "tpu.region"() ({
        %run_scoped3A_121 = tpu.sem_alloc : memref<!tpu.dma_semaphore, #tpu.memory_space<semaphore_mem>>
        %dma_start3A_122 = arith.constant 0 : i32
        %dma_start3A_123 = arith.constant 0 : i32
        %dma_start3A_124 = tpu.memref_slice %arg6[%run_scoped3A, %dma_start3A_122, %dma_start3A_123] : memref<2x104x64xf32, #tpu.memory_space<vmem>> -> memref<1x104x64xf32, #tpu.memory_space<vmem>>
        %dma_start3A_125 = tpu.memref_squeeze %dma_start3A_124 : memref<1x104x64xf32, #tpu.memory_space<vmem>> -> memref<104x64xf32, #tpu.memory_space<vmem>>
        %dma_start3A_126 = arith.constant 0 : i32
        %dma_start3A_127 = tpu.memref_slice %arg4[%mul3A_72, %dma_start3A_126] : memref<166400x64xf32, #tpu.memory_space<hbm>> -> memref<104x64xf32, #tpu.memory_space<hbm>>
        %dma_start3A_128 = arith.constant 0 : i32
        %dma_start3A_129 = tpu.memref_slice %arg4[%mul3A_72, %dma_start3A_128] : memref<166400x64xf32, #tpu.memory_space<hbm>> -> memref<104x64xf32, #tpu.memory_space<hbm>>
        %dma_start3A_130 = arith.constant 0 : i32
        %dma_start3A_131 = arith.constant 0 : i32
        %dma_start3A_132 = tpu.memref_slice %arg6[%run_scoped3A, %dma_start3A_130, %dma_start3A_131] : memref<2x104x64xf32, #tpu.memory_space<vmem>> -> memref<1x104x64xf32, #tpu.memory_space<vmem>>
        %dma_start3A_133 = tpu.memref_squeeze %dma_start3A_132 : memref<1x104x64xf32, #tpu.memory_space<vmem>> -> memref<104x64xf32, #tpu.memory_space<vmem>>
        tpu.enqueue_dma source(%dma_start3A_133 : memref<104x64xf32, #tpu.memory_space<vmem>>) target(%dma_start3A_129 : memref<104x64xf32, #tpu.memory_space<hbm>>) target_semaphore(%run_scoped3A_121 : memref<!tpu.dma_semaphore, #tpu.memory_space<semaphore_mem>>)
        %dma_wait3A_134 = arith.constant 0 : i32
        %dma_wait3A_135 = arith.constant 0 : i32
        %dma_wait3A_136 = tpu.memref_slice %arg6[%run_scoped3A, %dma_wait3A_134, %dma_wait3A_135] : memref<2x104x64xf32, #tpu.memory_space<vmem>> -> memref<1x104x64xf32, #tpu.memory_space<vmem>>
        %dma_wait3A_137 = tpu.memref_squeeze %dma_wait3A_136 : memref<1x104x64xf32, #tpu.memory_space<vmem>> -> memref<104x64xf32, #tpu.memory_space<vmem>>
        %dma_wait3A_138 = arith.constant 0 : i32
        %dma_wait3A_139 = tpu.memref_slice %arg4[%mul3A_72, %dma_wait3A_138] : memref<166400x64xf32, #tpu.memory_space<hbm>> -> memref<104x64xf32, #tpu.memory_space<hbm>>
        %dma_wait3A_140 = arith.constant 0 : i32
        %dma_wait3A_141 = tpu.memref_slice %arg4[%mul3A_72, %dma_wait3A_140] : memref<166400x64xf32, #tpu.memory_space<hbm>> -> memref<104x64xf32, #tpu.memory_space<hbm>>
        %dma_wait3A_142 = arith.constant 0 : i32
        %dma_wait3A_143 = arith.constant 0 : i32
        %dma_wait3A_144 = tpu.memref_slice %arg6[%run_scoped3A, %dma_wait3A_142, %dma_wait3A_143] : memref<2x104x64xf32, #tpu.memory_space<vmem>> -> memref<1x104x64xf32, #tpu.memory_space<vmem>>
        %dma_wait3A_145 = tpu.memref_squeeze %dma_wait3A_144 : memref<1x104x64xf32, #tpu.memory_space<vmem>> -> memref<104x64xf32, #tpu.memory_space<vmem>>
        tpu.wait_dma2 semaphore(%run_scoped3A_121 : memref<!tpu.dma_semaphore, #tpu.memory_space<semaphore_mem>>) src(%dma_wait3A_145 : memref<104x64xf32, #tpu.memory_space<vmem>>) dst(%dma_wait3A_141 : memref<104x64xf32, #tpu.memory_space<hbm>>)
        tpu.yield
      }) : () -> ()
      %add3A_73 = arith.constant 2 : i32
      %add3A_74 = arith.addi %add3A_58, %add3A_73 : i32
      %min3A = arith.constant 49 : i32
      %min3A_75 = arith.minsi %add3A_74, %min3A : i32
      %dma_start3A_76 = arith.constant 0 : i32
      %dma_start3A_77 = arith.constant 0 : i32
      %dma_start3A_78 = arith.constant 0 : i32
      %dma_start3A_79 = tpu.memref_slice %arg6[%dma_start3A_76, %dma_start3A_77, %dma_start3A_78] : memref<2x104x64xf32, #tpu.memory_space<vmem>> -> memref<1x104x64xf32, #tpu.memory_space<vmem>>
      %dma_start3A_80 = tpu.memref_squeeze %dma_start3A_79 : memref<1x104x64xf32, #tpu.memory_space<vmem>> -> memref<104x64xf32, #tpu.memory_space<vmem>>
      %dma_start3A_81 = arith.constant 0 : i32
      %dma_start3A_82 = tpu.memref_slice %arg5[%min3A_75, %dma_start3A_81] : memref<50x104xi32, #tpu.memory_space<vmem>> -> memref<1x104xi32, #tpu.memory_space<vmem>>
      %dma_start3A_83 = tpu.memref_squeeze %dma_start3A_82 : memref<1x104xi32, #tpu.memory_space<vmem>> -> memref<104xi32, #tpu.memory_space<vmem>>
      %dma_start3A_84 = arith.constant 0 : i32
      %dma_start3A_85 = arith.constant 0 : i32
      %dma_start3A_86 = tpu.memref_slice %arg2[%dma_start3A_84, %dma_start3A_85] : memref<100000x64xf32, #tpu.memory_space<hbm>> -> memref<100000x64xf32, #tpu.memory_space<hbm>>
      tpu.enqueue_indirect_dma source(%dma_start3A_86 : memref<100000x64xf32, #tpu.memory_space<hbm>>) target(%dma_start3A_80 : memref<104x64xf32, #tpu.memory_space<vmem>>) offsets(%dma_start3A_83 : memref<104xi32, #tpu.memory_space<vmem>>) semaphore(%arg7 : memref<!tpu.dma_semaphore, #tpu.memory_space<semaphore_mem>>)
      %mul3A_87 = arith.constant 2 : i32
      %mul3A_88 = arith.muli %mul3A_87, %scan3A_54 : i32
      %add3A_89 = arith.constant 1 : i32
      %add3A_90 = arith.addi %mul3A_88, %add3A_89 : i32
      %dma_wait3A_91 = arith.constant 1 : i32
      %dma_wait3A_92 = arith.constant 0 : i32
      %dma_wait3A_93 = arith.constant 0 : i32
      %dma_wait3A_94 = tpu.memref_slice %arg6[%dma_wait3A_91, %dma_wait3A_92, %dma_wait3A_93] : memref<2x104x64xf32, #tpu.memory_space<vmem>> -> memref<1x104x64xf32, #tpu.memory_space<vmem>>
      %dma_wait3A_95 = tpu.memref_squeeze %dma_wait3A_94 : memref<1x104x64xf32, #tpu.memory_space<vmem>> -> memref<104x64xf32, #tpu.memory_space<vmem>>
      %dma_wait3A_96 = arith.constant 0 : i32
      %dma_wait3A_97 = tpu.memref_slice %arg5[%add3A_90, %dma_wait3A_96] : memref<50x104xi32, #tpu.memory_space<vmem>> -> memref<1x104xi32, #tpu.memory_space<vmem>>
      %dma_wait3A_98 = tpu.memref_squeeze %dma_wait3A_97 : memref<1x104xi32, #tpu.memory_space<vmem>> -> memref<104xi32, #tpu.memory_space<vmem>>
      %dma_wait3A_99 = arith.constant 0 : i32
      %dma_wait3A_100 = arith.constant 0 : i32
      %dma_wait3A_101 = tpu.memref_slice %arg2[%dma_wait3A_99, %dma_wait3A_100] : memref<100000x64xf32, #tpu.memory_space<hbm>> -> memref<100000x64xf32, #tpu.memory_space<hbm>>
      tpu.wait_indirect_dma semaphore(%arg8 : memref<!tpu.dma_semaphore, #tpu.memory_space<semaphore_mem>>) src(%dma_wait3A_101 : memref<100000x64xf32, #tpu.memory_space<hbm>>) dst(%dma_wait3A_95 : memref<104x64xf32, #tpu.memory_space<vmem>>)
      %add3A_102 = arith.addi %mul3A_2, %add3A_90 : i32
      %mul3A_103 = arith.constant 104 : i32
      %mul3A_104 = arith.muli %add3A_102, %mul3A_103 : i32
      %run_scoped3A_105 = arith.constant 1 : i32
      "tpu.region"() ({
        %run_scoped3A_121 = tpu.sem_alloc : memref<!tpu.dma_semaphore, #tpu.memory_space<semaphore_mem>>
        %dma_start3A_122 = arith.constant 0 : i32
        %dma_start3A_123 = arith.constant 0 : i32
        %dma_start3A_124 = tpu.memref_slice %arg6[%run_scoped3A_105, %dma_start3A_122, %dma_start3A_123] : memref<2x104x64xf32, #tpu.memory_space<vmem>> -> memref<1x104x64xf32, #tpu.memory_space<vmem>>
        %dma_start3A_125 = tpu.memref_squeeze %dma_start3A_124 : memref<1x104x64xf32, #tpu.memory_space<vmem>> -> memref<104x64xf32, #tpu.memory_space<vmem>>
        %dma_start3A_126 = arith.constant 0 : i32
        %dma_start3A_127 = tpu.memref_slice %arg4[%mul3A_104, %dma_start3A_126] : memref<166400x64xf32, #tpu.memory_space<hbm>> -> memref<104x64xf32, #tpu.memory_space<hbm>>
        %dma_start3A_128 = arith.constant 0 : i32
        %dma_start3A_129 = tpu.memref_slice %arg4[%mul3A_104, %dma_start3A_128] : memref<166400x64xf32, #tpu.memory_space<hbm>> -> memref<104x64xf32, #tpu.memory_space<hbm>>
        %dma_start3A_130 = arith.constant 0 : i32
        %dma_start3A_131 = arith.constant 0 : i32
        %dma_start3A_132 = tpu.memref_slice %arg6[%run_scoped3A_105, %dma_start3A_130, %dma_start3A_131] : memref<2x104x64xf32, #tpu.memory_space<vmem>> -> memref<1x104x64xf32, #tpu.memory_space<vmem>>
        %dma_start3A_133 = tpu.memref_squeeze %dma_start3A_132 : memref<1x104x64xf32, #tpu.memory_space<vmem>> -> memref<104x64xf32, #tpu.memory_space<vmem>>
        tpu.enqueue_dma source(%dma_start3A_133 : memref<104x64xf32, #tpu.memory_space<vmem>>) target(%dma_start3A_129 : memref<104x64xf32, #tpu.memory_space<hbm>>) target_semaphore(%run_scoped3A_121 : memref<!tpu.dma_semaphore, #tpu.memory_space<semaphore_mem>>)
        %dma_wait3A_134 = arith.constant 0 : i32
        %dma_wait3A_135 = arith.constant 0 : i32
        %dma_wait3A_136 = tpu.memref_slice %arg6[%run_scoped3A_105, %dma_wait3A_134, %dma_wait3A_135] : memref<2x104x64xf32, #tpu.memory_space<vmem>> -> memref<1x104x64xf32, #tpu.memory_space<vmem>>
        %dma_wait3A_137 = tpu.memref_squeeze %dma_wait3A_136 : memref<1x104x64xf32, #tpu.memory_space<vmem>> -> memref<104x64xf32, #tpu.memory_space<vmem>>
        %dma_wait3A_138 = arith.constant 0 : i32
        %dma_wait3A_139 = tpu.memref_slice %arg4[%mul3A_104, %dma_wait3A_138] : memref<166400x64xf32, #tpu.memory_space<hbm>> -> memref<104x64xf32, #tpu.memory_space<hbm>>
        %dma_wait3A_140 = arith.constant 0 : i32
        %dma_wait3A_141 = tpu.memref_slice %arg4[%mul3A_104, %dma_wait3A_140] : memref<166400x64xf32, #tpu.memory_space<hbm>> -> memref<104x64xf32, #tpu.memory_space<hbm>>
        %dma_wait3A_142 = arith.constant 0 : i32
        %dma_wait3A_143 = arith.constant 0 : i32
        %dma_wait3A_144 = tpu.memref_slice %arg6[%run_scoped3A_105, %dma_wait3A_142, %dma_wait3A_143] : memref<2x104x64xf32, #tpu.memory_space<vmem>> -> memref<1x104x64xf32, #tpu.memory_space<vmem>>
        %dma_wait3A_145 = tpu.memref_squeeze %dma_wait3A_144 : memref<1x104x64xf32, #tpu.memory_space<vmem>> -> memref<104x64xf32, #tpu.memory_space<vmem>>
        tpu.wait_dma2 semaphore(%run_scoped3A_121 : memref<!tpu.dma_semaphore, #tpu.memory_space<semaphore_mem>>) src(%dma_wait3A_145 : memref<104x64xf32, #tpu.memory_space<vmem>>) dst(%dma_wait3A_141 : memref<104x64xf32, #tpu.memory_space<hbm>>)
        tpu.yield
      }) : () -> ()
      %add3A_106 = arith.constant 2 : i32
      %add3A_107 = arith.addi %add3A_90, %add3A_106 : i32
      %min3A_108 = arith.constant 49 : i32
      %min3A_109 = arith.minsi %add3A_107, %min3A_108 : i32
      %dma_start3A_110 = arith.constant 1 : i32
      %dma_start3A_111 = arith.constant 0 : i32
      %dma_start3A_112 = arith.constant 0 : i32
      %dma_start3A_113 = tpu.memref_slice %arg6[%dma_start3A_110, %dma_start3A_111, %dma_start3A_112] : memref<2x104x64xf32, #tpu.memory_space<vmem>> -> memref<1x104x64xf32, #tpu.memory_space<vmem>>
      %dma_start3A_114 = tpu.memref_squeeze %dma_start3A_113 : memref<1x104x64xf32, #tpu.memory_space<vmem>> -> memref<104x64xf32, #tpu.memory_space<vmem>>
      %dma_start3A_115 = arith.constant 0 : i32
      %dma_start3A_116 = tpu.memref_slice %arg5[%min3A_109, %dma_start3A_115] : memref<50x104xi32, #tpu.memory_space<vmem>> -> memref<1x104xi32, #tpu.memory_space<vmem>>
      %dma_start3A_117 = tpu.memref_squeeze %dma_start3A_116 : memref<1x104xi32, #tpu.memory_space<vmem>> -> memref<104xi32, #tpu.memory_space<vmem>>
      %dma_start3A_118 = arith.constant 0 : i32
      %dma_start3A_119 = arith.constant 0 : i32
      %dma_start3A_120 = tpu.memref_slice %arg2[%dma_start3A_118, %dma_start3A_119] : memref<100000x64xf32, #tpu.memory_space<hbm>> -> memref<100000x64xf32, #tpu.memory_space<hbm>>
      tpu.enqueue_indirect_dma source(%dma_start3A_120 : memref<100000x64xf32, #tpu.memory_space<hbm>>) target(%dma_start3A_114 : memref<104x64xf32, #tpu.memory_space<vmem>>) offsets(%dma_start3A_117 : memref<104xi32, #tpu.memory_space<vmem>>) semaphore(%arg8 : memref<!tpu.dma_semaphore, #tpu.memory_space<semaphore_mem>>)
    }
    %scan3A_30 = arith.constant 25 : i32
    %dma_wait3A = arith.constant 0 : i32
    %dma_wait3A_31 = arith.constant 0 : i32
    %dma_wait3A_32 = arith.constant 0 : i32
    %dma_wait3A_33 = arith.constant 0 : i32
    %dma_wait3A_34 = tpu.memref_slice %arg6[%dma_wait3A_31, %dma_wait3A_32, %dma_wait3A_33] : memref<2x104x64xf32, #tpu.memory_space<vmem>> -> memref<1x104x64xf32, #tpu.memory_space<vmem>>
    %dma_wait3A_35 = tpu.memref_squeeze %dma_wait3A_34 : memref<1x104x64xf32, #tpu.memory_space<vmem>> -> memref<104x64xf32, #tpu.memory_space<vmem>>
    %dma_wait3A_36 = arith.constant 0 : i32
    %dma_wait3A_37 = tpu.memref_slice %arg5[%dma_wait3A, %dma_wait3A_36] : memref<50x104xi32, #tpu.memory_space<vmem>> -> memref<1x104xi32, #tpu.memory_space<vmem>>
    %dma_wait3A_38 = tpu.memref_squeeze %dma_wait3A_37 : memref<1x104xi32, #tpu.memory_space<vmem>> -> memref<104xi32, #tpu.memory_space<vmem>>
    %dma_wait3A_39 = arith.constant 0 : i32
    %dma_wait3A_40 = arith.constant 0 : i32
    %dma_wait3A_41 = tpu.memref_slice %arg2[%dma_wait3A_39, %dma_wait3A_40] : memref<100000x64xf32, #tpu.memory_space<hbm>> -> memref<100000x64xf32, #tpu.memory_space<hbm>>
    tpu.wait_indirect_dma semaphore(%arg7 : memref<!tpu.dma_semaphore, #tpu.memory_space<semaphore_mem>>) src(%dma_wait3A_41 : memref<100000x64xf32, #tpu.memory_space<hbm>>) dst(%dma_wait3A_35 : memref<104x64xf32, #tpu.memory_space<vmem>>)
    %dma_wait3A_42 = arith.constant 1 : i32
    %dma_wait3A_43 = arith.constant 1 : i32
    %dma_wait3A_44 = arith.constant 0 : i32
    %dma_wait3A_45 = arith.constant 0 : i32
    %dma_wait3A_46 = tpu.memref_slice %arg6[%dma_wait3A_43, %dma_wait3A_44, %dma_wait3A_45] : memref<2x104x64xf32, #tpu.memory_space<vmem>> -> memref<1x104x64xf32, #tpu.memory_space<vmem>>
    %dma_wait3A_47 = tpu.memref_squeeze %dma_wait3A_46 : memref<1x104x64xf32, #tpu.memory_space<vmem>> -> memref<104x64xf32, #tpu.memory_space<vmem>>
    %dma_wait3A_48 = arith.constant 0 : i32
    %dma_wait3A_49 = tpu.memref_slice %arg5[%dma_wait3A_42, %dma_wait3A_48] : memref<50x104xi32, #tpu.memory_space<vmem>> -> memref<1x104xi32, #tpu.memory_space<vmem>>
    %dma_wait3A_50 = tpu.memref_squeeze %dma_wait3A_49 : memref<1x104xi32, #tpu.memory_space<vmem>> -> memref<104xi32, #tpu.memory_space<vmem>>
    %dma_wait3A_51 = arith.constant 0 : i32
    %dma_wait3A_52 = arith.constant 0 : i32
    %dma_wait3A_53 = tpu.memref_slice %arg2[%dma_wait3A_51, %dma_wait3A_52] : memref<100000x64xf32, #tpu.memory_space<hbm>> -> memref<100000x64xf32, #tpu.memory_space<hbm>>
    tpu.wait_indirect_dma semaphore(%arg8 : memref<!tpu.dma_semaphore, #tpu.memory_space<semaphore_mem>>) src(%dma_wait3A_53 : memref<100000x64xf32, #tpu.memory_space<hbm>>) dst(%dma_wait3A_47 : memref<104x64xf32, #tpu.memory_space<vmem>>)
    return
  }
}

#map = affine_map<(d0, d1) -> (0, 0)>
#map1 = affine_map<(d0, d1) -> (0, 0, 0)>
module attributes {stable_mosaic.version = 14 : i64} {
  func.func @k(%arg0: i32, %arg1: i32, %arg2: memref<100000x64xf32, #tpu.memory_space<hbm>>, %arg3: memref<32x50x104xi32, #tpu.memory_space<hbm>>, %arg4: memref<166400x64xf32, #tpu.memory_space<hbm>>, %arg5: memref<50x104xi32, #tpu.memory_space<vmem>>, %arg6: memref<2x104x64xf32, #tpu.memory_space<vmem>>, %arg7: memref<!tpu.dma_semaphore, #tpu.memory_space<semaphore_mem>>, %arg8: memref<!tpu.dma_semaphore, #tpu.memory_space<semaphore_mem>>) attributes {dimension_semantics = [#tpu.dimension_semantics<core_parallel>, #tpu.dimension_semantics<subcore_parallel>], iteration_bounds = array<i64: 2, 16>, scalar_prefetch = 0 : i64, scratch_operands = 4 : i64, tpu.core_type = #tpu.core_type<sc_vector_subcore>, window_params = [{transform_indices = #map}, {transform_indices = #map1}, {transform_indices = #map}]} {
    %mul3A = arith.constant 2 : i32
    %mul3A_0 = arith.muli %arg1, %mul3A : i32
    %add3A = arith.addi %mul3A_0, %arg0 : i32
    %mul3A_1 = arith.constant 50 : i32
    %mul3A_2 = arith.muli %add3A, %mul3A_1 : i32
    "tpu.region"() ({
      %run_scoped3A = tpu.sem_alloc : memref<!tpu.dma_semaphore, #tpu.memory_space<semaphore_mem>>
      %dma_start3A_54 = arith.constant 0 : i32
      %dma_start3A_55 = arith.constant 0 : i32
      %dma_start3A_56 = tpu.memref_slice %arg3[%add3A, %dma_start3A_54, %dma_start3A_55] : memref<32x50x104xi32, #tpu.memory_space<hbm>> -> memref<1x50x104xi32, #tpu.memory_space<hbm>>
      %dma_start3A_57 = tpu.memref_squeeze %dma_start3A_56 : memref<1x50x104xi32, #tpu.memory_space<hbm>> -> memref<50x104xi32, #tpu.memory_space<hbm>>
      %dma_start3A_58 = arith.constant 0 : i32
      %dma_start3A_59 = arith.constant 0 : i32
      %dma_start3A_60 = tpu.memref_slice %arg3[%add3A, %dma_start3A_58, %dma_start3A_59] : memref<32x50x104xi32, #tpu.memory_space<hbm>> -> memref<1x50x104xi32, #tpu.memory_space<hbm>>
      %dma_start3A_61 = tpu.memref_squeeze %dma_start3A_60 : memref<1x50x104xi32, #tpu.memory_space<hbm>> -> memref<50x104xi32, #tpu.memory_space<hbm>>
      tpu.enqueue_dma source(%dma_start3A_61 : memref<50x104xi32, #tpu.memory_space<hbm>>) target(%arg5 : memref<50x104xi32, #tpu.memory_space<vmem>>) target_semaphore(%run_scoped3A : memref<!tpu.dma_semaphore, #tpu.memory_space<semaphore_mem>>)
      %dma_wait3A_62 = arith.constant 0 : i32
      %dma_wait3A_63 = arith.constant 0 : i32
      %dma_wait3A_64 = tpu.memref_slice %arg3[%add3A, %dma_wait3A_62, %dma_wait3A_63] : memref<32x50x104xi32, #tpu.memory_space<hbm>> -> memref<1x50x104xi32, #tpu.memory_space<hbm>>
      %dma_wait3A_65 = tpu.memref_squeeze %dma_wait3A_64 : memref<1x50x104xi32, #tpu.memory_space<hbm>> -> memref<50x104xi32, #tpu.memory_space<hbm>>
      %dma_wait3A_66 = arith.constant 0 : i32
      %dma_wait3A_67 = arith.constant 0 : i32
      %dma_wait3A_68 = tpu.memref_slice %arg3[%add3A, %dma_wait3A_66, %dma_wait3A_67] : memref<32x50x104xi32, #tpu.memory_space<hbm>> -> memref<1x50x104xi32, #tpu.memory_space<hbm>>
      %dma_wait3A_69 = tpu.memref_squeeze %dma_wait3A_68 : memref<1x50x104xi32, #tpu.memory_space<hbm>> -> memref<50x104xi32, #tpu.memory_space<hbm>>
      tpu.wait_dma2 semaphore(%run_scoped3A : memref<!tpu.dma_semaphore, #tpu.memory_space<semaphore_mem>>) src(%dma_wait3A_69 : memref<50x104xi32, #tpu.memory_space<hbm>>) dst(%arg5 : memref<50x104xi32, #tpu.memory_space<vmem>>)
      tpu.yield
    }) : () -> ()
    %dma_start3A = arith.constant 0 : i32
    %dma_start3A_3 = arith.constant 0 : i32
    %dma_start3A_4 = arith.constant 0 : i32
    %dma_start3A_5 = arith.constant 0 : i32
    %dma_start3A_6 = tpu.memref_slice %arg6[%dma_start3A_3, %dma_start3A_4, %dma_start3A_5] : memref<2x104x64xf32, #tpu.memory_space<vmem>> -> memref<1x104x64xf32, #tpu.memory_space<vmem>>
    %dma_start3A_7 = tpu.memref_squeeze %dma_start3A_6 : memref<1x104x64xf32, #tpu.memory_space<vmem>> -> memref<104x64xf32, #tpu.memory_space<vmem>>
    %dma_start3A_8 = arith.constant 0 : i32
    %dma_start3A_9 = tpu.memref_slice %arg5[%dma_start3A, %dma_start3A_8] : memref<50x104xi32, #tpu.memory_space<vmem>> -> memref<1x104xi32, #tpu.memory_space<vmem>>
    %dma_start3A_10 = tpu.memref_squeeze %dma_start3A_9 : memref<1x104xi32, #tpu.memory_space<vmem>> -> memref<104xi32, #tpu.memory_space<vmem>>
    %dma_start3A_11 = arith.constant 0 : i32
    %dma_start3A_12 = arith.constant 0 : i32
    %dma_start3A_13 = tpu.memref_slice %arg2[%dma_start3A_11, %dma_start3A_12] : memref<100000x64xf32, #tpu.memory_space<hbm>> -> memref<100000x64xf32, #tpu.memory_space<hbm>>
    tpu.enqueue_indirect_dma source(%dma_start3A_13 : memref<100000x64xf32, #tpu.memory_space<hbm>>) target(%dma_start3A_7 : memref<104x64xf32, #tpu.memory_space<vmem>>) offsets(%dma_start3A_10 : memref<104xi32, #tpu.memory_space<vmem>>) semaphore(%arg7 : memref<!tpu.dma_semaphore, #tpu.memory_space<semaphore_mem>>)
    %dma_start3A_14 = arith.constant 1 : i32
    %dma_start3A_15 = arith.constant 1 : i32
    %dma_start3A_16 = arith.constant 0 : i32
    %dma_start3A_17 = arith.constant 0 : i32
    %dma_start3A_18 = tpu.memref_slice %arg6[%dma_start3A_15, %dma_start3A_16, %dma_start3A_17] : memref<2x104x64xf32, #tpu.memory_space<vmem>> -> memref<1x104x64xf32, #tpu.memory_space<vmem>>
    %dma_start3A_19 = tpu.memref_squeeze %dma_start3A_18 : memref<1x104x64xf32, #tpu.memory_space<vmem>> -> memref<104x64xf32, #tpu.memory_space<vmem>>
    %dma_start3A_20 = arith.constant 0 : i32
    %dma_start3A_21 = tpu.memref_slice %arg5[%dma_start3A_14, %dma_start3A_20] : memref<50x104xi32, #tpu.memory_space<vmem>> -> memref<1x104xi32, #tpu.memory_space<vmem>>
    %dma_start3A_22 = tpu.memref_squeeze %dma_start3A_21 : memref<1x104xi32, #tpu.memory_space<vmem>> -> memref<104xi32, #tpu.memory_space<vmem>>
    %dma_start3A_23 = arith.constant 0 : i32
    %dma_start3A_24 = arith.constant 0 : i32
    %dma_start3A_25 = tpu.memref_slice %arg2[%dma_start3A_23, %dma_start3A_24] : memref<100000x64xf32, #tpu.memory_space<hbm>> -> memref<100000x64xf32, #tpu.memory_space<hbm>>
    tpu.enqueue_indirect_dma source(%dma_start3A_25 : memref<100000x64xf32, #tpu.memory_space<hbm>>) target(%dma_start3A_19 : memref<104x64xf32, #tpu.memory_space<vmem>>) offsets(%dma_start3A_22 : memref<104xi32, #tpu.memory_space<vmem>>) semaphore(%arg8 : memref<!tpu.dma_semaphore, #tpu.memory_space<semaphore_mem>>)
    %scan3A = arith.constant 0 : i32
    %scan3A_26 = arith.constant 0 : i32
    %scan3A_27 = arith.constant 25 : i32
    %scan3A_28 = arith.addi %scan3A_26, %scan3A_27 : i32
    %scan3A_29 = arith.constant 1 : i32
    scf.for %scan3A_54 = %scan3A_26 to %scan3A_28 step %scan3A_29  : i32 {
      %mul3A_55 = arith.constant 2 : i32
      %mul3A_56 = arith.muli %mul3A_55, %scan3A_54 : i32
      %add3A_57 = arith.constant 0 : i32
      %add3A_58 = arith.addi %mul3A_56, %add3A_57 : i32
      %dma_wait3A_59 = arith.constant 0 : i32
      %dma_wait3A_60 = arith.constant 0 : i32
      %dma_wait3A_61 = arith.constant 0 : i32
      %dma_wait3A_62 = tpu.memref_slice %arg6[%dma_wait3A_59, %dma_wait3A_60, %dma_wait3A_61] : memref<2x104x64xf32, #tpu.memory_space<vmem>> -> memref<1x104x64xf32, #tpu.memory_space<vmem>>
      %dma_wait3A_63 = tpu.memref_squeeze %dma_wait3A_62 : memref<1x104x64xf32, #tpu.memory_space<vmem>> -> memref<104x64xf32, #tpu.memory_space<vmem>>
      %dma_wait3A_64 = arith.constant 0 : i32
      %dma_wait3A_65 = tpu.memref_slice %arg5[%add3A_58, %dma_wait3A_64] : memref<50x104xi32, #tpu.memory_space<vmem>> -> memref<1x104xi32, #tpu.memory_space<vmem>>
      %dma_wait3A_66 = tpu.memref_squeeze %dma_wait3A_65 : memref<1x104xi32, #tpu.memory_space<vmem>> -> memref<104xi32, #tpu.memory_space<vmem>>
      %dma_wait3A_67 = arith.constant 0 : i32
      %dma_wait3A_68 = arith.constant 0 : i32
      %dma_wait3A_69 = tpu.memref_slice %arg2[%dma_wait3A_67, %dma_wait3A_68] : memref<100000x64xf32, #tpu.memory_space<hbm>> -> memref<100000x64xf32, #tpu.memory_space<hbm>>
      tpu.wait_indirect_dma semaphore(%arg7 : memref<!tpu.dma_semaphore, #tpu.memory_space<semaphore_mem>>) src(%dma_wait3A_69 : memref<100000x64xf32, #tpu.memory_space<hbm>>) dst(%dma_wait3A_63 : memref<104x64xf32, #tpu.memory_space<vmem>>)
      %add3A_70 = arith.addi %mul3A_2, %add3A_58 : i32
      %mul3A_71 = arith.constant 104 : i32
      %mul3A_72 = arith.muli %add3A_70, %mul3A_71 : i32
      %run_scoped3A = arith.constant 0 : i32
      "tpu.region"() ({
        %run_scoped3A_121 = tpu.sem_alloc : memref<!tpu.dma_semaphore, #tpu.memory_space<semaphore_mem>>
        %dma_start3A_122 = arith.constant 0 : i32
        %dma_start3A_123 = arith.constant 0 : i32
        %dma_start3A_124 = tpu.memref_slice %arg6[%run_scoped3A, %dma_start3A_122, %dma_start3A_123] : memref<2x104x64xf32, #tpu.memory_space<vmem>> -> memref<1x104x64xf32, #tpu.memory_space<vmem>>
        %dma_start3A_125 = tpu.memref_squeeze %dma_start3A_124 : memref<1x104x64xf32, #tpu.memory_space<vmem>> -> memref<104x64xf32, #tpu.memory_space<vmem>>
        %dma_start3A_126 = arith.constant 0 : i32
        %dma_start3A_127 = tpu.memref_slice %arg4[%mul3A_72, %dma_start3A_126] : memref<166400x64xf32, #tpu.memory_space<hbm>> -> memref<104x64xf32, #tpu.memory_space<hbm>>
        %dma_start3A_128 = arith.constant 0 : i32
        %dma_start3A_129 = tpu.memref_slice %arg4[%mul3A_72, %dma_start3A_128] : memref<166400x64xf32, #tpu.memory_space<hbm>> -> memref<104x64xf32, #tpu.memory_space<hbm>>
        %dma_start3A_130 = arith.constant 0 : i32
        %dma_start3A_131 = arith.constant 0 : i32
        %dma_start3A_132 = tpu.memref_slice %arg6[%run_scoped3A, %dma_start3A_130, %dma_start3A_131] : memref<2x104x64xf32, #tpu.memory_space<vmem>> -> memref<1x104x64xf32, #tpu.memory_space<vmem>>
        %dma_start3A_133 = tpu.memref_squeeze %dma_start3A_132 : memref<1x104x64xf32, #tpu.memory_space<vmem>> -> memref<104x64xf32, #tpu.memory_space<vmem>>
        tpu.enqueue_dma source(%dma_start3A_133 : memref<104x64xf32, #tpu.memory_space<vmem>>) target(%dma_start3A_129 : memref<104x64xf32, #tpu.memory_space<hbm>>) target_semaphore(%run_scoped3A_121 : memref<!tpu.dma_semaphore, #tpu.memory_space<semaphore_mem>>)
        %dma_wait3A_134 = arith.constant 0 : i32
        %dma_wait3A_135 = arith.constant 0 : i32
        %dma_wait3A_136 = tpu.memref_slice %arg6[%run_scoped3A, %dma_wait3A_134, %dma_wait3A_135] : memref<2x104x64xf32, #tpu.memory_space<vmem>> -> memref<1x104x64xf32, #tpu.memory_space<vmem>>
        %dma_wait3A_137 = tpu.memref_squeeze %dma_wait3A_136 : memref<1x104x64xf32, #tpu.memory_space<vmem>> -> memref<104x64xf32, #tpu.memory_space<vmem>>
        %dma_wait3A_138 = arith.constant 0 : i32
        %dma_wait3A_139 = tpu.memref_slice %arg4[%mul3A_72, %dma_wait3A_138] : memref<166400x64xf32, #tpu.memory_space<hbm>> -> memref<104x64xf32, #tpu.memory_space<hbm>>
        %dma_wait3A_140 = arith.constant 0 : i32
        %dma_wait3A_141 = tpu.memref_slice %arg4[%mul3A_72, %dma_wait3A_140] : memref<166400x64xf32, #tpu.memory_space<hbm>> -> memref<104x64xf32, #tpu.memory_space<hbm>>
        %dma_wait3A_142 = arith.constant 0 : i32
        %dma_wait3A_143 = arith.constant 0 : i32
        %dma_wait3A_144 = tpu.memref_slice %arg6[%run_scoped3A, %dma_wait3A_142, %dma_wait3A_143] : memref<2x104x64xf32, #tpu.memory_space<vmem>> -> memref<1x104x64xf32, #tpu.memory_space<vmem>>
        %dma_wait3A_145 = tpu.memref_squeeze %dma_wait3A_144 : memref<1x104x64xf32, #tpu.memory_space<vmem>> -> memref<104x64xf32, #tpu.memory_space<vmem>>
        tpu.wait_dma2 semaphore(%run_scoped3A_121 : memref<!tpu.dma_semaphore, #tpu.memory_space<semaphore_mem>>) src(%dma_wait3A_145 : memref<104x64xf32, #tpu.memory_space<vmem>>) dst(%dma_wait3A_141 : memref<104x64xf32, #tpu.memory_space<hbm>>)
        tpu.yield
      }) : () -> ()
      %add3A_73 = arith.constant 2 : i32
      %add3A_74 = arith.addi %add3A_58, %add3A_73 : i32
      %min3A = arith.constant 49 : i32
      %min3A_75 = arith.minsi %add3A_74, %min3A : i32
      %dma_start3A_76 = arith.constant 0 : i32
      %dma_start3A_77 = arith.constant 0 : i32
      %dma_start3A_78 = arith.constant 0 : i32
      %dma_start3A_79 = tpu.memref_slice %arg6[%dma_start3A_76, %dma_start3A_77, %dma_start3A_78] : memref<2x104x64xf32, #tpu.memory_space<vmem>> -> memref<1x104x64xf32, #tpu.memory_space<vmem>>
      %dma_start3A_80 = tpu.memref_squeeze %dma_start3A_79 : memref<1x104x64xf32, #tpu.memory_space<vmem>> -> memref<104x64xf32, #tpu.memory_space<vmem>>
      %dma_start3A_81 = arith.constant 0 : i32
      %dma_start3A_82 = tpu.memref_slice %arg5[%min3A_75, %dma_start3A_81] : memref<50x104xi32, #tpu.memory_space<vmem>> -> memref<1x104xi32, #tpu.memory_space<vmem>>
      %dma_start3A_83 = tpu.memref_squeeze %dma_start3A_82 : memref<1x104xi32, #tpu.memory_space<vmem>> -> memref<104xi32, #tpu.memory_space<vmem>>
      %dma_start3A_84 = arith.constant 0 : i32
      %dma_start3A_85 = arith.constant 0 : i32
      %dma_start3A_86 = tpu.memref_slice %arg2[%dma_start3A_84, %dma_start3A_85] : memref<100000x64xf32, #tpu.memory_space<hbm>> -> memref<100000x64xf32, #tpu.memory_space<hbm>>
      tpu.enqueue_indirect_dma source(%dma_start3A_86 : memref<100000x64xf32, #tpu.memory_space<hbm>>) target(%dma_start3A_80 : memref<104x64xf32, #tpu.memory_space<vmem>>) offsets(%dma_start3A_83 : memref<104xi32, #tpu.memory_space<vmem>>) semaphore(%arg7 : memref<!tpu.dma_semaphore, #tpu.memory_space<semaphore_mem>>)
      %mul3A_87 = arith.constant 2 : i32
      %mul3A_88 = arith.muli %mul3A_87, %scan3A_54 : i32
      %add3A_89 = arith.constant 1 : i32
      %add3A_90 = arith.addi %mul3A_88, %add3A_89 : i32
      %dma_wait3A_91 = arith.constant 1 : i32
      %dma_wait3A_92 = arith.constant 0 : i32
      %dma_wait3A_93 = arith.constant 0 : i32
      %dma_wait3A_94 = tpu.memref_slice %arg6[%dma_wait3A_91, %dma_wait3A_92, %dma_wait3A_93] : memref<2x104x64xf32, #tpu.memory_space<vmem>> -> memref<1x104x64xf32, #tpu.memory_space<vmem>>
      %dma_wait3A_95 = tpu.memref_squeeze %dma_wait3A_94 : memref<1x104x64xf32, #tpu.memory_space<vmem>> -> memref<104x64xf32, #tpu.memory_space<vmem>>
      %dma_wait3A_96 = arith.constant 0 : i32
      %dma_wait3A_97 = tpu.memref_slice %arg5[%add3A_90, %dma_wait3A_96] : memref<50x104xi32, #tpu.memory_space<vmem>> -> memref<1x104xi32, #tpu.memory_space<vmem>>
      %dma_wait3A_98 = tpu.memref_squeeze %dma_wait3A_97 : memref<1x104xi32, #tpu.memory_space<vmem>> -> memref<104xi32, #tpu.memory_space<vmem>>
      %dma_wait3A_99 = arith.constant 0 : i32
      %dma_wait3A_100 = arith.constant 0 : i32
      %dma_wait3A_101 = tpu.memref_slice %arg2[%dma_wait3A_99, %dma_wait3A_100] : memref<100000x64xf32, #tpu.memory_space<hbm>> -> memref<100000x64xf32, #tpu.memory_space<hbm>>
      tpu.wait_indirect_dma semaphore(%arg8 : memref<!tpu.dma_semaphore, #tpu.memory_space<semaphore_mem>>) src(%dma_wait3A_101 : memref<100000x64xf32, #tpu.memory_space<hbm>>) dst(%dma_wait3A_95 : memref<104x64xf32, #tpu.memory_space<vmem>>)
      %add3A_102 = arith.addi %mul3A_2, %add3A_90 : i32
      %mul3A_103 = arith.constant 104 : i32
      %mul3A_104 = arith.muli %add3A_102, %mul3A_103 : i32
      %run_scoped3A_105 = arith.constant 1 : i32
      "tpu.region"() ({
        %run_scoped3A_121 = tpu.sem_alloc : memref<!tpu.dma_semaphore, #tpu.memory_space<semaphore_mem>>
        %dma_start3A_122 = arith.constant 0 : i32
        %dma_start3A_123 = arith.constant 0 : i32
        %dma_start3A_124 = tpu.memref_slice %arg6[%run_scoped3A_105, %dma_start3A_122, %dma_start3A_123] : memref<2x104x64xf32, #tpu.memory_space<vmem>> -> memref<1x104x64xf32, #tpu.memory_space<vmem>>
        %dma_start3A_125 = tpu.memref_squeeze %dma_start3A_124 : memref<1x104x64xf32, #tpu.memory_space<vmem>> -> memref<104x64xf32, #tpu.memory_space<vmem>>
        %dma_start3A_126 = arith.constant 0 : i32
        %dma_start3A_127 = tpu.memref_slice %arg4[%mul3A_104, %dma_start3A_126] : memref<166400x64xf32, #tpu.memory_space<hbm>> -> memref<104x64xf32, #tpu.memory_space<hbm>>
        %dma_start3A_128 = arith.constant 0 : i32
        %dma_start3A_129 = tpu.memref_slice %arg4[%mul3A_104, %dma_start3A_128] : memref<166400x64xf32, #tpu.memory_space<hbm>> -> memref<104x64xf32, #tpu.memory_space<hbm>>
        %dma_start3A_130 = arith.constant 0 : i32
        %dma_start3A_131 = arith.constant 0 : i32
        %dma_start3A_132 = tpu.memref_slice %arg6[%run_scoped3A_105, %dma_start3A_130, %dma_start3A_131] : memref<2x104x64xf32, #tpu.memory_space<vmem>> -> memref<1x104x64xf32, #tpu.memory_space<vmem>>
        %dma_start3A_133 = tpu.memref_squeeze %dma_start3A_132 : memref<1x104x64xf32, #tpu.memory_space<vmem>> -> memref<104x64xf32, #tpu.memory_space<vmem>>
        tpu.enqueue_dma source(%dma_start3A_133 : memref<104x64xf32, #tpu.memory_space<vmem>>) target(%dma_start3A_129 : memref<104x64xf32, #tpu.memory_space<hbm>>) target_semaphore(%run_scoped3A_121 : memref<!tpu.dma_semaphore, #tpu.memory_space<semaphore_mem>>)
        %dma_wait3A_134 = arith.constant 0 : i32
        %dma_wait3A_135 = arith.constant 0 : i32
        %dma_wait3A_136 = tpu.memref_slice %arg6[%run_scoped3A_105, %dma_wait3A_134, %dma_wait3A_135] : memref<2x104x64xf32, #tpu.memory_space<vmem>> -> memref<1x104x64xf32, #tpu.memory_space<vmem>>
        %dma_wait3A_137 = tpu.memref_squeeze %dma_wait3A_136 : memref<1x104x64xf32, #tpu.memory_space<vmem>> -> memref<104x64xf32, #tpu.memory_space<vmem>>
        %dma_wait3A_138 = arith.constant 0 : i32
        %dma_wait3A_139 = tpu.memref_slice %arg4[%mul3A_104, %dma_wait3A_138] : memref<166400x64xf32, #tpu.memory_space<hbm>> -> memref<104x64xf32, #tpu.memory_space<hbm>>
        %dma_wait3A_140 = arith.constant 0 : i32
        %dma_wait3A_141 = tpu.memref_slice %arg4[%mul3A_104, %dma_wait3A_140] : memref<166400x64xf32, #tpu.memory_space<hbm>> -> memref<104x64xf32, #tpu.memory_space<hbm>>
        %dma_wait3A_142 = arith.constant 0 : i32
        %dma_wait3A_143 = arith.constant 0 : i32
        %dma_wait3A_144 = tpu.memref_slice %arg6[%run_scoped3A_105, %dma_wait3A_142, %dma_wait3A_143] : memref<2x104x64xf32, #tpu.memory_space<vmem>> -> memref<1x104x64xf32, #tpu.memory_space<vmem>>
        %dma_wait3A_145 = tpu.memref_squeeze %dma_wait3A_144 : memref<1x104x64xf32, #tpu.memory_space<vmem>> -> memref<104x64xf32, #tpu.memory_space<vmem>>
        tpu.wait_dma2 semaphore(%run_scoped3A_121 : memref<!tpu.dma_semaphore, #tpu.memory_space<semaphore_mem>>) src(%dma_wait3A_145 : memref<104x64xf32, #tpu.memory_space<vmem>>) dst(%dma_wait3A_141 : memref<104x64xf32, #tpu.memory_space<hbm>>)
        tpu.yield
      }) : () -> ()
      %add3A_106 = arith.constant 2 : i32
      %add3A_107 = arith.addi %add3A_90, %add3A_106 : i32
      %min3A_108 = arith.constant 49 : i32
      %min3A_109 = arith.minsi %add3A_107, %min3A_108 : i32
      %dma_start3A_110 = arith.constant 1 : i32
      %dma_start3A_111 = arith.constant 0 : i32
      %dma_start3A_112 = arith.constant 0 : i32
      %dma_start3A_113 = tpu.memref_slice %arg6[%dma_start3A_110, %dma_start3A_111, %dma_start3A_112] : memref<2x104x64xf32, #tpu.memory_space<vmem>> -> memref<1x104x64xf32, #tpu.memory_space<vmem>>
      %dma_start3A_114 = tpu.memref_squeeze %dma_start3A_113 : memref<1x104x64xf32, #tpu.memory_space<vmem>> -> memref<104x64xf32, #tpu.memory_space<vmem>>
      %dma_start3A_115 = arith.constant 0 : i32
      %dma_start3A_116 = tpu.memref_slice %arg5[%min3A_109, %dma_start3A_115] : memref<50x104xi32, #tpu.memory_space<vmem>> -> memref<1x104xi32, #tpu.memory_space<vmem>>
      %dma_start3A_117 = tpu.memref_squeeze %dma_start3A_116 : memref<1x104xi32, #tpu.memory_space<vmem>> -> memref<104xi32, #tpu.memory_space<vmem>>
      %dma_start3A_118 = arith.constant 0 : i32
      %dma_start3A_119 = arith.constant 0 : i32
      %dma_start3A_120 = tpu.memref_slice %arg2[%dma_start3A_118, %dma_start3A_119] : memref<100000x64xf32, #tpu.memory_space<hbm>> -> memref<100000x64xf32, #tpu.memory_space<hbm>>
      tpu.enqueue_indirect_dma source(%dma_start3A_120 : memref<100000x64xf32, #tpu.memory_space<hbm>>) target(%dma_start3A_114 : memref<104x64xf32, #tpu.memory_space<vmem>>) offsets(%dma_start3A_117 : memref<104xi32, #tpu.memory_space<vmem>>) semaphore(%arg8 : memref<!tpu.dma_semaphore, #tpu.memory_space<semaphore_mem>>)
    }
    %scan3A_30 = arith.constant 25 : i32
    %dma_wait3A = arith.constant 0 : i32
    %dma_wait3A_31 = arith.constant 0 : i32
    %dma_wait3A_32 = arith.constant 0 : i32
    %dma_wait3A_33 = arith.constant 0 : i32
    %dma_wait3A_34 = tpu.memref_slice %arg6[%dma_wait3A_31, %dma_wait3A_32, %dma_wait3A_33] : memref<2x104x64xf32, #tpu.memory_space<vmem>> -> memref<1x104x64xf32, #tpu.memory_space<vmem>>
    %dma_wait3A_35 = tpu.memref_squeeze %dma_wait3A_34 : memref<1x104x64xf32, #tpu.memory_space<vmem>> -> memref<104x64xf32, #tpu.memory_space<vmem>>
    %dma_wait3A_36 = arith.constant 0 : i32
    %dma_wait3A_37 = tpu.memref_slice %arg5[%dma_wait3A, %dma_wait3A_36] : memref<50x104xi32, #tpu.memory_space<vmem>> -> memref<1x104xi32, #tpu.memory_space<vmem>>
    %dma_wait3A_38 = tpu.memref_squeeze %dma_wait3A_37 : memref<1x104xi32, #tpu.memory_space<vmem>> -> memref<104xi32, #tpu.memory_space<vmem>>
    %dma_wait3A_39 = arith.constant 0 : i32
    %dma_wait3A_40 = arith.constant 0 : i32
    %dma_wait3A_41 = tpu.memref_slice %arg2[%dma_wait3A_39, %dma_wait3A_40] : memref<100000x64xf32, #tpu.memory_space<hbm>> -> memref<100000x64xf32, #tpu.memory_space<hbm>>
    tpu.wait_indirect_dma semaphore(%arg7 : memref<!tpu.dma_semaphore, #tpu.memory_space<semaphore_mem>>) src(%dma_wait3A_41 : memref<100000x64xf32, #tpu.memory_space<hbm>>) dst(%dma_wait3A_35 : memref<104x64xf32, #tpu.memory_space<vmem>>)
    %dma_wait3A_42 = arith.constant 1 : i32
    %dma_wait3A_43 = arith.constant 1 : i32
    %dma_wait3A_44 = arith.constant 0 : i32
    %dma_wait3A_45 = arith.constant 0 : i32
    %dma_wait3A_46 = tpu.memref_slice %arg6[%dma_wait3A_43, %dma_wait3A_44, %dma_wait3A_45] : memref<2x104x64xf32, #tpu.memory_space<vmem>> -> memref<1x104x64xf32, #tpu.memory_space<vmem>>
    %dma_wait3A_47 = tpu.memref_squeeze %dma_wait3A_46 : memref<1x104x64xf32, #tpu.memory_space<vmem>> -> memref<104x64xf32, #tpu.memory_space<vmem>>
    %dma_wait3A_48 = arith.constant 0 : i32
    %dma_wait3A_49 = tpu.memref_slice %arg5[%dma_wait3A_42, %dma_wait3A_48] : memref<50x104xi32, #tpu.memory_space<vmem>> -> memref<1x104xi32, #tpu.memory_space<vmem>>
    %dma_wait3A_50 = tpu.memref_squeeze %dma_wait3A_49 : memref<1x104xi32, #tpu.memory_space<vmem>> -> memref<104xi32, #tpu.memory_space<vmem>>
    %dma_wait3A_51 = arith.constant 0 : i32
    %dma_wait3A_52 = arith.constant 0 : i32
    %dma_wait3A_53 = tpu.memref_slice %arg2[%dma_wait3A_51, %dma_wait3A_52] : memref<100000x64xf32, #tpu.memory_space<hbm>> -> memref<100000x64xf32, #tpu.memory_space<hbm>>
    tpu.wait_indirect_dma semaphore(%arg8 : memref<!tpu.dma_semaphore, #tpu.memory_space<semaphore_mem>>) src(%dma_wait3A_53 : memref<100000x64xf32, #tpu.memory_space<hbm>>) dst(%dma_wait3A_47 : memref<104x64xf32, #tpu.memory_space<vmem>>)
    return
  }
}

module attributes {stable_mosaic.version = 14 : i64} {
  func.func @body(%arg0: i32, %arg1: memref<2000x32xf32, #tpu.memory_space<vmem>>, %arg2: memref<2000x32xf32, #tpu.memory_space<vmem>>, %arg3: memref<2000x64xf32, #tpu.memory_space<vmem>>) attributes {dimension_semantics = [#tpu.dimension_semantics<arbitrary>], iteration_bounds = array<i64: 50>, scalar_prefetch = 0 : i64, scratch_operands = 0 : i64, tpu.core_type = #tpu.core_type<tc>, window_params = [{transform_indices = @transform_0, window_bounds = array<i64: 2000, 32>}, {transform_indices = @transform_1, window_bounds = array<i64: 2000, 32>}, {transform_indices = @transform_2, window_bounds = array<i64: 2000, 64>}]} {
    %get3A = arith.constant 0 : index
    %get3A_0 = arith.constant 0 : index
    %get3A_1 = vector.load %arg1[%get3A, %get3A_0] : memref<2000x32xf32, #tpu.memory_space<vmem>>, vector<2000x32xf32>
    %exp3A = math.exp %get3A_1 : vector<2000x32xf32>
    %get3A_2 = arith.constant 0 : index
    %get3A_3 = arith.constant 0 : index
    %get3A_4 = vector.load %arg2[%get3A_2, %get3A_3] : memref<2000x32xf32, #tpu.memory_space<vmem>>, vector<2000x32xf32>
    %concatenate3A = tpu.concatenate %exp3A, %get3A_4 in 1 : vector<2000x32xf32>, vector<2000x32xf32> -> vector<2000x64xf32>
    %swap3A = arith.constant 0 : index
    %swap3A_5 = arith.constant 0 : index
    %swap3A_6 = vector.load %arg3[%swap3A, %swap3A_5] : memref<2000x64xf32, #tpu.memory_space<vmem>>, vector<2000x64xf32>
    tpu.vector_store %arg3[%swap3A, %swap3A_5], %concatenate3A {strides = array<i32>} : memref<2000x64xf32, #tpu.memory_space<vmem>>, vector<2000x64xf32>,
    return
  }
  func.func @transform_0(%arg0: i32) -> (i32, i32) {
    %c0_i32 = arith.constant 0 : i32
    %c0_i32_0 = arith.constant 0 : i32
    return %arg0, %c0_i32 : i32, i32
  }
  func.func @transform_1(%arg0: i32) -> (i32, i32) {
    %c0_i32 = arith.constant 0 : i32
    %c0_i32_0 = arith.constant 0 : i32
    return %arg0, %c0_i32 : i32, i32
  }
  func.func @transform_2(%arg0: i32) -> (i32, i32) {
    %c0_i32 = arith.constant 0 : i32
    %c0_i32_0 = arith.constant 0 : i32
    return %arg0, %c0_i32 : i32, i32
  }
}

module attributes {stable_mosaic.version = 14 : i64} {
  func.func @body(%arg0: i32, %arg1: memref<640x26xi32, #tpu.memory_space<vmem>>, %arg2: memref<26x640xi32, #tpu.memory_space<vmem>>) attributes {dimension_semantics = [#tpu.dimension_semantics<arbitrary>], iteration_bounds = array<i64: 10>, scalar_prefetch = 0 : i64, scratch_operands = 0 : i64, tpu.core_type = #tpu.core_type<tc>, window_params = [{transform_indices = @transform_0, window_bounds = array<i64: 640, 26>}, {transform_indices = @transform_1, window_bounds = array<i64: 26, 640>}]} {
    %get3A = arith.constant 0 : index
    %get3A_0 = arith.constant 0 : index
    %get3A_1 = vector.load %arg1[%get3A, %get3A_0] : memref<640x26xi32, #tpu.memory_space<vmem>>, vector<640x26xi32>
    %transpose3A = tpu.transpose %get3A_1, [1, 0] : vector<640x26xi32> -> vector<26x640xi32>
    %swap3A = arith.constant 0 : index
    %swap3A_2 = arith.constant 0 : index
    %swap3A_3 = vector.load %arg2[%swap3A, %swap3A_2] : memref<26x640xi32, #tpu.memory_space<vmem>>, vector<26x640xi32>
    tpu.vector_store %arg2[%swap3A, %swap3A_2], %transpose3A {strides = array<i32>} : memref<26x640xi32, #tpu.memory_space<vmem>>, vector<26x640xi32>,
    return
  }
  func.func @transform_0(%arg0: i32) -> (i32, i32) {
    %c0_i32 = arith.constant 0 : i32
    %c0_i32_0 = arith.constant 0 : i32
    return %arg0, %c0_i32 : i32, i32
  }
  func.func @transform_1(%arg0: i32) -> (i32, i32) {
    %c0_i32 = arith.constant 0 : i32
    %c0_i32_0 = arith.constant 0 : i32
    return %c0_i32, %arg0 : i32, i32
  }
}

module attributes {stable_mosaic.version = 14 : i64} {
  func.func @body(%arg0: i32, %arg1: i32, %arg2: memref<1x1600x128xf32, #tpu.memory_space<vmem>>, %arg3: memref<1600x52xf32, #tpu.memory_space<vmem>>, %arg4: memref<1600x52xi32, #tpu.memory_space<vmem>>, %arg5: memref<1x1x64xf32, #tpu.memory_space<vmem>>, %arg6: memref<1x52x64xf32, #tpu.memory_space<vmem>>, %arg7: memref<1x52x128xf32, #tpu.memory_space<vmem>>, %arg8: memref<1600x128xf32, #tpu.memory_space<vmem>>, %arg9: memref<1600x128xf32, #tpu.memory_space<vmem>>) attributes {dimension_semantics = [#tpu.dimension_semantics<arbitrary>, #tpu.dimension_semantics<arbitrary>], iteration_bounds = array<i64: 2, 26>, scalar_prefetch = 0 : i64, scratch_operands = 1 : i64, tpu.core_type = #tpu.core_type<tc>, window_params = [{transform_indices = @transform_0, window_bounds = array<i64: 1, 1600, 128>}, {transform_indices = @transform_1, window_bounds = array<i64: 1600, 52>}, {transform_indices = @transform_2, window_bounds = array<i64: 1600, 52>}, {transform_indices = @transform_3, window_bounds = array<i64: 1, 1, 64>}, {transform_indices = @transform_4, window_bounds = array<i64: 1, 52, 64>}, {pipeline_mode = #tpu.pipeline_mode<synchronous>, transform_indices = @transform_5, window_bounds = array<i64: 1, 52, 128>}, {transform_indices = @transform_6, window_bounds = array<i64: 1600, 128>}]} {
    %eq3A = arith.constant 0 : i32
    %eq3A_0 = arith.cmpi eq, %arg1, %eq3A : i32
    %convert_element_type3A = arith.extui %eq3A_0 : i1 to i32
    %cond3A = arith.constant 0 : i32
    %cond3A_1 = arith.cmpi ne, %convert_element_type3A, %cond3A : i32
    scf.if %cond3A_1 {
      %broadcast_in_dim3A = arith.constant 0.000000e+00 : f32
      %broadcast_in_dim3A_64 = vector.broadcast %broadcast_in_dim3A : f32 to vector<1600x128xf32>
      %swap3A_65 = arith.constant 0 : index
      %swap3A_66 = arith.constant 0 : index
      %swap3A_67 = vector.load %arg9[%swap3A_65, %swap3A_66] : memref<1600x128xf32, #tpu.memory_space<vmem>>, vector<1600x128xf32>
      tpu.vector_store %arg9[%swap3A_65, %swap3A_66], %broadcast_in_dim3A_64 {strides = array<i32>} : memref<1600x128xf32, #tpu.memory_space<vmem>>, vector<1600x128xf32>,
    } else {
    }
    %get3A = arith.constant 0 : index
    %get3A_2 = arith.constant 0 : index
    %get3A_3 = arith.constant 0 : index
    %get3A_4 = vector.load %arg2[%get3A, %get3A_2, %get3A_3] : memref<1x1600x128xf32, #tpu.memory_space<vmem>>, vector<1x1600x128xf32>
    %get3A_5 = vector.shape_cast %get3A_4 : vector<1x1600x128xf32> to vector<1600x128xf32>
    %get3A_6 = arith.constant 0 : index
    %get3A_7 = arith.constant 0 : index
    %get3A_8 = arith.constant 0 : index
    %get3A_9 = vector.load %arg5[%get3A_6, %get3A_7, %get3A_8] : memref<1x1x64xf32, #tpu.memory_space<vmem>>, vector<1x1x64xf32>
    %get3A_10 = vector.shape_cast %get3A_9 : vector<1x1x64xf32> to vector<1x64xf32>
    %slice3A = vector.extract_strided_slice %get3A_5 {offsets = [0, 0], sizes = [1600, 32], strides = [1, 1]} : vector<1600x128xf32> to vector<1600x32xf32>
    %slice3A_11 = vector.extract_strided_slice %get3A_5 {offsets = [0, 64], sizes = [1600, 32], strides = [1, 1]} : vector<1600x128xf32> to vector<1600x32xf32>
    %concatenate3A = tpu.concatenate %slice3A, %slice3A_11 in 1 : vector<1600x32xf32>, vector<1600x32xf32> -> vector<1600x64xf32>
    %slice3A_12 = vector.extract_strided_slice %get3A_5 {offsets = [0, 32], sizes = [1600, 32], strides = [1, 1]} : vector<1600x128xf32> to vector<1600x32xf32>
    %slice3A_13 = vector.extract_strided_slice %get3A_5 {offsets = [0, 96], sizes = [1600, 32], strides = [1, 1]} : vector<1600x128xf32> to vector<1600x32xf32>
    %concatenate3A_14 = tpu.concatenate %slice3A_12, %slice3A_13 in 1 : vector<1600x32xf32>, vector<1600x32xf32> -> vector<1600x64xf32>
    %get3A_15 = arith.constant 0 : index
    %get3A_16 = arith.constant 0 : index
    %get3A_17 = vector.load %arg3[%get3A_15, %get3A_16] : memref<1600x52xf32, #tpu.memory_space<vmem>>, vector<1600x52xf32>
    %get3A_18 = arith.constant 0 : index
    %get3A_19 = arith.constant 0 : index
    %get3A_20 = arith.constant 0 : index
    %get3A_21 = vector.load %arg6[%get3A_18, %get3A_19, %get3A_20] : memref<1x52x64xf32, #tpu.memory_space<vmem>>, vector<1x52x64xf32>
    %get3A_22 = vector.shape_cast %get3A_21 : vector<1x52x64xf32> to vector<52x64xf32>
    %dot_general3A = arith.constant dense<0.000000e+00> : vector<1600x64xf32>
    %dot_general3A_23 = tpu.matmul %get3A_17, %get3A_22, %dot_general3A {dimension_numbers = #tpu.dot_dimension_numbers<[1], [0], [0], [1], [0, 0, 1, 1], [], []>, precision = #tpu.contract_precision<fp32>, transpose_lhs_hint = false} : vector<1600x52xf32>, vector<52x64xf32>, vector<1600x64xf32> -> vector<1600x64xf32>
    %mul3A = arith.mulf %dot_general3A_23, %concatenate3A : vector<1600x64xf32>
    %add3A = vector.broadcast %get3A_10 : vector<1x64xf32> to vector<1600x64xf32>
    %add3A_24 = arith.addf %mul3A, %add3A : vector<1600x64xf32>
    %sub3A = arith.constant 1.57079637 : f32
    %sub3A_25 = vector.broadcast %sub3A : f32 to vector<1600x64xf32>
    %sub3A_26 = arith.subf %add3A_24, %sub3A_25 : vector<1600x64xf32>
    %concatenate3A_27 = tpu.concatenate %add3A_24, %sub3A_26 in 1 : vector<1600x64xf32>, vector<1600x64xf32> -> vector<1600x128xf32>
    %concatenate3A_28 = tpu.concatenate %concatenate3A_14, %concatenate3A_14 in 1 : vector<1600x64xf32>, vector<1600x64xf32> -> vector<1600x128xf32>
    %get3A_29 = arith.constant 0 : index
    %get3A_30 = arith.constant 0 : index
    %get3A_31 = vector.load %arg9[%get3A_29, %get3A_30] : memref<1600x128xf32, #tpu.memory_space<vmem>>, vector<1600x128xf32>
    %mul3A_32 = arith.constant 0.159154937 : f32
    %mul3A_33 = vector.broadcast %mul3A_32 : f32 to vector<1600x128xf32>
    %mul3A_34 = arith.mulf %concatenate3A_27, %mul3A_33 : vector<1600x128xf32>
    %round3A = math.roundeven %mul3A_34 : vector<1600x128xf32>
    %sub3A_35 = arith.subf %mul3A_34, %round3A : vector<1600x128xf32>
    %mul3A_36 = arith.mulf %sub3A_35, %sub3A_35 : vector<1600x128xf32>
    %mul3A_37 = arith.constant 46.3104668 : f32
    %mul3A_38 = vector.broadcast %mul3A_37 : f32 to vector<1600x128xf32>
    %mul3A_39 = arith.mulf %mul3A_38, %mul3A_36 : vector<1600x128xf32>
    %add3A_40 = arith.constant -82.7013626 : f32
    %add3A_41 = vector.broadcast %add3A_40 : f32 to vector<1600x128xf32>
    %add3A_42 = arith.addf %mul3A_39, %add3A_41 : vector<1600x128xf32>
    %mul3A_43 = arith.mulf %add3A_42, %mul3A_36 : vector<1600x128xf32>
    %add3A_44 = arith.constant 64.7143936 : f32
    %add3A_45 = vector.broadcast %add3A_44 : f32 to vector<1600x128xf32>
    %add3A_46 = arith.addf %mul3A_43, %add3A_45 : vector<1600x128xf32>
    %mul3A_47 = arith.mulf %add3A_46, %mul3A_36 : vector<1600x128xf32>
    %add3A_48 = arith.constant -19.7327976 : f32
    %add3A_49 = vector.broadcast %add3A_48 : f32 to vector<1600x128xf32>
    %add3A_50 = arith.addf %mul3A_47, %add3A_49 : vector<1600x128xf32>
    %mul3A_51 = arith.mulf %add3A_50, %mul3A_36 : vector<1600x128xf32>
    %add3A_52 = arith.constant 0.999971091 : f32
    %add3A_53 = vector.broadcast %add3A_52 : f32 to vector<1600x128xf32>
    %add3A_54 = arith.addf %mul3A_51, %add3A_53 : vector<1600x128xf32>
    %mul3A_55 = arith.mulf %add3A_54, %concatenate3A_28 : vector<1600x128xf32>
    %add3A_56 = arith.addf %get3A_31, %mul3A_55 : vector<1600x128xf32>
    %swap3A = arith.constant 0 : index
    %swap3A_57 = arith.constant 0 : index
    %swap3A_58 = vector.load %arg9[%swap3A, %swap3A_57] : memref<1600x128xf32, #tpu.memory_space<vmem>>, vector<1600x128xf32>
    tpu.vector_store %arg9[%swap3A, %swap3A_57], %add3A_56 {strides = array<i32>} : memref<1600x128xf32, #tpu.memory_space<vmem>>, vector<1600x128xf32>,
    %eq3A_59 = arith.constant 25 : i32
    %eq3A_60 = arith.cmpi eq, %arg1, %eq3A_59 : i32
    %convert_element_type3A_61 = arith.extui %eq3A_60 : i1 to i32
    %cond3A_62 = arith.constant 0 : i32
    %cond3A_63 = arith.cmpi ne, %convert_element_type3A_61, %cond3A_62 : i32
    scf.if %cond3A_63 {
      %get3A_64 = arith.constant 0 : index
      %get3A_65 = arith.constant 0 : index
      %get3A_66 = vector.load %arg4[%get3A_64, %get3A_65] : memref<1600x52xi32, #tpu.memory_space<vmem>>, vector<1600x52xi32>
      %ne3A = arith.constant 0 : i32
      %ne3A_67 = vector.broadcast %ne3A : i32 to vector<1600x52xi32>
      %ne3A_68 = arith.cmpi ne, %get3A_66, %ne3A_67 : vector<1600x52xi32>
      %ne3A_69 = arith.constant -1 : i32
      %ne3A_70 = vector.broadcast %ne3A_69 : i32 to vector<1600x52xi32>
      %ne3A_71 = arith.cmpi ne, %get3A_66, %ne3A_70 : vector<1600x52xi32>
      %and3A = arith.andi %ne3A_68, %ne3A_71 : vector<1600x52xi1>
      %convert_element_type3A_72 = arith.extui %and3A : vector<1600x52xi1> to vector<1600x52xi32>
      %convert_element_type3A_73 = arith.sitofp %convert_element_type3A_72 : vector<1600x52xi32> to vector<1600x52xf32>
      %get3A_74 = arith.constant 0 : index
      %get3A_75 = arith.constant 0 : index
      %get3A_76 = arith.constant 0 : index
      %get3A_77 = vector.load %arg7[%get3A_74, %get3A_75, %get3A_76] : memref<1x52x128xf32, #tpu.memory_space<vmem>>, vector<1x52x128xf32>
      %get3A_78 = vector.shape_cast %get3A_77 : vector<1x52x128xf32> to vector<52x128xf32>
      %dot_general3A_79 = arith.constant dense<0.000000e+00> : vector<1600x128xf32>
      %dot_general3A_80 = tpu.matmul %convert_element_type3A_73, %get3A_78, %dot_general3A_79 {dimension_numbers = #tpu.dot_dimension_numbers<[1], [0], [0], [1], [0, 0, 1, 1], [], []>, transpose_lhs_hint = false} : vector<1600x52xf32>, vector<52x128xf32>, vector<1600x128xf32> -> vector<1600x128xf32>
      %get3A_81 = arith.constant 0 : index
      %get3A_82 = arith.constant 0 : index
      %get3A_83 = vector.load %arg9[%get3A_81, %get3A_82] : memref<1600x128xf32, #tpu.memory_space<vmem>>, vector<1600x128xf32>
      %mul3A_84 = arith.constant 2.000000e+00 : f32
      %mul3A_85 = vector.broadcast %mul3A_84 : f32 to vector<1600x128xf32>
      %mul3A_86 = arith.mulf %mul3A_85, %dot_general3A_80 : vector<1600x128xf32>
      %rsqrt3A = math.rsqrt %mul3A_86 : vector<1600x128xf32>
      %mul3A_87 = arith.mulf %get3A_83, %rsqrt3A : vector<1600x128xf32>
      %slice3A_88 = vector.extract_strided_slice %mul3A_87 {offsets = [0, 0], sizes = [1600, 32], strides = [1, 1]} : vector<1600x128xf32> to vector<1600x32xf32>
      %slice3A_89 = vector.extract_strided_slice %mul3A_87 {offsets = [0, 64], sizes = [1600, 32], strides = [1, 1]} : vector<1600x128xf32> to vector<1600x32xf32>
      %slice3A_90 = vector.extract_strided_slice %mul3A_87 {offsets = [0, 32], sizes = [1600, 32], strides = [1, 1]} : vector<1600x128xf32> to vector<1600x32xf32>
      %slice3A_91 = vector.extract_strided_slice %mul3A_87 {offsets = [0, 96], sizes = [1600, 32], strides = [1, 1]} : vector<1600x128xf32> to vector<1600x32xf32>
      %concatenate3A_92 = tpu.concatenate %slice3A_88, %slice3A_89, %slice3A_90, %slice3A_91 in 1 : vector<1600x32xf32>, vector<1600x32xf32>, vector<1600x32xf32>, vector<1600x32xf32> -> vector<1600x128xf32>
      %swap3A_93 = arith.constant 0 : index
      %swap3A_94 = arith.constant 0 : index
      %swap3A_95 = vector.load %arg8[%swap3A_93, %swap3A_94] : memref<1600x128xf32, #tpu.memory_space<vmem>>, vector<1600x128xf32>
      tpu.vector_store %arg8[%swap3A_93, %swap3A_94], %concatenate3A_92 {strides = array<i32>} : memref<1600x128xf32, #tpu.memory_space<vmem>>, vector<1600x128xf32>,
    } else {
    }
    return
  }
  func.func @transform_0(%arg0: i32, %arg1: i32) -> (i32, i32, i32) {
    %c0_i32 = arith.constant 0 : i32
    %c0_i32_0 = arith.constant 0 : i32
    return %arg1, %arg0, %c0_i32 : i32, i32, i32
  }
  func.func @transform_1(%arg0: i32, %arg1: i32) -> (i32, i32) {
    %c0_i32 = arith.constant 0 : i32
    %c0_i32_0 = arith.constant 0 : i32
    return %arg0, %c0_i32 : i32, i32
  }
  func.func @transform_2(%arg0: i32, %arg1: i32) -> (i32, i32) {
    %c0_i32 = arith.constant 0 : i32
    %c0_i32_0 = arith.constant 0 : i32
    return %arg0, %c0_i32 : i32, i32
  }
  func.func @transform_3(%arg0: i32, %arg1: i32) -> (i32, i32, i32) {
    %c0_i32 = arith.constant 0 : i32
    %c0_i32_0 = arith.constant 0 : i32
    %c0_i32_1 = arith.constant 0 : i32
    return %arg1, %c0_i32, %c0_i32_0 : i32, i32, i32
  }
  func.func @transform_4(%arg0: i32, %arg1: i32) -> (i32, i32, i32) {
    %c0_i32 = arith.constant 0 : i32
    %c0_i32_0 = arith.constant 0 : i32
    %c0_i32_1 = arith.constant 0 : i32
    return %arg1, %c0_i32, %c0_i32_0 : i32, i32, i32
  }
  func.func @transform_5(%arg0: i32, %arg1: i32) -> (i32, i32, i32) {
    %c0_i32 = arith.constant 0 : i32
    %c0_i32_0 = arith.constant 0 : i32
    %c0_i32_1 = arith.constant 0 : i32
    %c0_i32_2 = arith.constant 0 : i32
    return %c0_i32, %c0_i32_0, %c0_i32_1 : i32, i32, i32
  }
  func.func @transform_6(%arg0: i32, %arg1: i32) -> (i32, i32) {
    %c0_i32 = arith.constant 0 : i32
    %c0_i32_0 = arith.constant 0 : i32
    return %arg0, %c0_i32 : i32, i32
  }
}

</mosaic_0001>

<sc_bundles>
// kernel: kernel.27.cloned.1.call-start
scs
__scs_entry_jumppad:
0x0: {  	(pc) =	sbr.rel $0x88, $3  }
0x1: {  	(tag) =	ssettag $0x0;
	lr =	simm.s32 $0x1  }
0x2: {  	[smem:$0x3F9C] =	sst lr;
	_ =	strace $0xD0000000  }
0x3: {  	_ = 	snop  }
0x4: {  	_ = 	snop  }
0x5: {  	_ = 	snop  }
0x6: {  	_ = 	snop  }
0x7: {  	_ = 	snop  }
__scs_overlays_trampoline_lowered:
0x8: {  	[smem:$0x3FAB] =	sst s0  }
0x9: {  	[smem:$0x3FAC] =	sst s1  }
0xa: {  	[smem:$0x3FAD] =	sst s2  }
0xb: {  	[smem:$0x3FAE] =	sst s3  }
0xc: {  	[smem:$0x3FAF] =	sst s4  }
0xd: {  	[smem:$0x3FB0] =	sst s5  }
0xe: {  	[smem:$0x3FB1] =	sst s6  }
0xf: {  	[smem:$0x3FB2] =	sst s7  }
0x10: {  	[smem:$0x3FB3] =	sst s8  }
0x11: {  	[smem:$0x3FB4] =	sst s9;
	s0 =	simm.s32 @!p0 $0x0  }
0x12: {  	s1 =	sld [smem:$0x3F9A];
	s0 =	simm.s32 @p0 $0x1  }
0x13: {  	[smem:$0x3FB5] =	sst s0;
	s0 =	simm.s32 @!p1 $0x0  }
0x14: {  	s2 =	sld [smem:$0x3F99];
	s0 =	simm.s32 @p1 $0x1  }
0x15: {  	[smem:$0x3FB6] =	sst s0;
	s0 =	simm.s32 @!p2 $0x0  }
0x16: {  	s3 =	sld [smem:$0x3FDB];
	s0 =	simm.s32 @p2 $0x1  }
0x17: {  	s4 =	simm.s32 $0x1BF5;
	[smem:$0x3FB8] =	sst s0  }
0x18: {  	s0 =	sld [smem:$0x3F9B];
	_ =	swait.ge [sflag:s4], $0x0  }
0x19: {  	s7 =	sld [smem:$0x3F9C]  }
0x1a: {  	s8 =	sadd.s32 $0xFFFFE003, lr  }
0x1b: {  	s9 =	sadd.s32 $0xFFFFFEF7, lr;
	s5 =	simm.s32 $0xFFFFFFFF;
	p2 =	slt.u32 s8, $0xFFFFF086  }
0x1c: {  	p1 =	slt.u32 s9, $0xF7A;
	s5 =	simm.s32 @!p2 $0x0  }
0x1d: {  	s5 =	simm.s32 @p1 $0x1;
	p0 =	seq.s32 s7, s2  }
0x1e: {  	s7 =	smul.u32 @!p0 $0xF7A, s2;
	p2 =	seq.s32 @!p0 s5, $0x0  }
0x1f: {  	s9 =	smul.u32 $0xF7A, s1;
	s8 =	simm.s32 @!p0 $0x1BF5;
	p2 =	por !p2, p0  }
0x20: {  	[sflag:s8] =	ssyncset.s32 @!p0 $0xFFFFF086;
	s6 =	sadd.s32 @!p0 s3, s7;
	s7 =	simm.s32 @!p0 $0x108  }
0x21: {  	s3 =	sadd.s32 s3, s9;
	s6 =	sadd.s32 @!p0 $0x88, s6;
	s7 =	simm.s32 @p2 $0x1082  }
0x22: {  	[simem:s7], [sflag:s8] =	dma.local @!p0 [hbm:s6], $0xF7A  }
0x23: {  	s9 =	sor.u32 $0xD0000000, s2;
	s6 =	simm.s32 $0x108;
	_ =	swait.ge @!p0 [sflag:s8], $0x0  }
0x24: {  	s3 =	sadd.s32 $0x88, s3;
	s6 =	simm.s32 @!p1 $0x1082;
	[sflag:s4] =	ssyncset.s32 $0xFFFFF086  }
0x25: {  	[simem:s6], [sflag:s4] =	dma.local [hbm:s3], $0xF7A  }
0x26: {  	[smem:$0x3F9C] =	sst s1;
	(tag) =	ssettag s2;
	_ =	strace s9  }
0x27: {  	s1 =	sld [smem:$0x3FAC]  }
0x28: {  	s2 =	sld [smem:$0x3FAD]  }
0x29: {  	s4 =	sld [smem:$0x3FAF]  }
0x2a: {  	p0 =	seq.s32 s5, $0x0;
	s5 =	sld [smem:$0x3FB0]  }
0x2b: {  	s6 =	sld [smem:$0x3FB1]  }
0x2c: {  	s7 =	sld [smem:$0x3FB2]  }
0x2d: {  	s3 =	simm.s32 $0x108;
	s8 =	sld [smem:$0x3FB3]  }
0x2e: {  	s3 =	simm.s32 @!p0 $0x1082;
	s9 =	sld [smem:$0x3FB4]  }
0x2f: {  	lr =	sadd.s32 s0, s3;
	s0 =	sld [smem:$0x3FAB]  }
0x30: {  	s3 =	sld [smem:$0x3FAE]  }
0x31: {  	[smem:$0x3FB7] =	sst s10  }
0x32: {  	s10 =	sld [smem:$0x3FB5];
	_ =	sdelay $0x3  }
0x33: {  	p0 =	seq.s32 s10, $0x1;
	s10 =	sld [smem:$0x3FB7];
	_ =	sdelay $0x3  }
0x34: {  	[smem:$0x3FB7] =	sst s10  }
0x35: {  	s10 =	sld [smem:$0x3FB6];
	_ =	sdelay $0x3  }
0x36: {  	p1 =	seq.s32 s10, $0x1;
	s10 =	sld [smem:$0x3FB7];
	_ =	sdelay $0x3  }
0x37: {  	[smem:$0x3FB7] =	sst s10  }
0x38: {  	s10 =	sld [smem:$0x3FB8]  }
0x39: {  	_ = 	snop;
	(pc) =	sbr.ind lr, $3  }
0x3a: {  	_ = 	snop  }
0x3b: {  	_ = 	snop  }
0x3c: {  	p2 =	seq.s32 s10, $0x1;
	s10 =	sld [smem:$0x3FB7]  }
0x3d: {  	_ =	shalt  }
0x3e: {  	_ =	shalt  }
0x3f: {  	_ =	shalt  }
0x40: {  	_ =	shalt  }
0x41: {  	_ =	shalt  }
0x42: {  	_ =	shalt  }
0x43: {  	_ =	shalt  }
0x44: {  	_ =	shalt  }
0x45: {  	_ =	shalt  }
0x46: {  	_ =	shalt  }
0x47: {  	_ =	shalt  }
0x48: {  	_ =	shalt  }
0x49: {  	_ =	shalt  }
0x4a: {  	_ =	shalt  }
0x4b: {  	_ =	shalt  }
0x4c: {  	_ =	shalt  }
0x4d: {  	_ =	shalt  }
0x4e: {  	_ =	shalt  }
0x4f: {  	_ =	shalt  }
0x50: {  	_ =	shalt  }
0x51: {  	_ =	shalt  }
0x52: {  	_ =	shalt  }
0x53: {  	_ =	shalt  }
0x54: {  	_ =	shalt  }
0x55: {  	_ =	shalt  }
0x56: {  	_ =	shalt  }
0x57: {  	_ =	shalt  }
0x58: {  	_ =	shalt  }
0x59: {  	_ =	shalt  }
0x5a: {  	_ =	shalt  }
0x5b: {  	_ =	shalt  }
0x5c: {  	_ =	shalt  }
0x5d: {  	_ =	shalt  }
0x5e: {  	_ =	shalt  }
0x5f: {  	_ =	shalt  }
0x60: {  	_ =	shalt  }
0x61: {  	_ =	shalt  }
0x62: {  	_ =	shalt  }
0x63: {  	_ =	shalt  }
0x64: {  	_ =	shalt  }
0x65: {  	_ =	shalt  }
0x66: {  	_ =	shalt  }
0x67: {  	_ =	shalt  }
0x68: {  	_ =	shalt  }
0x69: {  	_ =	shalt  }
0x6a: {  	_ =	shalt  }
0x6b: {  	_ =	shalt  }
0x6c: {  	_ =	shalt  }
0x6d: {  	_ =	shalt  }
0x6e: {  	_ =	shalt  }
0x6f: {  	_ =	shalt  }
0x70: {  	_ =	shalt  }
0x71: {  	_ =	shalt  }
0x72: {  	_ =	shalt  }
0x73: {  	_ =	shalt  }
0x74: {  	_ =	shalt  }
0x75: {  	_ =	shalt  }
0x76: {  	_ =	shalt  }
0x77: {  	_ =	shalt  }
0x78: {  	_ =	shalt  }
0x79: {  	_ =	shalt  }
0x7a: {  	_ =	shalt  }
0x7b: {  	_ =	shalt  }
0x7c: {  	_ =	shalt  }
0x7d: {  	_ =	shalt  }
0x7e: {  	_ =	shalt  }
0x7f: {  	_ =	shalt  }
0x80: {  	_ =	shalt  }
0x81: {  	_ =	shalt  }
0x82: {  	_ =	shalt  }
0x83: {  	_ =	shalt  }
0x84: {  	_ =	shalt  }
0x85: {  	_ =	shalt  }
0x86: {  	_ =	shalt  }
0x87: {  	_ =	shalt  }
.Lfunc_end0:
.L_simem_size_0:
called_computation_lowered:
.L_overlay_start_0:
0x88: {  	s2 =	sld [smem:$0x3FD9]  }
0x89: {  	s3 =	sld [smem:$0x3FFE];
	_ =	sdelay $0x1  }
0x8a: {  	s1 =	srdreg.scid  }
0x8b: {  	s0 =	sand.u32 $0x1, s1  }
0x8c: {  	s16 =	sshll.u32 s0, $0xA;
	s2 =	sadd.s32 s3, s2  }
0x8d: {  	s2 =	sadd.s32 s2, s16  }
0x8e: {  	[smem:$0x3FC3] =	sst s2  }
0x8f: {  	_ = 	snop  }
0x90: {  	(tm) =	ssettm $0x1  }
0x91: {  	s17 =	sld [smem:$0x3FFB];
	_ =	sdelay $0x3  }
0x92: {  	_ =	strace s17  }
0x93: {  	s2 =	sld [smem:$0x3FFC];
	_ =	sdelay $0x3  }
0x94: {  	_ =	strace s2  }
0x95: {  	s2 =	sld [smem:$0x3FFD];
	_ =	sdelay $0x3  }
0x96: {  	_ =	strace s2  }
0x97: {  	_ =	strace $0x8FFFFFFF  }
0x98: {  	s18 =	sld [smem:$0x3FDB];
	_ =	sdelay $0x1  }
0x99: {  	s19 =	simm.s32 $_scs_section_size  }
0x9a: {  	s4 =	simm.s32 $_size__tile_overlayer_lowered;
	s5 =	simm.s32 $_tile_overlayer_lowered  }
0x9b: {  	s22 =	simm.s32 $0x1BFF;
	s21 =	sshll.u32 s5, $0x1;
	s2 =	sadd.s32 s19, s18  }
0x9c: {  	s6 =	simm.s32 $0x0;
	s20 =	sshll.u32 s4, $0x1;
	s4 =	sadd.s32 s21, s2  }
0x9d: {  	[timem:s6], [sflag:s22] =	dma.local [hbm:s4], s20  }
0x9e: {  	_ =	swait.ge [sflag:s22], s20  }
0x9f: {  	s3 =	ssub.s32 $0x0, s20;
	[sflag:s22] =	ssyncset.done $0x0  }
0xa0: {  	[sflag:s22] =	ssyncadd.s32 s3;
	_ =	sdelay $0x1  }
0xa1: {  	s23 =	simm.s32 $0x1B8B  }
0xa2: {  	_ =	swait.ge [sflag:s23], $0x1  }
0xa3: {  	[sflag:s23] =	ssyncset.done $0x0  }
0xa4: {  	s25 =	simm.s32 $0x1B8E;
	s24 =	sld [smem:$0x3FFE];
	[sflag:s23] =	ssyncadd.s32 $0xFFFFFFFF  }
0xa5: {  	s26 =	simm.s32 $execute0_lowered;
	[smem:$0x3FD2] =	sst s25  }
0xa6: {  	s4 =	sshll.u32 s26, $0x1;
	_ =	strace $0x80000046;
	[dreg:$0x1] =	wrdreg $0xFFFFFFFF  }
0xa7: {  	s28 =	simm.s32 $_size_execute0_lowered;
	s2 =	sadd.s32 s2, s4;
	[dreg:$0x0] =	wrdreg $0x0  }
0xa8: {  	s4 =	sshll.u32 s28, $0x1;
	[dreg:$0x2] =	wrdreg s2  }
0xa9: {  	[dreg:$0x3] =	wrdreg s4  }
0xaa: {  	[dreg:$0x4] =	wrdreg $0xC0  }
0xab: {  	_ =	task [dreg:s6], $0x5FFFF  }
0xac: {  	[dreg:$0x1] =	wrdreg $0xFFFFFFFF  }
0xad: {  	[dreg:$0x0] =	wrdreg $0x60  }
0xae: {  	[dreg:$0x2] =	wrdreg s24  }
0xaf: {  	[dreg:$0x3] =	wrdreg $0x9  }
0xb0: {  	_ =	task.clear_ibuf [dreg:s6], $0x4FFFF;
	_ =	strace $0x90000046  }
0xb1: {  	s29 =	simm.s32 $0x9;
	_ =	strace $0x80000048  }
0xb2: {  	_ =	swait.ge [sflag:s29], $0x1  }
0xb3: {  	[sflag:s29] =	ssyncadd.s32 $0xFFFFFFFF  }
0xb4: {  	_ =	strace $0x90000048  }
0xb5: {  	_ =	sfence  }
0xb6: {  	s30 =	sld [smem:$0x0];
	_ =	sdelay $0x2  }
0xb7: {  	s31 =	sshll.u32 s1, $0xD;
	s1 =	sshrl.u32 s1, $0x2  }
0xb8: {  	s3 =	sand.u32 $0x4000, s31;
	s1 =	sadd.s32 s1, s30  }
0xb9: {  	s0 =	sor.u32 s3, s0;
	s1 =	sshll.u32 s1, $0x11  }
0xba: {  	s0 =	sor.u32 s1, s0  }
0xbb: {  	s0 =	sadd.s32 $0x8F2B, s0  }
0xbc: {  	[sflag:s0] =	ssyncadd.remote.s32 $0x1  }
0xbd: {  	_ =	sfence.sel $0xFFFF  }
0xbe: {  	[dreg:$0x0] =	wrdreg $0xFFFFFFFF;
	(pc) =	sbr.abs _section_cstart, $3  }
0xbf: {  	[dreg:$0x1] =	wrdreg $0xFFFFFFFF  }
0xc0: {  	_ =	task.clear_ibuf [dreg:s6], $0x2FFFF;
	_ =	strace $0x9FFFFFFF  }
0xc1: {  	(tm) =	ssettm $0x7FFFFFFF  }
tec
execute0_lowered:
.L_overlay_start_1:
0x0: {  	(tag) =	ssettag $0x1  }
0x1: {  	s1 =	srdreg.scid;
	s0 =	stileid.u32  }
0x2: {  	s4 =	rddreg [dreg:$0x0];
	s2 =	simm.s32 $0x0;
	s13 =	simm.s32 $0x1450  }
0x3: {  	s14 =	simm.s32 $0x2E50;
	s15 =	simm.s32 $0x1;
	s16 =	simm.s32 $0x2  }
0x4: {  	s17 =	simm.s32 $0x1380;
	s18 =	simm.s32 $0x13E8;
	s19 =	simm.s32 $0x0  }
0x5: {  	s6 =	sand.u32 $0x1, s1;
	s3 =	sshll.u32 s0, $0x1;
	s1 =	rddreg [dreg:$0x1]  }
0x6: {  	[smem:$0x7FF] =	sst s2;
	s31 =	smul.u32 $0x14500, s0;
	s5 =	sor.u32 s6, s3  }
0x7: {  	s9 =	sadd.s32 $0xF6000, s4;
	_ =	strace $0x80000047;
	s7 =	smul.u32 $0x28A, s5  }
0x8: {  	s3 =	sadd.s32 $0x5400, s4;
	s8 =	ssub.s32 $0x2, s6;
	s10 =	smul.u32 $0xA280, s5  }
0x9: {  	s11 =	smul.u32 $0xA280, s6;
	s29 =	sshrl.u32 s8, $0x1;
	s12 =	sadd.s32 s31, s9  }
0xa: {  	s30 =	ssub.s32 s8, s29;
	s7 =	sadd.s32 s7, s4;
	s10 =	sadd.s32 s9, s10  }
0xb: {  	s5 =	smax.u32 s30, $0x1;
	s4 =	sadd.s32 $0xF0E00, s7;
	s6 =	sadd.s32 $0x9C00, s10  }
0xc: {  	s7 =	sadd.s32 $0x9F40, s10;
	s8 =	sadd.s32 $0x9580, s10;
	s9 =	sadd.s32 $0x98C0, s10  }
0xd: {  	s10 =	sadd.s32 s11, s12;
	s11 =	simm.s32 $0x3;
	s12 =	simm.s32 $0x68  }
.LBB2_1:
0xe: {  	[tilespmem:s2], [sflag:$0x3] =	stream.linear.gather [hbm4b:s4+s2], $0x1450, $0x38;
	[tilespmem:$0x4850] =	vst v63  }
0xf: {  	_ =	swait.ge [sflag:s11], $0x1450  }
0x10: {  	[sflag:s11] =	ssyncset.done $0x0  }
0x11: {  	[sflag:s11] =	ssyncadd.s32 $0xFFFFEBB0  }
0x12: {  	[tilespmem:s13], [sflag:$0x1] =	stream.indirect.gather [hbm4b:s3+s12], $0x40, s2, s12, $0xb8;
	[tilespmem:$0x4850] =	vst v63  }
0x13: {  	_ = 	snop  }
0x14: {  	[tilespmem:s14], [sflag:$0x2] =	stream.indirect.gather [hbm4b:s3+s12], $0x40, s12, s12, $0xb8;
	[tilespmem:$0x4850] =	vst v63  }
0x15: {  	_ =	swait.ge [sflag:s15], $0x1A00  }
0x16: {  	[sflag:s15] =	ssyncset.done $0x0  }
0x17: {  	s20 =	sadd.s32 $0x0, s10;
	[sflag:s15] =	ssyncadd.s32 $0xFFFFE600  }
0x18: {  	[hbm4b:s20+s2] =	stream.linear.scatter [tilespmem:s13], [sflag:$0x3], $0x1A00, $0x38;
	[tilespmem:$0x4850] =	vst v63  }
0x19: {  	_ =	swait.ge [sflag:s11], $0x1A00  }
0x1a: {  	[sflag:s11] =	ssyncset.done $0x0  }
0x1b: {  	s21 =	simm.s32 $0xD0;
	[sflag:s11] =	ssyncadd.s32 $0xFFFFE600  }
0x1c: {  	[tilespmem:s13], [sflag:$0x1] =	stream.indirect.gather [hbm4b:s3+s12], $0x40, s21, s12, $0xb8;
	[tilespmem:$0x4850] =	vst v63  }
0x1d: {  	_ =	swait.ge [sflag:s16], $0x1A00  }
0x1e: {  	[sflag:s16] =	ssyncset.done $0x0  }
0x1f: {  	s20 =	sadd.s32 $0x340, s20;
	[sflag:s16] =	ssyncadd.s32 $0xFFFFE600  }
0x20: {  	[hbm4b:s20+s2] =	stream.linear.scatter [tilespmem:s14], [sflag:$0x3], $0x1A00, $0x38;
	[tilespmem:$0x4850] =	vst v63  }
0x21: {  	_ =	swait.ge [sflag:s11], $0x1A00  }
0x22: {  	s22 =	simm.s32 $0x208;
	[sflag:s11] =	ssyncset.done $0x0  }
0x23: {  	s21 =	simm.s32 $0x680;
	s20 =	simm.s32 $0x138;
	[sflag:s11] =	ssyncadd.s32 $0xFFFFE600  }
.LBB2_2:
0x24: {  	[tilespmem:s14], [sflag:$0x2] =	stream.indirect.gather [hbm4b:s3+s12], $0x40, s20, s12, $0xb8;
	[tilespmem:$0x4850] =	vst v63  }
0x25: {  	s23 =	smov.u32 s21;
	s20 =	smov.u32 s22  }
0x26: {  	p0 =	sne.s32 s21, $0x8F00;
	s21 =	sadd.s32 $0x680, s21;
	_ =	swait.ge [sflag:s15], $0x1A00  }
0x27: {  	[sflag:s15] =	ssyncset.done $0x0  }
0x28: {  	s23 =	sadd.s32 s23, s10;
	[sflag:s15] =	ssyncadd.s32 $0xFFFFE600  }
0x29: {  	[hbm4b:s23+s2] =	stream.linear.scatter [tilespmem:s13], [sflag:$0x3], $0x1A00, $0x38;
	[tilespmem:$0x4850] =	vst v63  }
0x2a: {  	_ =	swait.ge [sflag:s11], $0x1A00  }
0x2b: {  	[sflag:s11] =	ssyncset.done $0x0  }
0x2c: {  	s24 =	sadd.s32 $0xFFFFFF98, s22;
	[sflag:s11] =	ssyncadd.s32 $0xFFFFE600  }
0x2d: {  	[tilespmem:s13], [sflag:$0x1] =	stream.indirect.gather [hbm4b:s3+s12], $0x40, s24, s12, $0xb8;
	[tilespmem:$0x4850] =	vst v63  }
0x2e: {  	_ =	swait.ge [sflag:s16], $0x1A00  }
0x2f: {  	[sflag:s16] =	ssyncset.done $0x0  }
.Ltmp0:
0x30: {  	s23 =	sadd.s32 $0x340, s23;
	[sflag:s16] =	ssyncadd.s32 $0xFFFFE600;
	(pc) =	sbr.rel @p0 .LBB2_2-.Ltmp0, $4  }
0x31: {  	[hbm4b:s23+s2] =	stream.linear.scatter [tilespmem:s14], [sflag:$0x3], $0x1A00, $0x38;
	[tilespmem:$0x4850] =	vst v63  }
0x32: {  	_ =	swait.ge [sflag:s11], $0x1A00  }
0x33: {  	[sflag:s11] =	ssyncset.done $0x0  }
0x34: {  	s22 =	sadd.s32 $0xD0, s22;
	[sflag:s11] =	ssyncadd.s32 $0xFFFFE600  }
0x35: {  	[tilespmem:s14], [sflag:$0x2] =	stream.indirect.gather [hbm4b:s3+s12], $0x40, s20, s12, $0xb8;
	[tilespmem:$0x4850] =	vst v63  }
0x36: {  	_ =	swait.ge [sflag:s15], $0x1A00  }
0x37: {  	[sflag:s15] =	ssyncset.done $0x0  }
0x38: {  	[sflag:s15] =	ssyncadd.s32 $0xFFFFE600  }
0x39: {  	[hbm4b:s8+s2] =	stream.linear.scatter [tilespmem:s13], [sflag:$0x3], $0x1A00, $0x38;
	[tilespmem:$0x4850] =	vst v63  }
0x3a: {  	_ =	swait.ge [sflag:s11], $0x1A00  }
0x3b: {  	[sflag:s11] =	ssyncset.done $0x0  }
0x3c: {  	[sflag:s11] =	ssyncadd.s32 $0xFFFFE600  }
0x3d: {  	[tilespmem:s13], [sflag:$0x1] =	stream.indirect.gather [hbm4b:s3+s12], $0x40, s17, s12, $0xb8;
	[tilespmem:$0x4850] =	vst v63  }
0x3e: {  	_ =	swait.ge [sflag:s16], $0x1A00  }
0x3f: {  	[sflag:s16] =	ssyncset.done $0x0  }
0x40: {  	[sflag:s16] =	ssyncadd.s32 $0xFFFFE600  }
0x41: {  	[hbm4b:s9+s2] =	stream.linear.scatter [tilespmem:s14], [sflag:$0x3], $0x1A00, $0x38;
	[tilespmem:$0x4850] =	vst v63  }
0x42: {  	_ =	swait.ge [sflag:s11], $0x1A00  }
0x43: {  	[sflag:s11] =	ssyncset.done $0x0  }
0x44: {  	[sflag:s11] =	ssyncadd.s32 $0xFFFFE600  }
0x45: {  	[tilespmem:s14], [sflag:$0x2] =	stream.indirect.gather [hbm4b:s3+s12], $0x40, s18, s12, $0xb8;
	[tilespmem:$0x4850] =	vst v63  }
0x46: {  	_ =	swait.ge [sflag:s15], $0x1A00  }
0x47: {  	[sflag:s15] =	ssyncset.done $0x0  }
0x48: {  	[sflag:s15] =	ssyncadd.s32 $0xFFFFE600  }
0x49: {  	[hbm4b:s6+s2] =	stream.linear.scatter [tilespmem:s13], [sflag:$0x3], $0x1A00, $0x38;
	[tilespmem:$0x4850] =	vst v63  }
0x4a: {  	_ =	swait.ge [sflag:s11], $0x1A00  }
0x4b: {  	[sflag:s11] =	ssyncset.done $0x0  }
0x4c: {  	[sflag:s11] =	ssyncadd.s32 $0xFFFFE600  }
0x4d: {  	[tilespmem:s13], [sflag:$0x1] =	stream.indirect.gather [hbm4b:s3+s12], $0x40, s18, s12, $0xb8;
	[tilespmem:$0x4850] =	vst v63  }
0x4e: {  	_ =	swait.ge [sflag:s16], $0x1A00  }
0x4f: {  	[sflag:s16] =	ssyncset.done $0x0  }
0x50: {  	[sflag:s16] =	ssyncadd.s32 $0xFFFFE600  }
0x51: {  	[hbm4b:s7+s2] =	stream.linear.scatter [tilespmem:s14], [sflag:$0x3], $0x1A00, $0x38;
	[tilespmem:$0x4850] =	vst v63  }
0x52: {  	_ =	swait.ge [sflag:s11], $0x1A00  }
0x53: {  	[sflag:s11] =	ssyncset.done $0x0  }
0x54: {  	s19 =	sadd.s32 $0x1, s19;
	[sflag:s11] =	ssyncadd.s32 $0xFFFFE600  }
0x55: {  	[tilespmem:s14], [sflag:$0x2] =	stream.indirect.gather [hbm4b:s3+s12], $0x40, s18, s12, $0xb8;
	[tilespmem:$0x4850] =	vst v63  }
0x56: {  	p0 =	sne.s32 s19, s5;
	_ =	swait.ge [sflag:s15], $0x1A00  }
.Ltmp1:
0x57: {  	[sflag:s15] =	ssyncset.done $0x0;
	(pc) =	sbr.rel @p0 .LBB2_1-.Ltmp1, $4  }
0x58: {  	[sflag:s15] =	ssyncadd.s32 $0xFFFFE600  }
0x59: {  	_ =	swait.ge [sflag:s16], $0x1A00  }
0x5a: {  	[sflag:s16] =	ssyncset.done $0x0  }
0x5b: {  	[sflag:s16] =	ssyncadd.s32 $0xFFFFE600  }
0x5c: {  	_ =	sfence.sel $0x180000  }
0x5d: {  	[bflag:$0x0] =	sbarrier.arrive $0xFFFF  }
0x5e: {  	p0 =	sne.s32 s0, $0x0;
	_ =	strace $0x90000047  }
0x5f: {  	s0 =	sadd.s32 @!p0 $0x100000, s1;
	[bflag:$0x2] =	sbarrier.arrive $0xFFFF  }
0x60: {  	[sflag:s0] =	ssyncadd.tile.s32 @!p0 $0x1;
	_ =	shalt  }
.Lfunc_end2:
_tile_overlayer_lowered:
.L_overlay_start_2:
0x61: {  	(tag) =	ssettag $0x2  }
0x62: {  	s0 =	rddreg [dreg:$0x0];
	s2 =	stileid.u32  }
0x63: {  	s1 =	rddreg [dreg:$0x1];
	p0 =	sne.s32 s2, $0x0  }
0x64: {  	s3 =	rddreg [dreg:$0x2];
	[bflag:$0x3] =	sbarrier.arrive $0xFFFF;
	s2 =	simm.s32 @!p0 $0x1C03  }
0x65: {  	[timem:s3], [sflag:s2] =	dma.local @!p0 [hbm:s0], s1  }
0x66: {  	s0 =	simm.s32 @!p0 $0x3  }
0x67: {  	_ =	swait.ge @!p0 [sflag:s0], s1  }
0x68: {  	s1 =	ssub.s32 @!p0 $0x0, s1;
	[sflag:s0] =	ssyncset.done @!p0 $0x0  }
0x69: {  	[sflag:s0] =	ssyncadd.s32 @!p0 s1  }
0x6a: {  	[bflag:$0x3] =	sbarrier.arrive $0xFFFF  }
0x6b: {  	_ =	shalt  }

// kernel: kernel.30.cloned.1.call-start
scs
__scs_entry_jumppad:
0x0: {  	(pc) =	sbr.rel $0x88, $3  }
0x1: {  	(tag) =	ssettag $0x0;
	lr =	simm.s32 $0x1  }
0x2: {  	[smem:$0x3F9C] =	sst lr;
	_ =	strace $0xD0000000  }
0x3: {  	_ = 	snop  }
0x4: {  	_ = 	snop  }
0x5: {  	_ = 	snop  }
0x6: {  	_ = 	snop  }
0x7: {  	_ = 	snop  }
__scs_overlays_trampoline_lowered:
0x8: {  	[smem:$0x3FAB] =	sst s0  }
0x9: {  	[smem:$0x3FAC] =	sst s1  }
0xa: {  	[smem:$0x3FAD] =	sst s2  }
0xb: {  	[smem:$0x3FAE] =	sst s3  }
0xc: {  	[smem:$0x3FAF] =	sst s4  }
0xd: {  	[smem:$0x3FB0] =	sst s5  }
0xe: {  	[smem:$0x3FB1] =	sst s6  }
0xf: {  	[smem:$0x3FB2] =	sst s7  }
0x10: {  	[smem:$0x3FB3] =	sst s8  }
0x11: {  	[smem:$0x3FB4] =	sst s9;
	s0 =	simm.s32 @!p0 $0x0  }
0x12: {  	s1 =	sld [smem:$0x3F9A];
	s0 =	simm.s32 @p0 $0x1  }
0x13: {  	[smem:$0x3FB5] =	sst s0;
	s0 =	simm.s32 @!p1 $0x0  }
0x14: {  	s2 =	sld [smem:$0x3F99];
	s0 =	simm.s32 @p1 $0x1  }
0x15: {  	[smem:$0x3FB6] =	sst s0;
	s0 =	simm.s32 @!p2 $0x0  }
0x16: {  	s3 =	sld [smem:$0x3FDB];
	s0 =	simm.s32 @p2 $0x1  }
0x17: {  	s4 =	simm.s32 $0x1BF5;
	[smem:$0x3FB8] =	sst s0  }
0x18: {  	s0 =	sld [smem:$0x3F9B];
	_ =	swait.ge [sflag:s4], $0x0  }
0x19: {  	s7 =	sld [smem:$0x3F9C]  }
0x1a: {  	s8 =	sadd.s32 $0xFFFFE003, lr  }
0x1b: {  	s9 =	sadd.s32 $0xFFFFFEF7, lr;
	s5 =	simm.s32 $0xFFFFFFFF;
	p2 =	slt.u32 s8, $0xFFFFF086  }
0x1c: {  	p1 =	slt.u32 s9, $0xF7A;
	s5 =	simm.s32 @!p2 $0x0  }
0x1d: {  	s5 =	simm.s32 @p1 $0x1;
	p0 =	seq.s32 s7, s2  }
0x1e: {  	s7 =	smul.u32 @!p0 $0xF7A, s2;
	p2 =	seq.s32 @!p0 s5, $0x0  }
0x1f: {  	s9 =	smul.u32 $0xF7A, s1;
	s8 =	simm.s32 @!p0 $0x1BF5;
	p2 =	por !p2, p0  }
0x20: {  	[sflag:s8] =	ssyncset.s32 @!p0 $0xFFFFF086;
	s6 =	sadd.s32 @!p0 s3, s7;
	s7 =	simm.s32 @!p0 $0x108  }
0x21: {  	s3 =	sadd.s32 s3, s9;
	s6 =	sadd.s32 @!p0 $0x88, s6;
	s7 =	simm.s32 @p2 $0x1082  }
0x22: {  	[simem:s7], [sflag:s8] =	dma.local @!p0 [hbm:s6], $0xF7A  }
0x23: {  	s9 =	sor.u32 $0xD0000000, s2;
	s6 =	simm.s32 $0x108;
	_ =	swait.ge @!p0 [sflag:s8], $0x0  }
0x24: {  	s3 =	sadd.s32 $0x88, s3;
	s6 =	simm.s32 @!p1 $0x1082;
	[sflag:s4] =	ssyncset.s32 $0xFFFFF086  }
0x25: {  	[simem:s6], [sflag:s4] =	dma.local [hbm:s3], $0xF7A  }
0x26: {  	[smem:$0x3F9C] =	sst s1;
	(tag) =	ssettag s2;
	_ =	strace s9  }
0x27: {  	s1 =	sld [smem:$0x3FAC]  }
0x28: {  	s2 =	sld [smem:$0x3FAD]  }
0x29: {  	s4 =	sld [smem:$0x3FAF]  }
0x2a: {  	p0 =	seq.s32 s5, $0x0;
	s5 =	sld [smem:$0x3FB0]  }
0x2b: {  	s6 =	sld [smem:$0x3FB1]  }
0x2c: {  	s7 =	sld [smem:$0x3FB2]  }
0x2d: {  	s3 =	simm.s32 $0x108;
	s8 =	sld [smem:$0x3FB3]  }
0x2e: {  	s3 =	simm.s32 @!p0 $0x1082;
	s9 =	sld [smem:$0x3FB4]  }
0x2f: {  	lr =	sadd.s32 s0, s3;
	s0 =	sld [smem:$0x3FAB]  }
0x30: {  	s3 =	sld [smem:$0x3FAE]  }
0x31: {  	[smem:$0x3FB7] =	sst s10  }
0x32: {  	s10 =	sld [smem:$0x3FB5];
	_ =	sdelay $0x3  }
0x33: {  	p0 =	seq.s32 s10, $0x1;
	s10 =	sld [smem:$0x3FB7];
	_ =	sdelay $0x3  }
0x34: {  	[smem:$0x3FB7] =	sst s10  }
0x35: {  	s10 =	sld [smem:$0x3FB6];
	_ =	sdelay $0x3  }
0x36: {  	p1 =	seq.s32 s10, $0x1;
	s10 =	sld [smem:$0x3FB7];
	_ =	sdelay $0x3  }
0x37: {  	[smem:$0x3FB7] =	sst s10  }
0x38: {  	s10 =	sld [smem:$0x3FB8]  }
0x39: {  	_ = 	snop;
	(pc) =	sbr.ind lr, $3  }
0x3a: {  	_ = 	snop  }
0x3b: {  	_ = 	snop  }
0x3c: {  	p2 =	seq.s32 s10, $0x1;
	s10 =	sld [smem:$0x3FB7]  }
0x3d: {  	_ =	shalt  }
0x3e: {  	_ =	shalt  }
0x3f: {  	_ =	shalt  }
0x40: {  	_ =	shalt  }
0x41: {  	_ =	shalt  }
0x42: {  	_ =	shalt  }
0x43: {  	_ =	shalt  }
0x44: {  	_ =	shalt  }
0x45: {  	_ =	shalt  }
0x46: {  	_ =	shalt  }
0x47: {  	_ =	shalt  }
0x48: {  	_ =	shalt  }
0x49: {  	_ =	shalt  }
0x4a: {  	_ =	shalt  }
0x4b: {  	_ =	shalt  }
0x4c: {  	_ =	shalt  }
0x4d: {  	_ =	shalt  }
0x4e: {  	_ =	shalt  }
0x4f: {  	_ =	shalt  }
0x50: {  	_ =	shalt  }
0x51: {  	_ =	shalt  }
0x52: {  	_ =	shalt  }
0x53: {  	_ =	shalt  }
0x54: {  	_ =	shalt  }
0x55: {  	_ =	shalt  }
0x56: {  	_ =	shalt  }
0x57: {  	_ =	shalt  }
0x58: {  	_ =	shalt  }
0x59: {  	_ =	shalt  }
0x5a: {  	_ =	shalt  }
0x5b: {  	_ =	shalt  }
0x5c: {  	_ =	shalt  }
0x5d: {  	_ =	shalt  }
0x5e: {  	_ =	shalt  }
0x5f: {  	_ =	shalt  }
0x60: {  	_ =	shalt  }
0x61: {  	_ =	shalt  }
0x62: {  	_ =	shalt  }
0x63: {  	_ =	shalt  }
0x64: {  	_ =	shalt  }
0x65: {  	_ =	shalt  }
0x66: {  	_ =	shalt  }
0x67: {  	_ =	shalt  }
0x68: {  	_ =	shalt  }
0x69: {  	_ =	shalt  }
0x6a: {  	_ =	shalt  }
0x6b: {  	_ =	shalt  }
0x6c: {  	_ =	shalt  }
0x6d: {  	_ =	shalt  }
0x6e: {  	_ =	shalt  }
0x6f: {  	_ =	shalt  }
0x70: {  	_ =	shalt  }
0x71: {  	_ =	shalt  }
0x72: {  	_ =	shalt  }
0x73: {  	_ =	shalt  }
0x74: {  	_ =	shalt  }
0x75: {  	_ =	shalt  }
0x76: {  	_ =	shalt  }
0x77: {  	_ =	shalt  }
0x78: {  	_ =	shalt  }
0x79: {  	_ =	shalt  }
0x7a: {  	_ =	shalt  }
0x7b: {  	_ =	shalt  }
0x7c: {  	_ =	shalt  }
0x7d: {  	_ =	shalt  }
0x7e: {  	_ =	shalt  }
0x7f: {  	_ =	shalt  }
0x80: {  	_ =	shalt  }
0x81: {  	_ =	shalt  }
0x82: {  	_ =	shalt  }
0x83: {  	_ =	shalt  }
0x84: {  	_ =	shalt  }
0x85: {  	_ =	shalt  }
0x86: {  	_ =	shalt  }
0x87: {  	_ =	shalt  }
.Lfunc_end0:
.L_simem_size_0:
called_computation.1_lowered:
.L_overlay_start_0:
0x88: {  	s2 =	sld [smem:$0x3FD9]  }
0x89: {  	s3 =	sld [smem:$0x3FFE];
	_ =	sdelay $0x1  }
0x8a: {  	s1 =	srdreg.scid  }
0x8b: {  	s0 =	sand.u32 $0x1, s1  }
0x8c: {  	s17 =	sshll.u32 s0, $0xA;
	s2 =	sadd.s32 s3, s2  }
0x8d: {  	s2 =	sadd.s32 s2, s17  }
0x8e: {  	[smem:$0x3FC3] =	sst s2  }
0x8f: {  	_ = 	snop  }
0x90: {  	(tm) =	ssettm $0x1  }
0x91: {  	s18 =	sld [smem:$0x3FFB];
	_ =	sdelay $0x3  }
0x92: {  	_ =	strace s18  }
0x93: {  	s2 =	sld [smem:$0x3FFC];
	_ =	sdelay $0x3  }
0x94: {  	_ =	strace s2  }
0x95: {  	s2 =	sld [smem:$0x3FFD];
	_ =	sdelay $0x3  }
0x96: {  	_ =	strace s2  }
0x97: {  	_ =	strace $0x8FFFFFFF  }
0x98: {  	s19 =	sld [smem:$0x3FDB];
	_ =	sdelay $0x1  }
0x99: {  	s20 =	simm.s32 $_scs_section_size  }
0x9a: {  	s4 =	simm.s32 $_size__tile_overlayer_lowered;
	s5 =	simm.s32 $_tile_overlayer_lowered  }
0x9b: {  	s6 =	simm.s32 $0x1BFF;
	s21 =	sshll.u32 s5, $0x1;
	s3 =	sadd.s32 s20, s19  }
0x9c: {  	s22 =	simm.s32 $0x0;
	s4 =	sshll.u32 s4, $0x1;
	s5 =	sadd.s32 s21, s3  }
0x9d: {  	[timem:s22], [sflag:s6] =	dma.local [hbm:s5], s4  }
0x9e: {  	_ =	swait.ge [sflag:s6], s4  }
0x9f: {  	s4 =	ssub.s32 $0x0, s4;
	[sflag:s6] =	ssyncset.done $0x0  }
0xa0: {  	[sflag:s6] =	ssyncadd.s32 s4;
	_ =	sdelay $0x1  }
0xa1: {  	s23 =	simm.s32 $0x1B8B  }
0xa2: {  	_ =	swait.ge [sflag:s23], $0x1  }
0xa3: {  	[sflag:s23] =	ssyncset.done $0x0  }
0xa4: {  	[sflag:s23] =	ssyncadd.s32 $0xFFFFFFFF  }
0xa5: {  	s4 =	sld [smem:$0x0]  }
0xa6: {  	s5 =	sand.u32 $0xFFFFFFFE, s1  }
0xa7: {  	p0 =	sne.s32 s1, s5  }
0xa8: {  	s5 =	sshll.u32 @p0 s5, $0xE  }
0xa9: {  	s5 =	sadd.s32 @p0 $0x11B8D, s5;
	s6 =	sshll.u32 @p0 s4, $0x11  }
0xaa: {  	s5 =	sor.u32 @p0 s6, s5  }
0xab: {  	[sflag:s5] =	ssyncadd.remote.s32 @p0 $0x1;
	_ =	sdelay $0x1  }
0xac: {  	s5 =	simm.s32 @p0 $0x1B8D  }
0xad: {  	_ =	swait.eq @p0 [sflag:s5], $0x1  }
0xae: {  	[sflag:s5] =	ssyncadd.s32 @p0 $0xFFFFFFFF  }
0xaf: {  	s6 =	sshll.u32 @!p0 s1, $0xE  }
0xb0: {  	s6 =	sor.u32 @!p0 $0x4000, s6;
	s5 =	simm.s32 @!p0 $0x1B8D  }
0xb1: {  	s4 =	sshll.u32 @!p0 s4, $0x11;
	s6 =	sadd.s32 @!p0 $0x11B8D, s6;
	_ =	swait.eq @!p0 [sflag:s5], $0x1  }
0xb2: {  	s4 =	sor.u32 @!p0 s4, s6;
	[sflag:s5] =	ssyncadd.s32 @!p0 $0xFFFFFFFF  }
0xb3: {  	s25 =	simm.s32 $0x1B8E;
	s24 =	sld [smem:$0x3FFE];
	[sflag:s4] =	ssyncadd.remote.s32 @!p0 $0x1  }
0xb4: {  	s26 =	simm.s32 $execute0_lowered;
	[smem:$0x3FD2] =	sst s25  }
0xb5: {  	s5 =	sshll.u32 s26, $0x1;
	_ =	strace $0x80000049;
	[dreg:$0x1] =	wrdreg $0xFFFFFFFF  }
0xb6: {  	s28 =	simm.s32 $_size_execute0_lowered;
	s3 =	sadd.s32 s3, s5;
	[dreg:$0x0] =	wrdreg $0x0  }
0xb7: {  	s5 =	sshll.u32 s28, $0x1;
	[dreg:$0x2] =	wrdreg s3  }
0xb8: {  	[dreg:$0x3] =	wrdreg s5  }
0xb9: {  	[dreg:$0x4] =	wrdreg $0xC0  }
0xba: {  	_ =	task [dreg:s22], $0x5FFFF  }
0xbb: {  	[dreg:$0x1] =	wrdreg $0xFFFFFFFF  }
0xbc: {  	[dreg:$0x0] =	wrdreg $0x60  }
0xbd: {  	[dreg:$0x2] =	wrdreg s24  }
0xbe: {  	[dreg:$0x3] =	wrdreg $0xA  }
0xbf: {  	_ =	task.clear_ibuf [dreg:s22], $0x4FFFF;
	_ =	strace $0x90000049  }
0xc0: {  	s29 =	simm.s32 $0xA;
	_ =	strace $0x8000004B  }
0xc1: {  	_ =	swait.ge [sflag:s29], $0x1  }
0xc2: {  	[sflag:s29] =	ssyncadd.s32 $0xFFFFFFFF  }
0xc3: {  	_ =	strace $0x9000004B  }
0xc4: {  	_ =	sfence  }
0xc5: {  	s30 =	sld [smem:$0x0];
	_ =	sdelay $0x2  }
0xc6: {  	s31 =	sshll.u32 s1, $0xD;
	s1 =	sshrl.u32 s1, $0x2  }
0xc7: {  	s4 =	sand.u32 $0x4000, s31;
	s1 =	sadd.s32 s1, s30  }
0xc8: {  	s0 =	sor.u32 s4, s0;
	s1 =	sshll.u32 s1, $0x11  }
0xc9: {  	s0 =	sor.u32 s1, s0  }
0xca: {  	s0 =	sadd.s32 $0x8F2B, s0  }
0xcb: {  	[sflag:s0] =	ssyncadd.remote.s32 $0x1  }
0xcc: {  	_ =	sfence.sel $0xFFFF  }
0xcd: {  	[dreg:$0x0] =	wrdreg $0xFFFFFFFF;
	(pc) =	sbr.abs _section_cstart, $3  }
0xce: {  	[dreg:$0x1] =	wrdreg $0xFFFFFFFF  }
0xcf: {  	_ =	task.clear_ibuf [dreg:s22], $0x2FFFF;
	_ =	strace $0x9FFFFFFF  }
0xd0: {  	(tm) =	ssettm $0x7FFFFFFF  }
0xd1: {  	_ =	shalt  }
tec
execute0_lowered:
.L_overlay_start_1:
0x0: {  	(tag) =	ssettag $0x1  }
0x1: {  	s1 =	srdreg.scid;
	s0 =	stileid.u32  }
0x2: {  	s4 =	rddreg [dreg:$0x0];
	s2 =	simm.s32 $0x0;
	s13 =	simm.s32 $0x1450  }
0x3: {  	s14 =	simm.s32 $0x2E50;
	s15 =	simm.s32 $0x1;
	s16 =	simm.s32 $0x2  }
0x4: {  	s17 =	simm.s32 $0x1380;
	s18 =	simm.s32 $0x13E8;
	s19 =	simm.s32 $0x0  }
0x5: {  	s6 =	sand.u32 $0x1, s1;
	s3 =	sshll.u32 s0, $0x1;
	[smem:$0x7FF] =	sst s2  }
0x6: {  	s9 =	sadd.s32 $0x240200, s4;
	s31 =	smul.u32 $0x14500, s0;
	s5 =	sor.u32 s6, s3  }
0x7: {  	s1 =	rddreg [dreg:$0x1];
	_ =	strace $0x8000004A;
	s7 =	smul.u32 $0x28A, s5  }
0x8: {  	s3 =	sadd.s32 $0x5400, s4;
	s8 =	ssub.s32 $0x2, s6;
	s10 =	smul.u32 $0xA280, s5  }
0x9: {  	s11 =	smul.u32 $0xA280, s6;
	s29 =	sshrl.u32 s8, $0x1;
	s12 =	sadd.s32 s31, s9  }
0xa: {  	s30 =	ssub.s32 s8, s29;
	s7 =	sadd.s32 s7, s4;
	s10 =	sadd.s32 s9, s10  }
0xb: {  	s5 =	smax.u32 s30, $0x1;
	s4 =	sadd.s32 $0x23B000, s7;
	s6 =	sadd.s32 $0x9C00, s10  }
0xc: {  	s7 =	sadd.s32 $0x9F40, s10;
	s8 =	sadd.s32 $0x9580, s10;
	s9 =	sadd.s32 $0x98C0, s10  }
0xd: {  	s10 =	sadd.s32 s11, s12;
	s11 =	simm.s32 $0x3;
	s12 =	simm.s32 $0x68  }
.LBB2_1:
0xe: {  	[tilespmem:s2], [sflag:$0x3] =	stream.linear.gather [hbm4b:s4+s2], $0x1450, $0x38;
	[tilespmem:$0x4850] =	vst v63  }
0xf: {  	_ =	swait.ge [sflag:s11], $0x1450  }
0x10: {  	[sflag:s11] =	ssyncset.done $0x0  }
0x11: {  	[sflag:s11] =	ssyncadd.s32 $0xFFFFEBB0  }
0x12: {  	[tilespmem:s13], [sflag:$0x1] =	stream.indirect.gather [hbm4b:s3+s12], $0x40, s2, s12, $0xb8;
	[tilespmem:$0x4850] =	vst v63  }
0x13: {  	_ = 	snop  }
0x14: {  	[tilespmem:s14], [sflag:$0x2] =	stream.indirect.gather [hbm4b:s3+s12], $0x40, s12, s12, $0xb8;
	[tilespmem:$0x4850] =	vst v63  }
0x15: {  	_ =	swait.ge [sflag:s15], $0x1A00  }
0x16: {  	[sflag:s15] =	ssyncset.done $0x0  }
0x17: {  	s20 =	sadd.s32 $0x0, s10;
	[sflag:s15] =	ssyncadd.s32 $0xFFFFE600  }
0x18: {  	[hbm4b:s20+s2] =	stream.linear.scatter [tilespmem:s13], [sflag:$0x3], $0x1A00, $0x38;
	[tilespmem:$0x4850] =	vst v63  }
0x19: {  	_ =	swait.ge [sflag:s11], $0x1A00  }
0x1a: {  	[sflag:s11] =	ssyncset.done $0x0  }
0x1b: {  	s21 =	simm.s32 $0xD0;
	[sflag:s11] =	ssyncadd.s32 $0xFFFFE600  }
0x1c: {  	[tilespmem:s13], [sflag:$0x1] =	stream.indirect.gather [hbm4b:s3+s12], $0x40, s21, s12, $0xb8;
	[tilespmem:$0x4850] =	vst v63  }
0x1d: {  	_ =	swait.ge [sflag:s16], $0x1A00  }
0x1e: {  	[sflag:s16] =	ssyncset.done $0x0  }
0x1f: {  	s20 =	sadd.s32 $0x340, s20;
	[sflag:s16] =	ssyncadd.s32 $0xFFFFE600  }
0x20: {  	[hbm4b:s20+s2] =	stream.linear.scatter [tilespmem:s14], [sflag:$0x3], $0x1A00, $0x38;
	[tilespmem:$0x4850] =	vst v63  }
0x21: {  	_ =	swait.ge [sflag:s11], $0x1A00  }
0x22: {  	s22 =	simm.s32 $0x208;
	[sflag:s11] =	ssyncset.done $0x0  }
0x23: {  	s21 =	simm.s32 $0x680;
	s20 =	simm.s32 $0x138;
	[sflag:s11] =	ssyncadd.s32 $0xFFFFE600  }
.LBB2_2:
0x24: {  	[tilespmem:s14], [sflag:$0x2] =	stream.indirect.gather [hbm4b:s3+s12], $0x40, s20, s12, $0xb8;
	[tilespmem:$0x4850] =	vst v63  }
0x25: {  	s23 =	smov.u32 s21;
	s20 =	smov.u32 s22  }
0x26: {  	p0 =	sne.s32 s21, $0x8F00;
	s21 =	sadd.s32 $0x680, s21;
	_ =	swait.ge [sflag:s15], $0x1A00  }
0x27: {  	[sflag:s15] =	ssyncset.done $0x0  }
0x28: {  	s23 =	sadd.s32 s23, s10;
	[sflag:s15] =	ssyncadd.s32 $0xFFFFE600  }
0x29: {  	[hbm4b:s23+s2] =	stream.linear.scatter [tilespmem:s13], [sflag:$0x3], $0x1A00, $0x38;
	[tilespmem:$0x4850] =	vst v63  }
0x2a: {  	_ =	swait.ge [sflag:s11], $0x1A00  }
0x2b: {  	[sflag:s11] =	ssyncset.done $0x0  }
0x2c: {  	s24 =	sadd.s32 $0xFFFFFF98, s22;
	[sflag:s11] =	ssyncadd.s32 $0xFFFFE600  }
0x2d: {  	[tilespmem:s13], [sflag:$0x1] =	stream.indirect.gather [hbm4b:s3+s12], $0x40, s24, s12, $0xb8;
	[tilespmem:$0x4850] =	vst v63  }
0x2e: {  	_ =	swait.ge [sflag:s16], $0x1A00  }
0x2f: {  	[sflag:s16] =	ssyncset.done $0x0  }
.Ltmp0:
0x30: {  	s23 =	sadd.s32 $0x340, s23;
	[sflag:s16] =	ssyncadd.s32 $0xFFFFE600;
	(pc) =	sbr.rel @p0 .LBB2_2-.Ltmp0, $4  }
0x31: {  	[hbm4b:s23+s2] =	stream.linear.scatter [tilespmem:s14], [sflag:$0x3], $0x1A00, $0x38;
	[tilespmem:$0x4850] =	vst v63  }
0x32: {  	_ =	swait.ge [sflag:s11], $0x1A00  }
0x33: {  	[sflag:s11] =	ssyncset.done $0x0  }
0x34: {  	s22 =	sadd.s32 $0xD0, s22;
	[sflag:s11] =	ssyncadd.s32 $0xFFFFE600  }
0x35: {  	[tilespmem:s14], [sflag:$0x2] =	stream.indirect.gather [hbm4b:s3+s12], $0x40, s20, s12, $0xb8;
	[tilespmem:$0x4850] =	vst v63  }
0x36: {  	_ =	swait.ge [sflag:s15], $0x1A00  }
0x37: {  	[sflag:s15] =	ssyncset.done $0x0  }
0x38: {  	[sflag:s15] =	ssyncadd.s32 $0xFFFFE600  }
0x39: {  	[hbm4b:s8+s2] =	stream.linear.scatter [tilespmem:s13], [sflag:$0x3], $0x1A00, $0x38;
	[tilespmem:$0x4850] =	vst v63  }
0x3a: {  	_ =	swait.ge [sflag:s11], $0x1A00  }
0x3b: {  	[sflag:s11] =	ssyncset.done $0x0  }
0x3c: {  	[sflag:s11] =	ssyncadd.s32 $0xFFFFE600  }
0x3d: {  	[tilespmem:s13], [sflag:$0x1] =	stream.indirect.gather [hbm4b:s3+s12], $0x40, s17, s12, $0xb8;
	[tilespmem:$0x4850] =	vst v63  }
0x3e: {  	_ =	swait.ge [sflag:s16], $0x1A00  }
0x3f: {  	[sflag:s16] =	ssyncset.done $0x0  }
0x40: {  	[sflag:s16] =	ssyncadd.s32 $0xFFFFE600  }
0x41: {  	[hbm4b:s9+s2] =	stream.linear.scatter [tilespmem:s14], [sflag:$0x3], $0x1A00, $0x38;
	[tilespmem:$0x4850] =	vst v63  }
0x42: {  	_ =	swait.ge [sflag:s11], $0x1A00  }
0x43: {  	[sflag:s11] =	ssyncset.done $0x0  }
0x44: {  	[sflag:s11] =	ssyncadd.s32 $0xFFFFE600  }
0x45: {  	[tilespmem:s14], [sflag:$0x2] =	stream.indirect.gather [hbm4b:s3+s12], $0x40, s18, s12, $0xb8;
	[tilespmem:$0x4850] =	vst v63  }
0x46: {  	_ =	swait.ge [sflag:s15], $0x1A00  }
0x47: {  	[sflag:s15] =	ssyncset.done $0x0  }
0x48: {  	[sflag:s15] =	ssyncadd.s32 $0xFFFFE600  }
0x49: {  	[hbm4b:s6+s2] =	stream.linear.scatter [tilespmem:s13], [sflag:$0x3], $0x1A00, $0x38;
	[tilespmem:$0x4850] =	vst v63  }
0x4a: {  	_ =	swait.ge [sflag:s11], $0x1A00  }
0x4b: {  	[sflag:s11] =	ssyncset.done $0x0  }
0x4c: {  	[sflag:s11] =	ssyncadd.s32 $0xFFFFE600  }
0x4d: {  	[tilespmem:s13], [sflag:$0x1] =	stream.indirect.gather [hbm4b:s3+s12], $0x40, s18, s12, $0xb8;
	[tilespmem:$0x4850] =	vst v63  }
0x4e: {  	_ =	swait.ge [sflag:s16], $0x1A00  }
0x4f: {  	[sflag:s16] =	ssyncset.done $0x0  }
0x50: {  	[sflag:s16] =	ssyncadd.s32 $0xFFFFE600  }
0x51: {  	[hbm4b:s7+s2] =	stream.linear.scatter [tilespmem:s14], [sflag:$0x3], $0x1A00, $0x38;
	[tilespmem:$0x4850] =	vst v63  }
0x52: {  	_ =	swait.ge [sflag:s11], $0x1A00  }
0x53: {  	[sflag:s11] =	ssyncset.done $0x0  }
0x54: {  	s19 =	sadd.s32 $0x1, s19;
	[sflag:s11] =	ssyncadd.s32 $0xFFFFE600  }
0x55: {  	[tilespmem:s14], [sflag:$0x2] =	stream.indirect.gather [hbm4b:s3+s12], $0x40, s18, s12, $0xb8;
	[tilespmem:$0x4850] =	vst v63  }
0x56: {  	p0 =	sne.s32 s19, s5;
	_ =	swait.ge [sflag:s15], $0x1A00  }
.Ltmp1:
0x57: {  	[sflag:s15] =	ssyncset.done $0x0;
	(pc) =	sbr.rel @p0 .LBB2_1-.Ltmp1, $4  }
0x58: {  	[sflag:s15] =	ssyncadd.s32 $0xFFFFE600  }
0x59: {  	_ =	swait.ge [sflag:s16], $0x1A00  }
0x5a: {  	[sflag:s16] =	ssyncset.done $0x0  }
0x5b: {  	[sflag:s16] =	ssyncadd.s32 $0xFFFFE600  }
0x5c: {  	_ =	sfence.sel $0x180000  }
0x5d: {  	[bflag:$0x0] =	sbarrier.arrive $0xFFFF  }
0x5e: {  	p0 =	sne.s32 s0, $0x0;
	_ =	strace $0x9000004A  }
0x5f: {  	s0 =	sadd.s32 @!p0 $0x100000, s1;
	[bflag:$0x2] =	sbarrier.arrive $0xFFFF  }
0x60: {  	[sflag:s0] =	ssyncadd.tile.s32 @!p0 $0x1;
	_ =	shalt  }
.Lfunc_end2:
_tile_overlayer_lowered:
.L_overlay_start_2:
0x61: {  	(tag) =	ssettag $0x2  }
0x62: {  	s0 =	rddreg [dreg:$0x0];
	s2 =	stileid.u32  }
0x63: {  	s1 =	rddreg [dreg:$0x1];
	p0 =	sne.s32 s2, $0x0  }
0x64: {  	s3 =	rddreg [dreg:$0x2];
	[bflag:$0x3] =	sbarrier.arrive $0xFFFF;
	s2 =	simm.s32 @!p0 $0x1C03  }
0x65: {  	[timem:s3], [sflag:s2] =	dma.local @!p0 [hbm:s0], s1  }
0x66: {  	s0 =	simm.s32 @!p0 $0x3  }
0x67: {  	_ =	swait.ge @!p0 [sflag:s0], s1  }
0x68: {  	s1 =	ssub.s32 @!p0 $0x0, s1;
	[sflag:s0] =	ssyncset.done @!p0 $0x0  }
0x69: {  	[sflag:s0] =	ssyncadd.s32 @!p0 s1  }
0x6a: {  	[bflag:$0x3] =	sbarrier.arrive $0xFFFF  }
0x6b: {  	_ =	shalt  }

// kernel: kernel.33.cloned.1.call-start
scs
__scs_entry_jumppad:
0x0: {  	(pc) =	sbr.rel $0x88, $3  }
0x1: {  	(tag) =	ssettag $0x0;
	lr =	simm.s32 $0x1  }
0x2: {  	[smem:$0x3F9C] =	sst lr;
	_ =	strace $0xD0000000  }
0x3: {  	_ = 	snop  }
0x4: {  	_ = 	snop  }
0x5: {  	_ = 	snop  }
0x6: {  	_ = 	snop  }
0x7: {  	_ = 	snop  }
__scs_overlays_trampoline_lowered:
0x8: {  	[smem:$0x3FAB] =	sst s0  }
0x9: {  	[smem:$0x3FAC] =	sst s1  }
0xa: {  	[smem:$0x3FAD] =	sst s2  }
0xb: {  	[smem:$0x3FAE] =	sst s3  }
0xc: {  	[smem:$0x3FAF] =	sst s4  }
0xd: {  	[smem:$0x3FB0] =	sst s5  }
0xe: {  	[smem:$0x3FB1] =	sst s6  }
0xf: {  	[smem:$0x3FB2] =	sst s7  }
0x10: {  	[smem:$0x3FB3] =	sst s8  }
0x11: {  	[smem:$0x3FB4] =	sst s9;
	s0 =	simm.s32 @!p0 $0x0  }
0x12: {  	s1 =	sld [smem:$0x3F9A];
	s0 =	simm.s32 @p0 $0x1  }
0x13: {  	[smem:$0x3FB5] =	sst s0;
	s0 =	simm.s32 @!p1 $0x0  }
0x14: {  	s2 =	sld [smem:$0x3F99];
	s0 =	simm.s32 @p1 $0x1  }
0x15: {  	[smem:$0x3FB6] =	sst s0;
	s0 =	simm.s32 @!p2 $0x0  }
0x16: {  	s3 =	sld [smem:$0x3FDB];
	s0 =	simm.s32 @p2 $0x1  }
0x17: {  	s4 =	simm.s32 $0x1BF5;
	[smem:$0x3FB8] =	sst s0  }
0x18: {  	s0 =	sld [smem:$0x3F9B];
	_ =	swait.ge [sflag:s4], $0x0  }
0x19: {  	s7 =	sld [smem:$0x3F9C]  }
0x1a: {  	s8 =	sadd.s32 $0xFFFFE003, lr  }
0x1b: {  	s9 =	sadd.s32 $0xFFFFFEF7, lr;
	s5 =	simm.s32 $0xFFFFFFFF;
	p2 =	slt.u32 s8, $0xFFFFF086  }
0x1c: {  	p1 =	slt.u32 s9, $0xF7A;
	s5 =	simm.s32 @!p2 $0x0  }
0x1d: {  	s5 =	simm.s32 @p1 $0x1;
	p0 =	seq.s32 s7, s2  }
0x1e: {  	s7 =	smul.u32 @!p0 $0xF7A, s2;
	p2 =	seq.s32 @!p0 s5, $0x0  }
0x1f: {  	s9 =	smul.u32 $0xF7A, s1;
	s8 =	simm.s32 @!p0 $0x1BF5;
	p2 =	por !p2, p0  }
0x20: {  	[sflag:s8] =	ssyncset.s32 @!p0 $0xFFFFF086;
	s6 =	sadd.s32 @!p0 s3, s7;
	s7 =	simm.s32 @!p0 $0x108  }
0x21: {  	s3 =	sadd.s32 s3, s9;
	s6 =	sadd.s32 @!p0 $0x88, s6;
	s7 =	simm.s32 @p2 $0x1082  }
0x22: {  	[simem:s7], [sflag:s8] =	dma.local @!p0 [hbm:s6], $0xF7A  }
0x23: {  	s9 =	sor.u32 $0xD0000000, s2;
	s6 =	simm.s32 $0x108;
	_ =	swait.ge @!p0 [sflag:s8], $0x0  }
0x24: {  	s3 =	sadd.s32 $0x88, s3;
	s6 =	simm.s32 @!p1 $0x1082;
	[sflag:s4] =	ssyncset.s32 $0xFFFFF086  }
0x25: {  	[simem:s6], [sflag:s4] =	dma.local [hbm:s3], $0xF7A  }
0x26: {  	[smem:$0x3F9C] =	sst s1;
	(tag) =	ssettag s2;
	_ =	strace s9  }
0x27: {  	s1 =	sld [smem:$0x3FAC]  }
0x28: {  	s2 =	sld [smem:$0x3FAD]  }
0x29: {  	s4 =	sld [smem:$0x3FAF]  }
0x2a: {  	p0 =	seq.s32 s5, $0x0;
	s5 =	sld [smem:$0x3FB0]  }
0x2b: {  	s6 =	sld [smem:$0x3FB1]  }
0x2c: {  	s7 =	sld [smem:$0x3FB2]  }
0x2d: {  	s3 =	simm.s32 $0x108;
	s8 =	sld [smem:$0x3FB3]  }
0x2e: {  	s3 =	simm.s32 @!p0 $0x1082;
	s9 =	sld [smem:$0x3FB4]  }
0x2f: {  	lr =	sadd.s32 s0, s3;
	s0 =	sld [smem:$0x3FAB]  }
0x30: {  	s3 =	sld [smem:$0x3FAE]  }
0x31: {  	[smem:$0x3FB7] =	sst s10  }
0x32: {  	s10 =	sld [smem:$0x3FB5];
	_ =	sdelay $0x3  }
0x33: {  	p0 =	seq.s32 s10, $0x1;
	s10 =	sld [smem:$0x3FB7];
	_ =	sdelay $0x3  }
0x34: {  	[smem:$0x3FB7] =	sst s10  }
0x35: {  	s10 =	sld [smem:$0x3FB6];
	_ =	sdelay $0x3  }
0x36: {  	p1 =	seq.s32 s10, $0x1;
	s10 =	sld [smem:$0x3FB7];
	_ =	sdelay $0x3  }
0x37: {  	[smem:$0x3FB7] =	sst s10  }
0x38: {  	s10 =	sld [smem:$0x3FB8]  }
0x39: {  	_ = 	snop;
	(pc) =	sbr.ind lr, $3  }
0x3a: {  	_ = 	snop  }
0x3b: {  	_ = 	snop  }
0x3c: {  	p2 =	seq.s32 s10, $0x1;
	s10 =	sld [smem:$0x3FB7]  }
0x3d: {  	_ =	shalt  }
0x3e: {  	_ =	shalt  }
0x3f: {  	_ =	shalt  }
0x40: {  	_ =	shalt  }
0x41: {  	_ =	shalt  }
0x42: {  	_ =	shalt  }
0x43: {  	_ =	shalt  }
0x44: {  	_ =	shalt  }
0x45: {  	_ =	shalt  }
0x46: {  	_ =	shalt  }
0x47: {  	_ =	shalt  }
0x48: {  	_ =	shalt  }
0x49: {  	_ =	shalt  }
0x4a: {  	_ =	shalt  }
0x4b: {  	_ =	shalt  }
0x4c: {  	_ =	shalt  }
0x4d: {  	_ =	shalt  }
0x4e: {  	_ =	shalt  }
0x4f: {  	_ =	shalt  }
0x50: {  	_ =	shalt  }
0x51: {  	_ =	shalt  }
0x52: {  	_ =	shalt  }
0x53: {  	_ =	shalt  }
0x54: {  	_ =	shalt  }
0x55: {  	_ =	shalt  }
0x56: {  	_ =	shalt  }
0x57: {  	_ =	shalt  }
0x58: {  	_ =	shalt  }
0x59: {  	_ =	shalt  }
0x5a: {  	_ =	shalt  }
0x5b: {  	_ =	shalt  }
0x5c: {  	_ =	shalt  }
0x5d: {  	_ =	shalt  }
0x5e: {  	_ =	shalt  }
0x5f: {  	_ =	shalt  }
0x60: {  	_ =	shalt  }
0x61: {  	_ =	shalt  }
0x62: {  	_ =	shalt  }
0x63: {  	_ =	shalt  }
0x64: {  	_ =	shalt  }
0x65: {  	_ =	shalt  }
0x66: {  	_ =	shalt  }
0x67: {  	_ =	shalt  }
0x68: {  	_ =	shalt  }
0x69: {  	_ =	shalt  }
0x6a: {  	_ =	shalt  }
0x6b: {  	_ =	shalt  }
0x6c: {  	_ =	shalt  }
0x6d: {  	_ =	shalt  }
0x6e: {  	_ =	shalt  }
0x6f: {  	_ =	shalt  }
0x70: {  	_ =	shalt  }
0x71: {  	_ =	shalt  }
0x72: {  	_ =	shalt  }
0x73: {  	_ =	shalt  }
0x74: {  	_ =	shalt  }
0x75: {  	_ =	shalt  }
0x76: {  	_ =	shalt  }
0x77: {  	_ =	shalt  }
0x78: {  	_ =	shalt  }
0x79: {  	_ =	shalt  }
0x7a: {  	_ =	shalt  }
0x7b: {  	_ =	shalt  }
0x7c: {  	_ =	shalt  }
0x7d: {  	_ =	shalt  }
0x7e: {  	_ =	shalt  }
0x7f: {  	_ =	shalt  }
0x80: {  	_ =	shalt  }
0x81: {  	_ =	shalt  }
0x82: {  	_ =	shalt  }
0x83: {  	_ =	shalt  }
0x84: {  	_ =	shalt  }
0x85: {  	_ =	shalt  }
0x86: {  	_ =	shalt  }
0x87: {  	_ =	shalt  }
.Lfunc_end0:
.L_simem_size_0:
called_computation.2_lowered:
.L_overlay_start_0:
0x88: {  	s2 =	sld [smem:$0x3FD9]  }
0x89: {  	s3 =	sld [smem:$0x3FFE];
	_ =	sdelay $0x1  }
0x8a: {  	s1 =	srdreg.scid  }
0x8b: {  	s0 =	sand.u32 $0x1, s1  }
0x8c: {  	s17 =	sshll.u32 s0, $0xA;
	s2 =	sadd.s32 s3, s2  }
0x8d: {  	s2 =	sadd.s32 s2, s17  }
0x8e: {  	[smem:$0x3FC3] =	sst s2  }
0x8f: {  	_ = 	snop  }
0x90: {  	(tm) =	ssettm $0x1  }
0x91: {  	s18 =	sld [smem:$0x3FFB];
	_ =	sdelay $0x3  }
0x92: {  	_ =	strace s18  }
0x93: {  	s2 =	sld [smem:$0x3FFC];
	_ =	sdelay $0x3  }
0x94: {  	_ =	strace s2  }
0x95: {  	s2 =	sld [smem:$0x3FFD];
	_ =	sdelay $0x3  }
0x96: {  	_ =	strace s2  }
0x97: {  	_ =	strace $0x8FFFFFFF  }
0x98: {  	s19 =	sld [smem:$0x3FDB];
	_ =	sdelay $0x1  }
0x99: {  	s20 =	simm.s32 $_scs_section_size  }
0x9a: {  	s4 =	simm.s32 $_size__tile_overlayer_lowered;
	s5 =	simm.s32 $_tile_overlayer_lowered  }
0x9b: {  	s6 =	simm.s32 $0x1BFF;
	s21 =	sshll.u32 s5, $0x1;
	s3 =	sadd.s32 s20, s19  }
0x9c: {  	s22 =	simm.s32 $0x0;
	s4 =	sshll.u32 s4, $0x1;
	s5 =	sadd.s32 s21, s3  }
0x9d: {  	[timem:s22], [sflag:s6] =	dma.local [hbm:s5], s4  }
0x9e: {  	_ =	swait.ge [sflag:s6], s4  }
0x9f: {  	s4 =	ssub.s32 $0x0, s4;
	[sflag:s6] =	ssyncset.done $0x0  }
0xa0: {  	[sflag:s6] =	ssyncadd.s32 s4;
	_ =	sdelay $0x1  }
0xa1: {  	s23 =	simm.s32 $0x1B8B  }
0xa2: {  	_ =	swait.ge [sflag:s23], $0x1  }
0xa3: {  	[sflag:s23] =	ssyncset.done $0x0  }
0xa4: {  	[sflag:s23] =	ssyncadd.s32 $0xFFFFFFFF  }
0xa5: {  	s4 =	sld [smem:$0x0]  }
0xa6: {  	s5 =	sand.u32 $0xFFFFFFFE, s1  }
0xa7: {  	p0 =	sne.s32 s1, s5  }
0xa8: {  	s5 =	sshll.u32 @p0 s5, $0xE  }
0xa9: {  	s5 =	sadd.s32 @p0 $0x11B8D, s5;
	s6 =	sshll.u32 @p0 s4, $0x11  }
0xaa: {  	s5 =	sor.u32 @p0 s6, s5  }
0xab: {  	[sflag:s5] =	ssyncadd.remote.s32 @p0 $0x1;
	_ =	sdelay $0x1  }
0xac: {  	s5 =	simm.s32 @p0 $0x1B8D  }
0xad: {  	_ =	swait.eq @p0 [sflag:s5], $0x1  }
0xae: {  	[sflag:s5] =	ssyncadd.s32 @p0 $0xFFFFFFFF  }
0xaf: {  	s6 =	sshll.u32 @!p0 s1, $0xE  }
0xb0: {  	s6 =	sor.u32 @!p0 $0x4000, s6;
	s5 =	simm.s32 @!p0 $0x1B8D  }
0xb1: {  	s4 =	sshll.u32 @!p0 s4, $0x11;
	s6 =	sadd.s32 @!p0 $0x11B8D, s6;
	_ =	swait.eq @!p0 [sflag:s5], $0x1  }
0xb2: {  	s4 =	sor.u32 @!p0 s4, s6;
	[sflag:s5] =	ssyncadd.s32 @!p0 $0xFFFFFFFF  }
0xb3: {  	s25 =	simm.s32 $0x1B8E;
	s24 =	sld [smem:$0x3FFE];
	[sflag:s4] =	ssyncadd.remote.s32 @!p0 $0x1  }
0xb4: {  	s26 =	simm.s32 $execute0_lowered;
	[smem:$0x3FD2] =	sst s25  }
0xb5: {  	s5 =	sshll.u32 s26, $0x1;
	_ =	strace $0x8000004C;
	[dreg:$0x1] =	wrdreg $0xFFFFFFFF  }
0xb6: {  	s28 =	simm.s32 $_size_execute0_lowered;
	s3 =	sadd.s32 s3, s5;
	[dreg:$0x0] =	wrdreg $0x0  }
0xb7: {  	s5 =	sshll.u32 s28, $0x1;
	[dreg:$0x2] =	wrdreg s3  }
0xb8: {  	[dreg:$0x3] =	wrdreg s5  }
0xb9: {  	[dreg:$0x4] =	wrdreg $0xC0  }
0xba: {  	_ =	task [dreg:s22], $0x5FFFF  }
0xbb: {  	[dreg:$0x1] =	wrdreg $0xFFFFFFFF  }
0xbc: {  	[dreg:$0x0] =	wrdreg $0x60  }
0xbd: {  	[dreg:$0x2] =	wrdreg s24  }
0xbe: {  	[dreg:$0x3] =	wrdreg $0xB  }
0xbf: {  	_ =	task.clear_ibuf [dreg:s22], $0x4FFFF;
	_ =	strace $0x9000004C  }
0xc0: {  	s29 =	simm.s32 $0xB;
	_ =	strace $0x8000004E  }
0xc1: {  	_ =	swait.ge [sflag:s29], $0x1  }
0xc2: {  	[sflag:s29] =	ssyncadd.s32 $0xFFFFFFFF  }
0xc3: {  	_ =	strace $0x9000004E  }
0xc4: {  	_ =	sfence  }
0xc5: {  	s30 =	sld [smem:$0x0];
	_ =	sdelay $0x2  }
0xc6: {  	s31 =	sshll.u32 s1, $0xD;
	s1 =	sshrl.u32 s1, $0x2  }
0xc7: {  	s4 =	sand.u32 $0x4000, s31;
	s1 =	sadd.s32 s1, s30  }
0xc8: {  	s0 =	sor.u32 s4, s0;
	s1 =	sshll.u32 s1, $0x11  }
0xc9: {  	s0 =	sor.u32 s1, s0  }
0xca: {  	s0 =	sadd.s32 $0x8F2B, s0  }
0xcb: {  	[sflag:s0] =	ssyncadd.remote.s32 $0x1  }
0xcc: {  	_ =	sfence.sel $0xFFFF  }
0xcd: {  	[dreg:$0x0] =	wrdreg $0xFFFFFFFF;
	(pc) =	sbr.abs _section_cstart, $3  }
0xce: {  	[dreg:$0x1] =	wrdreg $0xFFFFFFFF  }
0xcf: {  	_ =	task.clear_ibuf [dreg:s22], $0x2FFFF;
	_ =	strace $0x9FFFFFFF  }
0xd0: {  	(tm) =	ssettm $0x7FFFFFFF  }
0xd1: {  	_ =	shalt  }
tec
execute0_lowered:
.L_overlay_start_1:
0x0: {  	(tag) =	ssettag $0x1  }
0x1: {  	s1 =	srdreg.scid;
	s0 =	stileid.u32  }
0x2: {  	s4 =	rddreg [dreg:$0x0];
	s2 =	simm.s32 $0x0;
	s13 =	simm.s32 $0x1450  }
0x3: {  	s14 =	simm.s32 $0x2E50;
	s15 =	simm.s32 $0x1;
	s16 =	simm.s32 $0x2  }
0x4: {  	s17 =	simm.s32 $0x1380;
	s18 =	simm.s32 $0x13E8;
	s19 =	simm.s32 $0x0  }
0x5: {  	s6 =	sand.u32 $0x1, s1;
	s3 =	sshll.u32 s0, $0x1;
	[smem:$0x7FF] =	sst s2  }
0x6: {  	s9 =	sadd.s32 $0x38A400, s4;
	s31 =	smul.u32 $0x14500, s0;
	s5 =	sor.u32 s6, s3  }
0x7: {  	s1 =	rddreg [dreg:$0x1];
	_ =	strace $0x8000004D;
	s7 =	smul.u32 $0x28A, s5  }
0x8: {  	s3 =	sadd.s32 $0x5400, s4;
	s8 =	ssub.s32 $0x2, s6;
	s10 =	smul.u32 $0xA280, s5  }
0x9: {  	s11 =	smul.u32 $0xA280, s6;
	s29 =	sshrl.u32 s8, $0x1;
	s12 =	sadd.s32 s31, s9  }
0xa: {  	s30 =	ssub.s32 s8, s29;
	s7 =	sadd.s32 s7, s4;
	s10 =	sadd.s32 s9, s10  }
0xb: {  	s5 =	smax.u32 s30, $0x1;
	s4 =	sadd.s32 $0x385200, s7;
	s6 =	sadd.s32 $0x9C00, s10  }
0xc: {  	s7 =	sadd.s32 $0x9F40, s10;
	s8 =	sadd.s32 $0x9580, s10;
	s9 =	sadd.s32 $0x98C0, s10  }
0xd: {  	s10 =	sadd.s32 s11, s12;
	s11 =	simm.s32 $0x3;
	s12 =	simm.s32 $0x68  }
.LBB2_1:
0xe: {  	[tilespmem:s2], [sflag:$0x3] =	stream.linear.gather [hbm4b:s4+s2], $0x1450, $0x38;
	[tilespmem:$0x4850] =	vst v63  }
0xf: {  	_ =	swait.ge [sflag:s11], $0x1450  }
0x10: {  	[sflag:s11] =	ssyncset.done $0x0  }
0x11: {  	[sflag:s11] =	ssyncadd.s32 $0xFFFFEBB0  }
0x12: {  	[tilespmem:s13], [sflag:$0x1] =	stream.indirect.gather [hbm4b:s3+s12], $0x40, s2, s12, $0xb8;
	[tilespmem:$0x4850] =	vst v63  }
0x13: {  	_ = 	snop  }
0x14: {  	[tilespmem:s14], [sflag:$0x2] =	stream.indirect.gather [hbm4b:s3+s12], $0x40, s12, s12, $0xb8;
	[tilespmem:$0x4850] =	vst v63  }
0x15: {  	_ =	swait.ge [sflag:s15], $0x1A00  }
0x16: {  	[sflag:s15] =	ssyncset.done $0x0  }
0x17: {  	s20 =	sadd.s32 $0x0, s10;
	[sflag:s15] =	ssyncadd.s32 $0xFFFFE600  }
0x18: {  	[hbm4b:s20+s2] =	stream.linear.scatter [tilespmem:s13], [sflag:$0x3], $0x1A00, $0x38;
	[tilespmem:$0x4850] =	vst v63  }
0x19: {  	_ =	swait.ge [sflag:s11], $0x1A00  }
0x1a: {  	[sflag:s11] =	ssyncset.done $0x0  }
0x1b: {  	s21 =	simm.s32 $0xD0;
	[sflag:s11] =	ssyncadd.s32 $0xFFFFE600  }
0x1c: {  	[tilespmem:s13], [sflag:$0x1] =	stream.indirect.gather [hbm4b:s3+s12], $0x40, s21, s12, $0xb8;
	[tilespmem:$0x4850] =	vst v63  }
0x1d: {  	_ =	swait.ge [sflag:s16], $0x1A00  }
0x1e: {  	[sflag:s16] =	ssyncset.done $0x0  }
0x1f: {  	s20 =	sadd.s32 $0x340, s20;
	[sflag:s16] =	ssyncadd.s32 $0xFFFFE600  }
0x20: {  	[hbm4b:s20+s2] =	stream.linear.scatter [tilespmem:s14], [sflag:$0x3], $0x1A00, $0x38;
	[tilespmem:$0x4850] =	vst v63  }
0x21: {  	_ =	swait.ge [sflag:s11], $0x1A00  }
0x22: {  	s22 =	simm.s32 $0x208;
	[sflag:s11] =	ssyncset.done $0x0  }
0x23: {  	s21 =	simm.s32 $0x680;
	s20 =	simm.s32 $0x138;
	[sflag:s11] =	ssyncadd.s32 $0xFFFFE600  }
.LBB2_2:
0x24: {  	[tilespmem:s14], [sflag:$0x2] =	stream.indirect.gather [hbm4b:s3+s12], $0x40, s20, s12, $0xb8;
	[tilespmem:$0x4850] =	vst v63  }
0x25: {  	s23 =	smov.u32 s21;
	s20 =	smov.u32 s22  }
0x26: {  	p0 =	sne.s32 s21, $0x8F00;
	s21 =	sadd.s32 $0x680, s21;
	_ =	swait.ge [sflag:s15], $0x1A00  }
0x27: {  	[sflag:s15] =	ssyncset.done $0x0  }
0x28: {  	s23 =	sadd.s32 s23, s10;
	[sflag:s15] =	ssyncadd.s32 $0xFFFFE600  }
0x29: {  	[hbm4b:s23+s2] =	stream.linear.scatter [tilespmem:s13], [sflag:$0x3], $0x1A00, $0x38;
	[tilespmem:$0x4850] =	vst v63  }
0x2a: {  	_ =	swait.ge [sflag:s11], $0x1A00  }
0x2b: {  	[sflag:s11] =	ssyncset.done $0x0  }
0x2c: {  	s24 =	sadd.s32 $0xFFFFFF98, s22;
	[sflag:s11] =	ssyncadd.s32 $0xFFFFE600  }
0x2d: {  	[tilespmem:s13], [sflag:$0x1] =	stream.indirect.gather [hbm4b:s3+s12], $0x40, s24, s12, $0xb8;
	[tilespmem:$0x4850] =	vst v63  }
0x2e: {  	_ =	swait.ge [sflag:s16], $0x1A00  }
0x2f: {  	[sflag:s16] =	ssyncset.done $0x0  }
.Ltmp0:
0x30: {  	s23 =	sadd.s32 $0x340, s23;
	[sflag:s16] =	ssyncadd.s32 $0xFFFFE600;
	(pc) =	sbr.rel @p0 .LBB2_2-.Ltmp0, $4  }
0x31: {  	[hbm4b:s23+s2] =	stream.linear.scatter [tilespmem:s14], [sflag:$0x3], $0x1A00, $0x38;
	[tilespmem:$0x4850] =	vst v63  }
0x32: {  	_ =	swait.ge [sflag:s11], $0x1A00  }
0x33: {  	[sflag:s11] =	ssyncset.done $0x0  }
0x34: {  	s22 =	sadd.s32 $0xD0, s22;
	[sflag:s11] =	ssyncadd.s32 $0xFFFFE600  }
0x35: {  	[tilespmem:s14], [sflag:$0x2] =	stream.indirect.gather [hbm4b:s3+s12], $0x40, s20, s12, $0xb8;
	[tilespmem:$0x4850] =	vst v63  }
0x36: {  	_ =	swait.ge [sflag:s15], $0x1A00  }
0x37: {  	[sflag:s15] =	ssyncset.done $0x0  }
0x38: {  	[sflag:s15] =	ssyncadd.s32 $0xFFFFE600  }
0x39: {  	[hbm4b:s8+s2] =	stream.linear.scatter [tilespmem:s13], [sflag:$0x3], $0x1A00, $0x38;
	[tilespmem:$0x4850] =	vst v63  }
0x3a: {  	_ =	swait.ge [sflag:s11], $0x1A00  }
0x3b: {  	[sflag:s11] =	ssyncset.done $0x0  }
0x3c: {  	[sflag:s11] =	ssyncadd.s32 $0xFFFFE600  }
0x3d: {  	[tilespmem:s13], [sflag:$0x1] =	stream.indirect.gather [hbm4b:s3+s12], $0x40, s17, s12, $0xb8;
	[tilespmem:$0x4850] =	vst v63  }
0x3e: {  	_ =	swait.ge [sflag:s16], $0x1A00  }
0x3f: {  	[sflag:s16] =	ssyncset.done $0x0  }
0x40: {  	[sflag:s16] =	ssyncadd.s32 $0xFFFFE600  }
0x41: {  	[hbm4b:s9+s2] =	stream.linear.scatter [tilespmem:s14], [sflag:$0x3], $0x1A00, $0x38;
	[tilespmem:$0x4850] =	vst v63  }
0x42: {  	_ =	swait.ge [sflag:s11], $0x1A00  }
0x43: {  	[sflag:s11] =	ssyncset.done $0x0  }
0x44: {  	[sflag:s11] =	ssyncadd.s32 $0xFFFFE600  }
0x45: {  	[tilespmem:s14], [sflag:$0x2] =	stream.indirect.gather [hbm4b:s3+s12], $0x40, s18, s12, $0xb8;
	[tilespmem:$0x4850] =	vst v63  }
0x46: {  	_ =	swait.ge [sflag:s15], $0x1A00  }
0x47: {  	[sflag:s15] =	ssyncset.done $0x0  }
0x48: {  	[sflag:s15] =	ssyncadd.s32 $0xFFFFE600  }
0x49: {  	[hbm4b:s6+s2] =	stream.linear.scatter [tilespmem:s13], [sflag:$0x3], $0x1A00, $0x38;
	[tilespmem:$0x4850] =	vst v63  }
0x4a: {  	_ =	swait.ge [sflag:s11], $0x1A00  }
0x4b: {  	[sflag:s11] =	ssyncset.done $0x0  }
0x4c: {  	[sflag:s11] =	ssyncadd.s32 $0xFFFFE600  }
0x4d: {  	[tilespmem:s13], [sflag:$0x1] =	stream.indirect.gather [hbm4b:s3+s12], $0x40, s18, s12, $0xb8;
	[tilespmem:$0x4850] =	vst v63  }
0x4e: {  	_ =	swait.ge [sflag:s16], $0x1A00  }
0x4f: {  	[sflag:s16] =	ssyncset.done $0x0  }
0x50: {  	[sflag:s16] =	ssyncadd.s32 $0xFFFFE600  }
0x51: {  	[hbm4b:s7+s2] =	stream.linear.scatter [tilespmem:s14], [sflag:$0x3], $0x1A00, $0x38;
	[tilespmem:$0x4850] =	vst v63  }
0x52: {  	_ =	swait.ge [sflag:s11], $0x1A00  }
0x53: {  	[sflag:s11] =	ssyncset.done $0x0  }
0x54: {  	s19 =	sadd.s32 $0x1, s19;
	[sflag:s11] =	ssyncadd.s32 $0xFFFFE600  }
0x55: {  	[tilespmem:s14], [sflag:$0x2] =	stream.indirect.gather [hbm4b:s3+s12], $0x40, s18, s12, $0xb8;
	[tilespmem:$0x4850] =	vst v63  }
0x56: {  	p0 =	sne.s32 s19, s5;
	_ =	swait.ge [sflag:s15], $0x1A00  }
.Ltmp1:
0x57: {  	[sflag:s15] =	ssyncset.done $0x0;
	(pc) =	sbr.rel @p0 .LBB2_1-.Ltmp1, $4  }
0x58: {  	[sflag:s15] =	ssyncadd.s32 $0xFFFFE600  }
0x59: {  	_ =	swait.ge [sflag:s16], $0x1A00  }
0x5a: {  	[sflag:s16] =	ssyncset.done $0x0  }
0x5b: {  	[sflag:s16] =	ssyncadd.s32 $0xFFFFE600  }
0x5c: {  	_ =	sfence.sel $0x180000  }
0x5d: {  	[bflag:$0x0] =	sbarrier.arrive $0xFFFF  }
0x5e: {  	p0 =	sne.s32 s0, $0x0;
	_ =	strace $0x9000004D  }
0x5f: {  	s0 =	sadd.s32 @!p0 $0x100000, s1;
	[bflag:$0x2] =	sbarrier.arrive $0xFFFF  }
0x60: {  	[sflag:s0] =	ssyncadd.tile.s32 @!p0 $0x1;
	_ =	shalt  }
.Lfunc_end2:
_tile_overlayer_lowered:
.L_overlay_start_2:
0x61: {  	(tag) =	ssettag $0x2  }
0x62: {  	s0 =	rddreg [dreg:$0x0];
	s2 =	stileid.u32  }
0x63: {  	s1 =	rddreg [dreg:$0x1];
	p0 =	sne.s32 s2, $0x0  }
0x64: {  	s3 =	rddreg [dreg:$0x2];
	[bflag:$0x3] =	sbarrier.arrive $0xFFFF;
	s2 =	simm.s32 @!p0 $0x1C03  }
0x65: {  	[timem:s3], [sflag:s2] =	dma.local @!p0 [hbm:s0], s1  }
0x66: {  	s0 =	simm.s32 @!p0 $0x3  }
0x67: {  	_ =	swait.ge @!p0 [sflag:s0], s1  }
0x68: {  	s1 =	ssub.s32 @!p0 $0x0, s1;
	[sflag:s0] =	ssyncset.done @!p0 $0x0  }
0x69: {  	[sflag:s0] =	ssyncadd.s32 @!p0 s1  }
0x6a: {  	[bflag:$0x3] =	sbarrier.arrive $0xFFFF  }
0x6b: {  	_ =	shalt  }

// kernel: kernel.36.cloned.1.call-start
scs
__scs_entry_jumppad:
0x0: {  	(pc) =	sbr.rel $0x88, $3  }
0x1: {  	(tag) =	ssettag $0x0;
	lr =	simm.s32 $0x1  }
0x2: {  	[smem:$0x3F9C] =	sst lr;
	_ =	strace $0xD0000000  }
0x3: {  	_ = 	snop  }
0x4: {  	_ = 	snop  }
0x5: {  	_ = 	snop  }
0x6: {  	_ = 	snop  }
0x7: {  	_ = 	snop  }
__scs_overlays_trampoline_lowered:
0x8: {  	[smem:$0x3FAB] =	sst s0  }
0x9: {  	[smem:$0x3FAC] =	sst s1  }
0xa: {  	[smem:$0x3FAD] =	sst s2  }
0xb: {  	[smem:$0x3FAE] =	sst s3  }
0xc: {  	[smem:$0x3FAF] =	sst s4  }
0xd: {  	[smem:$0x3FB0] =	sst s5  }
0xe: {  	[smem:$0x3FB1] =	sst s6  }
0xf: {  	[smem:$0x3FB2] =	sst s7  }
0x10: {  	[smem:$0x3FB3] =	sst s8  }
0x11: {  	[smem:$0x3FB4] =	sst s9;
	s0 =	simm.s32 @!p0 $0x0  }
0x12: {  	s1 =	sld [smem:$0x3F9A];
	s0 =	simm.s32 @p0 $0x1  }
0x13: {  	[smem:$0x3FB5] =	sst s0;
	s0 =	simm.s32 @!p1 $0x0  }
0x14: {  	s2 =	sld [smem:$0x3F99];
	s0 =	simm.s32 @p1 $0x1  }
0x15: {  	[smem:$0x3FB6] =	sst s0;
	s0 =	simm.s32 @!p2 $0x0  }
0x16: {  	s3 =	sld [smem:$0x3FDB];
	s0 =	simm.s32 @p2 $0x1  }
0x17: {  	s4 =	simm.s32 $0x1BF5;
	[smem:$0x3FB8] =	sst s0  }
0x18: {  	s0 =	sld [smem:$0x3F9B];
	_ =	swait.ge [sflag:s4], $0x0  }
0x19: {  	s7 =	sld [smem:$0x3F9C]  }
0x1a: {  	s8 =	sadd.s32 $0xFFFFE003, lr  }
0x1b: {  	s9 =	sadd.s32 $0xFFFFFEF7, lr;
	s5 =	simm.s32 $0xFFFFFFFF;
	p2 =	slt.u32 s8, $0xFFFFF086  }
0x1c: {  	p1 =	slt.u32 s9, $0xF7A;
	s5 =	simm.s32 @!p2 $0x0  }
0x1d: {  	s5 =	simm.s32 @p1 $0x1;
	p0 =	seq.s32 s7, s2  }
0x1e: {  	s7 =	smul.u32 @!p0 $0xF7A, s2;
	p2 =	seq.s32 @!p0 s5, $0x0  }
0x1f: {  	s9 =	smul.u32 $0xF7A, s1;
	s8 =	simm.s32 @!p0 $0x1BF5;
	p2 =	por !p2, p0  }
0x20: {  	[sflag:s8] =	ssyncset.s32 @!p0 $0xFFFFF086;
	s6 =	sadd.s32 @!p0 s3, s7;
	s7 =	simm.s32 @!p0 $0x108  }
0x21: {  	s3 =	sadd.s32 s3, s9;
	s6 =	sadd.s32 @!p0 $0x88, s6;
	s7 =	simm.s32 @p2 $0x1082  }
0x22: {  	[simem:s7], [sflag:s8] =	dma.local @!p0 [hbm:s6], $0xF7A  }
0x23: {  	s9 =	sor.u32 $0xD0000000, s2;
	s6 =	simm.s32 $0x108;
	_ =	swait.ge @!p0 [sflag:s8], $0x0  }
0x24: {  	s3 =	sadd.s32 $0x88, s3;
	s6 =	simm.s32 @!p1 $0x1082;
	[sflag:s4] =	ssyncset.s32 $0xFFFFF086  }
0x25: {  	[simem:s6], [sflag:s4] =	dma.local [hbm:s3], $0xF7A  }
0x26: {  	[smem:$0x3F9C] =	sst s1;
	(tag) =	ssettag s2;
	_ =	strace s9  }
0x27: {  	s1 =	sld [smem:$0x3FAC]  }
0x28: {  	s2 =	sld [smem:$0x3FAD]  }
0x29: {  	s4 =	sld [smem:$0x3FAF]  }
0x2a: {  	p0 =	seq.s32 s5, $0x0;
	s5 =	sld [smem:$0x3FB0]  }
0x2b: {  	s6 =	sld [smem:$0x3FB1]  }
0x2c: {  	s7 =	sld [smem:$0x3FB2]  }
0x2d: {  	s3 =	simm.s32 $0x108;
	s8 =	sld [smem:$0x3FB3]  }
0x2e: {  	s3 =	simm.s32 @!p0 $0x1082;
	s9 =	sld [smem:$0x3FB4]  }
0x2f: {  	lr =	sadd.s32 s0, s3;
	s0 =	sld [smem:$0x3FAB]  }
0x30: {  	s3 =	sld [smem:$0x3FAE]  }
0x31: {  	[smem:$0x3FB7] =	sst s10  }
0x32: {  	s10 =	sld [smem:$0x3FB5];
	_ =	sdelay $0x3  }
0x33: {  	p0 =	seq.s32 s10, $0x1;
	s10 =	sld [smem:$0x3FB7];
	_ =	sdelay $0x3  }
0x34: {  	[smem:$0x3FB7] =	sst s10  }
0x35: {  	s10 =	sld [smem:$0x3FB6];
	_ =	sdelay $0x3  }
0x36: {  	p1 =	seq.s32 s10, $0x1;
	s10 =	sld [smem:$0x3FB7];
	_ =	sdelay $0x3  }
0x37: {  	[smem:$0x3FB7] =	sst s10  }
0x38: {  	s10 =	sld [smem:$0x3FB8]  }
0x39: {  	_ = 	snop;
	(pc) =	sbr.ind lr, $3  }
0x3a: {  	_ = 	snop  }
0x3b: {  	_ = 	snop  }
0x3c: {  	p2 =	seq.s32 s10, $0x1;
	s10 =	sld [smem:$0x3FB7]  }
0x3d: {  	_ =	shalt  }
0x3e: {  	_ =	shalt  }
0x3f: {  	_ =	shalt  }
0x40: {  	_ =	shalt  }
0x41: {  	_ =	shalt  }
0x42: {  	_ =	shalt  }
0x43: {  	_ =	shalt  }
0x44: {  	_ =	shalt  }
0x45: {  	_ =	shalt  }
0x46: {  	_ =	shalt  }
0x47: {  	_ =	shalt  }
0x48: {  	_ =	shalt  }
0x49: {  	_ =	shalt  }
0x4a: {  	_ =	shalt  }
0x4b: {  	_ =	shalt  }
0x4c: {  	_ =	shalt  }
0x4d: {  	_ =	shalt  }
0x4e: {  	_ =	shalt  }
0x4f: {  	_ =	shalt  }
0x50: {  	_ =	shalt  }
0x51: {  	_ =	shalt  }
0x52: {  	_ =	shalt  }
0x53: {  	_ =	shalt  }
0x54: {  	_ =	shalt  }
0x55: {  	_ =	shalt  }
0x56: {  	_ =	shalt  }
0x57: {  	_ =	shalt  }
0x58: {  	_ =	shalt  }
0x59: {  	_ =	shalt  }
0x5a: {  	_ =	shalt  }
0x5b: {  	_ =	shalt  }
0x5c: {  	_ =	shalt  }
0x5d: {  	_ =	shalt  }
0x5e: {  	_ =	shalt  }
0x5f: {  	_ =	shalt  }
0x60: {  	_ =	shalt  }
0x61: {  	_ =	shalt  }
0x62: {  	_ =	shalt  }
0x63: {  	_ =	shalt  }
0x64: {  	_ =	shalt  }
0x65: {  	_ =	shalt  }
0x66: {  	_ =	shalt  }
0x67: {  	_ =	shalt  }
0x68: {  	_ =	shalt  }
0x69: {  	_ =	shalt  }
0x6a: {  	_ =	shalt  }
0x6b: {  	_ =	shalt  }
0x6c: {  	_ =	shalt  }
0x6d: {  	_ =	shalt  }
0x6e: {  	_ =	shalt  }
0x6f: {  	_ =	shalt  }
0x70: {  	_ =	shalt  }
0x71: {  	_ =	shalt  }
0x72: {  	_ =	shalt  }
0x73: {  	_ =	shalt  }
0x74: {  	_ =	shalt  }
0x75: {  	_ =	shalt  }
0x76: {  	_ =	shalt  }
0x77: {  	_ =	shalt  }
0x78: {  	_ =	shalt  }
0x79: {  	_ =	shalt  }
0x7a: {  	_ =	shalt  }
0x7b: {  	_ =	shalt  }
0x7c: {  	_ =	shalt  }
0x7d: {  	_ =	shalt  }
0x7e: {  	_ =	shalt  }
0x7f: {  	_ =	shalt  }
0x80: {  	_ =	shalt  }
0x81: {  	_ =	shalt  }
0x82: {  	_ =	shalt  }
0x83: {  	_ =	shalt  }
0x84: {  	_ =	shalt  }
0x85: {  	_ =	shalt  }
0x86: {  	_ =	shalt  }
0x87: {  	_ =	shalt  }
.Lfunc_end0:
.L_simem_size_0:
called_computation.3_lowered:
.L_overlay_start_0:
0x88: {  	s2 =	sld [smem:$0x3FD9]  }
0x89: {  	s3 =	sld [smem:$0x3FFE];
	_ =	sdelay $0x1  }
0x8a: {  	s1 =	srdreg.scid  }
0x8b: {  	s0 =	sand.u32 $0x1, s1  }
0x8c: {  	s17 =	sshll.u32 s0, $0xA;
	s2 =	sadd.s32 s3, s2  }
0x8d: {  	s2 =	sadd.s32 s2, s17  }
0x8e: {  	[smem:$0x3FC3] =	sst s2  }
0x8f: {  	_ = 	snop  }
0x90: {  	(tm) =	ssettm $0x1  }
0x91: {  	s18 =	sld [smem:$0x3FFB];
	_ =	sdelay $0x3  }
0x92: {  	_ =	strace s18  }
0x93: {  	s2 =	sld [smem:$0x3FFC];
	_ =	sdelay $0x3  }
0x94: {  	_ =	strace s2  }
0x95: {  	s2 =	sld [smem:$0x3FFD];
	_ =	sdelay $0x3  }
0x96: {  	_ =	strace s2  }
0x97: {  	_ =	strace $0x8FFFFFFF  }
0x98: {  	s19 =	sld [smem:$0x3FDB];
	_ =	sdelay $0x1  }
0x99: {  	s20 =	simm.s32 $_scs_section_size  }
0x9a: {  	s4 =	simm.s32 $_size__tile_overlayer_lowered;
	s5 =	simm.s32 $_tile_overlayer_lowered  }
0x9b: {  	s6 =	simm.s32 $0x1BFF;
	s21 =	sshll.u32 s5, $0x1;
	s3 =	sadd.s32 s20, s19  }
0x9c: {  	s22 =	simm.s32 $0x0;
	s4 =	sshll.u32 s4, $0x1;
	s5 =	sadd.s32 s21, s3  }
0x9d: {  	[timem:s22], [sflag:s6] =	dma.local [hbm:s5], s4  }
0x9e: {  	_ =	swait.ge [sflag:s6], s4  }
0x9f: {  	s4 =	ssub.s32 $0x0, s4;
	[sflag:s6] =	ssyncset.done $0x0  }
0xa0: {  	[sflag:s6] =	ssyncadd.s32 s4;
	_ =	sdelay $0x1  }
0xa1: {  	s23 =	simm.s32 $0x1B8B  }
0xa2: {  	_ =	swait.ge [sflag:s23], $0x1  }
0xa3: {  	[sflag:s23] =	ssyncset.done $0x0  }
0xa4: {  	[sflag:s23] =	ssyncadd.s32 $0xFFFFFFFF  }
0xa5: {  	s4 =	sld [smem:$0x0]  }
0xa6: {  	s5 =	sand.u32 $0xFFFFFFFE, s1  }
0xa7: {  	p0 =	sne.s32 s1, s5  }
0xa8: {  	s5 =	sshll.u32 @p0 s5, $0xE  }
0xa9: {  	s5 =	sadd.s32 @p0 $0x11B8D, s5;
	s6 =	sshll.u32 @p0 s4, $0x11  }
0xaa: {  	s5 =	sor.u32 @p0 s6, s5  }
0xab: {  	[sflag:s5] =	ssyncadd.remote.s32 @p0 $0x1;
	_ =	sdelay $0x1  }
0xac: {  	s5 =	simm.s32 @p0 $0x1B8D  }
0xad: {  	_ =	swait.eq @p0 [sflag:s5], $0x1  }
0xae: {  	[sflag:s5] =	ssyncadd.s32 @p0 $0xFFFFFFFF  }
0xaf: {  	s6 =	sshll.u32 @!p0 s1, $0xE  }
0xb0: {  	s6 =	sor.u32 @!p0 $0x4000, s6;
	s5 =	simm.s32 @!p0 $0x1B8D  }
0xb1: {  	s4 =	sshll.u32 @!p0 s4, $0x11;
	s6 =	sadd.s32 @!p0 $0x11B8D, s6;
	_ =	swait.eq @!p0 [sflag:s5], $0x1  }
0xb2: {  	s4 =	sor.u32 @!p0 s4, s6;
	[sflag:s5] =	ssyncadd.s32 @!p0 $0xFFFFFFFF  }
0xb3: {  	s25 =	simm.s32 $0x1B8E;
	s24 =	sld [smem:$0x3FFE];
	[sflag:s4] =	ssyncadd.remote.s32 @!p0 $0x1  }
0xb4: {  	s26 =	simm.s32 $execute0_lowered;
	[smem:$0x3FD2] =	sst s25  }
0xb5: {  	s5 =	sshll.u32 s26, $0x1;
	_ =	strace $0x8000004F;
	[dreg:$0x1] =	wrdreg $0xFFFFFFFF  }
0xb6: {  	s28 =	simm.s32 $_size_execute0_lowered;
	s3 =	sadd.s32 s3, s5;
	[dreg:$0x0] =	wrdreg $0x0  }
0xb7: {  	s5 =	sshll.u32 s28, $0x1;
	[dreg:$0x2] =	wrdreg s3  }
0xb8: {  	[dreg:$0x3] =	wrdreg s5  }
0xb9: {  	[dreg:$0x4] =	wrdreg $0xC0  }
0xba: {  	_ =	task [dreg:s22], $0x5FFFF  }
0xbb: {  	[dreg:$0x1] =	wrdreg $0xFFFFFFFF  }
0xbc: {  	[dreg:$0x0] =	wrdreg $0x60  }
0xbd: {  	[dreg:$0x2] =	wrdreg s24  }
0xbe: {  	[dreg:$0x3] =	wrdreg $0xC  }
0xbf: {  	_ =	task.clear_ibuf [dreg:s22], $0x4FFFF;
	_ =	strace $0x9000004F  }
0xc0: {  	s29 =	simm.s32 $0xC;
	_ =	strace $0x80000051  }
0xc1: {  	_ =	swait.ge [sflag:s29], $0x1  }
0xc2: {  	[sflag:s29] =	ssyncadd.s32 $0xFFFFFFFF  }
0xc3: {  	_ =	strace $0x90000051  }
0xc4: {  	_ =	sfence  }
0xc5: {  	s30 =	sld [smem:$0x0];
	_ =	sdelay $0x2  }
0xc6: {  	s31 =	sshll.u32 s1, $0xD;
	s1 =	sshrl.u32 s1, $0x2  }
0xc7: {  	s4 =	sand.u32 $0x4000, s31;
	s1 =	sadd.s32 s1, s30  }
0xc8: {  	s0 =	sor.u32 s4, s0;
	s1 =	sshll.u32 s1, $0x11  }
0xc9: {  	s0 =	sor.u32 s1, s0  }
0xca: {  	s0 =	sadd.s32 $0x8F2B, s0  }
0xcb: {  	[sflag:s0] =	ssyncadd.remote.s32 $0x1  }
0xcc: {  	_ =	sfence.sel $0xFFFF  }
0xcd: {  	[dreg:$0x0] =	wrdreg $0xFFFFFFFF;
	(pc) =	sbr.abs _section_cstart, $3  }
0xce: {  	[dreg:$0x1] =	wrdreg $0xFFFFFFFF  }
0xcf: {  	_ =	task.clear_ibuf [dreg:s22], $0x2FFFF;
	_ =	strace $0x9FFFFFFF  }
0xd0: {  	(tm) =	ssettm $0x7FFFFFFF  }
0xd1: {  	_ =	shalt  }
tec
execute0_lowered:
.L_overlay_start_1:
0x0: {  	(tag) =	ssettag $0x1  }
0x1: {  	s1 =	srdreg.scid;
	s0 =	stileid.u32  }
0x2: {  	s4 =	rddreg [dreg:$0x0];
	s2 =	simm.s32 $0x0;
	s13 =	simm.s32 $0x1450  }
0x3: {  	s14 =	simm.s32 $0x2E50;
	s15 =	simm.s32 $0x1;
	s16 =	simm.s32 $0x2  }
0x4: {  	s17 =	simm.s32 $0x1380;
	s18 =	simm.s32 $0x13E8;
	s19 =	simm.s32 $0x0  }
0x5: {  	s6 =	sand.u32 $0x1, s1;
	s3 =	sshll.u32 s0, $0x1;
	[smem:$0x7FF] =	sst s2  }
0x6: {  	s9 =	sadd.s32 $0x4D4600, s4;
	s31 =	smul.u32 $0x14500, s0;
	s5 =	sor.u32 s6, s3  }
0x7: {  	s1 =	rddreg [dreg:$0x1];
	_ =	strace $0x80000050;
	s7 =	smul.u32 $0x28A, s5  }
0x8: {  	s3 =	sadd.s32 $0x5400, s4;
	s8 =	ssub.s32 $0x2, s6;
	s10 =	smul.u32 $0xA280, s5  }
0x9: {  	s11 =	smul.u32 $0xA280, s6;
	s29 =	sshrl.u32 s8, $0x1;
	s12 =	sadd.s32 s31, s9  }
0xa: {  	s30 =	ssub.s32 s8, s29;
	s7 =	sadd.s32 s7, s4;
	s10 =	sadd.s32 s9, s10  }
0xb: {  	s5 =	smax.u32 s30, $0x1;
	s4 =	sadd.s32 $0x4CF400, s7;
	s6 =	sadd.s32 $0x9C00, s10  }
0xc: {  	s7 =	sadd.s32 $0x9F40, s10;
	s8 =	sadd.s32 $0x9580, s10;
	s9 =	sadd.s32 $0x98C0, s10  }
0xd: {  	s10 =	sadd.s32 s11, s12;
	s11 =	simm.s32 $0x3;
	s12 =	simm.s32 $0x68  }
.LBB2_1:
0xe: {  	[tilespmem:s2], [sflag:$0x3] =	stream.linear.gather [hbm4b:s4+s2], $0x1450, $0x38;
	[tilespmem:$0x4850] =	vst v63  }
0xf: {  	_ =	swait.ge [sflag:s11], $0x1450  }
0x10: {  	[sflag:s11] =	ssyncset.done $0x0  }
0x11: {  	[sflag:s11] =	ssyncadd.s32 $0xFFFFEBB0  }
0x12: {  	[tilespmem:s13], [sflag:$0x1] =	stream.indirect.gather [hbm4b:s3+s12], $0x40, s2, s12, $0xb8;
	[tilespmem:$0x4850] =	vst v63  }
0x13: {  	_ = 	snop  }
0x14: {  	[tilespmem:s14], [sflag:$0x2] =	stream.indirect.gather [hbm4b:s3+s12], $0x40, s12, s12, $0xb8;
	[tilespmem:$0x4850] =	vst v63  }
0x15: {  	_ =	swait.ge [sflag:s15], $0x1A00  }
0x16: {  	[sflag:s15] =	ssyncset.done $0x0  }
0x17: {  	s20 =	sadd.s32 $0x0, s10;
	[sflag:s15] =	ssyncadd.s32 $0xFFFFE600  }
0x18: {  	[hbm4b:s20+s2] =	stream.linear.scatter [tilespmem:s13], [sflag:$0x3], $0x1A00, $0x38;
	[tilespmem:$0x4850] =	vst v63  }
0x19: {  	_ =	swait.ge [sflag:s11], $0x1A00  }
0x1a: {  	[sflag:s11] =	ssyncset.done $0x0  }
0x1b: {  	s21 =	simm.s32 $0xD0;
	[sflag:s11] =	ssyncadd.s32 $0xFFFFE600  }
0x1c: {  	[tilespmem:s13], [sflag:$0x1] =	stream.indirect.gather [hbm4b:s3+s12], $0x40, s21, s12, $0xb8;
	[tilespmem:$0x4850] =	vst v63  }
0x1d: {  	_ =	swait.ge [sflag:s16], $0x1A00  }
0x1e: {  	[sflag:s16] =	ssyncset.done $0x0  }
0x1f: {  	s20 =	sadd.s32 $0x340, s20;
	[sflag:s16] =	ssyncadd.s32 $0xFFFFE600  }
0x20: {  	[hbm4b:s20+s2] =	stream.linear.scatter [tilespmem:s14], [sflag:$0x3], $0x1A00, $0x38;
	[tilespmem:$0x4850] =	vst v63  }
0x21: {  	_ =	swait.ge [sflag:s11], $0x1A00  }
0x22: {  	s22 =	simm.s32 $0x208;
	[sflag:s11] =	ssyncset.done $0x0  }
0x23: {  	s21 =	simm.s32 $0x680;
	s20 =	simm.s32 $0x138;
	[sflag:s11] =	ssyncadd.s32 $0xFFFFE600  }
.LBB2_2:
0x24: {  	[tilespmem:s14], [sflag:$0x2] =	stream.indirect.gather [hbm4b:s3+s12], $0x40, s20, s12, $0xb8;
	[tilespmem:$0x4850] =	vst v63  }
0x25: {  	s23 =	smov.u32 s21;
	s20 =	smov.u32 s22  }
0x26: {  	p0 =	sne.s32 s21, $0x8F00;
	s21 =	sadd.s32 $0x680, s21;
	_ =	swait.ge [sflag:s15], $0x1A00  }
0x27: {  	[sflag:s15] =	ssyncset.done $0x0  }
0x28: {  	s23 =	sadd.s32 s23, s10;
	[sflag:s15] =	ssyncadd.s32 $0xFFFFE600  }
0x29: {  	[hbm4b:s23+s2] =	stream.linear.scatter [tilespmem:s13], [sflag:$0x3], $0x1A00, $0x38;
	[tilespmem:$0x4850] =	vst v63  }
0x2a: {  	_ =	swait.ge [sflag:s11], $0x1A00  }
0x2b: {  	[sflag:s11] =	ssyncset.done $0x0  }
0x2c: {  	s24 =	sadd.s32 $0xFFFFFF98, s22;
	[sflag:s11] =	ssyncadd.s32 $0xFFFFE600  }
0x2d: {  	[tilespmem:s13], [sflag:$0x1] =	stream.indirect.gather [hbm4b:s3+s12], $0x40, s24, s12, $0xb8;
	[tilespmem:$0x4850] =	vst v63  }
0x2e: {  	_ =	swait.ge [sflag:s16], $0x1A00  }
0x2f: {  	[sflag:s16] =	ssyncset.done $0x0  }
.Ltmp0:
0x30: {  	s23 =	sadd.s32 $0x340, s23;
	[sflag:s16] =	ssyncadd.s32 $0xFFFFE600;
	(pc) =	sbr.rel @p0 .LBB2_2-.Ltmp0, $4  }
0x31: {  	[hbm4b:s23+s2] =	stream.linear.scatter [tilespmem:s14], [sflag:$0x3], $0x1A00, $0x38;
	[tilespmem:$0x4850] =	vst v63  }
0x32: {  	_ =	swait.ge [sflag:s11], $0x1A00  }
0x33: {  	[sflag:s11] =	ssyncset.done $0x0  }
0x34: {  	s22 =	sadd.s32 $0xD0, s22;
	[sflag:s11] =	ssyncadd.s32 $0xFFFFE600  }
0x35: {  	[tilespmem:s14], [sflag:$0x2] =	stream.indirect.gather [hbm4b:s3+s12], $0x40, s20, s12, $0xb8;
	[tilespmem:$0x4850] =	vst v63  }
0x36: {  	_ =	swait.ge [sflag:s15], $0x1A00  }
0x37: {  	[sflag:s15] =	ssyncset.done $0x0  }
0x38: {  	[sflag:s15] =	ssyncadd.s32 $0xFFFFE600  }
0x39: {  	[hbm4b:s8+s2] =	stream.linear.scatter [tilespmem:s13], [sflag:$0x3], $0x1A00, $0x38;
	[tilespmem:$0x4850] =	vst v63  }
0x3a: {  	_ =	swait.ge [sflag:s11], $0x1A00  }
0x3b: {  	[sflag:s11] =	ssyncset.done $0x0  }
0x3c: {  	[sflag:s11] =	ssyncadd.s32 $0xFFFFE600  }
0x3d: {  	[tilespmem:s13], [sflag:$0x1] =	stream.indirect.gather [hbm4b:s3+s12], $0x40, s17, s12, $0xb8;
	[tilespmem:$0x4850] =	vst v63  }
0x3e: {  	_ =	swait.ge [sflag:s16], $0x1A00  }
0x3f: {  	[sflag:s16] =	ssyncset.done $0x0  }
0x40: {  	[sflag:s16] =	ssyncadd.s32 $0xFFFFE600  }
0x41: {  	[hbm4b:s9+s2] =	stream.linear.scatter [tilespmem:s14], [sflag:$0x3], $0x1A00, $0x38;
	[tilespmem:$0x4850] =	vst v63  }
0x42: {  	_ =	swait.ge [sflag:s11], $0x1A00  }
0x43: {  	[sflag:s11] =	ssyncset.done $0x0  }
0x44: {  	[sflag:s11] =	ssyncadd.s32 $0xFFFFE600  }
0x45: {  	[tilespmem:s14], [sflag:$0x2] =	stream.indirect.gather [hbm4b:s3+s12], $0x40, s18, s12, $0xb8;
	[tilespmem:$0x4850] =	vst v63  }
0x46: {  	_ =	swait.ge [sflag:s15], $0x1A00  }
0x47: {  	[sflag:s15] =	ssyncset.done $0x0  }
0x48: {  	[sflag:s15] =	ssyncadd.s32 $0xFFFFE600  }
0x49: {  	[hbm4b:s6+s2] =	stream.linear.scatter [tilespmem:s13], [sflag:$0x3], $0x1A00, $0x38;
	[tilespmem:$0x4850] =	vst v63  }
0x4a: {  	_ =	swait.ge [sflag:s11], $0x1A00  }
0x4b: {  	[sflag:s11] =	ssyncset.done $0x0  }
0x4c: {  	[sflag:s11] =	ssyncadd.s32 $0xFFFFE600  }
0x4d: {  	[tilespmem:s13], [sflag:$0x1] =	stream.indirect.gather [hbm4b:s3+s12], $0x40, s18, s12, $0xb8;
	[tilespmem:$0x4850] =	vst v63  }
0x4e: {  	_ =	swait.ge [sflag:s16], $0x1A00  }
0x4f: {  	[sflag:s16] =	ssyncset.done $0x0  }
0x50: {  	[sflag:s16] =	ssyncadd.s32 $0xFFFFE600  }
0x51: {  	[hbm4b:s7+s2] =	stream.linear.scatter [tilespmem:s14], [sflag:$0x3], $0x1A00, $0x38;
	[tilespmem:$0x4850] =	vst v63  }
0x52: {  	_ =	swait.ge [sflag:s11], $0x1A00  }
0x53: {  	[sflag:s11] =	ssyncset.done $0x0  }
0x54: {  	s19 =	sadd.s32 $0x1, s19;
	[sflag:s11] =	ssyncadd.s32 $0xFFFFE600  }
0x55: {  	[tilespmem:s14], [sflag:$0x2] =	stream.indirect.gather [hbm4b:s3+s12], $0x40, s18, s12, $0xb8;
	[tilespmem:$0x4850] =	vst v63  }
0x56: {  	p0 =	sne.s32 s19, s5;
	_ =	swait.ge [sflag:s15], $0x1A00  }
.Ltmp1:
0x57: {  	[sflag:s15] =	ssyncset.done $0x0;
	(pc) =	sbr.rel @p0 .LBB2_1-.Ltmp1, $4  }
0x58: {  	[sflag:s15] =	ssyncadd.s32 $0xFFFFE600  }
0x59: {  	_ =	swait.ge [sflag:s16], $0x1A00  }
0x5a: {  	[sflag:s16] =	ssyncset.done $0x0  }
0x5b: {  	[sflag:s16] =	ssyncadd.s32 $0xFFFFE600  }
0x5c: {  	_ =	sfence.sel $0x180000  }
0x5d: {  	[bflag:$0x0] =	sbarrier.arrive $0xFFFF  }
0x5e: {  	p0 =	sne.s32 s0, $0x0;
	_ =	strace $0x90000050  }
0x5f: {  	s0 =	sadd.s32 @!p0 $0x100000, s1;
	[bflag:$0x2] =	sbarrier.arrive $0xFFFF  }
0x60: {  	[sflag:s0] =	ssyncadd.tile.s32 @!p0 $0x1;
	_ =	shalt  }
.Lfunc_end2:
_tile_overlayer_lowered:
.L_overlay_start_2:
0x61: {  	(tag) =	ssettag $0x2  }
0x62: {  	s0 =	rddreg [dreg:$0x0];
	s2 =	stileid.u32  }
0x63: {  	s1 =	rddreg [dreg:$0x1];
	p0 =	sne.s32 s2, $0x0  }
0x64: {  	s3 =	rddreg [dreg:$0x2];
	[bflag:$0x3] =	sbarrier.arrive $0xFFFF;
	s2 =	simm.s32 @!p0 $0x1C03  }
0x65: {  	[timem:s3], [sflag:s2] =	dma.local @!p0 [hbm:s0], s1  }
0x66: {  	s0 =	simm.s32 @!p0 $0x3  }
0x67: {  	_ =	swait.ge @!p0 [sflag:s0], s1  }
0x68: {  	s1 =	ssub.s32 @!p0 $0x0, s1;
	[sflag:s0] =	ssyncset.done @!p0 $0x0  }
0x69: {  	[sflag:s0] =	ssyncadd.s32 @!p0 s1  }
0x6a: {  	[bflag:$0x3] =	sbarrier.arrive $0xFFFF  }
0x6b: {  	_ =	shalt  }

// kernel: kernel.39.cloned.1.call-start
scs
__scs_entry_jumppad:
0x0: {  	(pc) =	sbr.rel $0x88, $3  }
0x1: {  	(tag) =	ssettag $0x0;
	lr =	simm.s32 $0x1  }
0x2: {  	[smem:$0x3F9C] =	sst lr;
	_ =	strace $0xD0000000  }
0x3: {  	_ = 	snop  }
0x4: {  	_ = 	snop  }
0x5: {  	_ = 	snop  }
0x6: {  	_ = 	snop  }
0x7: {  	_ = 	snop  }
__scs_overlays_trampoline_lowered:
0x8: {  	[smem:$0x3FAB] =	sst s0  }
0x9: {  	[smem:$0x3FAC] =	sst s1  }
0xa: {  	[smem:$0x3FAD] =	sst s2  }
0xb: {  	[smem:$0x3FAE] =	sst s3  }
0xc: {  	[smem:$0x3FAF] =	sst s4  }
0xd: {  	[smem:$0x3FB0] =	sst s5  }
0xe: {  	[smem:$0x3FB1] =	sst s6  }
0xf: {  	[smem:$0x3FB2] =	sst s7  }
0x10: {  	[smem:$0x3FB3] =	sst s8  }
0x11: {  	[smem:$0x3FB4] =	sst s9;
	s0 =	simm.s32 @!p0 $0x0  }
0x12: {  	s1 =	sld [smem:$0x3F9A];
	s0 =	simm.s32 @p0 $0x1  }
0x13: {  	[smem:$0x3FB5] =	sst s0;
	s0 =	simm.s32 @!p1 $0x0  }
0x14: {  	s2 =	sld [smem:$0x3F99];
	s0 =	simm.s32 @p1 $0x1  }
0x15: {  	[smem:$0x3FB6] =	sst s0;
	s0 =	simm.s32 @!p2 $0x0  }
0x16: {  	s3 =	sld [smem:$0x3FDB];
	s0 =	simm.s32 @p2 $0x1  }
0x17: {  	s4 =	simm.s32 $0x1BF5;
	[smem:$0x3FB8] =	sst s0  }
0x18: {  	s0 =	sld [smem:$0x3F9B];
	_ =	swait.ge [sflag:s4], $0x0  }
0x19: {  	s7 =	sld [smem:$0x3F9C]  }
0x1a: {  	s8 =	sadd.s32 $0xFFFFE003, lr  }
0x1b: {  	s9 =	sadd.s32 $0xFFFFFEF7, lr;
	s5 =	simm.s32 $0xFFFFFFFF;
	p2 =	slt.u32 s8, $0xFFFFF086  }
0x1c: {  	p1 =	slt.u32 s9, $0xF7A;
	s5 =	simm.s32 @!p2 $0x0  }
0x1d: {  	s5 =	simm.s32 @p1 $0x1;
	p0 =	seq.s32 s7, s2  }
0x1e: {  	s7 =	smul.u32 @!p0 $0xF7A, s2;
	p2 =	seq.s32 @!p0 s5, $0x0  }
0x1f: {  	s9 =	smul.u32 $0xF7A, s1;
	s8 =	simm.s32 @!p0 $0x1BF5;
	p2 =	por !p2, p0  }
0x20: {  	[sflag:s8] =	ssyncset.s32 @!p0 $0xFFFFF086;
	s6 =	sadd.s32 @!p0 s3, s7;
	s7 =	simm.s32 @!p0 $0x108  }
0x21: {  	s3 =	sadd.s32 s3, s9;
	s6 =	sadd.s32 @!p0 $0x88, s6;
	s7 =	simm.s32 @p2 $0x1082  }
0x22: {  	[simem:s7], [sflag:s8] =	dma.local @!p0 [hbm:s6], $0xF7A  }
0x23: {  	s9 =	sor.u32 $0xD0000000, s2;
	s6 =	simm.s32 $0x108;
	_ =	swait.ge @!p0 [sflag:s8], $0x0  }
0x24: {  	s3 =	sadd.s32 $0x88, s3;
	s6 =	simm.s32 @!p1 $0x1082;
	[sflag:s4] =	ssyncset.s32 $0xFFFFF086  }
0x25: {  	[simem:s6], [sflag:s4] =	dma.local [hbm:s3], $0xF7A  }
0x26: {  	[smem:$0x3F9C] =	sst s1;
	(tag) =	ssettag s2;
	_ =	strace s9  }
0x27: {  	s1 =	sld [smem:$0x3FAC]  }
0x28: {  	s2 =	sld [smem:$0x3FAD]  }
0x29: {  	s4 =	sld [smem:$0x3FAF]  }
0x2a: {  	p0 =	seq.s32 s5, $0x0;
	s5 =	sld [smem:$0x3FB0]  }
0x2b: {  	s6 =	sld [smem:$0x3FB1]  }
0x2c: {  	s7 =	sld [smem:$0x3FB2]  }
0x2d: {  	s3 =	simm.s32 $0x108;
	s8 =	sld [smem:$0x3FB3]  }
0x2e: {  	s3 =	simm.s32 @!p0 $0x1082;
	s9 =	sld [smem:$0x3FB4]  }
0x2f: {  	lr =	sadd.s32 s0, s3;
	s0 =	sld [smem:$0x3FAB]  }
0x30: {  	s3 =	sld [smem:$0x3FAE]  }
0x31: {  	[smem:$0x3FB7] =	sst s10  }
0x32: {  	s10 =	sld [smem:$0x3FB5];
	_ =	sdelay $0x3  }
0x33: {  	p0 =	seq.s32 s10, $0x1;
	s10 =	sld [smem:$0x3FB7];
	_ =	sdelay $0x3  }
0x34: {  	[smem:$0x3FB7] =	sst s10  }
0x35: {  	s10 =	sld [smem:$0x3FB6];
	_ =	sdelay $0x3  }
0x36: {  	p1 =	seq.s32 s10, $0x1;
	s10 =	sld [smem:$0x3FB7];
	_ =	sdelay $0x3  }
0x37: {  	[smem:$0x3FB7] =	sst s10  }
0x38: {  	s10 =	sld [smem:$0x3FB8]  }
0x39: {  	_ = 	snop;
	(pc) =	sbr.ind lr, $3  }
0x3a: {  	_ = 	snop  }
0x3b: {  	_ = 	snop  }
0x3c: {  	p2 =	seq.s32 s10, $0x1;
	s10 =	sld [smem:$0x3FB7]  }
0x3d: {  	_ =	shalt  }
0x3e: {  	_ =	shalt  }
0x3f: {  	_ =	shalt  }
0x40: {  	_ =	shalt  }
0x41: {  	_ =	shalt  }
0x42: {  	_ =	shalt  }
0x43: {  	_ =	shalt  }
0x44: {  	_ =	shalt  }
0x45: {  	_ =	shalt  }
0x46: {  	_ =	shalt  }
0x47: {  	_ =	shalt  }
0x48: {  	_ =	shalt  }
0x49: {  	_ =	shalt  }
0x4a: {  	_ =	shalt  }
0x4b: {  	_ =	shalt  }
0x4c: {  	_ =	shalt  }
0x4d: {  	_ =	shalt  }
0x4e: {  	_ =	shalt  }
0x4f: {  	_ =	shalt  }
0x50: {  	_ =	shalt  }
0x51: {  	_ =	shalt  }
0x52: {  	_ =	shalt  }
0x53: {  	_ =	shalt  }
0x54: {  	_ =	shalt  }
0x55: {  	_ =	shalt  }
0x56: {  	_ =	shalt  }
0x57: {  	_ =	shalt  }
0x58: {  	_ =	shalt  }
0x59: {  	_ =	shalt  }
0x5a: {  	_ =	shalt  }
0x5b: {  	_ =	shalt  }
0x5c: {  	_ =	shalt  }
0x5d: {  	_ =	shalt  }
0x5e: {  	_ =	shalt  }
0x5f: {  	_ =	shalt  }
0x60: {  	_ =	shalt  }
0x61: {  	_ =	shalt  }
0x62: {  	_ =	shalt  }
0x63: {  	_ =	shalt  }
0x64: {  	_ =	shalt  }
0x65: {  	_ =	shalt  }
0x66: {  	_ =	shalt  }
0x67: {  	_ =	shalt  }
0x68: {  	_ =	shalt  }
0x69: {  	_ =	shalt  }
0x6a: {  	_ =	shalt  }
0x6b: {  	_ =	shalt  }
0x6c: {  	_ =	shalt  }
0x6d: {  	_ =	shalt  }
0x6e: {  	_ =	shalt  }
0x6f: {  	_ =	shalt  }
0x70: {  	_ =	shalt  }
0x71: {  	_ =	shalt  }
0x72: {  	_ =	shalt  }
0x73: {  	_ =	shalt  }
0x74: {  	_ =	shalt  }
0x75: {  	_ =	shalt  }
0x76: {  	_ =	shalt  }
0x77: {  	_ =	shalt  }
0x78: {  	_ =	shalt  }
0x79: {  	_ =	shalt  }
0x7a: {  	_ =	shalt  }
0x7b: {  	_ =	shalt  }
0x7c: {  	_ =	shalt  }
0x7d: {  	_ =	shalt  }
0x7e: {  	_ =	shalt  }
0x7f: {  	_ =	shalt  }
0x80: {  	_ =	shalt  }
0x81: {  	_ =	shalt  }
0x82: {  	_ =	shalt  }
0x83: {  	_ =	shalt  }
0x84: {  	_ =	shalt  }
0x85: {  	_ =	shalt  }
0x86: {  	_ =	shalt  }
0x87: {  	_ =	shalt  }
.Lfunc_end0:
.L_simem_size_0:
called_computation.4_lowered:
.L_overlay_start_0:
0x88: {  	s2 =	sld [smem:$0x3FD9]  }
0x89: {  	s3 =	sld [smem:$0x3FFE];
	_ =	sdelay $0x1  }
0x8a: {  	s1 =	srdreg.scid  }
0x8b: {  	s0 =	sand.u32 $0x1, s1  }
0x8c: {  	s17 =	sshll.u32 s0, $0xA;
	s2 =	sadd.s32 s3, s2  }
0x8d: {  	s2 =	sadd.s32 s2, s17  }
0x8e: {  	[smem:$0x3FC3] =	sst s2  }
0x8f: {  	_ = 	snop  }
0x90: {  	(tm) =	ssettm $0x1  }
0x91: {  	s18 =	sld [smem:$0x3FFB];
	_ =	sdelay $0x3  }
0x92: {  	_ =	strace s18  }
0x93: {  	s2 =	sld [smem:$0x3FFC];
	_ =	sdelay $0x3  }
0x94: {  	_ =	strace s2  }
0x95: {  	s2 =	sld [smem:$0x3FFD];
	_ =	sdelay $0x3  }
0x96: {  	_ =	strace s2  }
0x97: {  	_ =	strace $0x8FFFFFFF  }
0x98: {  	s19 =	sld [smem:$0x3FDB];
	_ =	sdelay $0x1  }
0x99: {  	s20 =	simm.s32 $_scs_section_size  }
0x9a: {  	s4 =	simm.s32 $_size__tile_overlayer_lowered;
	s5 =	simm.s32 $_tile_overlayer_lowered  }
0x9b: {  	s6 =	simm.s32 $0x1BFF;
	s21 =	sshll.u32 s5, $0x1;
	s3 =	sadd.s32 s20, s19  }
0x9c: {  	s22 =	simm.s32 $0x0;
	s4 =	sshll.u32 s4, $0x1;
	s5 =	sadd.s32 s21, s3  }
0x9d: {  	[timem:s22], [sflag:s6] =	dma.local [hbm:s5], s4  }
0x9e: {  	_ =	swait.ge [sflag:s6], s4  }
0x9f: {  	s4 =	ssub.s32 $0x0, s4;
	[sflag:s6] =	ssyncset.done $0x0  }
0xa0: {  	[sflag:s6] =	ssyncadd.s32 s4;
	_ =	sdelay $0x1  }
0xa1: {  	s23 =	simm.s32 $0x1B8B  }
0xa2: {  	_ =	swait.ge [sflag:s23], $0x1  }
0xa3: {  	[sflag:s23] =	ssyncset.done $0x0  }
0xa4: {  	[sflag:s23] =	ssyncadd.s32 $0xFFFFFFFF  }
0xa5: {  	s4 =	sld [smem:$0x0]  }
0xa6: {  	s5 =	sand.u32 $0xFFFFFFFE, s1  }
0xa7: {  	p0 =	sne.s32 s1, s5  }
0xa8: {  	s5 =	sshll.u32 @p0 s5, $0xE  }
0xa9: {  	s5 =	sadd.s32 @p0 $0x11B8D, s5;
	s6 =	sshll.u32 @p0 s4, $0x11  }
0xaa: {  	s5 =	sor.u32 @p0 s6, s5  }
0xab: {  	[sflag:s5] =	ssyncadd.remote.s32 @p0 $0x1;
	_ =	sdelay $0x1  }
0xac: {  	s5 =	simm.s32 @p0 $0x1B8D  }
0xad: {  	_ =	swait.eq @p0 [sflag:s5], $0x1  }
0xae: {  	[sflag:s5] =	ssyncadd.s32 @p0 $0xFFFFFFFF  }
0xaf: {  	s6 =	sshll.u32 @!p0 s1, $0xE  }
0xb0: {  	s6 =	sor.u32 @!p0 $0x4000, s6;
	s5 =	simm.s32 @!p0 $0x1B8D  }
0xb1: {  	s4 =	sshll.u32 @!p0 s4, $0x11;
	s6 =	sadd.s32 @!p0 $0x11B8D, s6;
	_ =	swait.eq @!p0 [sflag:s5], $0x1  }
0xb2: {  	s4 =	sor.u32 @!p0 s4, s6;
	[sflag:s5] =	ssyncadd.s32 @!p0 $0xFFFFFFFF  }
0xb3: {  	s25 =	simm.s32 $0x1B8E;
	s24 =	sld [smem:$0x3FFE];
	[sflag:s4] =	ssyncadd.remote.s32 @!p0 $0x1  }
0xb4: {  	s26 =	simm.s32 $execute0_lowered;
	[smem:$0x3FD2] =	sst s25  }
0xb5: {  	s5 =	sshll.u32 s26, $0x1;
	_ =	strace $0x80000052;
	[dreg:$0x1] =	wrdreg $0xFFFFFFFF  }
0xb6: {  	s28 =	simm.s32 $_size_execute0_lowered;
	s3 =	sadd.s32 s3, s5;
	[dreg:$0x0] =	wrdreg $0x0  }
0xb7: {  	s5 =	sshll.u32 s28, $0x1;
	[dreg:$0x2] =	wrdreg s3  }
0xb8: {  	[dreg:$0x3] =	wrdreg s5  }
0xb9: {  	[dreg:$0x4] =	wrdreg $0xC0  }
0xba: {  	_ =	task [dreg:s22], $0x5FFFF  }
0xbb: {  	[dreg:$0x1] =	wrdreg $0xFFFFFFFF  }
0xbc: {  	[dreg:$0x0] =	wrdreg $0x60  }
0xbd: {  	[dreg:$0x2] =	wrdreg s24  }
0xbe: {  	[dreg:$0x3] =	wrdreg $0xD  }
0xbf: {  	_ =	task.clear_ibuf [dreg:s22], $0x4FFFF;
	_ =	strace $0x90000052  }
0xc0: {  	s29 =	simm.s32 $0xD;
	_ =	strace $0x80000054  }
0xc1: {  	_ =	swait.ge [sflag:s29], $0x1  }
0xc2: {  	[sflag:s29] =	ssyncadd.s32 $0xFFFFFFFF  }
0xc3: {  	_ =	strace $0x90000054  }
0xc4: {  	_ =	sfence  }
0xc5: {  	s30 =	sld [smem:$0x0];
	_ =	sdelay $0x2  }
0xc6: {  	s31 =	sshll.u32 s1, $0xD;
	s1 =	sshrl.u32 s1, $0x2  }
0xc7: {  	s4 =	sand.u32 $0x4000, s31;
	s1 =	sadd.s32 s1, s30  }
0xc8: {  	s0 =	sor.u32 s4, s0;
	s1 =	sshll.u32 s1, $0x11  }
0xc9: {  	s0 =	sor.u32 s1, s0  }
0xca: {  	s0 =	sadd.s32 $0x8F2B, s0  }
0xcb: {  	[sflag:s0] =	ssyncadd.remote.s32 $0x1  }
0xcc: {  	_ =	sfence.sel $0xFFFF  }
0xcd: {  	[dreg:$0x0] =	wrdreg $0xFFFFFFFF;
	(pc) =	sbr.abs _section_cstart, $3  }
0xce: {  	[dreg:$0x1] =	wrdreg $0xFFFFFFFF  }
0xcf: {  	_ =	task.clear_ibuf [dreg:s22], $0x2FFFF;
	_ =	strace $0x9FFFFFFF  }
0xd0: {  	(tm) =	ssettm $0x7FFFFFFF  }
0xd1: {  	_ =	shalt  }
tec
execute0_lowered:
.L_overlay_start_1:
0x0: {  	(tag) =	ssettag $0x1  }
0x1: {  	s1 =	srdreg.scid;
	s0 =	stileid.u32  }
0x2: {  	s4 =	rddreg [dreg:$0x0];
	s2 =	simm.s32 $0x0;
	s13 =	simm.s32 $0x1450  }
0x3: {  	s14 =	simm.s32 $0x2E50;
	s15 =	simm.s32 $0x1;
	s16 =	simm.s32 $0x2  }
0x4: {  	s17 =	simm.s32 $0x1380;
	s18 =	simm.s32 $0x13E8;
	s19 =	simm.s32 $0x0  }
0x5: {  	s6 =	sand.u32 $0x1, s1;
	s3 =	sshll.u32 s0, $0x1;
	[smem:$0x7FF] =	sst s2  }
0x6: {  	s9 =	sadd.s32 $0x61E800, s4;
	s31 =	smul.u32 $0x14500, s0;
	s5 =	sor.u32 s6, s3  }
0x7: {  	s1 =	rddreg [dreg:$0x1];
	_ =	strace $0x80000053;
	s7 =	smul.u32 $0x28A, s5  }
0x8: {  	s3 =	sadd.s32 $0x5400, s4;
	s8 =	ssub.s32 $0x2, s6;
	s10 =	smul.u32 $0xA280, s5  }
0x9: {  	s11 =	smul.u32 $0xA280, s6;
	s29 =	sshrl.u32 s8, $0x1;
	s12 =	sadd.s32 s31, s9  }
0xa: {  	s30 =	ssub.s32 s8, s29;
	s7 =	sadd.s32 s7, s4;
	s10 =	sadd.s32 s9, s10  }
0xb: {  	s5 =	smax.u32 s30, $0x1;
	s4 =	sadd.s32 $0x619600, s7;
	s6 =	sadd.s32 $0x9C00, s10  }
0xc: {  	s7 =	sadd.s32 $0x9F40, s10;
	s8 =	sadd.s32 $0x9580, s10;
	s9 =	sadd.s32 $0x98C0, s10  }
0xd: {  	s10 =	sadd.s32 s11, s12;
	s11 =	simm.s32 $0x3;
	s12 =	simm.s32 $0x68  }
.LBB2_1:
0xe: {  	[tilespmem:s2], [sflag:$0x3] =	stream.linear.gather [hbm4b:s4+s2], $0x1450, $0x38;
	[tilespmem:$0x4850] =	vst v63  }
0xf: {  	_ =	swait.ge [sflag:s11], $0x1450  }
0x10: {  	[sflag:s11] =	ssyncset.done $0x0  }
0x11: {  	[sflag:s11] =	ssyncadd.s32 $0xFFFFEBB0  }
0x12: {  	[tilespmem:s13], [sflag:$0x1] =	stream.indirect.gather [hbm4b:s3+s12], $0x40, s2, s12, $0xb8;
	[tilespmem:$0x4850] =	vst v63  }
0x13: {  	_ = 	snop  }
0x14: {  	[tilespmem:s14], [sflag:$0x2] =	stream.indirect.gather [hbm4b:s3+s12], $0x40, s12, s12, $0xb8;
	[tilespmem:$0x4850] =	vst v63  }
0x15: {  	_ =	swait.ge [sflag:s15], $0x1A00  }
0x16: {  	[sflag:s15] =	ssyncset.done $0x0  }
0x17: {  	s20 =	sadd.s32 $0x0, s10;
	[sflag:s15] =	ssyncadd.s32 $0xFFFFE600  }
0x18: {  	[hbm4b:s20+s2] =	stream.linear.scatter [tilespmem:s13], [sflag:$0x3], $0x1A00, $0x38;
	[tilespmem:$0x4850] =	vst v63  }
0x19: {  	_ =	swait.ge [sflag:s11], $0x1A00  }
0x1a: {  	[sflag:s11] =	ssyncset.done $0x0  }
0x1b: {  	s21 =	simm.s32 $0xD0;
	[sflag:s11] =	ssyncadd.s32 $0xFFFFE600  }
0x1c: {  	[tilespmem:s13], [sflag:$0x1] =	stream.indirect.gather [hbm4b:s3+s12], $0x40, s21, s12, $0xb8;
	[tilespmem:$0x4850] =	vst v63  }
0x1d: {  	_ =	swait.ge [sflag:s16], $0x1A00  }
0x1e: {  	[sflag:s16] =	ssyncset.done $0x0  }
0x1f: {  	s20 =	sadd.s32 $0x340, s20;
	[sflag:s16] =	ssyncadd.s32 $0xFFFFE600  }
0x20: {  	[hbm4b:s20+s2] =	stream.linear.scatter [tilespmem:s14], [sflag:$0x3], $0x1A00, $0x38;
	[tilespmem:$0x4850] =	vst v63  }
0x21: {  	_ =	swait.ge [sflag:s11], $0x1A00  }
0x22: {  	s22 =	simm.s32 $0x208;
	[sflag:s11] =	ssyncset.done $0x0  }
0x23: {  	s21 =	simm.s32 $0x680;
	s20 =	simm.s32 $0x138;
	[sflag:s11] =	ssyncadd.s32 $0xFFFFE600  }
.LBB2_2:
0x24: {  	[tilespmem:s14], [sflag:$0x2] =	stream.indirect.gather [hbm4b:s3+s12], $0x40, s20, s12, $0xb8;
	[tilespmem:$0x4850] =	vst v63  }
0x25: {  	s23 =	smov.u32 s21;
	s20 =	smov.u32 s22  }
0x26: {  	p0 =	sne.s32 s21, $0x8F00;
	s21 =	sadd.s32 $0x680, s21;
	_ =	swait.ge [sflag:s15], $0x1A00  }
0x27: {  	[sflag:s15] =	ssyncset.done $0x0  }
0x28: {  	s23 =	sadd.s32 s23, s10;
	[sflag:s15] =	ssyncadd.s32 $0xFFFFE600  }
0x29: {  	[hbm4b:s23+s2] =	stream.linear.scatter [tilespmem:s13], [sflag:$0x3], $0x1A00, $0x38;
	[tilespmem:$0x4850] =	vst v63  }
0x2a: {  	_ =	swait.ge [sflag:s11], $0x1A00  }
0x2b: {  	[sflag:s11] =	ssyncset.done $0x0  }
0x2c: {  	s24 =	sadd.s32 $0xFFFFFF98, s22;
	[sflag:s11] =	ssyncadd.s32 $0xFFFFE600  }
0x2d: {  	[tilespmem:s13], [sflag:$0x1] =	stream.indirect.gather [hbm4b:s3+s12], $0x40, s24, s12, $0xb8;
	[tilespmem:$0x4850] =	vst v63  }
0x2e: {  	_ =	swait.ge [sflag:s16], $0x1A00  }
0x2f: {  	[sflag:s16] =	ssyncset.done $0x0  }
.Ltmp0:
0x30: {  	s23 =	sadd.s32 $0x340, s23;
	[sflag:s16] =	ssyncadd.s32 $0xFFFFE600;
	(pc) =	sbr.rel @p0 .LBB2_2-.Ltmp0, $4  }
0x31: {  	[hbm4b:s23+s2] =	stream.linear.scatter [tilespmem:s14], [sflag:$0x3], $0x1A00, $0x38;
	[tilespmem:$0x4850] =	vst v63  }
0x32: {  	_ =	swait.ge [sflag:s11], $0x1A00  }
0x33: {  	[sflag:s11] =	ssyncset.done $0x0  }
0x34: {  	s22 =	sadd.s32 $0xD0, s22;
	[sflag:s11] =	ssyncadd.s32 $0xFFFFE600  }
0x35: {  	[tilespmem:s14], [sflag:$0x2] =	stream.indirect.gather [hbm4b:s3+s12], $0x40, s20, s12, $0xb8;
	[tilespmem:$0x4850] =	vst v63  }
0x36: {  	_ =	swait.ge [sflag:s15], $0x1A00  }
0x37: {  	[sflag:s15] =	ssyncset.done $0x0  }
0x38: {  	[sflag:s15] =	ssyncadd.s32 $0xFFFFE600  }
0x39: {  	[hbm4b:s8+s2] =	stream.linear.scatter [tilespmem:s13], [sflag:$0x3], $0x1A00, $0x38;
	[tilespmem:$0x4850] =	vst v63  }
0x3a: {  	_ =	swait.ge [sflag:s11], $0x1A00  }
0x3b: {  	[sflag:s11] =	ssyncset.done $0x0  }
0x3c: {  	[sflag:s11] =	ssyncadd.s32 $0xFFFFE600  }
0x3d: {  	[tilespmem:s13], [sflag:$0x1] =	stream.indirect.gather [hbm4b:s3+s12], $0x40, s17, s12, $0xb8;
	[tilespmem:$0x4850] =	vst v63  }
0x3e: {  	_ =	swait.ge [sflag:s16], $0x1A00  }
0x3f: {  	[sflag:s16] =	ssyncset.done $0x0  }
0x40: {  	[sflag:s16] =	ssyncadd.s32 $0xFFFFE600  }
0x41: {  	[hbm4b:s9+s2] =	stream.linear.scatter [tilespmem:s14], [sflag:$0x3], $0x1A00, $0x38;
	[tilespmem:$0x4850] =	vst v63  }
0x42: {  	_ =	swait.ge [sflag:s11], $0x1A00  }
0x43: {  	[sflag:s11] =	ssyncset.done $0x0  }
0x44: {  	[sflag:s11] =	ssyncadd.s32 $0xFFFFE600  }
0x45: {  	[tilespmem:s14], [sflag:$0x2] =	stream.indirect.gather [hbm4b:s3+s12], $0x40, s18, s12, $0xb8;
	[tilespmem:$0x4850] =	vst v63  }
0x46: {  	_ =	swait.ge [sflag:s15], $0x1A00  }
0x47: {  	[sflag:s15] =	ssyncset.done $0x0  }
0x48: {  	[sflag:s15] =	ssyncadd.s32 $0xFFFFE600  }
0x49: {  	[hbm4b:s6+s2] =	stream.linear.scatter [tilespmem:s13], [sflag:$0x3], $0x1A00, $0x38;
	[tilespmem:$0x4850] =	vst v63  }
0x4a: {  	_ =	swait.ge [sflag:s11], $0x1A00  }
0x4b: {  	[sflag:s11] =	ssyncset.done $0x0  }
0x4c: {  	[sflag:s11] =	ssyncadd.s32 $0xFFFFE600  }
0x4d: {  	[tilespmem:s13], [sflag:$0x1] =	stream.indirect.gather [hbm4b:s3+s12], $0x40, s18, s12, $0xb8;
	[tilespmem:$0x4850] =	vst v63  }
0x4e: {  	_ =	swait.ge [sflag:s16], $0x1A00  }
0x4f: {  	[sflag:s16] =	ssyncset.done $0x0  }
0x50: {  	[sflag:s16] =	ssyncadd.s32 $0xFFFFE600  }
0x51: {  	[hbm4b:s7+s2] =	stream.linear.scatter [tilespmem:s14], [sflag:$0x3], $0x1A00, $0x38;
	[tilespmem:$0x4850] =	vst v63  }
0x52: {  	_ =	swait.ge [sflag:s11], $0x1A00  }
0x53: {  	[sflag:s11] =	ssyncset.done $0x0  }
0x54: {  	s19 =	sadd.s32 $0x1, s19;
	[sflag:s11] =	ssyncadd.s32 $0xFFFFE600  }
0x55: {  	[tilespmem:s14], [sflag:$0x2] =	stream.indirect.gather [hbm4b:s3+s12], $0x40, s18, s12, $0xb8;
	[tilespmem:$0x4850] =	vst v63  }
0x56: {  	p0 =	sne.s32 s19, s5;
	_ =	swait.ge [sflag:s15], $0x1A00  }
.Ltmp1:
0x57: {  	[sflag:s15] =	ssyncset.done $0x0;
	(pc) =	sbr.rel @p0 .LBB2_1-.Ltmp1, $4  }
0x58: {  	[sflag:s15] =	ssyncadd.s32 $0xFFFFE600  }
0x59: {  	_ =	swait.ge [sflag:s16], $0x1A00  }
0x5a: {  	[sflag:s16] =	ssyncset.done $0x0  }
0x5b: {  	[sflag:s16] =	ssyncadd.s32 $0xFFFFE600  }
0x5c: {  	_ =	sfence.sel $0x180000  }
0x5d: {  	[bflag:$0x0] =	sbarrier.arrive $0xFFFF  }
0x5e: {  	p0 =	sne.s32 s0, $0x0;
	_ =	strace $0x90000053  }
0x5f: {  	s0 =	sadd.s32 @!p0 $0x100000, s1;
	[bflag:$0x2] =	sbarrier.arrive $0xFFFF  }
0x60: {  	[sflag:s0] =	ssyncadd.tile.s32 @!p0 $0x1;
	_ =	shalt  }
.Lfunc_end2:
_tile_overlayer_lowered:
.L_overlay_start_2:
0x61: {  	(tag) =	ssettag $0x2  }
0x62: {  	s0 =	rddreg [dreg:$0x0];
	s2 =	stileid.u32  }
0x63: {  	s1 =	rddreg [dreg:$0x1];
	p0 =	sne.s32 s2, $0x0  }
0x64: {  	s3 =	rddreg [dreg:$0x2];
	[bflag:$0x3] =	sbarrier.arrive $0xFFFF;
	s2 =	simm.s32 @!p0 $0x1C03  }
0x65: {  	[timem:s3], [sflag:s2] =	dma.local @!p0 [hbm:s0], s1  }
0x66: {  	s0 =	simm.s32 @!p0 $0x3  }
0x67: {  	_ =	swait.ge @!p0 [sflag:s0], s1  }
0x68: {  	s1 =	ssub.s32 @!p0 $0x0, s1;
	[sflag:s0] =	ssyncset.done @!p0 $0x0  }
0x69: {  	[sflag:s0] =	ssyncadd.s32 @!p0 s1  }
0x6a: {  	[bflag:$0x3] =	sbarrier.arrive $0xFFFF  }
0x6b: {  	_ =	shalt  }

// kernel: kernel.42.cloned.1.call-start
scs
__scs_entry_jumppad:
0x0: {  	(pc) =	sbr.rel $0x88, $3  }
0x1: {  	(tag) =	ssettag $0x0;
	lr =	simm.s32 $0x1  }
0x2: {  	[smem:$0x3F9C] =	sst lr;
	_ =	strace $0xD0000000  }
0x3: {  	_ = 	snop  }
0x4: {  	_ = 	snop  }
0x5: {  	_ = 	snop  }
0x6: {  	_ = 	snop  }
0x7: {  	_ = 	snop  }
__scs_overlays_trampoline_lowered:
0x8: {  	[smem:$0x3FAB] =	sst s0  }
0x9: {  	[smem:$0x3FAC] =	sst s1  }
0xa: {  	[smem:$0x3FAD] =	sst s2  }
0xb: {  	[smem:$0x3FAE] =	sst s3  }
0xc: {  	[smem:$0x3FAF] =	sst s4  }
0xd: {  	[smem:$0x3FB0] =	sst s5  }
0xe: {  	[smem:$0x3FB1] =	sst s6  }
0xf: {  	[smem:$0x3FB2] =	sst s7  }
0x10: {  	[smem:$0x3FB3] =	sst s8  }
0x11: {  	[smem:$0x3FB4] =	sst s9;
	s0 =	simm.s32 @!p0 $0x0  }
0x12: {  	s1 =	sld [smem:$0x3F9A];
	s0 =	simm.s32 @p0 $0x1  }
0x13: {  	[smem:$0x3FB5] =	sst s0;
	s0 =	simm.s32 @!p1 $0x0  }
0x14: {  	s2 =	sld [smem:$0x3F99];
	s0 =	simm.s32 @p1 $0x1  }
0x15: {  	[smem:$0x3FB6] =	sst s0;
	s0 =	simm.s32 @!p2 $0x0  }
0x16: {  	s3 =	sld [smem:$0x3FDB];
	s0 =	simm.s32 @p2 $0x1  }
0x17: {  	s4 =	simm.s32 $0x1BF5;
	[smem:$0x3FB8] =	sst s0  }
0x18: {  	s0 =	sld [smem:$0x3F9B];
	_ =	swait.ge [sflag:s4], $0x0  }
0x19: {  	s7 =	sld [smem:$0x3F9C]  }
0x1a: {  	s8 =	sadd.s32 $0xFFFFE003, lr  }
0x1b: {  	s9 =	sadd.s32 $0xFFFFFEF7, lr;
	s5 =	simm.s32 $0xFFFFFFFF;
	p2 =	slt.u32 s8, $0xFFFFF086  }
0x1c: {  	p1 =	slt.u32 s9, $0xF7A;
	s5 =	simm.s32 @!p2 $0x0  }
0x1d: {  	s5 =	simm.s32 @p1 $0x1;
	p0 =	seq.s32 s7, s2  }
0x1e: {  	s7 =	smul.u32 @!p0 $0xF7A, s2;
	p2 =	seq.s32 @!p0 s5, $0x0  }
0x1f: {  	s9 =	smul.u32 $0xF7A, s1;
	s8 =	simm.s32 @!p0 $0x1BF5;
	p2 =	por !p2, p0  }
0x20: {  	[sflag:s8] =	ssyncset.s32 @!p0 $0xFFFFF086;
	s6 =	sadd.s32 @!p0 s3, s7;
	s7 =	simm.s32 @!p0 $0x108  }
0x21: {  	s3 =	sadd.s32 s3, s9;
	s6 =	sadd.s32 @!p0 $0x88, s6;
	s7 =	simm.s32 @p2 $0x1082  }
0x22: {  	[simem:s7], [sflag:s8] =	dma.local @!p0 [hbm:s6], $0xF7A  }
0x23: {  	s9 =	sor.u32 $0xD0000000, s2;
	s6 =	simm.s32 $0x108;
	_ =	swait.ge @!p0 [sflag:s8], $0x0  }
0x24: {  	s3 =	sadd.s32 $0x88, s3;
	s6 =	simm.s32 @!p1 $0x1082;
	[sflag:s4] =	ssyncset.s32 $0xFFFFF086  }
0x25: {  	[simem:s6], [sflag:s4] =	dma.local [hbm:s3], $0xF7A  }
0x26: {  	[smem:$0x3F9C] =	sst s1;
	(tag) =	ssettag s2;
	_ =	strace s9  }
0x27: {  	s1 =	sld [smem:$0x3FAC]  }
0x28: {  	s2 =	sld [smem:$0x3FAD]  }
0x29: {  	s4 =	sld [smem:$0x3FAF]  }
0x2a: {  	p0 =	seq.s32 s5, $0x0;
	s5 =	sld [smem:$0x3FB0]  }
0x2b: {  	s6 =	sld [smem:$0x3FB1]  }
0x2c: {  	s7 =	sld [smem:$0x3FB2]  }
0x2d: {  	s3 =	simm.s32 $0x108;
	s8 =	sld [smem:$0x3FB3]  }
0x2e: {  	s3 =	simm.s32 @!p0 $0x1082;
	s9 =	sld [smem:$0x3FB4]  }
0x2f: {  	lr =	sadd.s32 s0, s3;
	s0 =	sld [smem:$0x3FAB]  }
0x30: {  	s3 =	sld [smem:$0x3FAE]  }
0x31: {  	[smem:$0x3FB7] =	sst s10  }
0x32: {  	s10 =	sld [smem:$0x3FB5];
	_ =	sdelay $0x3  }
0x33: {  	p0 =	seq.s32 s10, $0x1;
	s10 =	sld [smem:$0x3FB7];
	_ =	sdelay $0x3  }
0x34: {  	[smem:$0x3FB7] =	sst s10  }
0x35: {  	s10 =	sld [smem:$0x3FB6];
	_ =	sdelay $0x3  }
0x36: {  	p1 =	seq.s32 s10, $0x1;
	s10 =	sld [smem:$0x3FB7];
	_ =	sdelay $0x3  }
0x37: {  	[smem:$0x3FB7] =	sst s10  }
0x38: {  	s10 =	sld [smem:$0x3FB8]  }
0x39: {  	_ = 	snop;
	(pc) =	sbr.ind lr, $3  }
0x3a: {  	_ = 	snop  }
0x3b: {  	_ = 	snop  }
0x3c: {  	p2 =	seq.s32 s10, $0x1;
	s10 =	sld [smem:$0x3FB7]  }
0x3d: {  	_ =	shalt  }
0x3e: {  	_ =	shalt  }
0x3f: {  	_ =	shalt  }
0x40: {  	_ =	shalt  }
0x41: {  	_ =	shalt  }
0x42: {  	_ =	shalt  }
0x43: {  	_ =	shalt  }
0x44: {  	_ =	shalt  }
0x45: {  	_ =	shalt  }
0x46: {  	_ =	shalt  }
0x47: {  	_ =	shalt  }
0x48: {  	_ =	shalt  }
0x49: {  	_ =	shalt  }
0x4a: {  	_ =	shalt  }
0x4b: {  	_ =	shalt  }
0x4c: {  	_ =	shalt  }
0x4d: {  	_ =	shalt  }
0x4e: {  	_ =	shalt  }
0x4f: {  	_ =	shalt  }
0x50: {  	_ =	shalt  }
0x51: {  	_ =	shalt  }
0x52: {  	_ =	shalt  }
0x53: {  	_ =	shalt  }
0x54: {  	_ =	shalt  }
0x55: {  	_ =	shalt  }
0x56: {  	_ =	shalt  }
0x57: {  	_ =	shalt  }
0x58: {  	_ =	shalt  }
0x59: {  	_ =	shalt  }
0x5a: {  	_ =	shalt  }
0x5b: {  	_ =	shalt  }
0x5c: {  	_ =	shalt  }
0x5d: {  	_ =	shalt  }
0x5e: {  	_ =	shalt  }
0x5f: {  	_ =	shalt  }
0x60: {  	_ =	shalt  }
0x61: {  	_ =	shalt  }
0x62: {  	_ =	shalt  }
0x63: {  	_ =	shalt  }
0x64: {  	_ =	shalt  }
0x65: {  	_ =	shalt  }
0x66: {  	_ =	shalt  }
0x67: {  	_ =	shalt  }
0x68: {  	_ =	shalt  }
0x69: {  	_ =	shalt  }
0x6a: {  	_ =	shalt  }
0x6b: {  	_ =	shalt  }
0x6c: {  	_ =	shalt  }
0x6d: {  	_ =	shalt  }
0x6e: {  	_ =	shalt  }
0x6f: {  	_ =	shalt  }
0x70: {  	_ =	shalt  }
0x71: {  	_ =	shalt  }
0x72: {  	_ =	shalt  }
0x73: {  	_ =	shalt  }
0x74: {  	_ =	shalt  }
0x75: {  	_ =	shalt  }
0x76: {  	_ =	shalt  }
0x77: {  	_ =	shalt  }
0x78: {  	_ =	shalt  }
0x79: {  	_ =	shalt  }
0x7a: {  	_ =	shalt  }
0x7b: {  	_ =	shalt  }
0x7c: {  	_ =	shalt  }
0x7d: {  	_ =	shalt  }
0x7e: {  	_ =	shalt  }
0x7f: {  	_ =	shalt  }
0x80: {  	_ =	shalt  }
0x81: {  	_ =	shalt  }
0x82: {  	_ =	shalt  }
0x83: {  	_ =	shalt  }
0x84: {  	_ =	shalt  }
0x85: {  	_ =	shalt  }
0x86: {  	_ =	shalt  }
0x87: {  	_ =	shalt  }
.Lfunc_end0:
.L_simem_size_0:
called_computation.5_lowered:
.L_overlay_start_0:
0x88: {  	s2 =	sld [smem:$0x3FD9]  }
0x89: {  	s3 =	sld [smem:$0x3FFE];
	_ =	sdelay $0x1  }
0x8a: {  	s1 =	srdreg.scid  }
0x8b: {  	s0 =	sand.u32 $0x1, s1  }
0x8c: {  	s17 =	sshll.u32 s0, $0xA;
	s2 =	sadd.s32 s3, s2  }
0x8d: {  	s2 =	sadd.s32 s2, s17  }
0x8e: {  	[smem:$0x3FC3] =	sst s2  }
0x8f: {  	_ = 	snop  }
0x90: {  	(tm) =	ssettm $0x1  }
0x91: {  	s18 =	sld [smem:$0x3FFB];
	_ =	sdelay $0x3  }
0x92: {  	_ =	strace s18  }
0x93: {  	s2 =	sld [smem:$0x3FFC];
	_ =	sdelay $0x3  }
0x94: {  	_ =	strace s2  }
0x95: {  	s2 =	sld [smem:$0x3FFD];
	_ =	sdelay $0x3  }
0x96: {  	_ =	strace s2  }
0x97: {  	_ =	strace $0x8FFFFFFF  }
0x98: {  	s19 =	sld [smem:$0x3FDB];
	_ =	sdelay $0x1  }
0x99: {  	s20 =	simm.s32 $_scs_section_size  }
0x9a: {  	s4 =	simm.s32 $_size__tile_overlayer_lowered;
	s5 =	simm.s32 $_tile_overlayer_lowered  }
0x9b: {  	s6 =	simm.s32 $0x1BFF;
	s21 =	sshll.u32 s5, $0x1;
	s3 =	sadd.s32 s20, s19  }
0x9c: {  	s22 =	simm.s32 $0x0;
	s4 =	sshll.u32 s4, $0x1;
	s5 =	sadd.s32 s21, s3  }
0x9d: {  	[timem:s22], [sflag:s6] =	dma.local [hbm:s5], s4  }
0x9e: {  	_ =	swait.ge [sflag:s6], s4  }
0x9f: {  	s4 =	ssub.s32 $0x0, s4;
	[sflag:s6] =	ssyncset.done $0x0  }
0xa0: {  	[sflag:s6] =	ssyncadd.s32 s4;
	_ =	sdelay $0x1  }
0xa1: {  	s23 =	simm.s32 $0x1B8B  }
0xa2: {  	_ =	swait.ge [sflag:s23], $0x1  }
0xa3: {  	[sflag:s23] =	ssyncset.done $0x0  }
0xa4: {  	[sflag:s23] =	ssyncadd.s32 $0xFFFFFFFF  }
0xa5: {  	s4 =	sld [smem:$0x0]  }
0xa6: {  	s5 =	sand.u32 $0xFFFFFFFE, s1  }
0xa7: {  	p0 =	sne.s32 s1, s5  }
0xa8: {  	s5 =	sshll.u32 @p0 s5, $0xE  }
0xa9: {  	s5 =	sadd.s32 @p0 $0x11B8D, s5;
	s6 =	sshll.u32 @p0 s4, $0x11  }
0xaa: {  	s5 =	sor.u32 @p0 s6, s5  }
0xab: {  	[sflag:s5] =	ssyncadd.remote.s32 @p0 $0x1;
	_ =	sdelay $0x1  }
0xac: {  	s5 =	simm.s32 @p0 $0x1B8D  }
0xad: {  	_ =	swait.eq @p0 [sflag:s5], $0x1  }
0xae: {  	[sflag:s5] =	ssyncadd.s32 @p0 $0xFFFFFFFF  }
0xaf: {  	s6 =	sshll.u32 @!p0 s1, $0xE  }
0xb0: {  	s6 =	sor.u32 @!p0 $0x4000, s6;
	s5 =	simm.s32 @!p0 $0x1B8D  }
0xb1: {  	s4 =	sshll.u32 @!p0 s4, $0x11;
	s6 =	sadd.s32 @!p0 $0x11B8D, s6;
	_ =	swait.eq @!p0 [sflag:s5], $0x1  }
0xb2: {  	s4 =	sor.u32 @!p0 s4, s6;
	[sflag:s5] =	ssyncadd.s32 @!p0 $0xFFFFFFFF  }
0xb3: {  	s25 =	simm.s32 $0x1B8E;
	s24 =	sld [smem:$0x3FFE];
	[sflag:s4] =	ssyncadd.remote.s32 @!p0 $0x1  }
0xb4: {  	s26 =	simm.s32 $execute0_lowered;
	[smem:$0x3FD2] =	sst s25  }
0xb5: {  	s5 =	sshll.u32 s26, $0x1;
	_ =	strace $0x80000055;
	[dreg:$0x1] =	wrdreg $0xFFFFFFFF  }
0xb6: {  	s28 =	simm.s32 $_size_execute0_lowered;
	s3 =	sadd.s32 s3, s5;
	[dreg:$0x0] =	wrdreg $0x0  }
0xb7: {  	s5 =	sshll.u32 s28, $0x1;
	[dreg:$0x2] =	wrdreg s3  }
0xb8: {  	[dreg:$0x3] =	wrdreg s5  }
0xb9: {  	[dreg:$0x4] =	wrdreg $0xC0  }
0xba: {  	_ =	task [dreg:s22], $0x5FFFF  }
0xbb: {  	[dreg:$0x1] =	wrdreg $0xFFFFFFFF  }
0xbc: {  	[dreg:$0x0] =	wrdreg $0x60  }
0xbd: {  	[dreg:$0x2] =	wrdreg s24  }
0xbe: {  	[dreg:$0x3] =	wrdreg $0xE  }
0xbf: {  	_ =	task.clear_ibuf [dreg:s22], $0x4FFFF;
	_ =	strace $0x90000055  }
0xc0: {  	s29 =	simm.s32 $0xE;
	_ =	strace $0x80000057  }
0xc1: {  	_ =	swait.ge [sflag:s29], $0x1  }
0xc2: {  	[sflag:s29] =	ssyncadd.s32 $0xFFFFFFFF  }
0xc3: {  	_ =	strace $0x90000057  }
0xc4: {  	_ =	sfence  }
0xc5: {  	s30 =	sld [smem:$0x0];
	_ =	sdelay $0x2  }
0xc6: {  	s31 =	sshll.u32 s1, $0xD;
	s1 =	sshrl.u32 s1, $0x2  }
0xc7: {  	s4 =	sand.u32 $0x4000, s31;
	s1 =	sadd.s32 s1, s30  }
0xc8: {  	s0 =	sor.u32 s4, s0;
	s1 =	sshll.u32 s1, $0x11  }
0xc9: {  	s0 =	sor.u32 s1, s0  }
0xca: {  	s0 =	sadd.s32 $0x8F2B, s0  }
0xcb: {  	[sflag:s0] =	ssyncadd.remote.s32 $0x1  }
0xcc: {  	_ =	sfence.sel $0xFFFF  }
0xcd: {  	[dreg:$0x0] =	wrdreg $0xFFFFFFFF;
	(pc) =	sbr.abs _section_cstart, $3  }
0xce: {  	[dreg:$0x1] =	wrdreg $0xFFFFFFFF  }
0xcf: {  	_ =	task.clear_ibuf [dreg:s22], $0x2FFFF;
	_ =	strace $0x9FFFFFFF  }
0xd0: {  	(tm) =	ssettm $0x7FFFFFFF  }
0xd1: {  	_ =	shalt  }
tec
execute0_lowered:
.L_overlay_start_1:
0x0: {  	(tag) =	ssettag $0x1  }
0x1: {  	s1 =	srdreg.scid;
	s0 =	stileid.u32  }
0x2: {  	s4 =	rddreg [dreg:$0x0];
	s2 =	simm.s32 $0x0;
	s13 =	simm.s32 $0x1450  }
0x3: {  	s14 =	simm.s32 $0x2E50;
	s15 =	simm.s32 $0x1;
	s16 =	simm.s32 $0x2  }
0x4: {  	s17 =	simm.s32 $0x1380;
	s18 =	simm.s32 $0x13E8;
	s19 =	simm.s32 $0x0  }
0x5: {  	s6 =	sand.u32 $0x1, s1;
	s3 =	sshll.u32 s0, $0x1;
	[smem:$0x7FF] =	sst s2  }
0x6: {  	s9 =	sadd.s32 $0x768A00, s4;
	s31 =	smul.u32 $0x14500, s0;
	s5 =	sor.u32 s6, s3  }
0x7: {  	s1 =	rddreg [dreg:$0x1];
	_ =	strace $0x80000056;
	s7 =	smul.u32 $0x28A, s5  }
0x8: {  	s3 =	sadd.s32 $0x5400, s4;
	s8 =	ssub.s32 $0x2, s6;
	s10 =	smul.u32 $0xA280, s5  }
0x9: {  	s11 =	smul.u32 $0xA280, s6;
	s29 =	sshrl.u32 s8, $0x1;
	s12 =	sadd.s32 s31, s9  }
0xa: {  	s30 =	ssub.s32 s8, s29;
	s7 =	sadd.s32 s7, s4;
	s10 =	sadd.s32 s9, s10  }
0xb: {  	s5 =	smax.u32 s30, $0x1;
	s4 =	sadd.s32 $0x763800, s7;
	s6 =	sadd.s32 $0x9C00, s10  }
0xc: {  	s7 =	sadd.s32 $0x9F40, s10;
	s8 =	sadd.s32 $0x9580, s10;
	s9 =	sadd.s32 $0x98C0, s10  }
0xd: {  	s10 =	sadd.s32 s11, s12;
	s11 =	simm.s32 $0x3;
	s12 =	simm.s32 $0x68  }
.LBB2_1:
0xe: {  	[tilespmem:s2], [sflag:$0x3] =	stream.linear.gather [hbm4b:s4+s2], $0x1450, $0x38;
	[tilespmem:$0x4850] =	vst v63  }
0xf: {  	_ =	swait.ge [sflag:s11], $0x1450  }
0x10: {  	[sflag:s11] =	ssyncset.done $0x0  }
0x11: {  	[sflag:s11] =	ssyncadd.s32 $0xFFFFEBB0  }
0x12: {  	[tilespmem:s13], [sflag:$0x1] =	stream.indirect.gather [hbm4b:s3+s12], $0x40, s2, s12, $0xb8;
	[tilespmem:$0x4850] =	vst v63  }
0x13: {  	_ = 	snop  }
0x14: {  	[tilespmem:s14], [sflag:$0x2] =	stream.indirect.gather [hbm4b:s3+s12], $0x40, s12, s12, $0xb8;
	[tilespmem:$0x4850] =	vst v63  }
0x15: {  	_ =	swait.ge [sflag:s15], $0x1A00  }
0x16: {  	[sflag:s15] =	ssyncset.done $0x0  }
0x17: {  	s20 =	sadd.s32 $0x0, s10;
	[sflag:s15] =	ssyncadd.s32 $0xFFFFE600  }
0x18: {  	[hbm4b:s20+s2] =	stream.linear.scatter [tilespmem:s13], [sflag:$0x3], $0x1A00, $0x38;
	[tilespmem:$0x4850] =	vst v63  }
0x19: {  	_ =	swait.ge [sflag:s11], $0x1A00  }
0x1a: {  	[sflag:s11] =	ssyncset.done $0x0  }
0x1b: {  	s21 =	simm.s32 $0xD0;
	[sflag:s11] =	ssyncadd.s32 $0xFFFFE600  }
0x1c: {  	[tilespmem:s13], [sflag:$0x1] =	stream.indirect.gather [hbm4b:s3+s12], $0x40, s21, s12, $0xb8;
	[tilespmem:$0x4850] =	vst v63  }
0x1d: {  	_ =	swait.ge [sflag:s16], $0x1A00  }
0x1e: {  	[sflag:s16] =	ssyncset.done $0x0  }
0x1f: {  	s20 =	sadd.s32 $0x340, s20;
	[sflag:s16] =	ssyncadd.s32 $0xFFFFE600  }
0x20: {  	[hbm4b:s20+s2] =	stream.linear.scatter [tilespmem:s14], [sflag:$0x3], $0x1A00, $0x38;
	[tilespmem:$0x4850] =	vst v63  }
0x21: {  	_ =	swait.ge [sflag:s11], $0x1A00  }
0x22: {  	s22 =	simm.s32 $0x208;
	[sflag:s11] =	ssyncset.done $0x0  }
0x23: {  	s21 =	simm.s32 $0x680;
	s20 =	simm.s32 $0x138;
	[sflag:s11] =	ssyncadd.s32 $0xFFFFE600  }
.LBB2_2:
0x24: {  	[tilespmem:s14], [sflag:$0x2] =	stream.indirect.gather [hbm4b:s3+s12], $0x40, s20, s12, $0xb8;
	[tilespmem:$0x4850] =	vst v63  }
0x25: {  	s23 =	smov.u32 s21;
	s20 =	smov.u32 s22  }
0x26: {  	p0 =	sne.s32 s21, $0x8F00;
	s21 =	sadd.s32 $0x680, s21;
	_ =	swait.ge [sflag:s15], $0x1A00  }
0x27: {  	[sflag:s15] =	ssyncset.done $0x0  }
0x28: {  	s23 =	sadd.s32 s23, s10;
	[sflag:s15] =	ssyncadd.s32 $0xFFFFE600  }
0x29: {  	[hbm4b:s23+s2] =	stream.linear.scatter [tilespmem:s13], [sflag:$0x3], $0x1A00, $0x38;
	[tilespmem:$0x4850] =	vst v63  }
0x2a: {  	_ =	swait.ge [sflag:s11], $0x1A00  }
0x2b: {  	[sflag:s11] =	ssyncset.done $0x0  }
0x2c: {  	s24 =	sadd.s32 $0xFFFFFF98, s22;
	[sflag:s11] =	ssyncadd.s32 $0xFFFFE600  }
0x2d: {  	[tilespmem:s13], [sflag:$0x1] =	stream.indirect.gather [hbm4b:s3+s12], $0x40, s24, s12, $0xb8;
	[tilespmem:$0x4850] =	vst v63  }
0x2e: {  	_ =	swait.ge [sflag:s16], $0x1A00  }
0x2f: {  	[sflag:s16] =	ssyncset.done $0x0  }
.Ltmp0:
0x30: {  	s23 =	sadd.s32 $0x340, s23;
	[sflag:s16] =	ssyncadd.s32 $0xFFFFE600;
	(pc) =	sbr.rel @p0 .LBB2_2-.Ltmp0, $4  }
0x31: {  	[hbm4b:s23+s2] =	stream.linear.scatter [tilespmem:s14], [sflag:$0x3], $0x1A00, $0x38;
	[tilespmem:$0x4850] =	vst v63  }
0x32: {  	_ =	swait.ge [sflag:s11], $0x1A00  }
0x33: {  	[sflag:s11] =	ssyncset.done $0x0  }
0x34: {  	s22 =	sadd.s32 $0xD0, s22;
	[sflag:s11] =	ssyncadd.s32 $0xFFFFE600  }
0x35: {  	[tilespmem:s14], [sflag:$0x2] =	stream.indirect.gather [hbm4b:s3+s12], $0x40, s20, s12, $0xb8;
	[tilespmem:$0x4850] =	vst v63  }
0x36: {  	_ =	swait.ge [sflag:s15], $0x1A00  }
0x37: {  	[sflag:s15] =	ssyncset.done $0x0  }
0x38: {  	[sflag:s15] =	ssyncadd.s32 $0xFFFFE600  }
0x39: {  	[hbm4b:s8+s2] =	stream.linear.scatter [tilespmem:s13], [sflag:$0x3], $0x1A00, $0x38;
	[tilespmem:$0x4850] =	vst v63  }
0x3a: {  	_ =	swait.ge [sflag:s11], $0x1A00  }
0x3b: {  	[sflag:s11] =	ssyncset.done $0x0  }
0x3c: {  	[sflag:s11] =	ssyncadd.s32 $0xFFFFE600  }
0x3d: {  	[tilespmem:s13], [sflag:$0x1] =	stream.indirect.gather [hbm4b:s3+s12], $0x40, s17, s12, $0xb8;
	[tilespmem:$0x4850] =	vst v63  }
0x3e: {  	_ =	swait.ge [sflag:s16], $0x1A00  }
0x3f: {  	[sflag:s16] =	ssyncset.done $0x0  }
0x40: {  	[sflag:s16] =	ssyncadd.s32 $0xFFFFE600  }
0x41: {  	[hbm4b:s9+s2] =	stream.linear.scatter [tilespmem:s14], [sflag:$0x3], $0x1A00, $0x38;
	[tilespmem:$0x4850] =	vst v63  }
0x42: {  	_ =	swait.ge [sflag:s11], $0x1A00  }
0x43: {  	[sflag:s11] =	ssyncset.done $0x0  }
0x44: {  	[sflag:s11] =	ssyncadd.s32 $0xFFFFE600  }
0x45: {  	[tilespmem:s14], [sflag:$0x2] =	stream.indirect.gather [hbm4b:s3+s12], $0x40, s18, s12, $0xb8;
	[tilespmem:$0x4850] =	vst v63  }
0x46: {  	_ =	swait.ge [sflag:s15], $0x1A00  }
0x47: {  	[sflag:s15] =	ssyncset.done $0x0  }
0x48: {  	[sflag:s15] =	ssyncadd.s32 $0xFFFFE600  }
0x49: {  	[hbm4b:s6+s2] =	stream.linear.scatter [tilespmem:s13], [sflag:$0x3], $0x1A00, $0x38;
	[tilespmem:$0x4850] =	vst v63  }
0x4a: {  	_ =	swait.ge [sflag:s11], $0x1A00  }
0x4b: {  	[sflag:s11] =	ssyncset.done $0x0  }
0x4c: {  	[sflag:s11] =	ssyncadd.s32 $0xFFFFE600  }
0x4d: {  	[tilespmem:s13], [sflag:$0x1] =	stream.indirect.gather [hbm4b:s3+s12], $0x40, s18, s12, $0xb8;
	[tilespmem:$0x4850] =	vst v63  }
0x4e: {  	_ =	swait.ge [sflag:s16], $0x1A00  }
0x4f: {  	[sflag:s16] =	ssyncset.done $0x0  }
0x50: {  	[sflag:s16] =	ssyncadd.s32 $0xFFFFE600  }
0x51: {  	[hbm4b:s7+s2] =	stream.linear.scatter [tilespmem:s14], [sflag:$0x3], $0x1A00, $0x38;
	[tilespmem:$0x4850] =	vst v63  }
0x52: {  	_ =	swait.ge [sflag:s11], $0x1A00  }
0x53: {  	[sflag:s11] =	ssyncset.done $0x0  }
0x54: {  	s19 =	sadd.s32 $0x1, s19;
	[sflag:s11] =	ssyncadd.s32 $0xFFFFE600  }
0x55: {  	[tilespmem:s14], [sflag:$0x2] =	stream.indirect.gather [hbm4b:s3+s12], $0x40, s18, s12, $0xb8;
	[tilespmem:$0x4850] =	vst v63  }
0x56: {  	p0 =	sne.s32 s19, s5;
	_ =	swait.ge [sflag:s15], $0x1A00  }
.Ltmp1:
0x57: {  	[sflag:s15] =	ssyncset.done $0x0;
	(pc) =	sbr.rel @p0 .LBB2_1-.Ltmp1, $4  }
0x58: {  	[sflag:s15] =	ssyncadd.s32 $0xFFFFE600  }
0x59: {  	_ =	swait.ge [sflag:s16], $0x1A00  }
0x5a: {  	[sflag:s16] =	ssyncset.done $0x0  }
0x5b: {  	[sflag:s16] =	ssyncadd.s32 $0xFFFFE600  }
0x5c: {  	_ =	sfence.sel $0x180000  }
0x5d: {  	[bflag:$0x0] =	sbarrier.arrive $0xFFFF  }
0x5e: {  	p0 =	sne.s32 s0, $0x0;
	_ =	strace $0x90000056  }
0x5f: {  	s0 =	sadd.s32 @!p0 $0x100000, s1;
	[bflag:$0x2] =	sbarrier.arrive $0xFFFF  }
0x60: {  	[sflag:s0] =	ssyncadd.tile.s32 @!p0 $0x1;
	_ =	shalt  }
.Lfunc_end2:
_tile_overlayer_lowered:
.L_overlay_start_2:
0x61: {  	(tag) =	ssettag $0x2  }
0x62: {  	s0 =	rddreg [dreg:$0x0];
	s2 =	stileid.u32  }
0x63: {  	s1 =	rddreg [dreg:$0x1];
	p0 =	sne.s32 s2, $0x0  }
0x64: {  	s3 =	rddreg [dreg:$0x2];
	[bflag:$0x3] =	sbarrier.arrive $0xFFFF;
	s2 =	simm.s32 @!p0 $0x1C03  }
0x65: {  	[timem:s3], [sflag:s2] =	dma.local @!p0 [hbm:s0], s1  }
0x66: {  	s0 =	simm.s32 @!p0 $0x3  }
0x67: {  	_ =	swait.ge @!p0 [sflag:s0], s1  }
0x68: {  	s1 =	ssub.s32 @!p0 $0x0, s1;
	[sflag:s0] =	ssyncset.done @!p0 $0x0  }
0x69: {  	[sflag:s0] =	ssyncadd.s32 @!p0 s1  }
0x6a: {  	[bflag:$0x3] =	sbarrier.arrive $0xFFFF  }
0x6b: {  	_ =	shalt  }

// kernel: kernel.45.cloned.1.call-start
scs
__scs_entry_jumppad:
0x0: {  	(pc) =	sbr.rel $0x88, $3  }
0x1: {  	(tag) =	ssettag $0x0;
	lr =	simm.s32 $0x1  }
0x2: {  	[smem:$0x3F9C] =	sst lr;
	_ =	strace $0xD0000000  }
0x3: {  	_ = 	snop  }
0x4: {  	_ = 	snop  }
0x5: {  	_ = 	snop  }
0x6: {  	_ = 	snop  }
0x7: {  	_ = 	snop  }
__scs_overlays_trampoline_lowered:
0x8: {  	[smem:$0x3FAB] =	sst s0  }
0x9: {  	[smem:$0x3FAC] =	sst s1  }
0xa: {  	[smem:$0x3FAD] =	sst s2  }
0xb: {  	[smem:$0x3FAE] =	sst s3  }
0xc: {  	[smem:$0x3FAF] =	sst s4  }
0xd: {  	[smem:$0x3FB0] =	sst s5  }
0xe: {  	[smem:$0x3FB1] =	sst s6  }
0xf: {  	[smem:$0x3FB2] =	sst s7  }
0x10: {  	[smem:$0x3FB3] =	sst s8  }
0x11: {  	[smem:$0x3FB4] =	sst s9;
	s0 =	simm.s32 @!p0 $0x0  }
0x12: {  	s1 =	sld [smem:$0x3F9A];
	s0 =	simm.s32 @p0 $0x1  }
0x13: {  	[smem:$0x3FB5] =	sst s0;
	s0 =	simm.s32 @!p1 $0x0  }
0x14: {  	s2 =	sld [smem:$0x3F99];
	s0 =	simm.s32 @p1 $0x1  }
0x15: {  	[smem:$0x3FB6] =	sst s0;
	s0 =	simm.s32 @!p2 $0x0  }
0x16: {  	s3 =	sld [smem:$0x3FDB];
	s0 =	simm.s32 @p2 $0x1  }
0x17: {  	s4 =	simm.s32 $0x1BF5;
	[smem:$0x3FB8] =	sst s0  }
0x18: {  	s0 =	sld [smem:$0x3F9B];
	_ =	swait.ge [sflag:s4], $0x0  }
0x19: {  	s7 =	sld [smem:$0x3F9C]  }
0x1a: {  	s8 =	sadd.s32 $0xFFFFE003, lr  }
0x1b: {  	s9 =	sadd.s32 $0xFFFFFEF7, lr;
	s5 =	simm.s32 $0xFFFFFFFF;
	p2 =	slt.u32 s8, $0xFFFFF086  }
0x1c: {  	p1 =	slt.u32 s9, $0xF7A;
	s5 =	simm.s32 @!p2 $0x0  }
0x1d: {  	s5 =	simm.s32 @p1 $0x1;
	p0 =	seq.s32 s7, s2  }
0x1e: {  	s7 =	smul.u32 @!p0 $0xF7A, s2;
	p2 =	seq.s32 @!p0 s5, $0x0  }
0x1f: {  	s9 =	smul.u32 $0xF7A, s1;
	s8 =	simm.s32 @!p0 $0x1BF5;
	p2 =	por !p2, p0  }
0x20: {  	[sflag:s8] =	ssyncset.s32 @!p0 $0xFFFFF086;
	s6 =	sadd.s32 @!p0 s3, s7;
	s7 =	simm.s32 @!p0 $0x108  }
0x21: {  	s3 =	sadd.s32 s3, s9;
	s6 =	sadd.s32 @!p0 $0x88, s6;
	s7 =	simm.s32 @p2 $0x1082  }
0x22: {  	[simem:s7], [sflag:s8] =	dma.local @!p0 [hbm:s6], $0xF7A  }
0x23: {  	s9 =	sor.u32 $0xD0000000, s2;
	s6 =	simm.s32 $0x108;
	_ =	swait.ge @!p0 [sflag:s8], $0x0  }
0x24: {  	s3 =	sadd.s32 $0x88, s3;
	s6 =	simm.s32 @!p1 $0x1082;
	[sflag:s4] =	ssyncset.s32 $0xFFFFF086  }
0x25: {  	[simem:s6], [sflag:s4] =	dma.local [hbm:s3], $0xF7A  }
0x26: {  	[smem:$0x3F9C] =	sst s1;
	(tag) =	ssettag s2;
	_ =	strace s9  }
0x27: {  	s1 =	sld [smem:$0x3FAC]  }
0x28: {  	s2 =	sld [smem:$0x3FAD]  }
0x29: {  	s4 =	sld [smem:$0x3FAF]  }
0x2a: {  	p0 =	seq.s32 s5, $0x0;
	s5 =	sld [smem:$0x3FB0]  }
0x2b: {  	s6 =	sld [smem:$0x3FB1]  }
0x2c: {  	s7 =	sld [smem:$0x3FB2]  }
0x2d: {  	s3 =	simm.s32 $0x108;
	s8 =	sld [smem:$0x3FB3]  }
0x2e: {  	s3 =	simm.s32 @!p0 $0x1082;
	s9 =	sld [smem:$0x3FB4]  }
0x2f: {  	lr =	sadd.s32 s0, s3;
	s0 =	sld [smem:$0x3FAB]  }
0x30: {  	s3 =	sld [smem:$0x3FAE]  }
0x31: {  	[smem:$0x3FB7] =	sst s10  }
0x32: {  	s10 =	sld [smem:$0x3FB5];
	_ =	sdelay $0x3  }
0x33: {  	p0 =	seq.s32 s10, $0x1;
	s10 =	sld [smem:$0x3FB7];
	_ =	sdelay $0x3  }
0x34: {  	[smem:$0x3FB7] =	sst s10  }
0x35: {  	s10 =	sld [smem:$0x3FB6];
	_ =	sdelay $0x3  }
0x36: {  	p1 =	seq.s32 s10, $0x1;
	s10 =	sld [smem:$0x3FB7];
	_ =	sdelay $0x3  }
0x37: {  	[smem:$0x3FB7] =	sst s10  }
0x38: {  	s10 =	sld [smem:$0x3FB8]  }
0x39: {  	_ = 	snop;
	(pc) =	sbr.ind lr, $3  }
0x3a: {  	_ = 	snop  }
0x3b: {  	_ = 	snop  }
0x3c: {  	p2 =	seq.s32 s10, $0x1;
	s10 =	sld [smem:$0x3FB7]  }
0x3d: {  	_ =	shalt  }
0x3e: {  	_ =	shalt  }
0x3f: {  	_ =	shalt  }
0x40: {  	_ =	shalt  }
0x41: {  	_ =	shalt  }
0x42: {  	_ =	shalt  }
0x43: {  	_ =	shalt  }
0x44: {  	_ =	shalt  }
0x45: {  	_ =	shalt  }
0x46: {  	_ =	shalt  }
0x47: {  	_ =	shalt  }
0x48: {  	_ =	shalt  }
0x49: {  	_ =	shalt  }
0x4a: {  	_ =	shalt  }
0x4b: {  	_ =	shalt  }
0x4c: {  	_ =	shalt  }
0x4d: {  	_ =	shalt  }
0x4e: {  	_ =	shalt  }
0x4f: {  	_ =	shalt  }
0x50: {  	_ =	shalt  }
0x51: {  	_ =	shalt  }
0x52: {  	_ =	shalt  }
0x53: {  	_ =	shalt  }
0x54: {  	_ =	shalt  }
0x55: {  	_ =	shalt  }
0x56: {  	_ =	shalt  }
0x57: {  	_ =	shalt  }
0x58: {  	_ =	shalt  }
0x59: {  	_ =	shalt  }
0x5a: {  	_ =	shalt  }
0x5b: {  	_ =	shalt  }
0x5c: {  	_ =	shalt  }
0x5d: {  	_ =	shalt  }
0x5e: {  	_ =	shalt  }
0x5f: {  	_ =	shalt  }
0x60: {  	_ =	shalt  }
0x61: {  	_ =	shalt  }
0x62: {  	_ =	shalt  }
0x63: {  	_ =	shalt  }
0x64: {  	_ =	shalt  }
0x65: {  	_ =	shalt  }
0x66: {  	_ =	shalt  }
0x67: {  	_ =	shalt  }
0x68: {  	_ =	shalt  }
0x69: {  	_ =	shalt  }
0x6a: {  	_ =	shalt  }
0x6b: {  	_ =	shalt  }
0x6c: {  	_ =	shalt  }
0x6d: {  	_ =	shalt  }
0x6e: {  	_ =	shalt  }
0x6f: {  	_ =	shalt  }
0x70: {  	_ =	shalt  }
0x71: {  	_ =	shalt  }
0x72: {  	_ =	shalt  }
0x73: {  	_ =	shalt  }
0x74: {  	_ =	shalt  }
0x75: {  	_ =	shalt  }
0x76: {  	_ =	shalt  }
0x77: {  	_ =	shalt  }
0x78: {  	_ =	shalt  }
0x79: {  	_ =	shalt  }
0x7a: {  	_ =	shalt  }
0x7b: {  	_ =	shalt  }
0x7c: {  	_ =	shalt  }
0x7d: {  	_ =	shalt  }
0x7e: {  	_ =	shalt  }
0x7f: {  	_ =	shalt  }
0x80: {  	_ =	shalt  }
0x81: {  	_ =	shalt  }
0x82: {  	_ =	shalt  }
0x83: {  	_ =	shalt  }
0x84: {  	_ =	shalt  }
0x85: {  	_ =	shalt  }
0x86: {  	_ =	shalt  }
0x87: {  	_ =	shalt  }
.Lfunc_end0:
.L_simem_size_0:
called_computation.6_lowered:
.L_overlay_start_0:
0x88: {  	s2 =	sld [smem:$0x3FD9]  }
0x89: {  	s3 =	sld [smem:$0x3FFE];
	_ =	sdelay $0x1  }
0x8a: {  	s1 =	srdreg.scid  }
0x8b: {  	s0 =	sand.u32 $0x1, s1  }
0x8c: {  	s17 =	sshll.u32 s0, $0xA;
	s2 =	sadd.s32 s3, s2  }
0x8d: {  	s2 =	sadd.s32 s2, s17  }
0x8e: {  	[smem:$0x3FC3] =	sst s2  }
0x8f: {  	_ = 	snop  }
0x90: {  	(tm) =	ssettm $0x1  }
0x91: {  	s18 =	sld [smem:$0x3FFB];
	_ =	sdelay $0x3  }
0x92: {  	_ =	strace s18  }
0x93: {  	s2 =	sld [smem:$0x3FFC];
	_ =	sdelay $0x3  }
0x94: {  	_ =	strace s2  }
0x95: {  	s2 =	sld [smem:$0x3FFD];
	_ =	sdelay $0x3  }
0x96: {  	_ =	strace s2  }
0x97: {  	_ =	strace $0x8FFFFFFF  }
0x98: {  	s19 =	sld [smem:$0x3FDB];
	_ =	sdelay $0x1  }
0x99: {  	s20 =	simm.s32 $_scs_section_size  }
0x9a: {  	s4 =	simm.s32 $_size__tile_overlayer_lowered;
	s5 =	simm.s32 $_tile_overlayer_lowered  }
0x9b: {  	s6 =	simm.s32 $0x1BFF;
	s21 =	sshll.u32 s5, $0x1;
	s3 =	sadd.s32 s20, s19  }
0x9c: {  	s22 =	simm.s32 $0x0;
	s4 =	sshll.u32 s4, $0x1;
	s5 =	sadd.s32 s21, s3  }
0x9d: {  	[timem:s22], [sflag:s6] =	dma.local [hbm:s5], s4  }
0x9e: {  	_ =	swait.ge [sflag:s6], s4  }
0x9f: {  	s4 =	ssub.s32 $0x0, s4;
	[sflag:s6] =	ssyncset.done $0x0  }
0xa0: {  	[sflag:s6] =	ssyncadd.s32 s4;
	_ =	sdelay $0x1  }
0xa1: {  	s23 =	simm.s32 $0x1B8B  }
0xa2: {  	_ =	swait.ge [sflag:s23], $0x1  }
0xa3: {  	[sflag:s23] =	ssyncset.done $0x0  }
0xa4: {  	[sflag:s23] =	ssyncadd.s32 $0xFFFFFFFF  }
0xa5: {  	s4 =	sld [smem:$0x0]  }
0xa6: {  	s5 =	sand.u32 $0xFFFFFFFE, s1  }
0xa7: {  	p0 =	sne.s32 s1, s5  }
0xa8: {  	s5 =	sshll.u32 @p0 s5, $0xE  }
0xa9: {  	s5 =	sadd.s32 @p0 $0x11B8D, s5;
	s6 =	sshll.u32 @p0 s4, $0x11  }
0xaa: {  	s5 =	sor.u32 @p0 s6, s5  }
0xab: {  	[sflag:s5] =	ssyncadd.remote.s32 @p0 $0x1;
	_ =	sdelay $0x1  }
0xac: {  	s5 =	simm.s32 @p0 $0x1B8D  }
0xad: {  	_ =	swait.eq @p0 [sflag:s5], $0x1  }
0xae: {  	[sflag:s5] =	ssyncadd.s32 @p0 $0xFFFFFFFF  }
0xaf: {  	s6 =	sshll.u32 @!p0 s1, $0xE  }
0xb0: {  	s6 =	sor.u32 @!p0 $0x4000, s6;
	s5 =	simm.s32 @!p0 $0x1B8D  }
0xb1: {  	s4 =	sshll.u32 @!p0 s4, $0x11;
	s6 =	sadd.s32 @!p0 $0x11B8D, s6;
	_ =	swait.eq @!p0 [sflag:s5], $0x1  }
0xb2: {  	s4 =	sor.u32 @!p0 s4, s6;
	[sflag:s5] =	ssyncadd.s32 @!p0 $0xFFFFFFFF  }
0xb3: {  	s25 =	simm.s32 $0x1B8E;
	s24 =	sld [smem:$0x3FFE];
	[sflag:s4] =	ssyncadd.remote.s32 @!p0 $0x1  }
0xb4: {  	s26 =	simm.s32 $execute0_lowered;
	[smem:$0x3FD2] =	sst s25  }
0xb5: {  	s5 =	sshll.u32 s26, $0x1;
	_ =	strace $0x80000058;
	[dreg:$0x1] =	wrdreg $0xFFFFFFFF  }
0xb6: {  	s28 =	simm.s32 $_size_execute0_lowered;
	s3 =	sadd.s32 s3, s5;
	[dreg:$0x0] =	wrdreg $0x0  }
0xb7: {  	s5 =	sshll.u32 s28, $0x1;
	[dreg:$0x2] =	wrdreg s3  }
0xb8: {  	[dreg:$0x3] =	wrdreg s5  }
0xb9: {  	[dreg:$0x4] =	wrdreg $0xC0  }
0xba: {  	_ =	task [dreg:s22], $0x5FFFF  }
0xbb: {  	[dreg:$0x1] =	wrdreg $0xFFFFFFFF  }
0xbc: {  	[dreg:$0x0] =	wrdreg $0x60  }
0xbd: {  	[dreg:$0x2] =	wrdreg s24  }
0xbe: {  	[dreg:$0x3] =	wrdreg $0xF  }
0xbf: {  	_ =	task.clear_ibuf [dreg:s22], $0x4FFFF;
	_ =	strace $0x90000058  }
0xc0: {  	s29 =	simm.s32 $0xF;
	_ =	strace $0x8000005A  }
0xc1: {  	_ =	swait.ge [sflag:s29], $0x1  }
0xc2: {  	[sflag:s29] =	ssyncadd.s32 $0xFFFFFFFF  }
0xc3: {  	_ =	strace $0x9000005A  }
0xc4: {  	_ =	sfence  }
0xc5: {  	s30 =	sld [smem:$0x0];
	_ =	sdelay $0x2  }
0xc6: {  	s31 =	sshll.u32 s1, $0xD;
	s1 =	sshrl.u32 s1, $0x2  }
0xc7: {  	s4 =	sand.u32 $0x4000, s31;
	s1 =	sadd.s32 s1, s30  }
0xc8: {  	s0 =	sor.u32 s4, s0;
	s1 =	sshll.u32 s1, $0x11  }
0xc9: {  	s0 =	sor.u32 s1, s0  }
0xca: {  	s0 =	sadd.s32 $0x8F2B, s0  }
0xcb: {  	[sflag:s0] =	ssyncadd.remote.s32 $0x1  }
0xcc: {  	_ =	sfence.sel $0xFFFF  }
0xcd: {  	[dreg:$0x0] =	wrdreg $0xFFFFFFFF;
	(pc) =	sbr.abs _section_cstart, $3  }
0xce: {  	[dreg:$0x1] =	wrdreg $0xFFFFFFFF  }
0xcf: {  	_ =	task.clear_ibuf [dreg:s22], $0x2FFFF;
	_ =	strace $0x9FFFFFFF  }
0xd0: {  	(tm) =	ssettm $0x7FFFFFFF  }
0xd1: {  	_ =	shalt  }
tec
execute0_lowered:
.L_overlay_start_1:
0x0: {  	(tag) =	ssettag $0x1  }
0x1: {  	s1 =	srdreg.scid;
	s0 =	stileid.u32  }
0x2: {  	s4 =	rddreg [dreg:$0x0];
	s2 =	simm.s32 $0x0;
	s13 =	simm.s32 $0x1450  }
0x3: {  	s14 =	simm.s32 $0x2E50;
	s15 =	simm.s32 $0x1;
	s16 =	simm.s32 $0x2  }
0x4: {  	s17 =	simm.s32 $0x1380;
	s18 =	simm.s32 $0x13E8;
	s19 =	simm.s32 $0x0  }
0x5: {  	s6 =	sand.u32 $0x1, s1;
	s3 =	sshll.u32 s0, $0x1;
	[smem:$0x7FF] =	sst s2  }
0x6: {  	s9 =	sadd.s32 $0x8B2C00, s4;
	s31 =	smul.u32 $0x14500, s0;
	s5 =	sor.u32 s6, s3  }
0x7: {  	s1 =	rddreg [dreg:$0x1];
	_ =	strace $0x80000059;
	s7 =	smul.u32 $0x28A, s5  }
0x8: {  	s3 =	sadd.s32 $0x5400, s4;
	s8 =	ssub.s32 $0x2, s6;
	s10 =	smul.u32 $0xA280, s5  }
0x9: {  	s11 =	smul.u32 $0xA280, s6;
	s29 =	sshrl.u32 s8, $0x1;
	s12 =	sadd.s32 s31, s9  }
0xa: {  	s30 =	ssub.s32 s8, s29;
	s7 =	sadd.s32 s7, s4;
	s10 =	sadd.s32 s9, s10  }
0xb: {  	s5 =	smax.u32 s30, $0x1;
	s4 =	sadd.s32 $0x8ADA00, s7;
	s6 =	sadd.s32 $0x9C00, s10  }
0xc: {  	s7 =	sadd.s32 $0x9F40, s10;
	s8 =	sadd.s32 $0x9580, s10;
	s9 =	sadd.s32 $0x98C0, s10  }
0xd: {  	s10 =	sadd.s32 s11, s12;
	s11 =	simm.s32 $0x3;
	s12 =	simm.s32 $0x68  }
.LBB2_1:
0xe: {  	[tilespmem:s2], [sflag:$0x3] =	stream.linear.gather [hbm4b:s4+s2], $0x1450, $0x38;
	[tilespmem:$0x4850] =	vst v63  }
0xf: {  	_ =	swait.ge [sflag:s11], $0x1450  }
0x10: {  	[sflag:s11] =	ssyncset.done $0x0  }
0x11: {  	[sflag:s11] =	ssyncadd.s32 $0xFFFFEBB0  }
0x12: {  	[tilespmem:s13], [sflag:$0x1] =	stream.indirect.gather [hbm4b:s3+s12], $0x40, s2, s12, $0xb8;
	[tilespmem:$0x4850] =	vst v63  }
0x13: {  	_ = 	snop  }
0x14: {  	[tilespmem:s14], [sflag:$0x2] =	stream.indirect.gather [hbm4b:s3+s12], $0x40, s12, s12, $0xb8;
	[tilespmem:$0x4850] =	vst v63  }
0x15: {  	_ =	swait.ge [sflag:s15], $0x1A00  }
0x16: {  	[sflag:s15] =	ssyncset.done $0x0  }
0x17: {  	s20 =	sadd.s32 $0x0, s10;
	[sflag:s15] =	ssyncadd.s32 $0xFFFFE600  }
0x18: {  	[hbm4b:s20+s2] =	stream.linear.scatter [tilespmem:s13], [sflag:$0x3], $0x1A00, $0x38;
	[tilespmem:$0x4850] =	vst v63  }
0x19: {  	_ =	swait.ge [sflag:s11], $0x1A00  }
0x1a: {  	[sflag:s11] =	ssyncset.done $0x0  }
0x1b: {  	s21 =	simm.s32 $0xD0;
	[sflag:s11] =	ssyncadd.s32 $0xFFFFE600  }
0x1c: {  	[tilespmem:s13], [sflag:$0x1] =	stream.indirect.gather [hbm4b:s3+s12], $0x40, s21, s12, $0xb8;
	[tilespmem:$0x4850] =	vst v63  }
0x1d: {  	_ =	swait.ge [sflag:s16], $0x1A00  }
0x1e: {  	[sflag:s16] =	ssyncset.done $0x0  }
0x1f: {  	s20 =	sadd.s32 $0x340, s20;
	[sflag:s16] =	ssyncadd.s32 $0xFFFFE600  }
0x20: {  	[hbm4b:s20+s2] =	stream.linear.scatter [tilespmem:s14], [sflag:$0x3], $0x1A00, $0x38;
	[tilespmem:$0x4850] =	vst v63  }
0x21: {  	_ =	swait.ge [sflag:s11], $0x1A00  }
0x22: {  	s22 =	simm.s32 $0x208;
	[sflag:s11] =	ssyncset.done $0x0  }
0x23: {  	s21 =	simm.s32 $0x680;
	s20 =	simm.s32 $0x138;
	[sflag:s11] =	ssyncadd.s32 $0xFFFFE600  }
.LBB2_2:
0x24: {  	[tilespmem:s14], [sflag:$0x2] =	stream.indirect.gather [hbm4b:s3+s12], $0x40, s20, s12, $0xb8;
	[tilespmem:$0x4850] =	vst v63  }
0x25: {  	s23 =	smov.u32 s21;
	s20 =	smov.u32 s22  }
0x26: {  	p0 =	sne.s32 s21, $0x8F00;
	s21 =	sadd.s32 $0x680, s21;
	_ =	swait.ge [sflag:s15], $0x1A00  }
0x27: {  	[sflag:s15] =	ssyncset.done $0x0  }
0x28: {  	s23 =	sadd.s32 s23, s10;
	[sflag:s15] =	ssyncadd.s32 $0xFFFFE600  }
0x29: {  	[hbm4b:s23+s2] =	stream.linear.scatter [tilespmem:s13], [sflag:$0x3], $0x1A00, $0x38;
	[tilespmem:$0x4850] =	vst v63  }
0x2a: {  	_ =	swait.ge [sflag:s11], $0x1A00  }
0x2b: {  	[sflag:s11] =	ssyncset.done $0x0  }
0x2c: {  	s24 =	sadd.s32 $0xFFFFFF98, s22;
	[sflag:s11] =	ssyncadd.s32 $0xFFFFE600  }
0x2d: {  	[tilespmem:s13], [sflag:$0x1] =	stream.indirect.gather [hbm4b:s3+s12], $0x40, s24, s12, $0xb8;
	[tilespmem:$0x4850] =	vst v63  }
0x2e: {  	_ =	swait.ge [sflag:s16], $0x1A00  }
0x2f: {  	[sflag:s16] =	ssyncset.done $0x0  }
.Ltmp0:
0x30: {  	s23 =	sadd.s32 $0x340, s23;
	[sflag:s16] =	ssyncadd.s32 $0xFFFFE600;
	(pc) =	sbr.rel @p0 .LBB2_2-.Ltmp0, $4  }
0x31: {  	[hbm4b:s23+s2] =	stream.linear.scatter [tilespmem:s14], [sflag:$0x3], $0x1A00, $0x38;
	[tilespmem:$0x4850] =	vst v63  }
0x32: {  	_ =	swait.ge [sflag:s11], $0x1A00  }
0x33: {  	[sflag:s11] =	ssyncset.done $0x0  }
0x34: {  	s22 =	sadd.s32 $0xD0, s22;
	[sflag:s11] =	ssyncadd.s32 $0xFFFFE600  }
0x35: {  	[tilespmem:s14], [sflag:$0x2] =	stream.indirect.gather [hbm4b:s3+s12], $0x40, s20, s12, $0xb8;
	[tilespmem:$0x4850] =	vst v63  }
0x36: {  	_ =	swait.ge [sflag:s15], $0x1A00  }
0x37: {  	[sflag:s15] =	ssyncset.done $0x0  }
0x38: {  	[sflag:s15] =	ssyncadd.s32 $0xFFFFE600  }
0x39: {  	[hbm4b:s8+s2] =	stream.linear.scatter [tilespmem:s13], [sflag:$0x3], $0x1A00, $0x38;
	[tilespmem:$0x4850] =	vst v63  }
0x3a: {  	_ =	swait.ge [sflag:s11], $0x1A00  }
0x3b: {  	[sflag:s11] =	ssyncset.done $0x0  }
0x3c: {  	[sflag:s11] =	ssyncadd.s32 $0xFFFFE600  }
0x3d: {  	[tilespmem:s13], [sflag:$0x1] =	stream.indirect.gather [hbm4b:s3+s12], $0x40, s17, s12, $0xb8;
	[tilespmem:$0x4850] =	vst v63  }
0x3e: {  	_ =	swait.ge [sflag:s16], $0x1A00  }
0x3f: {  	[sflag:s16] =	ssyncset.done $0x0  }
0x40: {  	[sflag:s16] =	ssyncadd.s32 $0xFFFFE600  }
0x41: {  	[hbm4b:s9+s2] =	stream.linear.scatter [tilespmem:s14], [sflag:$0x3], $0x1A00, $0x38;
	[tilespmem:$0x4850] =	vst v63  }
0x42: {  	_ =	swait.ge [sflag:s11], $0x1A00  }
0x43: {  	[sflag:s11] =	ssyncset.done $0x0  }
0x44: {  	[sflag:s11] =	ssyncadd.s32 $0xFFFFE600  }
0x45: {  	[tilespmem:s14], [sflag:$0x2] =	stream.indirect.gather [hbm4b:s3+s12], $0x40, s18, s12, $0xb8;
	[tilespmem:$0x4850] =	vst v63  }
0x46: {  	_ =	swait.ge [sflag:s15], $0x1A00  }
0x47: {  	[sflag:s15] =	ssyncset.done $0x0  }
0x48: {  	[sflag:s15] =	ssyncadd.s32 $0xFFFFE600  }
0x49: {  	[hbm4b:s6+s2] =	stream.linear.scatter [tilespmem:s13], [sflag:$0x3], $0x1A00, $0x38;
	[tilespmem:$0x4850] =	vst v63  }
0x4a: {  	_ =	swait.ge [sflag:s11], $0x1A00  }
0x4b: {  	[sflag:s11] =	ssyncset.done $0x0  }
0x4c: {  	[sflag:s11] =	ssyncadd.s32 $0xFFFFE600  }
0x4d: {  	[tilespmem:s13], [sflag:$0x1] =	stream.indirect.gather [hbm4b:s3+s12], $0x40, s18, s12, $0xb8;
	[tilespmem:$0x4850] =	vst v63  }
0x4e: {  	_ =	swait.ge [sflag:s16], $0x1A00  }
0x4f: {  	[sflag:s16] =	ssyncset.done $0x0  }
0x50: {  	[sflag:s16] =	ssyncadd.s32 $0xFFFFE600  }
0x51: {  	[hbm4b:s7+s2] =	stream.linear.scatter [tilespmem:s14], [sflag:$0x3], $0x1A00, $0x38;
	[tilespmem:$0x4850] =	vst v63  }
0x52: {  	_ =	swait.ge [sflag:s11], $0x1A00  }
0x53: {  	[sflag:s11] =	ssyncset.done $0x0  }
0x54: {  	s19 =	sadd.s32 $0x1, s19;
	[sflag:s11] =	ssyncadd.s32 $0xFFFFE600  }
0x55: {  	[tilespmem:s14], [sflag:$0x2] =	stream.indirect.gather [hbm4b:s3+s12], $0x40, s18, s12, $0xb8;
	[tilespmem:$0x4850] =	vst v63  }
0x56: {  	p0 =	sne.s32 s19, s5;
	_ =	swait.ge [sflag:s15], $0x1A00  }
.Ltmp1:
0x57: {  	[sflag:s15] =	ssyncset.done $0x0;
	(pc) =	sbr.rel @p0 .LBB2_1-.Ltmp1, $4  }
0x58: {  	[sflag:s15] =	ssyncadd.s32 $0xFFFFE600  }
0x59: {  	_ =	swait.ge [sflag:s16], $0x1A00  }
0x5a: {  	[sflag:s16] =	ssyncset.done $0x0  }
0x5b: {  	[sflag:s16] =	ssyncadd.s32 $0xFFFFE600  }
0x5c: {  	_ =	sfence.sel $0x180000  }
0x5d: {  	[bflag:$0x0] =	sbarrier.arrive $0xFFFF  }
0x5e: {  	p0 =	sne.s32 s0, $0x0;
	_ =	strace $0x90000059  }
0x5f: {  	s0 =	sadd.s32 @!p0 $0x100000, s1;
	[bflag:$0x2] =	sbarrier.arrive $0xFFFF  }
0x60: {  	[sflag:s0] =	ssyncadd.tile.s32 @!p0 $0x1;
	_ =	shalt  }
.Lfunc_end2:
_tile_overlayer_lowered:
.L_overlay_start_2:
0x61: {  	(tag) =	ssettag $0x2  }
0x62: {  	s0 =	rddreg [dreg:$0x0];
	s2 =	stileid.u32  }
0x63: {  	s1 =	rddreg [dreg:$0x1];
	p0 =	sne.s32 s2, $0x0  }
0x64: {  	s3 =	rddreg [dreg:$0x2];
	[bflag:$0x3] =	sbarrier.arrive $0xFFFF;
	s2 =	simm.s32 @!p0 $0x1C03  }
0x65: {  	[timem:s3], [sflag:s2] =	dma.local @!p0 [hbm:s0], s1  }
0x66: {  	s0 =	simm.s32 @!p0 $0x3  }
0x67: {  	_ =	swait.ge @!p0 [sflag:s0], s1  }
0x68: {  	s1 =	ssub.s32 @!p0 $0x0, s1;
	[sflag:s0] =	ssyncset.done @!p0 $0x0  }
0x69: {  	[sflag:s0] =	ssyncadd.s32 @!p0 s1  }
0x6a: {  	[bflag:$0x3] =	sbarrier.arrive $0xFFFF  }
0x6b: {  	_ =	shalt  }

// kernel: kernel.48.cloned.1.call-start
scs
__scs_entry_jumppad:
0x0: {  	(pc) =	sbr.rel $0x88, $3  }
0x1: {  	(tag) =	ssettag $0x0;
	lr =	simm.s32 $0x1  }
0x2: {  	[smem:$0x3F9C] =	sst lr;
	_ =	strace $0xD0000000  }
0x3: {  	_ = 	snop  }
0x4: {  	_ = 	snop  }
0x5: {  	_ = 	snop  }
0x6: {  	_ = 	snop  }
0x7: {  	_ = 	snop  }
__scs_overlays_trampoline_lowered:
0x8: {  	[smem:$0x3FAB] =	sst s0  }
0x9: {  	[smem:$0x3FAC] =	sst s1  }
0xa: {  	[smem:$0x3FAD] =	sst s2  }
0xb: {  	[smem:$0x3FAE] =	sst s3  }
0xc: {  	[smem:$0x3FAF] =	sst s4  }
0xd: {  	[smem:$0x3FB0] =	sst s5  }
0xe: {  	[smem:$0x3FB1] =	sst s6  }
0xf: {  	[smem:$0x3FB2] =	sst s7  }
0x10: {  	[smem:$0x3FB3] =	sst s8  }
0x11: {  	[smem:$0x3FB4] =	sst s9;
	s0 =	simm.s32 @!p0 $0x0  }
0x12: {  	s1 =	sld [smem:$0x3F9A];
	s0 =	simm.s32 @p0 $0x1  }
0x13: {  	[smem:$0x3FB5] =	sst s0;
	s0 =	simm.s32 @!p1 $0x0  }
0x14: {  	s2 =	sld [smem:$0x3F99];
	s0 =	simm.s32 @p1 $0x1  }
0x15: {  	[smem:$0x3FB6] =	sst s0;
	s0 =	simm.s32 @!p2 $0x0  }
0x16: {  	s3 =	sld [smem:$0x3FDB];
	s0 =	simm.s32 @p2 $0x1  }
0x17: {  	s4 =	simm.s32 $0x1BF5;
	[smem:$0x3FB8] =	sst s0  }
0x18: {  	s0 =	sld [smem:$0x3F9B];
	_ =	swait.ge [sflag:s4], $0x0  }
0x19: {  	s7 =	sld [smem:$0x3F9C]  }
0x1a: {  	s8 =	sadd.s32 $0xFFFFE003, lr  }
0x1b: {  	s9 =	sadd.s32 $0xFFFFFEF7, lr;
	s5 =	simm.s32 $0xFFFFFFFF;
	p2 =	slt.u32 s8, $0xFFFFF086  }
0x1c: {  	p1 =	slt.u32 s9, $0xF7A;
	s5 =	simm.s32 @!p2 $0x0  }
0x1d: {  	s5 =	simm.s32 @p1 $0x1;
	p0 =	seq.s32 s7, s2  }
0x1e: {  	s7 =	smul.u32 @!p0 $0xF7A, s2;
	p2 =	seq.s32 @!p0 s5, $0x0  }
0x1f: {  	s9 =	smul.u32 $0xF7A, s1;
	s8 =	simm.s32 @!p0 $0x1BF5;
	p2 =	por !p2, p0  }
0x20: {  	[sflag:s8] =	ssyncset.s32 @!p0 $0xFFFFF086;
	s6 =	sadd.s32 @!p0 s3, s7;
	s7 =	simm.s32 @!p0 $0x108  }
0x21: {  	s3 =	sadd.s32 s3, s9;
	s6 =	sadd.s32 @!p0 $0x88, s6;
	s7 =	simm.s32 @p2 $0x1082  }
0x22: {  	[simem:s7], [sflag:s8] =	dma.local @!p0 [hbm:s6], $0xF7A  }
0x23: {  	s9 =	sor.u32 $0xD0000000, s2;
	s6 =	simm.s32 $0x108;
	_ =	swait.ge @!p0 [sflag:s8], $0x0  }
0x24: {  	s3 =	sadd.s32 $0x88, s3;
	s6 =	simm.s32 @!p1 $0x1082;
	[sflag:s4] =	ssyncset.s32 $0xFFFFF086  }
0x25: {  	[simem:s6], [sflag:s4] =	dma.local [hbm:s3], $0xF7A  }
0x26: {  	[smem:$0x3F9C] =	sst s1;
	(tag) =	ssettag s2;
	_ =	strace s9  }
0x27: {  	s1 =	sld [smem:$0x3FAC]  }
0x28: {  	s2 =	sld [smem:$0x3FAD]  }
0x29: {  	s4 =	sld [smem:$0x3FAF]  }
0x2a: {  	p0 =	seq.s32 s5, $0x0;
	s5 =	sld [smem:$0x3FB0]  }
0x2b: {  	s6 =	sld [smem:$0x3FB1]  }
0x2c: {  	s7 =	sld [smem:$0x3FB2]  }
0x2d: {  	s3 =	simm.s32 $0x108;
	s8 =	sld [smem:$0x3FB3]  }
0x2e: {  	s3 =	simm.s32 @!p0 $0x1082;
	s9 =	sld [smem:$0x3FB4]  }
0x2f: {  	lr =	sadd.s32 s0, s3;
	s0 =	sld [smem:$0x3FAB]  }
0x30: {  	s3 =	sld [smem:$0x3FAE]  }
0x31: {  	[smem:$0x3FB7] =	sst s10  }
0x32: {  	s10 =	sld [smem:$0x3FB5];
	_ =	sdelay $0x3  }
0x33: {  	p0 =	seq.s32 s10, $0x1;
	s10 =	sld [smem:$0x3FB7];
	_ =	sdelay $0x3  }
0x34: {  	[smem:$0x3FB7] =	sst s10  }
0x35: {  	s10 =	sld [smem:$0x3FB6];
	_ =	sdelay $0x3  }
0x36: {  	p1 =	seq.s32 s10, $0x1;
	s10 =	sld [smem:$0x3FB7];
	_ =	sdelay $0x3  }
0x37: {  	[smem:$0x3FB7] =	sst s10  }
0x38: {  	s10 =	sld [smem:$0x3FB8]  }
0x39: {  	_ = 	snop;
	(pc) =	sbr.ind lr, $3  }
0x3a: {  	_ = 	snop  }
0x3b: {  	_ = 	snop  }
0x3c: {  	p2 =	seq.s32 s10, $0x1;
	s10 =	sld [smem:$0x3FB7]  }
0x3d: {  	_ =	shalt  }
0x3e: {  	_ =	shalt  }
0x3f: {  	_ =	shalt  }
0x40: {  	_ =	shalt  }
0x41: {  	_ =	shalt  }
0x42: {  	_ =	shalt  }
0x43: {  	_ =	shalt  }
0x44: {  	_ =	shalt  }
0x45: {  	_ =	shalt  }
0x46: {  	_ =	shalt  }
0x47: {  	_ =	shalt  }
0x48: {  	_ =	shalt  }
0x49: {  	_ =	shalt  }
0x4a: {  	_ =	shalt  }
0x4b: {  	_ =	shalt  }
0x4c: {  	_ =	shalt  }
0x4d: {  	_ =	shalt  }
0x4e: {  	_ =	shalt  }
0x4f: {  	_ =	shalt  }
0x50: {  	_ =	shalt  }
0x51: {  	_ =	shalt  }
0x52: {  	_ =	shalt  }
0x53: {  	_ =	shalt  }
0x54: {  	_ =	shalt  }
0x55: {  	_ =	shalt  }
0x56: {  	_ =	shalt  }
0x57: {  	_ =	shalt  }
0x58: {  	_ =	shalt  }
0x59: {  	_ =	shalt  }
0x5a: {  	_ =	shalt  }
0x5b: {  	_ =	shalt  }
0x5c: {  	_ =	shalt  }
0x5d: {  	_ =	shalt  }
0x5e: {  	_ =	shalt  }
0x5f: {  	_ =	shalt  }
0x60: {  	_ =	shalt  }
0x61: {  	_ =	shalt  }
0x62: {  	_ =	shalt  }
0x63: {  	_ =	shalt  }
0x64: {  	_ =	shalt  }
0x65: {  	_ =	shalt  }
0x66: {  	_ =	shalt  }
0x67: {  	_ =	shalt  }
0x68: {  	_ =	shalt  }
0x69: {  	_ =	shalt  }
0x6a: {  	_ =	shalt  }
0x6b: {  	_ =	shalt  }
0x6c: {  	_ =	shalt  }
0x6d: {  	_ =	shalt  }
0x6e: {  	_ =	shalt  }
0x6f: {  	_ =	shalt  }
0x70: {  	_ =	shalt  }
0x71: {  	_ =	shalt  }
0x72: {  	_ =	shalt  }
0x73: {  	_ =	shalt  }
0x74: {  	_ =	shalt  }
0x75: {  	_ =	shalt  }
0x76: {  	_ =	shalt  }
0x77: {  	_ =	shalt  }
0x78: {  	_ =	shalt  }
0x79: {  	_ =	shalt  }
0x7a: {  	_ =	shalt  }
0x7b: {  	_ =	shalt  }
0x7c: {  	_ =	shalt  }
0x7d: {  	_ =	shalt  }
0x7e: {  	_ =	shalt  }
0x7f: {  	_ =	shalt  }
0x80: {  	_ =	shalt  }
0x81: {  	_ =	shalt  }
0x82: {  	_ =	shalt  }
0x83: {  	_ =	shalt  }
0x84: {  	_ =	shalt  }
0x85: {  	_ =	shalt  }
0x86: {  	_ =	shalt  }
0x87: {  	_ =	shalt  }
.Lfunc_end0:
.L_simem_size_0:
called_computation.7_lowered:
.L_overlay_start_0:
0x88: {  	s2 =	sld [smem:$0x3FD9]  }
0x89: {  	s3 =	sld [smem:$0x3FFE];
	_ =	sdelay $0x1  }
0x8a: {  	s1 =	srdreg.scid  }
0x8b: {  	s0 =	sand.u32 $0x1, s1  }
0x8c: {  	s17 =	sshll.u32 s0, $0xA;
	s2 =	sadd.s32 s3, s2  }
0x8d: {  	s2 =	sadd.s32 s2, s17  }
0x8e: {  	[smem:$0x3FC3] =	sst s2  }
0x8f: {  	_ = 	snop  }
0x90: {  	(tm) =	ssettm $0x1  }
0x91: {  	s18 =	sld [smem:$0x3FFB];
	_ =	sdelay $0x3  }
0x92: {  	_ =	strace s18  }
0x93: {  	s2 =	sld [smem:$0x3FFC];
	_ =	sdelay $0x3  }
0x94: {  	_ =	strace s2  }
0x95: {  	s2 =	sld [smem:$0x3FFD];
	_ =	sdelay $0x3  }
0x96: {  	_ =	strace s2  }
0x97: {  	_ =	strace $0x8FFFFFFF  }
0x98: {  	s19 =	sld [smem:$0x3FDB];
	_ =	sdelay $0x1  }
0x99: {  	s20 =	simm.s32 $_scs_section_size  }
0x9a: {  	s4 =	simm.s32 $_size__tile_overlayer_lowered;
	s5 =	simm.s32 $_tile_overlayer_lowered  }
0x9b: {  	s6 =	simm.s32 $0x1BFF;
	s21 =	sshll.u32 s5, $0x1;
	s3 =	sadd.s32 s20, s19  }
0x9c: {  	s22 =	simm.s32 $0x0;
	s4 =	sshll.u32 s4, $0x1;
	s5 =	sadd.s32 s21, s3  }
0x9d: {  	[timem:s22], [sflag:s6] =	dma.local [hbm:s5], s4  }
0x9e: {  	_ =	swait.ge [sflag:s6], s4  }
0x9f: {  	s4 =	ssub.s32 $0x0, s4;
	[sflag:s6] =	ssyncset.done $0x0  }
0xa0: {  	[sflag:s6] =	ssyncadd.s32 s4;
	_ =	sdelay $0x1  }
0xa1: {  	s23 =	simm.s32 $0x1B8B  }
0xa2: {  	_ =	swait.ge [sflag:s23], $0x1  }
0xa3: {  	[sflag:s23] =	ssyncset.done $0x0  }
0xa4: {  	[sflag:s23] =	ssyncadd.s32 $0xFFFFFFFF  }
0xa5: {  	s4 =	sld [smem:$0x0]  }
0xa6: {  	s5 =	sand.u32 $0xFFFFFFFE, s1  }
0xa7: {  	p0 =	sne.s32 s1, s5  }
0xa8: {  	s5 =	sshll.u32 @p0 s5, $0xE  }
0xa9: {  	s5 =	sadd.s32 @p0 $0x11B8D, s5;
	s6 =	sshll.u32 @p0 s4, $0x11  }
0xaa: {  	s5 =	sor.u32 @p0 s6, s5  }
0xab: {  	[sflag:s5] =	ssyncadd.remote.s32 @p0 $0x1;
	_ =	sdelay $0x1  }
0xac: {  	s5 =	simm.s32 @p0 $0x1B8D  }
0xad: {  	_ =	swait.eq @p0 [sflag:s5], $0x1  }
0xae: {  	[sflag:s5] =	ssyncadd.s32 @p0 $0xFFFFFFFF  }
0xaf: {  	s6 =	sshll.u32 @!p0 s1, $0xE  }
0xb0: {  	s6 =	sor.u32 @!p0 $0x4000, s6;
	s5 =	simm.s32 @!p0 $0x1B8D  }
0xb1: {  	s4 =	sshll.u32 @!p0 s4, $0x11;
	s6 =	sadd.s32 @!p0 $0x11B8D, s6;
	_ =	swait.eq @!p0 [sflag:s5], $0x1  }
0xb2: {  	s4 =	sor.u32 @!p0 s4, s6;
	[sflag:s5] =	ssyncadd.s32 @!p0 $0xFFFFFFFF  }
0xb3: {  	s25 =	simm.s32 $0x1B8E;
	s24 =	sld [smem:$0x3FFE];
	[sflag:s4] =	ssyncadd.remote.s32 @!p0 $0x1  }
0xb4: {  	s26 =	simm.s32 $execute0_lowered;
	[smem:$0x3FD2] =	sst s25  }
0xb5: {  	s5 =	sshll.u32 s26, $0x1;
	_ =	strace $0x8000005B;
	[dreg:$0x1] =	wrdreg $0xFFFFFFFF  }
0xb6: {  	s28 =	simm.s32 $_size_execute0_lowered;
	s3 =	sadd.s32 s3, s5;
	[dreg:$0x0] =	wrdreg $0x0  }
0xb7: {  	s5 =	sshll.u32 s28, $0x1;
	[dreg:$0x2] =	wrdreg s3  }
0xb8: {  	[dreg:$0x3] =	wrdreg s5  }
0xb9: {  	[dreg:$0x4] =	wrdreg $0xC0  }
0xba: {  	_ =	task [dreg:s22], $0x5FFFF  }
0xbb: {  	[dreg:$0x1] =	wrdreg $0xFFFFFFFF  }
0xbc: {  	[dreg:$0x0] =	wrdreg $0x60  }
0xbd: {  	[dreg:$0x2] =	wrdreg s24  }
0xbe: {  	[dreg:$0x3] =	wrdreg $0x10  }
0xbf: {  	_ =	task.clear_ibuf [dreg:s22], $0x4FFFF;
	_ =	strace $0x9000005B  }
0xc0: {  	s29 =	simm.s32 $0x10;
	_ =	strace $0x8000005D  }
0xc1: {  	_ =	swait.ge [sflag:s29], $0x1  }
0xc2: {  	[sflag:s29] =	ssyncadd.s32 $0xFFFFFFFF  }
0xc3: {  	_ =	strace $0x9000005D  }
0xc4: {  	_ =	sfence  }
0xc5: {  	s30 =	sld [smem:$0x0];
	_ =	sdelay $0x2  }
0xc6: {  	s31 =	sshll.u32 s1, $0xD;
	s1 =	sshrl.u32 s1, $0x2  }
0xc7: {  	s4 =	sand.u32 $0x4000, s31;
	s1 =	sadd.s32 s1, s30  }
0xc8: {  	s0 =	sor.u32 s4, s0;
	s1 =	sshll.u32 s1, $0x11  }
0xc9: {  	s0 =	sor.u32 s1, s0  }
0xca: {  	s0 =	sadd.s32 $0x8F2B, s0  }
0xcb: {  	[sflag:s0] =	ssyncadd.remote.s32 $0x1  }
0xcc: {  	_ =	sfence.sel $0xFFFF  }
0xcd: {  	[dreg:$0x0] =	wrdreg $0xFFFFFFFF;
	(pc) =	sbr.abs _section_cstart, $3  }
0xce: {  	[dreg:$0x1] =	wrdreg $0xFFFFFFFF  }
0xcf: {  	_ =	task.clear_ibuf [dreg:s22], $0x2FFFF;
	_ =	strace $0x9FFFFFFF  }
0xd0: {  	(tm) =	ssettm $0x7FFFFFFF  }
0xd1: {  	_ =	shalt  }
tec
execute0_lowered:
.L_overlay_start_1:
0x0: {  	(tag) =	ssettag $0x1  }
0x1: {  	s1 =	srdreg.scid;
	s0 =	stileid.u32  }
0x2: {  	s4 =	rddreg [dreg:$0x0];
	s2 =	simm.s32 $0x0;
	s13 =	simm.s32 $0x1450  }
0x3: {  	s14 =	simm.s32 $0x2E50;
	s15 =	simm.s32 $0x1;
	s16 =	simm.s32 $0x2  }
0x4: {  	s17 =	simm.s32 $0x1380;
	s18 =	simm.s32 $0x13E8;
	s19 =	simm.s32 $0x0  }
0x5: {  	s6 =	sand.u32 $0x1, s1;
	s3 =	sshll.u32 s0, $0x1;
	[smem:$0x7FF] =	sst s2  }
0x6: {  	s9 =	sadd.s32 $0x9FCE00, s4;
	s31 =	smul.u32 $0x14500, s0;
	s5 =	sor.u32 s6, s3  }
0x7: {  	s1 =	rddreg [dreg:$0x1];
	_ =	strace $0x8000005C;
	s7 =	smul.u32 $0x28A, s5  }
0x8: {  	s3 =	sadd.s32 $0x5400, s4;
	s8 =	ssub.s32 $0x2, s6;
	s10 =	smul.u32 $0xA280, s5  }
0x9: {  	s11 =	smul.u32 $0xA280, s6;
	s29 =	sshrl.u32 s8, $0x1;
	s12 =	sadd.s32 s31, s9  }
0xa: {  	s30 =	ssub.s32 s8, s29;
	s7 =	sadd.s32 s7, s4;
	s10 =	sadd.s32 s9, s10  }
0xb: {  	s5 =	smax.u32 s30, $0x1;
	s4 =	sadd.s32 $0x9F7C00, s7;
	s6 =	sadd.s32 $0x9C00, s10  }
0xc: {  	s7 =	sadd.s32 $0x9F40, s10;
	s8 =	sadd.s32 $0x9580, s10;
	s9 =	sadd.s32 $0x98C0, s10  }
0xd: {  	s10 =	sadd.s32 s11, s12;
	s11 =	simm.s32 $0x3;
	s12 =	simm.s32 $0x68  }
.LBB2_1:
0xe: {  	[tilespmem:s2], [sflag:$0x3] =	stream.linear.gather [hbm4b:s4+s2], $0x1450, $0x38;
	[tilespmem:$0x4850] =	vst v63  }
0xf: {  	_ =	swait.ge [sflag:s11], $0x1450  }
0x10: {  	[sflag:s11] =	ssyncset.done $0x0  }
0x11: {  	[sflag:s11] =	ssyncadd.s32 $0xFFFFEBB0  }
0x12: {  	[tilespmem:s13], [sflag:$0x1] =	stream.indirect.gather [hbm4b:s3+s12], $0x40, s2, s12, $0xb8;
	[tilespmem:$0x4850] =	vst v63  }
0x13: {  	_ = 	snop  }
0x14: {  	[tilespmem:s14], [sflag:$0x2] =	stream.indirect.gather [hbm4b:s3+s12], $0x40, s12, s12, $0xb8;
	[tilespmem:$0x4850] =	vst v63  }
0x15: {  	_ =	swait.ge [sflag:s15], $0x1A00  }
0x16: {  	[sflag:s15] =	ssyncset.done $0x0  }
0x17: {  	s20 =	sadd.s32 $0x0, s10;
	[sflag:s15] =	ssyncadd.s32 $0xFFFFE600  }
0x18: {  	[hbm4b:s20+s2] =	stream.linear.scatter [tilespmem:s13], [sflag:$0x3], $0x1A00, $0x38;
	[tilespmem:$0x4850] =	vst v63  }
0x19: {  	_ =	swait.ge [sflag:s11], $0x1A00  }
0x1a: {  	[sflag:s11] =	ssyncset.done $0x0  }
0x1b: {  	s21 =	simm.s32 $0xD0;
	[sflag:s11] =	ssyncadd.s32 $0xFFFFE600  }
0x1c: {  	[tilespmem:s13], [sflag:$0x1] =	stream.indirect.gather [hbm4b:s3+s12], $0x40, s21, s12, $0xb8;
	[tilespmem:$0x4850] =	vst v63  }
0x1d: {  	_ =	swait.ge [sflag:s16], $0x1A00  }
0x1e: {  	[sflag:s16] =	ssyncset.done $0x0  }
0x1f: {  	s20 =	sadd.s32 $0x340, s20;
	[sflag:s16] =	ssyncadd.s32 $0xFFFFE600  }
0x20: {  	[hbm4b:s20+s2] =	stream.linear.scatter [tilespmem:s14], [sflag:$0x3], $0x1A00, $0x38;
	[tilespmem:$0x4850] =	vst v63  }
0x21: {  	_ =	swait.ge [sflag:s11], $0x1A00  }
0x22: {  	s22 =	simm.s32 $0x208;
	[sflag:s11] =	ssyncset.done $0x0  }
0x23: {  	s21 =	simm.s32 $0x680;
	s20 =	simm.s32 $0x138;
	[sflag:s11] =	ssyncadd.s32 $0xFFFFE600  }
.LBB2_2:
0x24: {  	[tilespmem:s14], [sflag:$0x2] =	stream.indirect.gather [hbm4b:s3+s12], $0x40, s20, s12, $0xb8;
	[tilespmem:$0x4850] =	vst v63  }
0x25: {  	s23 =	smov.u32 s21;
	s20 =	smov.u32 s22  }
0x26: {  	p0 =	sne.s32 s21, $0x8F00;
	s21 =	sadd.s32 $0x680, s21;
	_ =	swait.ge [sflag:s15], $0x1A00  }
0x27: {  	[sflag:s15] =	ssyncset.done $0x0  }
0x28: {  	s23 =	sadd.s32 s23, s10;
	[sflag:s15] =	ssyncadd.s32 $0xFFFFE600  }
0x29: {  	[hbm4b:s23+s2] =	stream.linear.scatter [tilespmem:s13], [sflag:$0x3], $0x1A00, $0x38;
	[tilespmem:$0x4850] =	vst v63  }
0x2a: {  	_ =	swait.ge [sflag:s11], $0x1A00  }
0x2b: {  	[sflag:s11] =	ssyncset.done $0x0  }
0x2c: {  	s24 =	sadd.s32 $0xFFFFFF98, s22;
	[sflag:s11] =	ssyncadd.s32 $0xFFFFE600  }
0x2d: {  	[tilespmem:s13], [sflag:$0x1] =	stream.indirect.gather [hbm4b:s3+s12], $0x40, s24, s12, $0xb8;
	[tilespmem:$0x4850] =	vst v63  }
0x2e: {  	_ =	swait.ge [sflag:s16], $0x1A00  }
0x2f: {  	[sflag:s16] =	ssyncset.done $0x0  }
.Ltmp0:
0x30: {  	s23 =	sadd.s32 $0x340, s23;
	[sflag:s16] =	ssyncadd.s32 $0xFFFFE600;
	(pc) =	sbr.rel @p0 .LBB2_2-.Ltmp0, $4  }
0x31: {  	[hbm4b:s23+s2] =	stream.linear.scatter [tilespmem:s14], [sflag:$0x3], $0x1A00, $0x38;
	[tilespmem:$0x4850] =	vst v63  }
0x32: {  	_ =	swait.ge [sflag:s11], $0x1A00  }
0x33: {  	[sflag:s11] =	ssyncset.done $0x0  }
0x34: {  	s22 =	sadd.s32 $0xD0, s22;
	[sflag:s11] =	ssyncadd.s32 $0xFFFFE600  }
0x35: {  	[tilespmem:s14], [sflag:$0x2] =	stream.indirect.gather [hbm4b:s3+s12], $0x40, s20, s12, $0xb8;
	[tilespmem:$0x4850] =	vst v63  }
0x36: {  	_ =	swait.ge [sflag:s15], $0x1A00  }
0x37: {  	[sflag:s15] =	ssyncset.done $0x0  }
0x38: {  	[sflag:s15] =	ssyncadd.s32 $0xFFFFE600  }
0x39: {  	[hbm4b:s8+s2] =	stream.linear.scatter [tilespmem:s13], [sflag:$0x3], $0x1A00, $0x38;
	[tilespmem:$0x4850] =	vst v63  }
0x3a: {  	_ =	swait.ge [sflag:s11], $0x1A00  }
0x3b: {  	[sflag:s11] =	ssyncset.done $0x0  }
0x3c: {  	[sflag:s11] =	ssyncadd.s32 $0xFFFFE600  }
0x3d: {  	[tilespmem:s13], [sflag:$0x1] =	stream.indirect.gather [hbm4b:s3+s12], $0x40, s17, s12, $0xb8;
	[tilespmem:$0x4850] =	vst v63  }
0x3e: {  	_ =	swait.ge [sflag:s16], $0x1A00  }
0x3f: {  	[sflag:s16] =	ssyncset.done $0x0  }
0x40: {  	[sflag:s16] =	ssyncadd.s32 $0xFFFFE600  }
0x41: {  	[hbm4b:s9+s2] =	stream.linear.scatter [tilespmem:s14], [sflag:$0x3], $0x1A00, $0x38;
	[tilespmem:$0x4850] =	vst v63  }
0x42: {  	_ =	swait.ge [sflag:s11], $0x1A00  }
0x43: {  	[sflag:s11] =	ssyncset.done $0x0  }
0x44: {  	[sflag:s11] =	ssyncadd.s32 $0xFFFFE600  }
0x45: {  	[tilespmem:s14], [sflag:$0x2] =	stream.indirect.gather [hbm4b:s3+s12], $0x40, s18, s12, $0xb8;
	[tilespmem:$0x4850] =	vst v63  }
0x46: {  	_ =	swait.ge [sflag:s15], $0x1A00  }
0x47: {  	[sflag:s15] =	ssyncset.done $0x0  }
0x48: {  	[sflag:s15] =	ssyncadd.s32 $0xFFFFE600  }
0x49: {  	[hbm4b:s6+s2] =	stream.linear.scatter [tilespmem:s13], [sflag:$0x3], $0x1A00, $0x38;
	[tilespmem:$0x4850] =	vst v63  }
0x4a: {  	_ =	swait.ge [sflag:s11], $0x1A00  }
0x4b: {  	[sflag:s11] =	ssyncset.done $0x0  }
0x4c: {  	[sflag:s11] =	ssyncadd.s32 $0xFFFFE600  }
0x4d: {  	[tilespmem:s13], [sflag:$0x1] =	stream.indirect.gather [hbm4b:s3+s12], $0x40, s18, s12, $0xb8;
	[tilespmem:$0x4850] =	vst v63  }
0x4e: {  	_ =	swait.ge [sflag:s16], $0x1A00  }
0x4f: {  	[sflag:s16] =	ssyncset.done $0x0  }
0x50: {  	[sflag:s16] =	ssyncadd.s32 $0xFFFFE600  }
0x51: {  	[hbm4b:s7+s2] =	stream.linear.scatter [tilespmem:s14], [sflag:$0x3], $0x1A00, $0x38;
	[tilespmem:$0x4850] =	vst v63  }
0x52: {  	_ =	swait.ge [sflag:s11], $0x1A00  }
0x53: {  	[sflag:s11] =	ssyncset.done $0x0  }
0x54: {  	s19 =	sadd.s32 $0x1, s19;
	[sflag:s11] =	ssyncadd.s32 $0xFFFFE600  }
0x55: {  	[tilespmem:s14], [sflag:$0x2] =	stream.indirect.gather [hbm4b:s3+s12], $0x40, s18, s12, $0xb8;
	[tilespmem:$0x4850] =	vst v63  }
0x56: {  	p0 =	sne.s32 s19, s5;
	_ =	swait.ge [sflag:s15], $0x1A00  }
.Ltmp1:
0x57: {  	[sflag:s15] =	ssyncset.done $0x0;
	(pc) =	sbr.rel @p0 .LBB2_1-.Ltmp1, $4  }
0x58: {  	[sflag:s15] =	ssyncadd.s32 $0xFFFFE600  }
0x59: {  	_ =	swait.ge [sflag:s16], $0x1A00  }
0x5a: {  	[sflag:s16] =	ssyncset.done $0x0  }
0x5b: {  	[sflag:s16] =	ssyncadd.s32 $0xFFFFE600  }
0x5c: {  	_ =	sfence.sel $0x180000  }
0x5d: {  	[bflag:$0x0] =	sbarrier.arrive $0xFFFF  }
0x5e: {  	p0 =	sne.s32 s0, $0x0;
	_ =	strace $0x9000005C  }
0x5f: {  	s0 =	sadd.s32 @!p0 $0x100000, s1;
	[bflag:$0x2] =	sbarrier.arrive $0xFFFF  }
0x60: {  	[sflag:s0] =	ssyncadd.tile.s32 @!p0 $0x1;
	_ =	shalt  }
.Lfunc_end2:
_tile_overlayer_lowered:
.L_overlay_start_2:
0x61: {  	(tag) =	ssettag $0x2  }
0x62: {  	s0 =	rddreg [dreg:$0x0];
	s2 =	stileid.u32  }
0x63: {  	s1 =	rddreg [dreg:$0x1];
	p0 =	sne.s32 s2, $0x0  }
0x64: {  	s3 =	rddreg [dreg:$0x2];
	[bflag:$0x3] =	sbarrier.arrive $0xFFFF;
	s2 =	simm.s32 @!p0 $0x1C03  }
0x65: {  	[timem:s3], [sflag:s2] =	dma.local @!p0 [hbm:s0], s1  }
0x66: {  	s0 =	simm.s32 @!p0 $0x3  }
0x67: {  	_ =	swait.ge @!p0 [sflag:s0], s1  }
0x68: {  	s1 =	ssub.s32 @!p0 $0x0, s1;
	[sflag:s0] =	ssyncset.done @!p0 $0x0  }
0x69: {  	[sflag:s0] =	ssyncadd.s32 @!p0 s1  }
0x6a: {  	[bflag:$0x3] =	sbarrier.arrive $0xFFFF  }
0x6b: {  	_ =	shalt  }

</sc_bundles>
